<compile_context>
chip_gen: v7x
topology: tpu7x:2x2x1
jax: 0.10.2.dev20260603
libtpu: 0.0.44.dev20260713+nightly
codegen_flags: <defaults>
</compile_context>

<pallas_src>
import functools

import jax
import jax.numpy as jnp
from jax import lax
from jax.experimental import pallas as pl
from jax.experimental.pallas import tpu as pltpu
from jax.experimental.pallas import tpu_sc as plsc

_NUM_CORES = 2
_NUM_SUBCORES = 16
_NW = _NUM_CORES * _NUM_SUBCORES
_LANES = 16

_CHUNK = 128
_NBUF = 4


_DNUMS = lax.GatherDimensionNumbers(
    offset_dims=(), collapsed_slice_dims=(0,), start_index_map=(0,))


def _perm(x, idx):
    return lax.gather(x, idx[:, None], _DNUMS, slice_sizes=(1,),
                      mode=lax.GatherScatterMode.PROMISE_IN_BOUNDS)


def _perm_xor(x, sh):
    return _perm(x, lax.iota(jnp.int32, _LANES) ^ sh)


def _hsum(x):
    for sh in (8, 4, 2, 1):
        x = x + _perm_xor(x, sh)
    return x


def _rsqrt(v):
    i = lax.bitcast_convert_type(v, jnp.int32)
    i = jnp.int32(0x5F3759DF) - lax.shift_right_arithmetic(i, jnp.int32(1))
    y = lax.bitcast_convert_type(i, jnp.float32)
    for _ in range(4):
        y = y * (jnp.float32(1.5) - jnp.float32(0.5) * v * y * y)
    return y


def kernel(solution_ids, token_table, pos_table, ln_gamma, ln_beta):
    b, l = solution_ids.shape
    vocab, h = token_table.shape
    n = b * l
    assert h == 8 * _LANES
    assert n % (_NW * _CHUNK) == 0
    n_per_w = n // _NW
    n_chunks = n_per_w // _CHUNK
    assert n_chunks % _NBUF == 0
    assert n_per_w % l == 0

    ids_rows = solution_ids.reshape(n // _CHUNK, _CHUNK)

    mesh = plsc.VectorSubcoreMesh(
        core_axis_name="c", subcore_axis_name="s",
        num_cores=_NUM_CORES, num_subcores=_NUM_SUBCORES)

    @functools.partial(
        pl.kernel,
        out_type=jax.ShapeDtypeStruct((n, h), jnp.float32),
        mesh=mesh,
        scratch_types=[
            pltpu.VMEM((n_chunks, _CHUNK), jnp.int32),
            [pltpu.VMEM((_CHUNK, h), jnp.float32)] * _NBUF,
            pltpu.VMEM((l, h), jnp.float32),
            pltpu.VMEM((h,), jnp.float32),
            pltpu.VMEM((h,), jnp.float32),
            [pltpu.SemaphoreType.DMA] * _NBUF,
            [pltpu.SemaphoreType.DMA] * _NBUF,
            pltpu.SemaphoreType.DMA,
        ],
    )
    def emb_ln(ids_hbm, tok_hbm, pos_hbm, gamma_hbm, beta_hbm, out_hbm,
               ids_v, rows_v, pos_v, g_v, b_v, gsems, ssems, sem0):
        wid = lax.axis_index("s") * _NUM_CORES + lax.axis_index("c")
        base = wid * n_per_w

        pltpu.sync_copy(ids_hbm.at[pl.ds(wid * n_chunks, n_chunks)], ids_v)
        pltpu.sync_copy(pos_hbm.at[pl.ds(0, l)], pos_v)
        pltpu.sync_copy(gamma_hbm, g_v)
        pltpu.sync_copy(beta_hbm, b_v)

        def compute_chunk(c, buf):
            rv = rows_v[buf]
            p0 = lax.rem(c * _CHUNK, l)
            inv_h = jnp.float32(1.0 / h)
            gs = [g_v[pl.ds(j * _LANES, _LANES)] for j in range(8)]
            bs = [b_v[pl.ds(j * _LANES, _LANES)] for j in range(8)]

            @plsc.parallel_loop(0, _CHUNK, unroll=2)
            def tok_body(t):
                p = p0 + t
                p = jnp.where(p >= l, p - l, p)
                s = jnp.zeros((_LANES,), jnp.float32)
                s2 = jnp.zeros((_LANES,), jnp.float32)
                for j in range(8):
                    sl = pl.ds(j * _LANES, _LANES)
                    x = rv[t, sl] + pos_v[p, sl]
                    rv[t, sl] = x
                    s = s + x
                    s2 = s2 + x * x
                mean = _hsum(s) * inv_h
                var = _hsum(s2) * inv_h - mean * mean
                rstd = _rsqrt(var + jnp.float32(1e-5))
                scale = rstd
                shift = mean * rstd
                for j in range(8):
                    sl = pl.ds(j * _LANES, _LANES)
                    x = rv[t, sl]
                    rv[t, sl] = (x * scale - shift) * gs[j] + bs[j]

        def gather_desc(c, buf):
            return pltpu.make_async_copy(
                tok_hbm.at[ids_v.at[c]], rows_v[buf], gsems[buf])

        def scatter_desc(c, buf):
            return pltpu.make_async_copy(
                rows_v[buf], out_hbm.at[pl.ds(base + c * _CHUNK, _CHUNK)],
                ssems[buf])

        def ring_body(gp, _):
            for bb in range(_NBUF):
                c = gp * _NBUF + bb

                @pl.when(gp > 0)
                def _():
                    scatter_desc(c - _NBUF, bb).wait()

                @pl.when(c < n_chunks)
                def _():
                    gather_desc(c, bb).start()

                pb = (bb - 1) % _NBUF

                @pl.when((c > 0) & (c <= n_chunks))
                def _():
                    cp = c - 1
                    gather_desc(cp, pb).wait()
                    compute_chunk(cp, pb)
                    scatter_desc(cp, pb).start()
            return 0

        lax.fori_loop(0, n_chunks // _NBUF + 1, ring_body, 0)

    out = emb_ln(ids_rows, token_table, pos_table, ln_gamma, ln_beta)
    return out.reshape(b, l, h)

# --- scband reference (transcript-rebuilt; emitter-appended) ---
"""Pipeline reference for scband-output-embedding-16647293239551 (READ-ONLY COPY).

The authoritative reference and input builder live on the scoring server;
editing this copy changes nothing except your own understanding.
"""

import jax, jax.numpy as jnp
import numpy as np

VOCAB = 100000
HIDDEN = 128
MAX_SEQ = 2048
B, L = 4096, 200


def setup_inputs(seed: int = 0) -> dict:
    key = jax.random.key(seed)
    k1, k2, k3 = jax.random.split(key, 3)
    solution_ids = jax.random.randint(k1, (B, L), 0, VOCAB, dtype=jnp.int64 if jax.config.jax_enable_x64 else jnp.int32).astype(jnp.int32)
    token_table = jax.random.normal(k2, (VOCAB, HIDDEN), dtype=jnp.float32) * 0.02
    pos_table = jax.random.normal(k3, (MAX_SEQ, HIDDEN), dtype=jnp.float32) * 0.02
    ln_gamma = jnp.ones((HIDDEN,), dtype=jnp.float32)
    ln_beta = jnp.zeros((HIDDEN,), dtype=jnp.float32)
    return {"solution_ids": solution_ids, "token_table": token_table, "pos_table": pos_table, "ln_gamma": ln_gamma, "ln_beta": ln_beta}


def _layer_norm(x, gamma, beta, eps=1e-5):
    mean = jnp.mean(x, axis=-1, keepdims=True)
    var = jnp.var(x, axis=-1, keepdims=True)
    xhat = (x - mean) / jnp.sqrt(var + eps)
    return xhat * gamma + beta


def reference(solution_ids, token_table, pos_table, ln_gamma, ln_beta):
    b, l = solution_ids.shape
    position_ids = jnp.arange(l, dtype=solution_ids.dtype)
    token_embeds = jnp.take(token_table, solution_ids, axis=0)
    position_embeds = jnp.take(pos_table, position_ids, axis=0)[None, :, :]
    embeddings = token_embeds + position_embeds
    embeddings = _layer_norm(embeddings, ln_gamma, ln_beta)
    # dropout is identity in eval mode
    return embeddings

if __name__ == "__main__":
    import jax
    _d = setup_inputs()
    print(jax.jit(kernel)(*tuple(_d.values())))

</pallas_src>

<mosaic_0001>
#map = affine_map<(d0, d1) -> (0, 0)>
#map1 = affine_map<(d0, d1) -> (0)>
module attributes {stable_mosaic.version = 14 : i64} {
  func.func @emb_ln(%arg0: i32, %arg1: i32, %arg2: memref<6400x128xi32, #tpu.memory_space<hbm>>, %arg3: memref<100000x128xf32, #tpu.memory_space<hbm>>, %arg4: memref<2048x128xf32, #tpu.memory_space<hbm>>, %arg5: memref<128xf32, #tpu.memory_space<hbm>>, %arg6: memref<128xf32, #tpu.memory_space<hbm>>, %arg7: memref<819200x128xf32, #tpu.memory_space<hbm>>, %arg8: memref<200x128xi32, #tpu.memory_space<vmem>>, %arg9: memref<128x128xf32, #tpu.memory_space<vmem>>, %arg10: memref<128x128xf32, #tpu.memory_space<vmem>>, %arg11: memref<128x128xf32, #tpu.memory_space<vmem>>, %arg12: memref<128x128xf32, #tpu.memory_space<vmem>>, %arg13: memref<200x128xf32, #tpu.memory_space<vmem>>, %arg14: memref<128xf32, #tpu.memory_space<vmem>>, %arg15: memref<128xf32, #tpu.memory_space<vmem>>, %arg16: memref<!tpu.dma_semaphore, #tpu.memory_space<semaphore_mem>>, %arg17: memref<!tpu.dma_semaphore, #tpu.memory_space<semaphore_mem>>, %arg18: memref<!tpu.dma_semaphore, #tpu.memory_space<semaphore_mem>>, %arg19: memref<!tpu.dma_semaphore, #tpu.memory_space<semaphore_mem>>, %arg20: memref<!tpu.dma_semaphore, #tpu.memory_space<semaphore_mem>>, %arg21: memref<!tpu.dma_semaphore, #tpu.memory_space<semaphore_mem>>, %arg22: memref<!tpu.dma_semaphore, #tpu.memory_space<semaphore_mem>>, %arg23: memref<!tpu.dma_semaphore, #tpu.memory_space<semaphore_mem>>, %arg24: memref<!tpu.dma_semaphore, #tpu.memory_space<semaphore_mem>>) attributes {dimension_semantics = [#tpu.dimension_semantics<core_parallel>, #tpu.dimension_semantics<subcore_parallel>], iteration_bounds = array<i64: 2, 16>, scalar_prefetch = 0 : i64, scratch_operands = 17 : i64, tpu.core_type = #tpu.core_type<sc_vector_subcore>, window_params = [{transform_indices = #map}, {transform_indices = #map}, {transform_indices = #map}, {transform_indices = #map1}, {transform_indices = #map1}, {transform_indices = #map}]} {
    %mul3A = arith.constant 2 : i32
    %mul3A_0 = arith.muli %arg1, %mul3A : i32
    %add3A = arith.addi %mul3A_0, %arg0 : i32
    %mul3A_1 = arith.constant 25600 : i32
    %mul3A_2 = arith.muli %add3A, %mul3A_1 : i32
    %mul3A_3 = arith.constant 200 : i32
    %mul3A_4 = arith.muli %add3A, %mul3A_3 : i32
    "tpu.region"() ({
      %run_scoped3A = tpu.sem_alloc : memref<!tpu.dma_semaphore, #tpu.memory_space<semaphore_mem>>
      %dma_start3A = arith.constant 0 : i32
      %dma_start3A_11 = tpu.memref_slice %arg2[%mul3A_4, %dma_start3A] : memref<6400x128xi32, #tpu.memory_space<hbm>> -> memref<200x128xi32, #tpu.memory_space<hbm>>
      %dma_start3A_12 = arith.constant 0 : i32
      %dma_start3A_13 = tpu.memref_slice %arg2[%mul3A_4, %dma_start3A_12] : memref<6400x128xi32, #tpu.memory_space<hbm>> -> memref<200x128xi32, #tpu.memory_space<hbm>>
      tpu.enqueue_dma source(%dma_start3A_13 : memref<200x128xi32, #tpu.memory_space<hbm>>) target(%arg8 : memref<200x128xi32, #tpu.memory_space<vmem>>) target_semaphore(%run_scoped3A : memref<!tpu.dma_semaphore, #tpu.memory_space<semaphore_mem>>)
      %dma_wait3A = arith.constant 0 : i32
      %dma_wait3A_14 = tpu.memref_slice %arg2[%mul3A_4, %dma_wait3A] : memref<6400x128xi32, #tpu.memory_space<hbm>> -> memref<200x128xi32, #tpu.memory_space<hbm>>
      %dma_wait3A_15 = arith.constant 0 : i32
      %dma_wait3A_16 = tpu.memref_slice %arg2[%mul3A_4, %dma_wait3A_15] : memref<6400x128xi32, #tpu.memory_space<hbm>> -> memref<200x128xi32, #tpu.memory_space<hbm>>
      tpu.wait_dma2 semaphore(%run_scoped3A : memref<!tpu.dma_semaphore, #tpu.memory_space<semaphore_mem>>) src(%dma_wait3A_16 : memref<200x128xi32, #tpu.memory_space<hbm>>) dst(%arg8 : memref<200x128xi32, #tpu.memory_space<vmem>>)
      tpu.yield
    }) : () -> ()
    "tpu.region"() ({
      %run_scoped3A = tpu.sem_alloc : memref<!tpu.dma_semaphore, #tpu.memory_space<semaphore_mem>>
      %dma_start3A = arith.constant 0 : i32
      %dma_start3A_11 = arith.constant 0 : i32
      %dma_start3A_12 = tpu.memref_slice %arg4[%dma_start3A, %dma_start3A_11] : memref<2048x128xf32, #tpu.memory_space<hbm>> -> memref<200x128xf32, #tpu.memory_space<hbm>>
      %dma_start3A_13 = arith.constant 0 : i32
      %dma_start3A_14 = arith.constant 0 : i32
      %dma_start3A_15 = tpu.memref_slice %arg4[%dma_start3A_13, %dma_start3A_14] : memref<2048x128xf32, #tpu.memory_space<hbm>> -> memref<200x128xf32, #tpu.memory_space<hbm>>
      tpu.enqueue_dma source(%dma_start3A_15 : memref<200x128xf32, #tpu.memory_space<hbm>>) target(%arg13 : memref<200x128xf32, #tpu.memory_space<vmem>>) target_semaphore(%run_scoped3A : memref<!tpu.dma_semaphore, #tpu.memory_space<semaphore_mem>>)
      %dma_wait3A = arith.constant 0 : i32
      %dma_wait3A_16 = arith.constant 0 : i32
      %dma_wait3A_17 = tpu.memref_slice %arg4[%dma_wait3A, %dma_wait3A_16] : memref<2048x128xf32, #tpu.memory_space<hbm>> -> memref<200x128xf32, #tpu.memory_space<hbm>>
      %dma_wait3A_18 = arith.constant 0 : i32
      %dma_wait3A_19 = arith.constant 0 : i32
      %dma_wait3A_20 = tpu.memref_slice %arg4[%dma_wait3A_18, %dma_wait3A_19] : memref<2048x128xf32, #tpu.memory_space<hbm>> -> memref<200x128xf32, #tpu.memory_space<hbm>>
      tpu.wait_dma2 semaphore(%run_scoped3A : memref<!tpu.dma_semaphore, #tpu.memory_space<semaphore_mem>>) src(%dma_wait3A_20 : memref<200x128xf32, #tpu.memory_space<hbm>>) dst(%arg13 : memref<200x128xf32, #tpu.memory_space<vmem>>)
      tpu.yield
    }) : () -> ()
    "tpu.region"() ({
      %run_scoped3A = tpu.sem_alloc : memref<!tpu.dma_semaphore, #tpu.memory_space<semaphore_mem>>
      tpu.enqueue_dma source(%arg5 : memref<128xf32, #tpu.memory_space<hbm>>) target(%arg14 : memref<128xf32, #tpu.memory_space<vmem>>) target_semaphore(%run_scoped3A : memref<!tpu.dma_semaphore, #tpu.memory_space<semaphore_mem>>)
      tpu.wait_dma2 semaphore(%run_scoped3A : memref<!tpu.dma_semaphore, #tpu.memory_space<semaphore_mem>>) src(%arg5 : memref<128xf32, #tpu.memory_space<hbm>>) dst(%arg14 : memref<128xf32, #tpu.memory_space<vmem>>)
      tpu.yield
    }) : () -> ()
    "tpu.region"() ({
      %run_scoped3A = tpu.sem_alloc : memref<!tpu.dma_semaphore, #tpu.memory_space<semaphore_mem>>
      tpu.enqueue_dma source(%arg6 : memref<128xf32, #tpu.memory_space<hbm>>) target(%arg15 : memref<128xf32, #tpu.memory_space<vmem>>) target_semaphore(%run_scoped3A : memref<!tpu.dma_semaphore, #tpu.memory_space<semaphore_mem>>)
      tpu.wait_dma2 semaphore(%run_scoped3A : memref<!tpu.dma_semaphore, #tpu.memory_space<semaphore_mem>>) src(%arg6 : memref<128xf32, #tpu.memory_space<hbm>>) dst(%arg15 : memref<128xf32, #tpu.memory_space<vmem>>)
      tpu.yield
    }) : () -> ()
    %scan3A = arith.constant 0 : i32
    %scan3A_5 = arith.constant 0 : i32
    %scan3A_6 = arith.constant 51 : i32
    %scan3A_7 = arith.addi %scan3A_5, %scan3A_6 : i32
    %scan3A_8 = arith.constant 1 : i32
    %scan3A_9 = scf.for %scan3A_11 = %scan3A_5 to %scan3A_7 step %scan3A_8 iter_args(%scan3A_12 = %scan3A) -> (i32)  : i32 {
      %mul3A_13 = arith.constant 4 : i32
      %mul3A_14 = arith.muli %scan3A_11, %mul3A_13 : i32
      %add3A_15 = arith.constant 0 : i32
      %add3A_16 = arith.addi %mul3A_14, %add3A_15 : i32
      %gt3A = arith.constant 0 : i32
      %gt3A_17 = arith.cmpi sgt, %scan3A_11, %gt3A : i32
      %convert_element_type3A = arith.extui %gt3A_17 : i1 to i32
      %cond3A = arith.constant 0 : i32
      %cond3A_18 = arith.cmpi ne, %convert_element_type3A, %cond3A : i32
      scf.if %cond3A_18 {
        %sub3A = arith.constant 4 : i32
        %sub3A_96 = arith.subi %add3A_16, %sub3A : i32
        %mul3A_97 = arith.constant 128 : i32
        %mul3A_98 = arith.muli %sub3A_96, %mul3A_97 : i32
        %add3A_99 = arith.addi %mul3A_2, %mul3A_98 : i32
        %dma_wait3A = arith.constant 0 : i32
        %dma_wait3A_100 = tpu.memref_slice %arg7[%add3A_99, %dma_wait3A] : memref<819200x128xf32, #tpu.memory_space<hbm>> -> memref<128x128xf32, #tpu.memory_space<hbm>>
        %dma_wait3A_101 = arith.constant 0 : i32
        %dma_wait3A_102 = tpu.memref_slice %arg7[%add3A_99, %dma_wait3A_101] : memref<819200x128xf32, #tpu.memory_space<hbm>> -> memref<128x128xf32, #tpu.memory_space<hbm>>
        tpu.wait_dma2 semaphore(%arg20 : memref<!tpu.dma_semaphore, #tpu.memory_space<semaphore_mem>>) src(%arg9 : memref<128x128xf32, #tpu.memory_space<vmem>>) dst(%dma_wait3A_102 : memref<128x128xf32, #tpu.memory_space<hbm>>)
      } else {
      }
      %lt3A = arith.constant 200 : i32
      %lt3A_19 = arith.cmpi slt, %add3A_16, %lt3A : i32
      %convert_element_type3A_20 = arith.extui %lt3A_19 : i1 to i32
      %cond3A_21 = arith.constant 0 : i32
      %cond3A_22 = arith.cmpi ne, %convert_element_type3A_20, %cond3A_21 : i32
      scf.if %cond3A_22 {
        %dma_start3A = arith.constant 0 : i32
        %dma_start3A_96 = tpu.memref_slice %arg8[%add3A_16, %dma_start3A] : memref<200x128xi32, #tpu.memory_space<vmem>> -> memref<1x128xi32, #tpu.memory_space<vmem>>
        %dma_start3A_97 = tpu.memref_squeeze %dma_start3A_96 : memref<1x128xi32, #tpu.memory_space<vmem>> -> memref<128xi32, #tpu.memory_space<vmem>>
        %dma_start3A_98 = arith.constant 0 : i32
        %dma_start3A_99 = arith.constant 0 : i32
        %dma_start3A_100 = tpu.memref_slice %arg3[%dma_start3A_98, %dma_start3A_99] : memref<100000x128xf32, #tpu.memory_space<hbm>> -> memref<100000x128xf32, #tpu.memory_space<hbm>>
        tpu.enqueue_indirect_dma source(%dma_start3A_100 : memref<100000x128xf32, #tpu.memory_space<hbm>>) target(%arg9 : memref<128x128xf32, #tpu.memory_space<vmem>>) offsets(%dma_start3A_97 : memref<128xi32, #tpu.memory_space<vmem>>) semaphore(%arg16 : memref<!tpu.dma_semaphore, #tpu.memory_space<semaphore_mem>>)
      } else {
      }
      %gt3A_23 = arith.constant 0 : i32
      %gt3A_24 = arith.cmpi sgt, %add3A_16, %gt3A_23 : i32
      %le3A = arith.constant 200 : i32
      %le3A_25 = arith.cmpi sle, %add3A_16, %le3A : i32
      %and3A = arith.andi %gt3A_24, %le3A_25 : i1
      %convert_element_type3A_26 = arith.extui %and3A : i1 to i32
      %cond3A_27 = arith.constant 0 : i32
      %cond3A_28 = arith.cmpi ne, %convert_element_type3A_26, %cond3A_27 : i32
      scf.if %cond3A_28 {
        %sub3A = arith.constant 1 : i32
        %sub3A_96 = arith.subi %add3A_16, %sub3A : i32
        %dma_wait3A = arith.constant 0 : i32
        %dma_wait3A_97 = tpu.memref_slice %arg8[%sub3A_96, %dma_wait3A] : memref<200x128xi32, #tpu.memory_space<vmem>> -> memref<1x128xi32, #tpu.memory_space<vmem>>
        %dma_wait3A_98 = tpu.memref_squeeze %dma_wait3A_97 : memref<1x128xi32, #tpu.memory_space<vmem>> -> memref<128xi32, #tpu.memory_space<vmem>>
        %dma_wait3A_99 = arith.constant 0 : i32
        %dma_wait3A_100 = arith.constant 0 : i32
        %dma_wait3A_101 = tpu.memref_slice %arg3[%dma_wait3A_99, %dma_wait3A_100] : memref<100000x128xf32, #tpu.memory_space<hbm>> -> memref<100000x128xf32, #tpu.memory_space<hbm>>
        tpu.wait_indirect_dma semaphore(%arg19 : memref<!tpu.dma_semaphore, #tpu.memory_space<semaphore_mem>>) src(%dma_wait3A_101 : memref<100000x128xf32, #tpu.memory_space<hbm>>) dst(%arg12 : memref<128x128xf32, #tpu.memory_space<vmem>>)
        %mul3A_102 = arith.constant 128 : i32
        %mul3A_103 = arith.muli %sub3A_96, %mul3A_102 : i32
        %rem3A = arith.constant 200 : i32
        %rem3A_104 = arith.remsi %mul3A_103, %rem3A : i32
        %get3A = arith.constant 0 : index
        %get3A_105 = tpu.vector_load %arg14[%get3A] {strides = array<i32>} : memref<128xf32, #tpu.memory_space<vmem>>, vector<16xf32>,
        %get3A_106 = vector.shape_cast %get3A_105 : vector<16xf32> to vector<16xf32>
        %get3A_107 = arith.constant 16 : index
        %get3A_108 = tpu.vector_load %arg14[%get3A_107] {strides = array<i32>} : memref<128xf32, #tpu.memory_space<vmem>>, vector<16xf32>,
        %get3A_109 = vector.shape_cast %get3A_108 : vector<16xf32> to vector<16xf32>
        %get3A_110 = arith.constant 32 : index
        %get3A_111 = tpu.vector_load %arg14[%get3A_110] {strides = array<i32>} : memref<128xf32, #tpu.memory_space<vmem>>, vector<16xf32>,
        %get3A_112 = vector.shape_cast %get3A_111 : vector<16xf32> to vector<16xf32>
        %get3A_113 = arith.constant 48 : index
        %get3A_114 = tpu.vector_load %arg14[%get3A_113] {strides = array<i32>} : memref<128xf32, #tpu.memory_space<vmem>>, vector<16xf32>,
        %get3A_115 = vector.shape_cast %get3A_114 : vector<16xf32> to vector<16xf32>
        %get3A_116 = arith.constant 64 : index
        %get3A_117 = tpu.vector_load %arg14[%get3A_116] {strides = array<i32>} : memref<128xf32, #tpu.memory_space<vmem>>, vector<16xf32>,
        %get3A_118 = vector.shape_cast %get3A_117 : vector<16xf32> to vector<16xf32>
        %get3A_119 = arith.constant 80 : index
        %get3A_120 = tpu.vector_load %arg14[%get3A_119] {strides = array<i32>} : memref<128xf32, #tpu.memory_space<vmem>>, vector<16xf32>,
        %get3A_121 = vector.shape_cast %get3A_120 : vector<16xf32> to vector<16xf32>
        %get3A_122 = arith.constant 96 : index
        %get3A_123 = tpu.vector_load %arg14[%get3A_122] {strides = array<i32>} : memref<128xf32, #tpu.memory_space<vmem>>, vector<16xf32>,
        %get3A_124 = vector.shape_cast %get3A_123 : vector<16xf32> to vector<16xf32>
        %get3A_125 = arith.constant 112 : index
        %get3A_126 = tpu.vector_load %arg14[%get3A_125] {strides = array<i32>} : memref<128xf32, #tpu.memory_space<vmem>>, vector<16xf32>,
        %get3A_127 = vector.shape_cast %get3A_126 : vector<16xf32> to vector<16xf32>
        %get3A_128 = arith.constant 0 : index
        %get3A_129 = tpu.vector_load %arg15[%get3A_128] {strides = array<i32>} : memref<128xf32, #tpu.memory_space<vmem>>, vector<16xf32>,
        %get3A_130 = vector.shape_cast %get3A_129 : vector<16xf32> to vector<16xf32>
        %get3A_131 = arith.constant 16 : index
        %get3A_132 = tpu.vector_load %arg15[%get3A_131] {strides = array<i32>} : memref<128xf32, #tpu.memory_space<vmem>>, vector<16xf32>,
        %get3A_133 = vector.shape_cast %get3A_132 : vector<16xf32> to vector<16xf32>
        %get3A_134 = arith.constant 32 : index
        %get3A_135 = tpu.vector_load %arg15[%get3A_134] {strides = array<i32>} : memref<128xf32, #tpu.memory_space<vmem>>, vector<16xf32>,
        %get3A_136 = vector.shape_cast %get3A_135 : vector<16xf32> to vector<16xf32>
        %get3A_137 = arith.constant 48 : index
        %get3A_138 = tpu.vector_load %arg15[%get3A_137] {strides = array<i32>} : memref<128xf32, #tpu.memory_space<vmem>>, vector<16xf32>,
        %get3A_139 = vector.shape_cast %get3A_138 : vector<16xf32> to vector<16xf32>
        %get3A_140 = arith.constant 64 : index
        %get3A_141 = tpu.vector_load %arg15[%get3A_140] {strides = array<i32>} : memref<128xf32, #tpu.memory_space<vmem>>, vector<16xf32>,
        %get3A_142 = vector.shape_cast %get3A_141 : vector<16xf32> to vector<16xf32>
        %get3A_143 = arith.constant 80 : index
        %get3A_144 = tpu.vector_load %arg15[%get3A_143] {strides = array<i32>} : memref<128xf32, #tpu.memory_space<vmem>>, vector<16xf32>,
        %get3A_145 = vector.shape_cast %get3A_144 : vector<16xf32> to vector<16xf32>
        %get3A_146 = arith.constant 96 : index
        %get3A_147 = tpu.vector_load %arg15[%get3A_146] {strides = array<i32>} : memref<128xf32, #tpu.memory_space<vmem>>, vector<16xf32>,
        %get3A_148 = vector.shape_cast %get3A_147 : vector<16xf32> to vector<16xf32>
        %get3A_149 = arith.constant 112 : index
        %get3A_150 = tpu.vector_load %arg15[%get3A_149] {strides = array<i32>} : memref<128xf32, #tpu.memory_space<vmem>>, vector<16xf32>,
        %get3A_151 = vector.shape_cast %get3A_150 : vector<16xf32> to vector<16xf32>
        %parallel_loop3A = arith.constant 0 : i32
        %parallel_loop3A_152 = arith.constant 128 : i32
        %parallel_loop3A_153 = arith.constant 1 : i32
        %parallel_loop3A_154 = arith.constant 7.812500e-03 : f32
        scf.for %parallel_loop3A_161 = %parallel_loop3A to %parallel_loop3A_152 step %parallel_loop3A_153  : i32 {
          %parallel_loop3A_162 = arith.addi %rem3A_104, %parallel_loop3A_161 : i32
          %parallel_loop3A_163 = arith.constant 200 : i32
          %parallel_loop3A_164 = arith.cmpi sge, %parallel_loop3A_162, %parallel_loop3A_163 : i32
          %parallel_loop3A_165 = arith.constant 200 : i32
          %parallel_loop3A_166 = arith.subi %parallel_loop3A_162, %parallel_loop3A_165 : i32
          %parallel_loop3A_167 = arith.select %parallel_loop3A_164, %parallel_loop3A_166, %parallel_loop3A_162 : i32
          %parallel_loop3A_168 = arith.constant 0.000000e+00 : f32
          %parallel_loop3A_169 = vector.broadcast %parallel_loop3A_168 : f32 to vector<16xf32>
          %parallel_loop3A_170 = arith.constant 0.000000e+00 : f32
          %parallel_loop3A_171 = vector.broadcast %parallel_loop3A_170 : f32 to vector<16xf32>
          %parallel_loop3A_172 = arith.index_cast %parallel_loop3A_161 : i32 to index
          %parallel_loop3A_173 = arith.constant 0 : index
          %parallel_loop3A_174 = tpu.vector_load %arg12[%parallel_loop3A_172, %parallel_loop3A_173] {strides = array<i32>} : memref<128x128xf32, #tpu.memory_space<vmem>>, vector<1x16xf32>,
          %parallel_loop3A_175 = vector.shape_cast %parallel_loop3A_174 : vector<1x16xf32> to vector<16xf32>
          %parallel_loop3A_176 = arith.index_cast %parallel_loop3A_167 : i32 to index
          %parallel_loop3A_177 = arith.constant 0 : index
          %parallel_loop3A_178 = tpu.vector_load %arg13[%parallel_loop3A_176, %parallel_loop3A_177] {strides = array<i32>} : memref<200x128xf32, #tpu.memory_space<vmem>>, vector<1x16xf32>,
          %parallel_loop3A_179 = vector.shape_cast %parallel_loop3A_178 : vector<1x16xf32> to vector<16xf32>
          %parallel_loop3A_180 = arith.addf %parallel_loop3A_175, %parallel_loop3A_179 : vector<16xf32>
          %parallel_loop3A_181 = arith.index_cast %parallel_loop3A_161 : i32 to index
          %parallel_loop3A_182 = arith.constant 0 : index
          %parallel_loop3A_183 = tpu.vector_load %arg12[%parallel_loop3A_181, %parallel_loop3A_182] {strides = array<i32>} : memref<128x128xf32, #tpu.memory_space<vmem>>, vector<1x16xf32>,
          %parallel_loop3A_184 = vector.shape_cast %parallel_loop3A_183 : vector<1x16xf32> to vector<16xf32>
          %parallel_loop3A_185 = vector.shape_cast %parallel_loop3A_180 : vector<16xf32> to vector<1x16xf32>
          tpu.vector_store %arg12[%parallel_loop3A_181, %parallel_loop3A_182], %parallel_loop3A_185 {strides = array<i32>} : memref<128x128xf32, #tpu.memory_space<vmem>>, vector<1x16xf32>,
          %parallel_loop3A_186 = arith.addf %parallel_loop3A_169, %parallel_loop3A_180 : vector<16xf32>
          %parallel_loop3A_187 = arith.mulf %parallel_loop3A_180, %parallel_loop3A_180 : vector<16xf32>
          %parallel_loop3A_188 = arith.addf %parallel_loop3A_171, %parallel_loop3A_187 : vector<16xf32>
          %parallel_loop3A_189 = arith.index_cast %parallel_loop3A_161 : i32 to index
          %parallel_loop3A_190 = arith.constant 16 : index
          %parallel_loop3A_191 = tpu.vector_load %arg12[%parallel_loop3A_189, %parallel_loop3A_190] {strides = array<i32>} : memref<128x128xf32, #tpu.memory_space<vmem>>, vector<1x16xf32>,
          %parallel_loop3A_192 = vector.shape_cast %parallel_loop3A_191 : vector<1x16xf32> to vector<16xf32>
          %parallel_loop3A_193 = arith.index_cast %parallel_loop3A_167 : i32 to index
          %parallel_loop3A_194 = arith.constant 16 : index
          %parallel_loop3A_195 = tpu.vector_load %arg13[%parallel_loop3A_193, %parallel_loop3A_194] {strides = array<i32>} : memref<200x128xf32, #tpu.memory_space<vmem>>, vector<1x16xf32>,
          %parallel_loop3A_196 = vector.shape_cast %parallel_loop3A_195 : vector<1x16xf32> to vector<16xf32>
          %parallel_loop3A_197 = arith.addf %parallel_loop3A_192, %parallel_loop3A_196 : vector<16xf32>
          %parallel_loop3A_198 = arith.index_cast %parallel_loop3A_161 : i32 to index
          %parallel_loop3A_199 = arith.constant 16 : index
          %parallel_loop3A_200 = tpu.vector_load %arg12[%parallel_loop3A_198, %parallel_loop3A_199] {strides = array<i32>} : memref<128x128xf32, #tpu.memory_space<vmem>>, vector<1x16xf32>,
          %parallel_loop3A_201 = vector.shape_cast %parallel_loop3A_200 : vector<1x16xf32> to vector<16xf32>
          %parallel_loop3A_202 = vector.shape_cast %parallel_loop3A_197 : vector<16xf32> to vector<1x16xf32>
          tpu.vector_store %arg12[%parallel_loop3A_198, %parallel_loop3A_199], %parallel_loop3A_202 {strides = array<i32>} : memref<128x128xf32, #tpu.memory_space<vmem>>, vector<1x16xf32>,
          %parallel_loop3A_203 = arith.addf %parallel_loop3A_186, %parallel_loop3A_197 : vector<16xf32>
          %parallel_loop3A_204 = arith.mulf %parallel_loop3A_197, %parallel_loop3A_197 : vector<16xf32>
          %parallel_loop3A_205 = arith.addf %parallel_loop3A_188, %parallel_loop3A_204 : vector<16xf32>
          %parallel_loop3A_206 = arith.index_cast %parallel_loop3A_161 : i32 to index
          %parallel_loop3A_207 = arith.constant 32 : index
          %parallel_loop3A_208 = tpu.vector_load %arg12[%parallel_loop3A_206, %parallel_loop3A_207] {strides = array<i32>} : memref<128x128xf32, #tpu.memory_space<vmem>>, vector<1x16xf32>,
          %parallel_loop3A_209 = vector.shape_cast %parallel_loop3A_208 : vector<1x16xf32> to vector<16xf32>
          %parallel_loop3A_210 = arith.index_cast %parallel_loop3A_167 : i32 to index
          %parallel_loop3A_211 = arith.constant 32 : index
          %parallel_loop3A_212 = tpu.vector_load %arg13[%parallel_loop3A_210, %parallel_loop3A_211] {strides = array<i32>} : memref<200x128xf32, #tpu.memory_space<vmem>>, vector<1x16xf32>,
          %parallel_loop3A_213 = vector.shape_cast %parallel_loop3A_212 : vector<1x16xf32> to vector<16xf32>
          %parallel_loop3A_214 = arith.addf %parallel_loop3A_209, %parallel_loop3A_213 : vector<16xf32>
          %parallel_loop3A_215 = arith.index_cast %parallel_loop3A_161 : i32 to index
          %parallel_loop3A_216 = arith.constant 32 : index
          %parallel_loop3A_217 = tpu.vector_load %arg12[%parallel_loop3A_215, %parallel_loop3A_216] {strides = array<i32>} : memref<128x128xf32, #tpu.memory_space<vmem>>, vector<1x16xf32>,
          %parallel_loop3A_218 = vector.shape_cast %parallel_loop3A_217 : vector<1x16xf32> to vector<16xf32>
          %parallel_loop3A_219 = vector.shape_cast %parallel_loop3A_214 : vector<16xf32> to vector<1x16xf32>
          tpu.vector_store %arg12[%parallel_loop3A_215, %parallel_loop3A_216], %parallel_loop3A_219 {strides = array<i32>} : memref<128x128xf32, #tpu.memory_space<vmem>>, vector<1x16xf32>,
          %parallel_loop3A_220 = arith.addf %parallel_loop3A_203, %parallel_loop3A_214 : vector<16xf32>
          %parallel_loop3A_221 = arith.mulf %parallel_loop3A_214, %parallel_loop3A_214 : vector<16xf32>
          %parallel_loop3A_222 = arith.addf %parallel_loop3A_205, %parallel_loop3A_221 : vector<16xf32>
          %parallel_loop3A_223 = arith.index_cast %parallel_loop3A_161 : i32 to index
          %parallel_loop3A_224 = arith.constant 48 : index
          %parallel_loop3A_225 = tpu.vector_load %arg12[%parallel_loop3A_223, %parallel_loop3A_224] {strides = array<i32>} : memref<128x128xf32, #tpu.memory_space<vmem>>, vector<1x16xf32>,
          %parallel_loop3A_226 = vector.shape_cast %parallel_loop3A_225 : vector<1x16xf32> to vector<16xf32>
          %parallel_loop3A_227 = arith.index_cast %parallel_loop3A_167 : i32 to index
          %parallel_loop3A_228 = arith.constant 48 : index
          %parallel_loop3A_229 = tpu.vector_load %arg13[%parallel_loop3A_227, %parallel_loop3A_228] {strides = array<i32>} : memref<200x128xf32, #tpu.memory_space<vmem>>, vector<1x16xf32>,
          %parallel_loop3A_230 = vector.shape_cast %parallel_loop3A_229 : vector<1x16xf32> to vector<16xf32>
          %parallel_loop3A_231 = arith.addf %parallel_loop3A_226, %parallel_loop3A_230 : vector<16xf32>
          %parallel_loop3A_232 = arith.index_cast %parallel_loop3A_161 : i32 to index
          %parallel_loop3A_233 = arith.constant 48 : index
          %parallel_loop3A_234 = tpu.vector_load %arg12[%parallel_loop3A_232, %parallel_loop3A_233] {strides = array<i32>} : memref<128x128xf32, #tpu.memory_space<vmem>>, vector<1x16xf32>,
          %parallel_loop3A_235 = vector.shape_cast %parallel_loop3A_234 : vector<1x16xf32> to vector<16xf32>
          %parallel_loop3A_236 = vector.shape_cast %parallel_loop3A_231 : vector<16xf32> to vector<1x16xf32>
          tpu.vector_store %arg12[%parallel_loop3A_232, %parallel_loop3A_233], %parallel_loop3A_236 {strides = array<i32>} : memref<128x128xf32, #tpu.memory_space<vmem>>, vector<1x16xf32>,
          %parallel_loop3A_237 = arith.addf %parallel_loop3A_220, %parallel_loop3A_231 : vector<16xf32>
          %parallel_loop3A_238 = arith.mulf %parallel_loop3A_231, %parallel_loop3A_231 : vector<16xf32>
          %parallel_loop3A_239 = arith.addf %parallel_loop3A_222, %parallel_loop3A_238 : vector<16xf32>
          %parallel_loop3A_240 = arith.index_cast %parallel_loop3A_161 : i32 to index
          %parallel_loop3A_241 = arith.constant 64 : index
          %parallel_loop3A_242 = tpu.vector_load %arg12[%parallel_loop3A_240, %parallel_loop3A_241] {strides = array<i32>} : memref<128x128xf32, #tpu.memory_space<vmem>>, vector<1x16xf32>,
          %parallel_loop3A_243 = vector.shape_cast %parallel_loop3A_242 : vector<1x16xf32> to vector<16xf32>
          %parallel_loop3A_244 = arith.index_cast %parallel_loop3A_167 : i32 to index
          %parallel_loop3A_245 = arith.constant 64 : index
          %parallel_loop3A_246 = tpu.vector_load %arg13[%parallel_loop3A_244, %parallel_loop3A_245] {strides = array<i32>} : memref<200x128xf32, #tpu.memory_space<vmem>>, vector<1x16xf32>,
          %parallel_loop3A_247 = vector.shape_cast %parallel_loop3A_246 : vector<1x16xf32> to vector<16xf32>
          %parallel_loop3A_248 = arith.addf %parallel_loop3A_243, %parallel_loop3A_247 : vector<16xf32>
          %parallel_loop3A_249 = arith.index_cast %parallel_loop3A_161 : i32 to index
          %parallel_loop3A_250 = arith.constant 64 : index
          %parallel_loop3A_251 = tpu.vector_load %arg12[%parallel_loop3A_249, %parallel_loop3A_250] {strides = array<i32>} : memref<128x128xf32, #tpu.memory_space<vmem>>, vector<1x16xf32>,
          %parallel_loop3A_252 = vector.shape_cast %parallel_loop3A_251 : vector<1x16xf32> to vector<16xf32>
          %parallel_loop3A_253 = vector.shape_cast %parallel_loop3A_248 : vector<16xf32> to vector<1x16xf32>
          tpu.vector_store %arg12[%parallel_loop3A_249, %parallel_loop3A_250], %parallel_loop3A_253 {strides = array<i32>} : memref<128x128xf32, #tpu.memory_space<vmem>>, vector<1x16xf32>,
          %parallel_loop3A_254 = arith.addf %parallel_loop3A_237, %parallel_loop3A_248 : vector<16xf32>
          %parallel_loop3A_255 = arith.mulf %parallel_loop3A_248, %parallel_loop3A_248 : vector<16xf32>
          %parallel_loop3A_256 = arith.addf %parallel_loop3A_239, %parallel_loop3A_255 : vector<16xf32>
          %parallel_loop3A_257 = arith.index_cast %parallel_loop3A_161 : i32 to index
          %parallel_loop3A_258 = arith.constant 80 : index
          %parallel_loop3A_259 = tpu.vector_load %arg12[%parallel_loop3A_257, %parallel_loop3A_258] {strides = array<i32>} : memref<128x128xf32, #tpu.memory_space<vmem>>, vector<1x16xf32>,
          %parallel_loop3A_260 = vector.shape_cast %parallel_loop3A_259 : vector<1x16xf32> to vector<16xf32>
          %parallel_loop3A_261 = arith.index_cast %parallel_loop3A_167 : i32 to index
          %parallel_loop3A_262 = arith.constant 80 : index
          %parallel_loop3A_263 = tpu.vector_load %arg13[%parallel_loop3A_261, %parallel_loop3A_262] {strides = array<i32>} : memref<200x128xf32, #tpu.memory_space<vmem>>, vector<1x16xf32>,
          %parallel_loop3A_264 = vector.shape_cast %parallel_loop3A_263 : vector<1x16xf32> to vector<16xf32>
          %parallel_loop3A_265 = arith.addf %parallel_loop3A_260, %parallel_loop3A_264 : vector<16xf32>
          %parallel_loop3A_266 = arith.index_cast %parallel_loop3A_161 : i32 to index
          %parallel_loop3A_267 = arith.constant 80 : index
          %parallel_loop3A_268 = tpu.vector_load %arg12[%parallel_loop3A_266, %parallel_loop3A_267] {strides = array<i32>} : memref<128x128xf32, #tpu.memory_space<vmem>>, vector<1x16xf32>,
          %parallel_loop3A_269 = vector.shape_cast %parallel_loop3A_268 : vector<1x16xf32> to vector<16xf32>
          %parallel_loop3A_270 = vector.shape_cast %parallel_loop3A_265 : vector<16xf32> to vector<1x16xf32>
          tpu.vector_store %arg12[%parallel_loop3A_266, %parallel_loop3A_267], %parallel_loop3A_270 {strides = array<i32>} : memref<128x128xf32, #tpu.memory_space<vmem>>, vector<1x16xf32>,
          %parallel_loop3A_271 = arith.addf %parallel_loop3A_254, %parallel_loop3A_265 : vector<16xf32>
          %parallel_loop3A_272 = arith.mulf %parallel_loop3A_265, %parallel_loop3A_265 : vector<16xf32>
          %parallel_loop3A_273 = arith.addf %parallel_loop3A_256, %parallel_loop3A_272 : vector<16xf32>
          %parallel_loop3A_274 = arith.index_cast %parallel_loop3A_161 : i32 to index
          %parallel_loop3A_275 = arith.constant 96 : index
          %parallel_loop3A_276 = tpu.vector_load %arg12[%parallel_loop3A_274, %parallel_loop3A_275] {strides = array<i32>} : memref<128x128xf32, #tpu.memory_space<vmem>>, vector<1x16xf32>,
          %parallel_loop3A_277 = vector.shape_cast %parallel_loop3A_276 : vector<1x16xf32> to vector<16xf32>
          %parallel_loop3A_278 = arith.index_cast %parallel_loop3A_167 : i32 to index
          %parallel_loop3A_279 = arith.constant 96 : index
          %parallel_loop3A_280 = tpu.vector_load %arg13[%parallel_loop3A_278, %parallel_loop3A_279] {strides = array<i32>} : memref<200x128xf32, #tpu.memory_space<vmem>>, vector<1x16xf32>,
          %parallel_loop3A_281 = vector.shape_cast %parallel_loop3A_280 : vector<1x16xf32> to vector<16xf32>
          %parallel_loop3A_282 = arith.addf %parallel_loop3A_277, %parallel_loop3A_281 : vector<16xf32>
          %parallel_loop3A_283 = arith.index_cast %parallel_loop3A_161 : i32 to index
          %parallel_loop3A_284 = arith.constant 96 : index
          %parallel_loop3A_285 = tpu.vector_load %arg12[%parallel_loop3A_283, %parallel_loop3A_284] {strides = array<i32>} : memref<128x128xf32, #tpu.memory_space<vmem>>, vector<1x16xf32>,
          %parallel_loop3A_286 = vector.shape_cast %parallel_loop3A_285 : vector<1x16xf32> to vector<16xf32>
          %parallel_loop3A_287 = vector.shape_cast %parallel_loop3A_282 : vector<16xf32> to vector<1x16xf32>
          tpu.vector_store %arg12[%parallel_loop3A_283, %parallel_loop3A_284], %parallel_loop3A_287 {strides = array<i32>} : memref<128x128xf32, #tpu.memory_space<vmem>>, vector<1x16xf32>,
          %parallel_loop3A_288 = arith.addf %parallel_loop3A_271, %parallel_loop3A_282 : vector<16xf32>
          %parallel_loop3A_289 = arith.mulf %parallel_loop3A_282, %parallel_loop3A_282 : vector<16xf32>
          %parallel_loop3A_290 = arith.addf %parallel_loop3A_273, %parallel_loop3A_289 : vector<16xf32>
          %parallel_loop3A_291 = arith.index_cast %parallel_loop3A_161 : i32 to index
          %parallel_loop3A_292 = arith.constant 112 : index
          %parallel_loop3A_293 = tpu.vector_load %arg12[%parallel_loop3A_291, %parallel_loop3A_292] {strides = array<i32>} : memref<128x128xf32, #tpu.memory_space<vmem>>, vector<1x16xf32>,
          %parallel_loop3A_294 = vector.shape_cast %parallel_loop3A_293 : vector<1x16xf32> to vector<16xf32>
          %parallel_loop3A_295 = arith.index_cast %parallel_loop3A_167 : i32 to index
          %parallel_loop3A_296 = arith.constant 112 : index
          %parallel_loop3A_297 = tpu.vector_load %arg13[%parallel_loop3A_295, %parallel_loop3A_296] {strides = array<i32>} : memref<200x128xf32, #tpu.memory_space<vmem>>, vector<1x16xf32>,
          %parallel_loop3A_298 = vector.shape_cast %parallel_loop3A_297 : vector<1x16xf32> to vector<16xf32>
          %parallel_loop3A_299 = arith.addf %parallel_loop3A_294, %parallel_loop3A_298 : vector<16xf32>
          %parallel_loop3A_300 = arith.index_cast %parallel_loop3A_161 : i32 to index
          %parallel_loop3A_301 = arith.constant 112 : index
          %parallel_loop3A_302 = tpu.vector_load %arg12[%parallel_loop3A_300, %parallel_loop3A_301] {strides = array<i32>} : memref<128x128xf32, #tpu.memory_space<vmem>>, vector<1x16xf32>,
          %parallel_loop3A_303 = vector.shape_cast %parallel_loop3A_302 : vector<1x16xf32> to vector<16xf32>
          %parallel_loop3A_304 = vector.shape_cast %parallel_loop3A_299 : vector<16xf32> to vector<1x16xf32>
          tpu.vector_store %arg12[%parallel_loop3A_300, %parallel_loop3A_301], %parallel_loop3A_304 {strides = array<i32>} : memref<128x128xf32, #tpu.memory_space<vmem>>, vector<1x16xf32>,
          %parallel_loop3A_305 = arith.addf %parallel_loop3A_288, %parallel_loop3A_299 : vector<16xf32>
          %parallel_loop3A_306 = arith.mulf %parallel_loop3A_299, %parallel_loop3A_299 : vector<16xf32>
          %parallel_loop3A_307 = arith.addf %parallel_loop3A_290, %parallel_loop3A_306 : vector<16xf32>
          %parallel_loop3A_308 = tpu.iota {dimensions = array<i32: 0>} : vector<16xi32>
          %parallel_loop3A_309 = arith.constant 8 : i32
          %parallel_loop3A_310 = vector.broadcast %parallel_loop3A_309 : i32 to vector<16xi32>
          %parallel_loop3A_311 = arith.xori %parallel_loop3A_308, %parallel_loop3A_310 : vector<16xi32>
          %parallel_loop3A_312 = vector.shape_cast %parallel_loop3A_311 : vector<16xi32> to vector<16x1xi32>
          %parallel_loop3A_313 = vector.shape_cast %parallel_loop3A_312 : vector<16x1xi32> to vector<16xi32>
          %parallel_loop3A_314 = tpu.dynamic_gather %parallel_loop3A_305[%parallel_loop3A_313] in [0] : vector<16xf32>, vector<16xi32> -> vector<16xf32>
          %parallel_loop3A_315 = arith.addf %parallel_loop3A_305, %parallel_loop3A_314 : vector<16xf32>
          %parallel_loop3A_316 = tpu.iota {dimensions = array<i32: 0>} : vector<16xi32>
          %parallel_loop3A_317 = arith.constant 4 : i32
          %parallel_loop3A_318 = vector.broadcast %parallel_loop3A_317 : i32 to vector<16xi32>
          %parallel_loop3A_319 = arith.xori %parallel_loop3A_316, %parallel_loop3A_318 : vector<16xi32>
          %parallel_loop3A_320 = vector.shape_cast %parallel_loop3A_319 : vector<16xi32> to vector<16x1xi32>
          %parallel_loop3A_321 = vector.shape_cast %parallel_loop3A_320 : vector<16x1xi32> to vector<16xi32>
          %parallel_loop3A_322 = tpu.dynamic_gather %parallel_loop3A_315[%parallel_loop3A_321] in [0] : vector<16xf32>, vector<16xi32> -> vector<16xf32>
          %parallel_loop3A_323 = arith.addf %parallel_loop3A_315, %parallel_loop3A_322 : vector<16xf32>
          %parallel_loop3A_324 = tpu.iota {dimensions = array<i32: 0>} : vector<16xi32>
          %parallel_loop3A_325 = arith.constant 2 : i32
          %parallel_loop3A_326 = vector.broadcast %parallel_loop3A_325 : i32 to vector<16xi32>
          %parallel_loop3A_327 = arith.xori %parallel_loop3A_324, %parallel_loop3A_326 : vector<16xi32>
          %parallel_loop3A_328 = vector.shape_cast %parallel_loop3A_327 : vector<16xi32> to vector<16x1xi32>
          %parallel_loop3A_329 = vector.shape_cast %parallel_loop3A_328 : vector<16x1xi32> to vector<16xi32>
          %parallel_loop3A_330 = tpu.dynamic_gather %parallel_loop3A_323[%parallel_loop3A_329] in [0] : vector<16xf32>, vector<16xi32> -> vector<16xf32>
          %parallel_loop3A_331 = arith.addf %parallel_loop3A_323, %parallel_loop3A_330 : vector<16xf32>
          %parallel_loop3A_332 = tpu.iota {dimensions = array<i32: 0>} : vector<16xi32>
          %parallel_loop3A_333 = arith.constant 1 : i32
          %parallel_loop3A_334 = vector.broadcast %parallel_loop3A_333 : i32 to vector<16xi32>
          %parallel_loop3A_335 = arith.xori %parallel_loop3A_332, %parallel_loop3A_334 : vector<16xi32>
          %parallel_loop3A_336 = vector.shape_cast %parallel_loop3A_335 : vector<16xi32> to vector<16x1xi32>
          %parallel_loop3A_337 = vector.shape_cast %parallel_loop3A_336 : vector<16x1xi32> to vector<16xi32>
          %parallel_loop3A_338 = tpu.dynamic_gather %parallel_loop3A_331[%parallel_loop3A_337] in [0] : vector<16xf32>, vector<16xi32> -> vector<16xf32>
          %parallel_loop3A_339 = arith.addf %parallel_loop3A_331, %parallel_loop3A_338 : vector<16xf32>
          %parallel_loop3A_340 = vector.broadcast %parallel_loop3A_154 : f32 to vector<16xf32>
          %parallel_loop3A_341 = arith.mulf %parallel_loop3A_339, %parallel_loop3A_340 : vector<16xf32>
          %parallel_loop3A_342 = tpu.iota {dimensions = array<i32: 0>} : vector<16xi32>
          %parallel_loop3A_343 = arith.constant 8 : i32
          %parallel_loop3A_344 = vector.broadcast %parallel_loop3A_343 : i32 to vector<16xi32>
          %parallel_loop3A_345 = arith.xori %parallel_loop3A_342, %parallel_loop3A_344 : vector<16xi32>
          %parallel_loop3A_346 = vector.shape_cast %parallel_loop3A_345 : vector<16xi32> to vector<16x1xi32>
          %parallel_loop3A_347 = vector.shape_cast %parallel_loop3A_346 : vector<16x1xi32> to vector<16xi32>
          %parallel_loop3A_348 = tpu.dynamic_gather %parallel_loop3A_307[%parallel_loop3A_347] in [0] : vector<16xf32>, vector<16xi32> -> vector<16xf32>
          %parallel_loop3A_349 = arith.addf %parallel_loop3A_307, %parallel_loop3A_348 : vector<16xf32>
          %parallel_loop3A_350 = tpu.iota {dimensions = array<i32: 0>} : vector<16xi32>
          %parallel_loop3A_351 = arith.constant 4 : i32
          %parallel_loop3A_352 = vector.broadcast %parallel_loop3A_351 : i32 to vector<16xi32>
          %parallel_loop3A_353 = arith.xori %parallel_loop3A_350, %parallel_loop3A_352 : vector<16xi32>
          %parallel_loop3A_354 = vector.shape_cast %parallel_loop3A_353 : vector<16xi32> to vector<16x1xi32>
          %parallel_loop3A_355 = vector.shape_cast %parallel_loop3A_354 : vector<16x1xi32> to vector<16xi32>
          %parallel_loop3A_356 = tpu.dynamic_gather %parallel_loop3A_349[%parallel_loop3A_355] in [0] : vector<16xf32>, vector<16xi32> -> vector<16xf32>
          %parallel_loop3A_357 = arith.addf %parallel_loop3A_349, %parallel_loop3A_356 : vector<16xf32>
          %parallel_loop3A_358 = tpu.iota {dimensions = array<i32: 0>} : vector<16xi32>
          %parallel_loop3A_359 = arith.constant 2 : i32
          %parallel_loop3A_360 = vector.broadcast %parallel_loop3A_359 : i32 to vector<16xi32>
          %parallel_loop3A_361 = arith.xori %parallel_loop3A_358, %parallel_loop3A_360 : vector<16xi32>
          %parallel_loop3A_362 = vector.shape_cast %parallel_loop3A_361 : vector<16xi32> to vector<16x1xi32>
          %parallel_loop3A_363 = vector.shape_cast %parallel_loop3A_362 : vector<16x1xi32> to vector<16xi32>
          %parallel_loop3A_364 = tpu.dynamic_gather %parallel_loop3A_357[%parallel_loop3A_363] in [0] : vector<16xf32>, vector<16xi32> -> vector<16xf32>
          %parallel_loop3A_365 = arith.addf %parallel_loop3A_357, %parallel_loop3A_364 : vector<16xf32>
          %parallel_loop3A_366 = tpu.iota {dimensions = array<i32: 0>} : vector<16xi32>
          %parallel_loop3A_367 = arith.constant 1 : i32
          %parallel_loop3A_368 = vector.broadcast %parallel_loop3A_367 : i32 to vector<16xi32>
          %parallel_loop3A_369 = arith.xori %parallel_loop3A_366, %parallel_loop3A_368 : vector<16xi32>
          %parallel_loop3A_370 = vector.shape_cast %parallel_loop3A_369 : vector<16xi32> to vector<16x1xi32>
          %parallel_loop3A_371 = vector.shape_cast %parallel_loop3A_370 : vector<16x1xi32> to vector<16xi32>
          %parallel_loop3A_372 = tpu.dynamic_gather %parallel_loop3A_365[%parallel_loop3A_371] in [0] : vector<16xf32>, vector<16xi32> -> vector<16xf32>
          %parallel_loop3A_373 = arith.addf %parallel_loop3A_365, %parallel_loop3A_372 : vector<16xf32>
          %parallel_loop3A_374 = vector.broadcast %parallel_loop3A_154 : f32 to vector<16xf32>
          %parallel_loop3A_375 = arith.mulf %parallel_loop3A_373, %parallel_loop3A_374 : vector<16xf32>
          %parallel_loop3A_376 = arith.mulf %parallel_loop3A_341, %parallel_loop3A_341 : vector<16xf32>
          %parallel_loop3A_377 = arith.subf %parallel_loop3A_375, %parallel_loop3A_376 : vector<16xf32>
          %parallel_loop3A_378 = arith.constant 9.99999974E-6 : f32
          %parallel_loop3A_379 = vector.broadcast %parallel_loop3A_378 : f32 to vector<16xf32>
          %parallel_loop3A_380 = arith.addf %parallel_loop3A_377, %parallel_loop3A_379 : vector<16xf32>
          %parallel_loop3A_381 = tpu.bitcast %parallel_loop3A_380 : vector<16xf32> -> vector<16xi32>
          %parallel_loop3A_382 = arith.constant 1 : i32
          %parallel_loop3A_383 = vector.broadcast %parallel_loop3A_382 : i32 to vector<16xi32>
          %parallel_loop3A_384 = arith.shrsi %parallel_loop3A_381, %parallel_loop3A_383 : vector<16xi32>
          %parallel_loop3A_385 = arith.constant 1597463007 : i32
          %parallel_loop3A_386 = vector.broadcast %parallel_loop3A_385 : i32 to vector<16xi32>
          %parallel_loop3A_387 = arith.subi %parallel_loop3A_386, %parallel_loop3A_384 : vector<16xi32>
          %parallel_loop3A_388 = tpu.bitcast %parallel_loop3A_387 : vector<16xi32> -> vector<16xf32>
          %parallel_loop3A_389 = arith.constant 5.000000e-01 : f32
          %parallel_loop3A_390 = vector.broadcast %parallel_loop3A_389 : f32 to vector<16xf32>
          %parallel_loop3A_391 = arith.mulf %parallel_loop3A_390, %parallel_loop3A_380 : vector<16xf32>
          %parallel_loop3A_392 = arith.mulf %parallel_loop3A_391, %parallel_loop3A_388 : vector<16xf32>
          %parallel_loop3A_393 = arith.mulf %parallel_loop3A_392, %parallel_loop3A_388 : vector<16xf32>
          %parallel_loop3A_394 = arith.constant 1.500000e+00 : f32
          %parallel_loop3A_395 = vector.broadcast %parallel_loop3A_394 : f32 to vector<16xf32>
          %parallel_loop3A_396 = arith.subf %parallel_loop3A_395, %parallel_loop3A_393 : vector<16xf32>
          %parallel_loop3A_397 = arith.mulf %parallel_loop3A_388, %parallel_loop3A_396 : vector<16xf32>
          %parallel_loop3A_398 = arith.constant 5.000000e-01 : f32
          %parallel_loop3A_399 = vector.broadcast %parallel_loop3A_398 : f32 to vector<16xf32>
          %parallel_loop3A_400 = arith.mulf %parallel_loop3A_399, %parallel_loop3A_380 : vector<16xf32>
          %parallel_loop3A_401 = arith.mulf %parallel_loop3A_400, %parallel_loop3A_397 : vector<16xf32>
          %parallel_loop3A_402 = arith.mulf %parallel_loop3A_401, %parallel_loop3A_397 : vector<16xf32>
          %parallel_loop3A_403 = arith.constant 1.500000e+00 : f32
          %parallel_loop3A_404 = vector.broadcast %parallel_loop3A_403 : f32 to vector<16xf32>
          %parallel_loop3A_405 = arith.subf %parallel_loop3A_404, %parallel_loop3A_402 : vector<16xf32>
          %parallel_loop3A_406 = arith.mulf %parallel_loop3A_397, %parallel_loop3A_405 : vector<16xf32>
          %parallel_loop3A_407 = arith.constant 5.000000e-01 : f32
          %parallel_loop3A_408 = vector.broadcast %parallel_loop3A_407 : f32 to vector<16xf32>
          %parallel_loop3A_409 = arith.mulf %parallel_loop3A_408, %parallel_loop3A_380 : vector<16xf32>
          %parallel_loop3A_410 = arith.mulf %parallel_loop3A_409, %parallel_loop3A_406 : vector<16xf32>
          %parallel_loop3A_411 = arith.mulf %parallel_loop3A_410, %parallel_loop3A_406 : vector<16xf32>
          %parallel_loop3A_412 = arith.constant 1.500000e+00 : f32
          %parallel_loop3A_413 = vector.broadcast %parallel_loop3A_412 : f32 to vector<16xf32>
          %parallel_loop3A_414 = arith.subf %parallel_loop3A_413, %parallel_loop3A_411 : vector<16xf32>
          %parallel_loop3A_415 = arith.mulf %parallel_loop3A_406, %parallel_loop3A_414 : vector<16xf32>
          %parallel_loop3A_416 = arith.constant 5.000000e-01 : f32
          %parallel_loop3A_417 = vector.broadcast %parallel_loop3A_416 : f32 to vector<16xf32>
          %parallel_loop3A_418 = arith.mulf %parallel_loop3A_417, %parallel_loop3A_380 : vector<16xf32>
          %parallel_loop3A_419 = arith.mulf %parallel_loop3A_418, %parallel_loop3A_415 : vector<16xf32>
          %parallel_loop3A_420 = arith.mulf %parallel_loop3A_419, %parallel_loop3A_415 : vector<16xf32>
          %parallel_loop3A_421 = arith.constant 1.500000e+00 : f32
          %parallel_loop3A_422 = vector.broadcast %parallel_loop3A_421 : f32 to vector<16xf32>
          %parallel_loop3A_423 = arith.subf %parallel_loop3A_422, %parallel_loop3A_420 : vector<16xf32>
          %parallel_loop3A_424 = arith.mulf %parallel_loop3A_415, %parallel_loop3A_423 : vector<16xf32>
          %parallel_loop3A_425 = arith.mulf %parallel_loop3A_341, %parallel_loop3A_424 : vector<16xf32>
          %parallel_loop3A_426 = arith.index_cast %parallel_loop3A_161 : i32 to index
          %parallel_loop3A_427 = arith.constant 0 : index
          %parallel_loop3A_428 = tpu.vector_load %arg12[%parallel_loop3A_426, %parallel_loop3A_427] {strides = array<i32>} : memref<128x128xf32, #tpu.memory_space<vmem>>, vector<1x16xf32>,
          %parallel_loop3A_429 = vector.shape_cast %parallel_loop3A_428 : vector<1x16xf32> to vector<16xf32>
          %parallel_loop3A_430 = arith.mulf %parallel_loop3A_429, %parallel_loop3A_424 : vector<16xf32>
          %parallel_loop3A_431 = arith.subf %parallel_loop3A_430, %parallel_loop3A_425 : vector<16xf32>
          %parallel_loop3A_432 = arith.mulf %parallel_loop3A_431, %get3A_106 : vector<16xf32>
          %parallel_loop3A_433 = arith.addf %parallel_loop3A_432, %get3A_130 : vector<16xf32>
          %parallel_loop3A_434 = arith.index_cast %parallel_loop3A_161 : i32 to index
          %parallel_loop3A_435 = arith.constant 0 : index
          %parallel_loop3A_436 = tpu.vector_load %arg12[%parallel_loop3A_434, %parallel_loop3A_435] {strides = array<i32>} : memref<128x128xf32, #tpu.memory_space<vmem>>, vector<1x16xf32>,
          %parallel_loop3A_437 = vector.shape_cast %parallel_loop3A_436 : vector<1x16xf32> to vector<16xf32>
          %parallel_loop3A_438 = vector.shape_cast %parallel_loop3A_433 : vector<16xf32> to vector<1x16xf32>
          tpu.vector_store %arg12[%parallel_loop3A_434, %parallel_loop3A_435], %parallel_loop3A_438 {strides = array<i32>} : memref<128x128xf32, #tpu.memory_space<vmem>>, vector<1x16xf32>,
          %parallel_loop3A_439 = arith.index_cast %parallel_loop3A_161 : i32 to index
          %parallel_loop3A_440 = arith.constant 16 : index
          %parallel_loop3A_441 = tpu.vector_load %arg12[%parallel_loop3A_439, %parallel_loop3A_440] {strides = array<i32>} : memref<128x128xf32, #tpu.memory_space<vmem>>, vector<1x16xf32>,
          %parallel_loop3A_442 = vector.shape_cast %parallel_loop3A_441 : vector<1x16xf32> to vector<16xf32>
          %parallel_loop3A_443 = arith.mulf %parallel_loop3A_442, %parallel_loop3A_424 : vector<16xf32>
          %parallel_loop3A_444 = arith.subf %parallel_loop3A_443, %parallel_loop3A_425 : vector<16xf32>
          %parallel_loop3A_445 = arith.mulf %parallel_loop3A_444, %get3A_109 : vector<16xf32>
          %parallel_loop3A_446 = arith.addf %parallel_loop3A_445, %get3A_133 : vector<16xf32>
          %parallel_loop3A_447 = arith.index_cast %parallel_loop3A_161 : i32 to index
          %parallel_loop3A_448 = arith.constant 16 : index
          %parallel_loop3A_449 = tpu.vector_load %arg12[%parallel_loop3A_447, %parallel_loop3A_448] {strides = array<i32>} : memref<128x128xf32, #tpu.memory_space<vmem>>, vector<1x16xf32>,
          %parallel_loop3A_450 = vector.shape_cast %parallel_loop3A_449 : vector<1x16xf32> to vector<16xf32>
          %parallel_loop3A_451 = vector.shape_cast %parallel_loop3A_446 : vector<16xf32> to vector<1x16xf32>
          tpu.vector_store %arg12[%parallel_loop3A_447, %parallel_loop3A_448], %parallel_loop3A_451 {strides = array<i32>} : memref<128x128xf32, #tpu.memory_space<vmem>>, vector<1x16xf32>,
          %parallel_loop3A_452 = arith.index_cast %parallel_loop3A_161 : i32 to index
          %parallel_loop3A_453 = arith.constant 32 : index
          %parallel_loop3A_454 = tpu.vector_load %arg12[%parallel_loop3A_452, %parallel_loop3A_453] {strides = array<i32>} : memref<128x128xf32, #tpu.memory_space<vmem>>, vector<1x16xf32>,
          %parallel_loop3A_455 = vector.shape_cast %parallel_loop3A_454 : vector<1x16xf32> to vector<16xf32>
          %parallel_loop3A_456 = arith.mulf %parallel_loop3A_455, %parallel_loop3A_424 : vector<16xf32>
          %parallel_loop3A_457 = arith.subf %parallel_loop3A_456, %parallel_loop3A_425 : vector<16xf32>
          %parallel_loop3A_458 = arith.mulf %parallel_loop3A_457, %get3A_112 : vector<16xf32>
          %parallel_loop3A_459 = arith.addf %parallel_loop3A_458, %get3A_136 : vector<16xf32>
          %parallel_loop3A_460 = arith.index_cast %parallel_loop3A_161 : i32 to index
          %parallel_loop3A_461 = arith.constant 32 : index
          %parallel_loop3A_462 = tpu.vector_load %arg12[%parallel_loop3A_460, %parallel_loop3A_461] {strides = array<i32>} : memref<128x128xf32, #tpu.memory_space<vmem>>, vector<1x16xf32>,
          %parallel_loop3A_463 = vector.shape_cast %parallel_loop3A_462 : vector<1x16xf32> to vector<16xf32>
          %parallel_loop3A_464 = vector.shape_cast %parallel_loop3A_459 : vector<16xf32> to vector<1x16xf32>
          tpu.vector_store %arg12[%parallel_loop3A_460, %parallel_loop3A_461], %parallel_loop3A_464 {strides = array<i32>} : memref<128x128xf32, #tpu.memory_space<vmem>>, vector<1x16xf32>,
          %parallel_loop3A_465 = arith.index_cast %parallel_loop3A_161 : i32 to index
          %parallel_loop3A_466 = arith.constant 48 : index
          %parallel_loop3A_467 = tpu.vector_load %arg12[%parallel_loop3A_465, %parallel_loop3A_466] {strides = array<i32>} : memref<128x128xf32, #tpu.memory_space<vmem>>, vector<1x16xf32>,
          %parallel_loop3A_468 = vector.shape_cast %parallel_loop3A_467 : vector<1x16xf32> to vector<16xf32>
          %parallel_loop3A_469 = arith.mulf %parallel_loop3A_468, %parallel_loop3A_424 : vector<16xf32>
          %parallel_loop3A_470 = arith.subf %parallel_loop3A_469, %parallel_loop3A_425 : vector<16xf32>
          %parallel_loop3A_471 = arith.mulf %parallel_loop3A_470, %get3A_115 : vector<16xf32>
          %parallel_loop3A_472 = arith.addf %parallel_loop3A_471, %get3A_139 : vector<16xf32>
          %parallel_loop3A_473 = arith.index_cast %parallel_loop3A_161 : i32 to index
          %parallel_loop3A_474 = arith.constant 48 : index
          %parallel_loop3A_475 = tpu.vector_load %arg12[%parallel_loop3A_473, %parallel_loop3A_474] {strides = array<i32>} : memref<128x128xf32, #tpu.memory_space<vmem>>, vector<1x16xf32>,
          %parallel_loop3A_476 = vector.shape_cast %parallel_loop3A_475 : vector<1x16xf32> to vector<16xf32>
          %parallel_loop3A_477 = vector.shape_cast %parallel_loop3A_472 : vector<16xf32> to vector<1x16xf32>
          tpu.vector_store %arg12[%parallel_loop3A_473, %parallel_loop3A_474], %parallel_loop3A_477 {strides = array<i32>} : memref<128x128xf32, #tpu.memory_space<vmem>>, vector<1x16xf32>,
          %parallel_loop3A_478 = arith.index_cast %parallel_loop3A_161 : i32 to index
          %parallel_loop3A_479 = arith.constant 64 : index
          %parallel_loop3A_480 = tpu.vector_load %arg12[%parallel_loop3A_478, %parallel_loop3A_479] {strides = array<i32>} : memref<128x128xf32, #tpu.memory_space<vmem>>, vector<1x16xf32>,
          %parallel_loop3A_481 = vector.shape_cast %parallel_loop3A_480 : vector<1x16xf32> to vector<16xf32>
          %parallel_loop3A_482 = arith.mulf %parallel_loop3A_481, %parallel_loop3A_424 : vector<16xf32>
          %parallel_loop3A_483 = arith.subf %parallel_loop3A_482, %parallel_loop3A_425 : vector<16xf32>
          %parallel_loop3A_484 = arith.mulf %parallel_loop3A_483, %get3A_118 : vector<16xf32>
          %parallel_loop3A_485 = arith.addf %parallel_loop3A_484, %get3A_142 : vector<16xf32>
          %parallel_loop3A_486 = arith.index_cast %parallel_loop3A_161 : i32 to index
          %parallel_loop3A_487 = arith.constant 64 : index
          %parallel_loop3A_488 = tpu.vector_load %arg12[%parallel_loop3A_486, %parallel_loop3A_487] {strides = array<i32>} : memref<128x128xf32, #tpu.memory_space<vmem>>, vector<1x16xf32>,
          %parallel_loop3A_489 = vector.shape_cast %parallel_loop3A_488 : vector<1x16xf32> to vector<16xf32>
          %parallel_loop3A_490 = vector.shape_cast %parallel_loop3A_485 : vector<16xf32> to vector<1x16xf32>
          tpu.vector_store %arg12[%parallel_loop3A_486, %parallel_loop3A_487], %parallel_loop3A_490 {strides = array<i32>} : memref<128x128xf32, #tpu.memory_space<vmem>>, vector<1x16xf32>,
          %parallel_loop3A_491 = arith.index_cast %parallel_loop3A_161 : i32 to index
          %parallel_loop3A_492 = arith.constant 80 : index
          %parallel_loop3A_493 = tpu.vector_load %arg12[%parallel_loop3A_491, %parallel_loop3A_492] {strides = array<i32>} : memref<128x128xf32, #tpu.memory_space<vmem>>, vector<1x16xf32>,
          %parallel_loop3A_494 = vector.shape_cast %parallel_loop3A_493 : vector<1x16xf32> to vector<16xf32>
          %parallel_loop3A_495 = arith.mulf %parallel_loop3A_494, %parallel_loop3A_424 : vector<16xf32>
          %parallel_loop3A_496 = arith.subf %parallel_loop3A_495, %parallel_loop3A_425 : vector<16xf32>
          %parallel_loop3A_497 = arith.mulf %parallel_loop3A_496, %get3A_121 : vector<16xf32>
          %parallel_loop3A_498 = arith.addf %parallel_loop3A_497, %get3A_145 : vector<16xf32>
          %parallel_loop3A_499 = arith.index_cast %parallel_loop3A_161 : i32 to index
          %parallel_loop3A_500 = arith.constant 80 : index
          %parallel_loop3A_501 = tpu.vector_load %arg12[%parallel_loop3A_499, %parallel_loop3A_500] {strides = array<i32>} : memref<128x128xf32, #tpu.memory_space<vmem>>, vector<1x16xf32>,
          %parallel_loop3A_502 = vector.shape_cast %parallel_loop3A_501 : vector<1x16xf32> to vector<16xf32>
          %parallel_loop3A_503 = vector.shape_cast %parallel_loop3A_498 : vector<16xf32> to vector<1x16xf32>
          tpu.vector_store %arg12[%parallel_loop3A_499, %parallel_loop3A_500], %parallel_loop3A_503 {strides = array<i32>} : memref<128x128xf32, #tpu.memory_space<vmem>>, vector<1x16xf32>,
          %parallel_loop3A_504 = arith.index_cast %parallel_loop3A_161 : i32 to index
          %parallel_loop3A_505 = arith.constant 96 : index
          %parallel_loop3A_506 = tpu.vector_load %arg12[%parallel_loop3A_504, %parallel_loop3A_505] {strides = array<i32>} : memref<128x128xf32, #tpu.memory_space<vmem>>, vector<1x16xf32>,
          %parallel_loop3A_507 = vector.shape_cast %parallel_loop3A_506 : vector<1x16xf32> to vector<16xf32>
          %parallel_loop3A_508 = arith.mulf %parallel_loop3A_507, %parallel_loop3A_424 : vector<16xf32>
          %parallel_loop3A_509 = arith.subf %parallel_loop3A_508, %parallel_loop3A_425 : vector<16xf32>
          %parallel_loop3A_510 = arith.mulf %parallel_loop3A_509, %get3A_124 : vector<16xf32>
          %parallel_loop3A_511 = arith.addf %parallel_loop3A_510, %get3A_148 : vector<16xf32>
          %parallel_loop3A_512 = arith.index_cast %parallel_loop3A_161 : i32 to index
          %parallel_loop3A_513 = arith.constant 96 : index
          %parallel_loop3A_514 = tpu.vector_load %arg12[%parallel_loop3A_512, %parallel_loop3A_513] {strides = array<i32>} : memref<128x128xf32, #tpu.memory_space<vmem>>, vector<1x16xf32>,
          %parallel_loop3A_515 = vector.shape_cast %parallel_loop3A_514 : vector<1x16xf32> to vector<16xf32>
          %parallel_loop3A_516 = vector.shape_cast %parallel_loop3A_511 : vector<16xf32> to vector<1x16xf32>
          tpu.vector_store %arg12[%parallel_loop3A_512, %parallel_loop3A_513], %parallel_loop3A_516 {strides = array<i32>} : memref<128x128xf32, #tpu.memory_space<vmem>>, vector<1x16xf32>,
          %parallel_loop3A_517 = arith.index_cast %parallel_loop3A_161 : i32 to index
          %parallel_loop3A_518 = arith.constant 112 : index
          %parallel_loop3A_519 = tpu.vector_load %arg12[%parallel_loop3A_517, %parallel_loop3A_518] {strides = array<i32>} : memref<128x128xf32, #tpu.memory_space<vmem>>, vector<1x16xf32>,
          %parallel_loop3A_520 = vector.shape_cast %parallel_loop3A_519 : vector<1x16xf32> to vector<16xf32>
          %parallel_loop3A_521 = arith.mulf %parallel_loop3A_520, %parallel_loop3A_424 : vector<16xf32>
          %parallel_loop3A_522 = arith.subf %parallel_loop3A_521, %parallel_loop3A_425 : vector<16xf32>
          %parallel_loop3A_523 = arith.mulf %parallel_loop3A_522, %get3A_127 : vector<16xf32>
          %parallel_loop3A_524 = arith.addf %parallel_loop3A_523, %get3A_151 : vector<16xf32>
          %parallel_loop3A_525 = arith.index_cast %parallel_loop3A_161 : i32 to index
          %parallel_loop3A_526 = arith.constant 112 : index
          %parallel_loop3A_527 = tpu.vector_load %arg12[%parallel_loop3A_525, %parallel_loop3A_526] {strides = array<i32>} : memref<128x128xf32, #tpu.memory_space<vmem>>, vector<1x16xf32>,
          %parallel_loop3A_528 = vector.shape_cast %parallel_loop3A_527 : vector<1x16xf32> to vector<16xf32>
          %parallel_loop3A_529 = vector.shape_cast %parallel_loop3A_524 : vector<16xf32> to vector<1x16xf32>
          tpu.vector_store %arg12[%parallel_loop3A_525, %parallel_loop3A_526], %parallel_loop3A_529 {strides = array<i32>} : memref<128x128xf32, #tpu.memory_space<vmem>>, vector<1x16xf32>,
        } {sc.loop_unroll_factor = 2 : i64, sc.parallel_access}
        %mul3A_155 = arith.constant 128 : i32
        %mul3A_156 = arith.muli %sub3A_96, %mul3A_155 : i32
        %add3A_157 = arith.addi %mul3A_2, %mul3A_156 : i32
        %dma_start3A = arith.constant 0 : i32
        %dma_start3A_158 = tpu.memref_slice %arg7[%add3A_157, %dma_start3A] : memref<819200x128xf32, #tpu.memory_space<hbm>> -> memref<128x128xf32, #tpu.memory_space<hbm>>
        %dma_start3A_159 = arith.constant 0 : i32
        %dma_start3A_160 = tpu.memref_slice %arg7[%add3A_157, %dma_start3A_159] : memref<819200x128xf32, #tpu.memory_space<hbm>> -> memref<128x128xf32, #tpu.memory_space<hbm>>
        tpu.enqueue_dma source(%arg12 : memref<128x128xf32, #tpu.memory_space<vmem>>) target(%dma_start3A_160 : memref<128x128xf32, #tpu.memory_space<hbm>>) target_semaphore(%arg23 : memref<!tpu.dma_semaphore, #tpu.memory_space<semaphore_mem>>)
      } else {
      }
      %mul3A_29 = arith.constant 4 : i32
      %mul3A_30 = arith.muli %scan3A_11, %mul3A_29 : i32
      %add3A_31 = arith.constant 1 : i32
      %add3A_32 = arith.addi %mul3A_30, %add3A_31 : i32
      %gt3A_33 = arith.constant 0 : i32
      %gt3A_34 = arith.cmpi sgt, %scan3A_11, %gt3A_33 : i32
      %convert_element_type3A_35 = arith.extui %gt3A_34 : i1 to i32
      %cond3A_36 = arith.constant 0 : i32
      %cond3A_37 = arith.cmpi ne, %convert_element_type3A_35, %cond3A_36 : i32
      scf.if %cond3A_37 {
        %sub3A = arith.constant 4 : i32
        %sub3A_96 = arith.subi %add3A_32, %sub3A : i32
        %mul3A_97 = arith.constant 128 : i32
        %mul3A_98 = arith.muli %sub3A_96, %mul3A_97 : i32
        %add3A_99 = arith.addi %mul3A_2, %mul3A_98 : i32
        %dma_wait3A = arith.constant 0 : i32
        %dma_wait3A_100 = tpu.memref_slice %arg7[%add3A_99, %dma_wait3A] : memref<819200x128xf32, #tpu.memory_space<hbm>> -> memref<128x128xf32, #tpu.memory_space<hbm>>
        %dma_wait3A_101 = arith.constant 0 : i32
        %dma_wait3A_102 = tpu.memref_slice %arg7[%add3A_99, %dma_wait3A_101] : memref<819200x128xf32, #tpu.memory_space<hbm>> -> memref<128x128xf32, #tpu.memory_space<hbm>>
        tpu.wait_dma2 semaphore(%arg21 : memref<!tpu.dma_semaphore, #tpu.memory_space<semaphore_mem>>) src(%arg10 : memref<128x128xf32, #tpu.memory_space<vmem>>) dst(%dma_wait3A_102 : memref<128x128xf32, #tpu.memory_space<hbm>>)
      } else {
      }
      %lt3A_38 = arith.constant 200 : i32
      %lt3A_39 = arith.cmpi slt, %add3A_32, %lt3A_38 : i32
      %convert_element_type3A_40 = arith.extui %lt3A_39 : i1 to i32
      %cond3A_41 = arith.constant 0 : i32
      %cond3A_42 = arith.cmpi ne, %convert_element_type3A_40, %cond3A_41 : i32
      scf.if %cond3A_42 {
        %dma_start3A = arith.constant 0 : i32
        %dma_start3A_96 = tpu.memref_slice %arg8[%add3A_32, %dma_start3A] : memref<200x128xi32, #tpu.memory_space<vmem>> -> memref<1x128xi32, #tpu.memory_space<vmem>>
        %dma_start3A_97 = tpu.memref_squeeze %dma_start3A_96 : memref<1x128xi32, #tpu.memory_space<vmem>> -> memref<128xi32, #tpu.memory_space<vmem>>
        %dma_start3A_98 = arith.constant 0 : i32
        %dma_start3A_99 = arith.constant 0 : i32
        %dma_start3A_100 = tpu.memref_slice %arg3[%dma_start3A_98, %dma_start3A_99] : memref<100000x128xf32, #tpu.memory_space<hbm>> -> memref<100000x128xf32, #tpu.memory_space<hbm>>
        tpu.enqueue_indirect_dma source(%dma_start3A_100 : memref<100000x128xf32, #tpu.memory_space<hbm>>) target(%arg10 : memref<128x128xf32, #tpu.memory_space<vmem>>) offsets(%dma_start3A_97 : memref<128xi32, #tpu.memory_space<vmem>>) semaphore(%arg17 : memref<!tpu.dma_semaphore, #tpu.memory_space<semaphore_mem>>)
      } else {
      }
      %gt3A_43 = arith.constant 0 : i32
      %gt3A_44 = arith.cmpi sgt, %add3A_32, %gt3A_43 : i32
      %le3A_45 = arith.constant 200 : i32
      %le3A_46 = arith.cmpi sle, %add3A_32, %le3A_45 : i32
      %and3A_47 = arith.andi %gt3A_44, %le3A_46 : i1
      %convert_element_type3A_48 = arith.extui %and3A_47 : i1 to i32
      %cond3A_49 = arith.constant 0 : i32
      %cond3A_50 = arith.cmpi ne, %convert_element_type3A_48, %cond3A_49 : i32
      scf.if %cond3A_50 {
        %sub3A = arith.constant 1 : i32
        %sub3A_96 = arith.subi %add3A_32, %sub3A : i32
        %dma_wait3A = arith.constant 0 : i32
        %dma_wait3A_97 = tpu.memref_slice %arg8[%sub3A_96, %dma_wait3A] : memref<200x128xi32, #tpu.memory_space<vmem>> -> memref<1x128xi32, #tpu.memory_space<vmem>>
        %dma_wait3A_98 = tpu.memref_squeeze %dma_wait3A_97 : memref<1x128xi32, #tpu.memory_space<vmem>> -> memref<128xi32, #tpu.memory_space<vmem>>
        %dma_wait3A_99 = arith.constant 0 : i32
        %dma_wait3A_100 = arith.constant 0 : i32
        %dma_wait3A_101 = tpu.memref_slice %arg3[%dma_wait3A_99, %dma_wait3A_100] : memref<100000x128xf32, #tpu.memory_space<hbm>> -> memref<100000x128xf32, #tpu.memory_space<hbm>>
        tpu.wait_indirect_dma semaphore(%arg16 : memref<!tpu.dma_semaphore, #tpu.memory_space<semaphore_mem>>) src(%dma_wait3A_101 : memref<100000x128xf32, #tpu.memory_space<hbm>>) dst(%arg9 : memref<128x128xf32, #tpu.memory_space<vmem>>)
        %mul3A_102 = arith.constant 128 : i32
        %mul3A_103 = arith.muli %sub3A_96, %mul3A_102 : i32
        %rem3A = arith.constant 200 : i32
        %rem3A_104 = arith.remsi %mul3A_103, %rem3A : i32
        %get3A = arith.constant 0 : index
        %get3A_105 = tpu.vector_load %arg14[%get3A] {strides = array<i32>} : memref<128xf32, #tpu.memory_space<vmem>>, vector<16xf32>,
        %get3A_106 = vector.shape_cast %get3A_105 : vector<16xf32> to vector<16xf32>
        %get3A_107 = arith.constant 16 : index
        %get3A_108 = tpu.vector_load %arg14[%get3A_107] {strides = array<i32>} : memref<128xf32, #tpu.memory_space<vmem>>, vector<16xf32>,
        %get3A_109 = vector.shape_cast %get3A_108 : vector<16xf32> to vector<16xf32>
        %get3A_110 = arith.constant 32 : index
        %get3A_111 = tpu.vector_load %arg14[%get3A_110] {strides = array<i32>} : memref<128xf32, #tpu.memory_space<vmem>>, vector<16xf32>,
        %get3A_112 = vector.shape_cast %get3A_111 : vector<16xf32> to vector<16xf32>
        %get3A_113 = arith.constant 48 : index
        %get3A_114 = tpu.vector_load %arg14[%get3A_113] {strides = array<i32>} : memref<128xf32, #tpu.memory_space<vmem>>, vector<16xf32>,
        %get3A_115 = vector.shape_cast %get3A_114 : vector<16xf32> to vector<16xf32>
        %get3A_116 = arith.constant 64 : index
        %get3A_117 = tpu.vector_load %arg14[%get3A_116] {strides = array<i32>} : memref<128xf32, #tpu.memory_space<vmem>>, vector<16xf32>,
        %get3A_118 = vector.shape_cast %get3A_117 : vector<16xf32> to vector<16xf32>
        %get3A_119 = arith.constant 80 : index
        %get3A_120 = tpu.vector_load %arg14[%get3A_119] {strides = array<i32>} : memref<128xf32, #tpu.memory_space<vmem>>, vector<16xf32>,
        %get3A_121 = vector.shape_cast %get3A_120 : vector<16xf32> to vector<16xf32>
        %get3A_122 = arith.constant 96 : index
        %get3A_123 = tpu.vector_load %arg14[%get3A_122] {strides = array<i32>} : memref<128xf32, #tpu.memory_space<vmem>>, vector<16xf32>,
        %get3A_124 = vector.shape_cast %get3A_123 : vector<16xf32> to vector<16xf32>
        %get3A_125 = arith.constant 112 : index
        %get3A_126 = tpu.vector_load %arg14[%get3A_125] {strides = array<i32>} : memref<128xf32, #tpu.memory_space<vmem>>, vector<16xf32>,
        %get3A_127 = vector.shape_cast %get3A_126 : vector<16xf32> to vector<16xf32>
        %get3A_128 = arith.constant 0 : index
        %get3A_129 = tpu.vector_load %arg15[%get3A_128] {strides = array<i32>} : memref<128xf32, #tpu.memory_space<vmem>>, vector<16xf32>,
        %get3A_130 = vector.shape_cast %get3A_129 : vector<16xf32> to vector<16xf32>
        %get3A_131 = arith.constant 16 : index
        %get3A_132 = tpu.vector_load %arg15[%get3A_131] {strides = array<i32>} : memref<128xf32, #tpu.memory_space<vmem>>, vector<16xf32>,
        %get3A_133 = vector.shape_cast %get3A_132 : vector<16xf32> to vector<16xf32>
        %get3A_134 = arith.constant 32 : index
        %get3A_135 = tpu.vector_load %arg15[%get3A_134] {strides = array<i32>} : memref<128xf32, #tpu.memory_space<vmem>>, vector<16xf32>,
        %get3A_136 = vector.shape_cast %get3A_135 : vector<16xf32> to vector<16xf32>
        %get3A_137 = arith.constant 48 : index
        %get3A_138 = tpu.vector_load %arg15[%get3A_137] {strides = array<i32>} : memref<128xf32, #tpu.memory_space<vmem>>, vector<16xf32>,
        %get3A_139 = vector.shape_cast %get3A_138 : vector<16xf32> to vector<16xf32>
        %get3A_140 = arith.constant 64 : index
        %get3A_141 = tpu.vector_load %arg15[%get3A_140] {strides = array<i32>} : memref<128xf32, #tpu.memory_space<vmem>>, vector<16xf32>,
        %get3A_142 = vector.shape_cast %get3A_141 : vector<16xf32> to vector<16xf32>
        %get3A_143 = arith.constant 80 : index
        %get3A_144 = tpu.vector_load %arg15[%get3A_143] {strides = array<i32>} : memref<128xf32, #tpu.memory_space<vmem>>, vector<16xf32>,
        %get3A_145 = vector.shape_cast %get3A_144 : vector<16xf32> to vector<16xf32>
        %get3A_146 = arith.constant 96 : index
        %get3A_147 = tpu.vector_load %arg15[%get3A_146] {strides = array<i32>} : memref<128xf32, #tpu.memory_space<vmem>>, vector<16xf32>,
        %get3A_148 = vector.shape_cast %get3A_147 : vector<16xf32> to vector<16xf32>
        %get3A_149 = arith.constant 112 : index
        %get3A_150 = tpu.vector_load %arg15[%get3A_149] {strides = array<i32>} : memref<128xf32, #tpu.memory_space<vmem>>, vector<16xf32>,
        %get3A_151 = vector.shape_cast %get3A_150 : vector<16xf32> to vector<16xf32>
        %parallel_loop3A = arith.constant 0 : i32
        %parallel_loop3A_152 = arith.constant 128 : i32
        %parallel_loop3A_153 = arith.constant 1 : i32
        %parallel_loop3A_154 = arith.constant 7.812500e-03 : f32
        scf.for %parallel_loop3A_161 = %parallel_loop3A to %parallel_loop3A_152 step %parallel_loop3A_153  : i32 {
          %parallel_loop3A_162 = arith.addi %rem3A_104, %parallel_loop3A_161 : i32
          %parallel_loop3A_163 = arith.constant 200 : i32
          %parallel_loop3A_164 = arith.cmpi sge, %parallel_loop3A_162, %parallel_loop3A_163 : i32
          %parallel_loop3A_165 = arith.constant 200 : i32
          %parallel_loop3A_166 = arith.subi %parallel_loop3A_162, %parallel_loop3A_165 : i32
          %parallel_loop3A_167 = arith.select %parallel_loop3A_164, %parallel_loop3A_166, %parallel_loop3A_162 : i32
          %parallel_loop3A_168 = arith.constant 0.000000e+00 : f32
          %parallel_loop3A_169 = vector.broadcast %parallel_loop3A_168 : f32 to vector<16xf32>
          %parallel_loop3A_170 = arith.constant 0.000000e+00 : f32
          %parallel_loop3A_171 = vector.broadcast %parallel_loop3A_170 : f32 to vector<16xf32>
          %parallel_loop3A_172 = arith.index_cast %parallel_loop3A_161 : i32 to index
          %parallel_loop3A_173 = arith.constant 0 : index
          %parallel_loop3A_174 = tpu.vector_load %arg9[%parallel_loop3A_172, %parallel_loop3A_173] {strides = array<i32>} : memref<128x128xf32, #tpu.memory_space<vmem>>, vector<1x16xf32>,
          %parallel_loop3A_175 = vector.shape_cast %parallel_loop3A_174 : vector<1x16xf32> to vector<16xf32>
          %parallel_loop3A_176 = arith.index_cast %parallel_loop3A_167 : i32 to index
          %parallel_loop3A_177 = arith.constant 0 : index
          %parallel_loop3A_178 = tpu.vector_load %arg13[%parallel_loop3A_176, %parallel_loop3A_177] {strides = array<i32>} : memref<200x128xf32, #tpu.memory_space<vmem>>, vector<1x16xf32>,
          %parallel_loop3A_179 = vector.shape_cast %parallel_loop3A_178 : vector<1x16xf32> to vector<16xf32>
          %parallel_loop3A_180 = arith.addf %parallel_loop3A_175, %parallel_loop3A_179 : vector<16xf32>
          %parallel_loop3A_181 = arith.index_cast %parallel_loop3A_161 : i32 to index
          %parallel_loop3A_182 = arith.constant 0 : index
          %parallel_loop3A_183 = tpu.vector_load %arg9[%parallel_loop3A_181, %parallel_loop3A_182] {strides = array<i32>} : memref<128x128xf32, #tpu.memory_space<vmem>>, vector<1x16xf32>,
          %parallel_loop3A_184 = vector.shape_cast %parallel_loop3A_183 : vector<1x16xf32> to vector<16xf32>
          %parallel_loop3A_185 = vector.shape_cast %parallel_loop3A_180 : vector<16xf32> to vector<1x16xf32>
          tpu.vector_store %arg9[%parallel_loop3A_181, %parallel_loop3A_182], %parallel_loop3A_185 {strides = array<i32>} : memref<128x128xf32, #tpu.memory_space<vmem>>, vector<1x16xf32>,
          %parallel_loop3A_186 = arith.addf %parallel_loop3A_169, %parallel_loop3A_180 : vector<16xf32>
          %parallel_loop3A_187 = arith.mulf %parallel_loop3A_180, %parallel_loop3A_180 : vector<16xf32>
          %parallel_loop3A_188 = arith.addf %parallel_loop3A_171, %parallel_loop3A_187 : vector<16xf32>
          %parallel_loop3A_189 = arith.index_cast %parallel_loop3A_161 : i32 to index
          %parallel_loop3A_190 = arith.constant 16 : index
          %parallel_loop3A_191 = tpu.vector_load %arg9[%parallel_loop3A_189, %parallel_loop3A_190] {strides = array<i32>} : memref<128x128xf32, #tpu.memory_space<vmem>>, vector<1x16xf32>,
          %parallel_loop3A_192 = vector.shape_cast %parallel_loop3A_191 : vector<1x16xf32> to vector<16xf32>
          %parallel_loop3A_193 = arith.index_cast %parallel_loop3A_167 : i32 to index
          %parallel_loop3A_194 = arith.constant 16 : index
          %parallel_loop3A_195 = tpu.vector_load %arg13[%parallel_loop3A_193, %parallel_loop3A_194] {strides = array<i32>} : memref<200x128xf32, #tpu.memory_space<vmem>>, vector<1x16xf32>,
          %parallel_loop3A_196 = vector.shape_cast %parallel_loop3A_195 : vector<1x16xf32> to vector<16xf32>
          %parallel_loop3A_197 = arith.addf %parallel_loop3A_192, %parallel_loop3A_196 : vector<16xf32>
          %parallel_loop3A_198 = arith.index_cast %parallel_loop3A_161 : i32 to index
          %parallel_loop3A_199 = arith.constant 16 : index
          %parallel_loop3A_200 = tpu.vector_load %arg9[%parallel_loop3A_198, %parallel_loop3A_199] {strides = array<i32>} : memref<128x128xf32, #tpu.memory_space<vmem>>, vector<1x16xf32>,
          %parallel_loop3A_201 = vector.shape_cast %parallel_loop3A_200 : vector<1x16xf32> to vector<16xf32>
          %parallel_loop3A_202 = vector.shape_cast %parallel_loop3A_197 : vector<16xf32> to vector<1x16xf32>
          tpu.vector_store %arg9[%parallel_loop3A_198, %parallel_loop3A_199], %parallel_loop3A_202 {strides = array<i32>} : memref<128x128xf32, #tpu.memory_space<vmem>>, vector<1x16xf32>,
          %parallel_loop3A_203 = arith.addf %parallel_loop3A_186, %parallel_loop3A_197 : vector<16xf32>
          %parallel_loop3A_204 = arith.mulf %parallel_loop3A_197, %parallel_loop3A_197 : vector<16xf32>
          %parallel_loop3A_205 = arith.addf %parallel_loop3A_188, %parallel_loop3A_204 : vector<16xf32>
          %parallel_loop3A_206 = arith.index_cast %parallel_loop3A_161 : i32 to index
          %parallel_loop3A_207 = arith.constant 32 : index
          %parallel_loop3A_208 = tpu.vector_load %arg9[%parallel_loop3A_206, %parallel_loop3A_207] {strides = array<i32>} : memref<128x128xf32, #tpu.memory_space<vmem>>, vector<1x16xf32>,
          %parallel_loop3A_209 = vector.shape_cast %parallel_loop3A_208 : vector<1x16xf32> to vector<16xf32>
          %parallel_loop3A_210 = arith.index_cast %parallel_loop3A_167 : i32 to index
          %parallel_loop3A_211 = arith.constant 32 : index
          %parallel_loop3A_212 = tpu.vector_load %arg13[%parallel_loop3A_210, %parallel_loop3A_211] {strides = array<i32>} : memref<200x128xf32, #tpu.memory_space<vmem>>, vector<1x16xf32>,
          %parallel_loop3A_213 = vector.shape_cast %parallel_loop3A_212 : vector<1x16xf32> to vector<16xf32>
          %parallel_loop3A_214 = arith.addf %parallel_loop3A_209, %parallel_loop3A_213 : vector<16xf32>
          %parallel_loop3A_215 = arith.index_cast %parallel_loop3A_161 : i32 to index
          %parallel_loop3A_216 = arith.constant 32 : index
          %parallel_loop3A_217 = tpu.vector_load %arg9[%parallel_loop3A_215, %parallel_loop3A_216] {strides = array<i32>} : memref<128x128xf32, #tpu.memory_space<vmem>>, vector<1x16xf32>,
          %parallel_loop3A_218 = vector.shape_cast %parallel_loop3A_217 : vector<1x16xf32> to vector<16xf32>
          %parallel_loop3A_219 = vector.shape_cast %parallel_loop3A_214 : vector<16xf32> to vector<1x16xf32>
          tpu.vector_store %arg9[%parallel_loop3A_215, %parallel_loop3A_216], %parallel_loop3A_219 {strides = array<i32>} : memref<128x128xf32, #tpu.memory_space<vmem>>, vector<1x16xf32>,
          %parallel_loop3A_220 = arith.addf %parallel_loop3A_203, %parallel_loop3A_214 : vector<16xf32>
          %parallel_loop3A_221 = arith.mulf %parallel_loop3A_214, %parallel_loop3A_214 : vector<16xf32>
          %parallel_loop3A_222 = arith.addf %parallel_loop3A_205, %parallel_loop3A_221 : vector<16xf32>
          %parallel_loop3A_223 = arith.index_cast %parallel_loop3A_161 : i32 to index
          %parallel_loop3A_224 = arith.constant 48 : index
          %parallel_loop3A_225 = tpu.vector_load %arg9[%parallel_loop3A_223, %parallel_loop3A_224] {strides = array<i32>} : memref<128x128xf32, #tpu.memory_space<vmem>>, vector<1x16xf32>,
          %parallel_loop3A_226 = vector.shape_cast %parallel_loop3A_225 : vector<1x16xf32> to vector<16xf32>
          %parallel_loop3A_227 = arith.index_cast %parallel_loop3A_167 : i32 to index
          %parallel_loop3A_228 = arith.constant 48 : index
          %parallel_loop3A_229 = tpu.vector_load %arg13[%parallel_loop3A_227, %parallel_loop3A_228] {strides = array<i32>} : memref<200x128xf32, #tpu.memory_space<vmem>>, vector<1x16xf32>,
          %parallel_loop3A_230 = vector.shape_cast %parallel_loop3A_229 : vector<1x16xf32> to vector<16xf32>
          %parallel_loop3A_231 = arith.addf %parallel_loop3A_226, %parallel_loop3A_230 : vector<16xf32>
          %parallel_loop3A_232 = arith.index_cast %parallel_loop3A_161 : i32 to index
          %parallel_loop3A_233 = arith.constant 48 : index
          %parallel_loop3A_234 = tpu.vector_load %arg9[%parallel_loop3A_232, %parallel_loop3A_233] {strides = array<i32>} : memref<128x128xf32, #tpu.memory_space<vmem>>, vector<1x16xf32>,
          %parallel_loop3A_235 = vector.shape_cast %parallel_loop3A_234 : vector<1x16xf32> to vector<16xf32>
          %parallel_loop3A_236 = vector.shape_cast %parallel_loop3A_231 : vector<16xf32> to vector<1x16xf32>
          tpu.vector_store %arg9[%parallel_loop3A_232, %parallel_loop3A_233], %parallel_loop3A_236 {strides = array<i32>} : memref<128x128xf32, #tpu.memory_space<vmem>>, vector<1x16xf32>,
          %parallel_loop3A_237 = arith.addf %parallel_loop3A_220, %parallel_loop3A_231 : vector<16xf32>
          %parallel_loop3A_238 = arith.mulf %parallel_loop3A_231, %parallel_loop3A_231 : vector<16xf32>
          %parallel_loop3A_239 = arith.addf %parallel_loop3A_222, %parallel_loop3A_238 : vector<16xf32>
          %parallel_loop3A_240 = arith.index_cast %parallel_loop3A_161 : i32 to index
          %parallel_loop3A_241 = arith.constant 64 : index
          %parallel_loop3A_242 = tpu.vector_load %arg9[%parallel_loop3A_240, %parallel_loop3A_241] {strides = array<i32>} : memref<128x128xf32, #tpu.memory_space<vmem>>, vector<1x16xf32>,
          %parallel_loop3A_243 = vector.shape_cast %parallel_loop3A_242 : vector<1x16xf32> to vector<16xf32>
          %parallel_loop3A_244 = arith.index_cast %parallel_loop3A_167 : i32 to index
          %parallel_loop3A_245 = arith.constant 64 : index
          %parallel_loop3A_246 = tpu.vector_load %arg13[%parallel_loop3A_244, %parallel_loop3A_245] {strides = array<i32>} : memref<200x128xf32, #tpu.memory_space<vmem>>, vector<1x16xf32>,
          %parallel_loop3A_247 = vector.shape_cast %parallel_loop3A_246 : vector<1x16xf32> to vector<16xf32>
          %parallel_loop3A_248 = arith.addf %parallel_loop3A_243, %parallel_loop3A_247 : vector<16xf32>
          %parallel_loop3A_249 = arith.index_cast %parallel_loop3A_161 : i32 to index
          %parallel_loop3A_250 = arith.constant 64 : index
          %parallel_loop3A_251 = tpu.vector_load %arg9[%parallel_loop3A_249, %parallel_loop3A_250] {strides = array<i32>} : memref<128x128xf32, #tpu.memory_space<vmem>>, vector<1x16xf32>,
          %parallel_loop3A_252 = vector.shape_cast %parallel_loop3A_251 : vector<1x16xf32> to vector<16xf32>
          %parallel_loop3A_253 = vector.shape_cast %parallel_loop3A_248 : vector<16xf32> to vector<1x16xf32>
          tpu.vector_store %arg9[%parallel_loop3A_249, %parallel_loop3A_250], %parallel_loop3A_253 {strides = array<i32>} : memref<128x128xf32, #tpu.memory_space<vmem>>, vector<1x16xf32>,
          %parallel_loop3A_254 = arith.addf %parallel_loop3A_237, %parallel_loop3A_248 : vector<16xf32>
          %parallel_loop3A_255 = arith.mulf %parallel_loop3A_248, %parallel_loop3A_248 : vector<16xf32>
          %parallel_loop3A_256 = arith.addf %parallel_loop3A_239, %parallel_loop3A_255 : vector<16xf32>
          %parallel_loop3A_257 = arith.index_cast %parallel_loop3A_161 : i32 to index
          %parallel_loop3A_258 = arith.constant 80 : index
          %parallel_loop3A_259 = tpu.vector_load %arg9[%parallel_loop3A_257, %parallel_loop3A_258] {strides = array<i32>} : memref<128x128xf32, #tpu.memory_space<vmem>>, vector<1x16xf32>,
          %parallel_loop3A_260 = vector.shape_cast %parallel_loop3A_259 : vector<1x16xf32> to vector<16xf32>
          %parallel_loop3A_261 = arith.index_cast %parallel_loop3A_167 : i32 to index
          %parallel_loop3A_262 = arith.constant 80 : index
          %parallel_loop3A_263 = tpu.vector_load %arg13[%parallel_loop3A_261, %parallel_loop3A_262] {strides = array<i32>} : memref<200x128xf32, #tpu.memory_space<vmem>>, vector<1x16xf32>,
          %parallel_loop3A_264 = vector.shape_cast %parallel_loop3A_263 : vector<1x16xf32> to vector<16xf32>
          %parallel_loop3A_265 = arith.addf %parallel_loop3A_260, %parallel_loop3A_264 : vector<16xf32>
          %parallel_loop3A_266 = arith.index_cast %parallel_loop3A_161 : i32 to index
          %parallel_loop3A_267 = arith.constant 80 : index
          %parallel_loop3A_268 = tpu.vector_load %arg9[%parallel_loop3A_266, %parallel_loop3A_267] {strides = array<i32>} : memref<128x128xf32, #tpu.memory_space<vmem>>, vector<1x16xf32>,
          %parallel_loop3A_269 = vector.shape_cast %parallel_loop3A_268 : vector<1x16xf32> to vector<16xf32>
          %parallel_loop3A_270 = vector.shape_cast %parallel_loop3A_265 : vector<16xf32> to vector<1x16xf32>
          tpu.vector_store %arg9[%parallel_loop3A_266, %parallel_loop3A_267], %parallel_loop3A_270 {strides = array<i32>} : memref<128x128xf32, #tpu.memory_space<vmem>>, vector<1x16xf32>,
          %parallel_loop3A_271 = arith.addf %parallel_loop3A_254, %parallel_loop3A_265 : vector<16xf32>
          %parallel_loop3A_272 = arith.mulf %parallel_loop3A_265, %parallel_loop3A_265 : vector<16xf32>
          %parallel_loop3A_273 = arith.addf %parallel_loop3A_256, %parallel_loop3A_272 : vector<16xf32>
          %parallel_loop3A_274 = arith.index_cast %parallel_loop3A_161 : i32 to index
          %parallel_loop3A_275 = arith.constant 96 : index
          %parallel_loop3A_276 = tpu.vector_load %arg9[%parallel_loop3A_274, %parallel_loop3A_275] {strides = array<i32>} : memref<128x128xf32, #tpu.memory_space<vmem>>, vector<1x16xf32>,
          %parallel_loop3A_277 = vector.shape_cast %parallel_loop3A_276 : vector<1x16xf32> to vector<16xf32>
          %parallel_loop3A_278 = arith.index_cast %parallel_loop3A_167 : i32 to index
          %parallel_loop3A_279 = arith.constant 96 : index
          %parallel_loop3A_280 = tpu.vector_load %arg13[%parallel_loop3A_278, %parallel_loop3A_279] {strides = array<i32>} : memref<200x128xf32, #tpu.memory_space<vmem>>, vector<1x16xf32>,
          %parallel_loop3A_281 = vector.shape_cast %parallel_loop3A_280 : vector<1x16xf32> to vector<16xf32>
          %parallel_loop3A_282 = arith.addf %parallel_loop3A_277, %parallel_loop3A_281 : vector<16xf32>
          %parallel_loop3A_283 = arith.index_cast %parallel_loop3A_161 : i32 to index
          %parallel_loop3A_284 = arith.constant 96 : index
          %parallel_loop3A_285 = tpu.vector_load %arg9[%parallel_loop3A_283, %parallel_loop3A_284] {strides = array<i32>} : memref<128x128xf32, #tpu.memory_space<vmem>>, vector<1x16xf32>,
          %parallel_loop3A_286 = vector.shape_cast %parallel_loop3A_285 : vector<1x16xf32> to vector<16xf32>
          %parallel_loop3A_287 = vector.shape_cast %parallel_loop3A_282 : vector<16xf32> to vector<1x16xf32>
          tpu.vector_store %arg9[%parallel_loop3A_283, %parallel_loop3A_284], %parallel_loop3A_287 {strides = array<i32>} : memref<128x128xf32, #tpu.memory_space<vmem>>, vector<1x16xf32>,
          %parallel_loop3A_288 = arith.addf %parallel_loop3A_271, %parallel_loop3A_282 : vector<16xf32>
          %parallel_loop3A_289 = arith.mulf %parallel_loop3A_282, %parallel_loop3A_282 : vector<16xf32>
          %parallel_loop3A_290 = arith.addf %parallel_loop3A_273, %parallel_loop3A_289 : vector<16xf32>
          %parallel_loop3A_291 = arith.index_cast %parallel_loop3A_161 : i32 to index
          %parallel_loop3A_292 = arith.constant 112 : index
          %parallel_loop3A_293 = tpu.vector_load %arg9[%parallel_loop3A_291, %parallel_loop3A_292] {strides = array<i32>} : memref<128x128xf32, #tpu.memory_space<vmem>>, vector<1x16xf32>,
          %parallel_loop3A_294 = vector.shape_cast %parallel_loop3A_293 : vector<1x16xf32> to vector<16xf32>
          %parallel_loop3A_295 = arith.index_cast %parallel_loop3A_167 : i32 to index
          %parallel_loop3A_296 = arith.constant 112 : index
          %parallel_loop3A_297 = tpu.vector_load %arg13[%parallel_loop3A_295, %parallel_loop3A_296] {strides = array<i32>} : memref<200x128xf32, #tpu.memory_space<vmem>>, vector<1x16xf32>,
          %parallel_loop3A_298 = vector.shape_cast %parallel_loop3A_297 : vector<1x16xf32> to vector<16xf32>
          %parallel_loop3A_299 = arith.addf %parallel_loop3A_294, %parallel_loop3A_298 : vector<16xf32>
          %parallel_loop3A_300 = arith.index_cast %parallel_loop3A_161 : i32 to index
          %parallel_loop3A_301 = arith.constant 112 : index
          %parallel_loop3A_302 = tpu.vector_load %arg9[%parallel_loop3A_300, %parallel_loop3A_301] {strides = array<i32>} : memref<128x128xf32, #tpu.memory_space<vmem>>, vector<1x16xf32>,
          %parallel_loop3A_303 = vector.shape_cast %parallel_loop3A_302 : vector<1x16xf32> to vector<16xf32>
          %parallel_loop3A_304 = vector.shape_cast %parallel_loop3A_299 : vector<16xf32> to vector<1x16xf32>
          tpu.vector_store %arg9[%parallel_loop3A_300, %parallel_loop3A_301], %parallel_loop3A_304 {strides = array<i32>} : memref<128x128xf32, #tpu.memory_space<vmem>>, vector<1x16xf32>,
          %parallel_loop3A_305 = arith.addf %parallel_loop3A_288, %parallel_loop3A_299 : vector<16xf32>
          %parallel_loop3A_306 = arith.mulf %parallel_loop3A_299, %parallel_loop3A_299 : vector<16xf32>
          %parallel_loop3A_307 = arith.addf %parallel_loop3A_290, %parallel_loop3A_306 : vector<16xf32>
          %parallel_loop3A_308 = tpu.iota {dimensions = array<i32: 0>} : vector<16xi32>
          %parallel_loop3A_309 = arith.constant 8 : i32
          %parallel_loop3A_310 = vector.broadcast %parallel_loop3A_309 : i32 to vector<16xi32>
          %parallel_loop3A_311 = arith.xori %parallel_loop3A_308, %parallel_loop3A_310 : vector<16xi32>
          %parallel_loop3A_312 = vector.shape_cast %parallel_loop3A_311 : vector<16xi32> to vector<16x1xi32>
          %parallel_loop3A_313 = vector.shape_cast %parallel_loop3A_312 : vector<16x1xi32> to vector<16xi32>
          %parallel_loop3A_314 = tpu.dynamic_gather %parallel_loop3A_305[%parallel_loop3A_313] in [0] : vector<16xf32>, vector<16xi32> -> vector<16xf32>
          %parallel_loop3A_315 = arith.addf %parallel_loop3A_305, %parallel_loop3A_314 : vector<16xf32>
          %parallel_loop3A_316 = tpu.iota {dimensions = array<i32: 0>} : vector<16xi32>
          %parallel_loop3A_317 = arith.constant 4 : i32
          %parallel_loop3A_318 = vector.broadcast %parallel_loop3A_317 : i32 to vector<16xi32>
          %parallel_loop3A_319 = arith.xori %parallel_loop3A_316, %parallel_loop3A_318 : vector<16xi32>
          %parallel_loop3A_320 = vector.shape_cast %parallel_loop3A_319 : vector<16xi32> to vector<16x1xi32>
          %parallel_loop3A_321 = vector.shape_cast %parallel_loop3A_320 : vector<16x1xi32> to vector<16xi32>
          %parallel_loop3A_322 = tpu.dynamic_gather %parallel_loop3A_315[%parallel_loop3A_321] in [0] : vector<16xf32>, vector<16xi32> -> vector<16xf32>
          %parallel_loop3A_323 = arith.addf %parallel_loop3A_315, %parallel_loop3A_322 : vector<16xf32>
          %parallel_loop3A_324 = tpu.iota {dimensions = array<i32: 0>} : vector<16xi32>
          %parallel_loop3A_325 = arith.constant 2 : i32
          %parallel_loop3A_326 = vector.broadcast %parallel_loop3A_325 : i32 to vector<16xi32>
          %parallel_loop3A_327 = arith.xori %parallel_loop3A_324, %parallel_loop3A_326 : vector<16xi32>
          %parallel_loop3A_328 = vector.shape_cast %parallel_loop3A_327 : vector<16xi32> to vector<16x1xi32>
          %parallel_loop3A_329 = vector.shape_cast %parallel_loop3A_328 : vector<16x1xi32> to vector<16xi32>
          %parallel_loop3A_330 = tpu.dynamic_gather %parallel_loop3A_323[%parallel_loop3A_329] in [0] : vector<16xf32>, vector<16xi32> -> vector<16xf32>
          %parallel_loop3A_331 = arith.addf %parallel_loop3A_323, %parallel_loop3A_330 : vector<16xf32>
          %parallel_loop3A_332 = tpu.iota {dimensions = array<i32: 0>} : vector<16xi32>
          %parallel_loop3A_333 = arith.constant 1 : i32
          %parallel_loop3A_334 = vector.broadcast %parallel_loop3A_333 : i32 to vector<16xi32>
          %parallel_loop3A_335 = arith.xori %parallel_loop3A_332, %parallel_loop3A_334 : vector<16xi32>
          %parallel_loop3A_336 = vector.shape_cast %parallel_loop3A_335 : vector<16xi32> to vector<16x1xi32>
          %parallel_loop3A_337 = vector.shape_cast %parallel_loop3A_336 : vector<16x1xi32> to vector<16xi32>
          %parallel_loop3A_338 = tpu.dynamic_gather %parallel_loop3A_331[%parallel_loop3A_337] in [0] : vector<16xf32>, vector<16xi32> -> vector<16xf32>
          %parallel_loop3A_339 = arith.addf %parallel_loop3A_331, %parallel_loop3A_338 : vector<16xf32>
          %parallel_loop3A_340 = vector.broadcast %parallel_loop3A_154 : f32 to vector<16xf32>
          %parallel_loop3A_341 = arith.mulf %parallel_loop3A_339, %parallel_loop3A_340 : vector<16xf32>
          %parallel_loop3A_342 = tpu.iota {dimensions = array<i32: 0>} : vector<16xi32>
          %parallel_loop3A_343 = arith.constant 8 : i32
          %parallel_loop3A_344 = vector.broadcast %parallel_loop3A_343 : i32 to vector<16xi32>
          %parallel_loop3A_345 = arith.xori %parallel_loop3A_342, %parallel_loop3A_344 : vector<16xi32>
          %parallel_loop3A_346 = vector.shape_cast %parallel_loop3A_345 : vector<16xi32> to vector<16x1xi32>
          %parallel_loop3A_347 = vector.shape_cast %parallel_loop3A_346 : vector<16x1xi32> to vector<16xi32>
          %parallel_loop3A_348 = tpu.dynamic_gather %parallel_loop3A_307[%parallel_loop3A_347] in [0] : vector<16xf32>, vector<16xi32> -> vector<16xf32>
          %parallel_loop3A_349 = arith.addf %parallel_loop3A_307, %parallel_loop3A_348 : vector<16xf32>
          %parallel_loop3A_350 = tpu.iota {dimensions = array<i32: 0>} : vector<16xi32>
          %parallel_loop3A_351 = arith.constant 4 : i32
          %parallel_loop3A_352 = vector.broadcast %parallel_loop3A_351 : i32 to vector<16xi32>
          %parallel_loop3A_353 = arith.xori %parallel_loop3A_350, %parallel_loop3A_352 : vector<16xi32>
          %parallel_loop3A_354 = vector.shape_cast %parallel_loop3A_353 : vector<16xi32> to vector<16x1xi32>
          %parallel_loop3A_355 = vector.shape_cast %parallel_loop3A_354 : vector<16x1xi32> to vector<16xi32>
          %parallel_loop3A_356 = tpu.dynamic_gather %parallel_loop3A_349[%parallel_loop3A_355] in [0] : vector<16xf32>, vector<16xi32> -> vector<16xf32>
          %parallel_loop3A_357 = arith.addf %parallel_loop3A_349, %parallel_loop3A_356 : vector<16xf32>
          %parallel_loop3A_358 = tpu.iota {dimensions = array<i32: 0>} : vector<16xi32>
          %parallel_loop3A_359 = arith.constant 2 : i32
          %parallel_loop3A_360 = vector.broadcast %parallel_loop3A_359 : i32 to vector<16xi32>
          %parallel_loop3A_361 = arith.xori %parallel_loop3A_358, %parallel_loop3A_360 : vector<16xi32>
          %parallel_loop3A_362 = vector.shape_cast %parallel_loop3A_361 : vector<16xi32> to vector<16x1xi32>
          %parallel_loop3A_363 = vector.shape_cast %parallel_loop3A_362 : vector<16x1xi32> to vector<16xi32>
          %parallel_loop3A_364 = tpu.dynamic_gather %parallel_loop3A_357[%parallel_loop3A_363] in [0] : vector<16xf32>, vector<16xi32> -> vector<16xf32>
          %parallel_loop3A_365 = arith.addf %parallel_loop3A_357, %parallel_loop3A_364 : vector<16xf32>
          %parallel_loop3A_366 = tpu.iota {dimensions = array<i32: 0>} : vector<16xi32>
          %parallel_loop3A_367 = arith.constant 1 : i32
          %parallel_loop3A_368 = vector.broadcast %parallel_loop3A_367 : i32 to vector<16xi32>
          %parallel_loop3A_369 = arith.xori %parallel_loop3A_366, %parallel_loop3A_368 : vector<16xi32>
          %parallel_loop3A_370 = vector.shape_cast %parallel_loop3A_369 : vector<16xi32> to vector<16x1xi32>
          %parallel_loop3A_371 = vector.shape_cast %parallel_loop3A_370 : vector<16x1xi32> to vector<16xi32>
          %parallel_loop3A_372 = tpu.dynamic_gather %parallel_loop3A_365[%parallel_loop3A_371] in [0] : vector<16xf32>, vector<16xi32> -> vector<16xf32>
          %parallel_loop3A_373 = arith.addf %parallel_loop3A_365, %parallel_loop3A_372 : vector<16xf32>
          %parallel_loop3A_374 = vector.broadcast %parallel_loop3A_154 : f32 to vector<16xf32>
          %parallel_loop3A_375 = arith.mulf %parallel_loop3A_373, %parallel_loop3A_374 : vector<16xf32>
          %parallel_loop3A_376 = arith.mulf %parallel_loop3A_341, %parallel_loop3A_341 : vector<16xf32>
          %parallel_loop3A_377 = arith.subf %parallel_loop3A_375, %parallel_loop3A_376 : vector<16xf32>
          %parallel_loop3A_378 = arith.constant 9.99999974E-6 : f32
          %parallel_loop3A_379 = vector.broadcast %parallel_loop3A_378 : f32 to vector<16xf32>
          %parallel_loop3A_380 = arith.addf %parallel_loop3A_377, %parallel_loop3A_379 : vector<16xf32>
          %parallel_loop3A_381 = tpu.bitcast %parallel_loop3A_380 : vector<16xf32> -> vector<16xi32>
          %parallel_loop3A_382 = arith.constant 1 : i32
          %parallel_loop3A_383 = vector.broadcast %parallel_loop3A_382 : i32 to vector<16xi32>
          %parallel_loop3A_384 = arith.shrsi %parallel_loop3A_381, %parallel_loop3A_383 : vector<16xi32>
          %parallel_loop3A_385 = arith.constant 1597463007 : i32
          %parallel_loop3A_386 = vector.broadcast %parallel_loop3A_385 : i32 to vector<16xi32>
          %parallel_loop3A_387 = arith.subi %parallel_loop3A_386, %parallel_loop3A_384 : vector<16xi32>
          %parallel_loop3A_388 = tpu.bitcast %parallel_loop3A_387 : vector<16xi32> -> vector<16xf32>
          %parallel_loop3A_389 = arith.constant 5.000000e-01 : f32
          %parallel_loop3A_390 = vector.broadcast %parallel_loop3A_389 : f32 to vector<16xf32>
          %parallel_loop3A_391 = arith.mulf %parallel_loop3A_390, %parallel_loop3A_380 : vector<16xf32>
          %parallel_loop3A_392 = arith.mulf %parallel_loop3A_391, %parallel_loop3A_388 : vector<16xf32>
          %parallel_loop3A_393 = arith.mulf %parallel_loop3A_392, %parallel_loop3A_388 : vector<16xf32>
          %parallel_loop3A_394 = arith.constant 1.500000e+00 : f32
          %parallel_loop3A_395 = vector.broadcast %parallel_loop3A_394 : f32 to vector<16xf32>
          %parallel_loop3A_396 = arith.subf %parallel_loop3A_395, %parallel_loop3A_393 : vector<16xf32>
          %parallel_loop3A_397 = arith.mulf %parallel_loop3A_388, %parallel_loop3A_396 : vector<16xf32>
          %parallel_loop3A_398 = arith.constant 5.000000e-01 : f32
          %parallel_loop3A_399 = vector.broadcast %parallel_loop3A_398 : f32 to vector<16xf32>
          %parallel_loop3A_400 = arith.mulf %parallel_loop3A_399, %parallel_loop3A_380 : vector<16xf32>
          %parallel_loop3A_401 = arith.mulf %parallel_loop3A_400, %parallel_loop3A_397 : vector<16xf32>
          %parallel_loop3A_402 = arith.mulf %parallel_loop3A_401, %parallel_loop3A_397 : vector<16xf32>
          %parallel_loop3A_403 = arith.constant 1.500000e+00 : f32
          %parallel_loop3A_404 = vector.broadcast %parallel_loop3A_403 : f32 to vector<16xf32>
          %parallel_loop3A_405 = arith.subf %parallel_loop3A_404, %parallel_loop3A_402 : vector<16xf32>
          %parallel_loop3A_406 = arith.mulf %parallel_loop3A_397, %parallel_loop3A_405 : vector<16xf32>
          %parallel_loop3A_407 = arith.constant 5.000000e-01 : f32
          %parallel_loop3A_408 = vector.broadcast %parallel_loop3A_407 : f32 to vector<16xf32>
          %parallel_loop3A_409 = arith.mulf %parallel_loop3A_408, %parallel_loop3A_380 : vector<16xf32>
          %parallel_loop3A_410 = arith.mulf %parallel_loop3A_409, %parallel_loop3A_406 : vector<16xf32>
          %parallel_loop3A_411 = arith.mulf %parallel_loop3A_410, %parallel_loop3A_406 : vector<16xf32>
          %parallel_loop3A_412 = arith.constant 1.500000e+00 : f32
          %parallel_loop3A_413 = vector.broadcast %parallel_loop3A_412 : f32 to vector<16xf32>
          %parallel_loop3A_414 = arith.subf %parallel_loop3A_413, %parallel_loop3A_411 : vector<16xf32>
          %parallel_loop3A_415 = arith.mulf %parallel_loop3A_406, %parallel_loop3A_414 : vector<16xf32>
          %parallel_loop3A_416 = arith.constant 5.000000e-01 : f32
          %parallel_loop3A_417 = vector.broadcast %parallel_loop3A_416 : f32 to vector<16xf32>
          %parallel_loop3A_418 = arith.mulf %parallel_loop3A_417, %parallel_loop3A_380 : vector<16xf32>
          %parallel_loop3A_419 = arith.mulf %parallel_loop3A_418, %parallel_loop3A_415 : vector<16xf32>
          %parallel_loop3A_420 = arith.mulf %parallel_loop3A_419, %parallel_loop3A_415 : vector<16xf32>
          %parallel_loop3A_421 = arith.constant 1.500000e+00 : f32
          %parallel_loop3A_422 = vector.broadcast %parallel_loop3A_421 : f32 to vector<16xf32>
          %parallel_loop3A_423 = arith.subf %parallel_loop3A_422, %parallel_loop3A_420 : vector<16xf32>
          %parallel_loop3A_424 = arith.mulf %parallel_loop3A_415, %parallel_loop3A_423 : vector<16xf32>
          %parallel_loop3A_425 = arith.mulf %parallel_loop3A_341, %parallel_loop3A_424 : vector<16xf32>
          %parallel_loop3A_426 = arith.index_cast %parallel_loop3A_161 : i32 to index
          %parallel_loop3A_427 = arith.constant 0 : index
          %parallel_loop3A_428 = tpu.vector_load %arg9[%parallel_loop3A_426, %parallel_loop3A_427] {strides = array<i32>} : memref<128x128xf32, #tpu.memory_space<vmem>>, vector<1x16xf32>,
          %parallel_loop3A_429 = vector.shape_cast %parallel_loop3A_428 : vector<1x16xf32> to vector<16xf32>
          %parallel_loop3A_430 = arith.mulf %parallel_loop3A_429, %parallel_loop3A_424 : vector<16xf32>
          %parallel_loop3A_431 = arith.subf %parallel_loop3A_430, %parallel_loop3A_425 : vector<16xf32>
          %parallel_loop3A_432 = arith.mulf %parallel_loop3A_431, %get3A_106 : vector<16xf32>
          %parallel_loop3A_433 = arith.addf %parallel_loop3A_432, %get3A_130 : vector<16xf32>
          %parallel_loop3A_434 = arith.index_cast %parallel_loop3A_161 : i32 to index
          %parallel_loop3A_435 = arith.constant 0 : index
          %parallel_loop3A_436 = tpu.vector_load %arg9[%parallel_loop3A_434, %parallel_loop3A_435] {strides = array<i32>} : memref<128x128xf32, #tpu.memory_space<vmem>>, vector<1x16xf32>,
          %parallel_loop3A_437 = vector.shape_cast %parallel_loop3A_436 : vector<1x16xf32> to vector<16xf32>
          %parallel_loop3A_438 = vector.shape_cast %parallel_loop3A_433 : vector<16xf32> to vector<1x16xf32>
          tpu.vector_store %arg9[%parallel_loop3A_434, %parallel_loop3A_435], %parallel_loop3A_438 {strides = array<i32>} : memref<128x128xf32, #tpu.memory_space<vmem>>, vector<1x16xf32>,
          %parallel_loop3A_439 = arith.index_cast %parallel_loop3A_161 : i32 to index
          %parallel_loop3A_440 = arith.constant 16 : index
          %parallel_loop3A_441 = tpu.vector_load %arg9[%parallel_loop3A_439, %parallel_loop3A_440] {strides = array<i32>} : memref<128x128xf32, #tpu.memory_space<vmem>>, vector<1x16xf32>,
          %parallel_loop3A_442 = vector.shape_cast %parallel_loop3A_441 : vector<1x16xf32> to vector<16xf32>
          %parallel_loop3A_443 = arith.mulf %parallel_loop3A_442, %parallel_loop3A_424 : vector<16xf32>
          %parallel_loop3A_444 = arith.subf %parallel_loop3A_443, %parallel_loop3A_425 : vector<16xf32>
          %parallel_loop3A_445 = arith.mulf %parallel_loop3A_444, %get3A_109 : vector<16xf32>
          %parallel_loop3A_446 = arith.addf %parallel_loop3A_445, %get3A_133 : vector<16xf32>
          %parallel_loop3A_447 = arith.index_cast %parallel_loop3A_161 : i32 to index
          %parallel_loop3A_448 = arith.constant 16 : index
          %parallel_loop3A_449 = tpu.vector_load %arg9[%parallel_loop3A_447, %parallel_loop3A_448] {strides = array<i32>} : memref<128x128xf32, #tpu.memory_space<vmem>>, vector<1x16xf32>,
          %parallel_loop3A_450 = vector.shape_cast %parallel_loop3A_449 : vector<1x16xf32> to vector<16xf32>
          %parallel_loop3A_451 = vector.shape_cast %parallel_loop3A_446 : vector<16xf32> to vector<1x16xf32>
          tpu.vector_store %arg9[%parallel_loop3A_447, %parallel_loop3A_448], %parallel_loop3A_451 {strides = array<i32>} : memref<128x128xf32, #tpu.memory_space<vmem>>, vector<1x16xf32>,
          %parallel_loop3A_452 = arith.index_cast %parallel_loop3A_161 : i32 to index
          %parallel_loop3A_453 = arith.constant 32 : index
          %parallel_loop3A_454 = tpu.vector_load %arg9[%parallel_loop3A_452, %parallel_loop3A_453] {strides = array<i32>} : memref<128x128xf32, #tpu.memory_space<vmem>>, vector<1x16xf32>,
          %parallel_loop3A_455 = vector.shape_cast %parallel_loop3A_454 : vector<1x16xf32> to vector<16xf32>
          %parallel_loop3A_456 = arith.mulf %parallel_loop3A_455, %parallel_loop3A_424 : vector<16xf32>
          %parallel_loop3A_457 = arith.subf %parallel_loop3A_456, %parallel_loop3A_425 : vector<16xf32>
          %parallel_loop3A_458 = arith.mulf %parallel_loop3A_457, %get3A_112 : vector<16xf32>
          %parallel_loop3A_459 = arith.addf %parallel_loop3A_458, %get3A_136 : vector<16xf32>
          %parallel_loop3A_460 = arith.index_cast %parallel_loop3A_161 : i32 to index
          %parallel_loop3A_461 = arith.constant 32 : index
          %parallel_loop3A_462 = tpu.vector_load %arg9[%parallel_loop3A_460, %parallel_loop3A_461] {strides = array<i32>} : memref<128x128xf32, #tpu.memory_space<vmem>>, vector<1x16xf32>,
          %parallel_loop3A_463 = vector.shape_cast %parallel_loop3A_462 : vector<1x16xf32> to vector<16xf32>
          %parallel_loop3A_464 = vector.shape_cast %parallel_loop3A_459 : vector<16xf32> to vector<1x16xf32>
          tpu.vector_store %arg9[%parallel_loop3A_460, %parallel_loop3A_461], %parallel_loop3A_464 {strides = array<i32>} : memref<128x128xf32, #tpu.memory_space<vmem>>, vector<1x16xf32>,
          %parallel_loop3A_465 = arith.index_cast %parallel_loop3A_161 : i32 to index
          %parallel_loop3A_466 = arith.constant 48 : index
          %parallel_loop3A_467 = tpu.vector_load %arg9[%parallel_loop3A_465, %parallel_loop3A_466] {strides = array<i32>} : memref<128x128xf32, #tpu.memory_space<vmem>>, vector<1x16xf32>,
          %parallel_loop3A_468 = vector.shape_cast %parallel_loop3A_467 : vector<1x16xf32> to vector<16xf32>
          %parallel_loop3A_469 = arith.mulf %parallel_loop3A_468, %parallel_loop3A_424 : vector<16xf32>
          %parallel_loop3A_470 = arith.subf %parallel_loop3A_469, %parallel_loop3A_425 : vector<16xf32>
          %parallel_loop3A_471 = arith.mulf %parallel_loop3A_470, %get3A_115 : vector<16xf32>
          %parallel_loop3A_472 = arith.addf %parallel_loop3A_471, %get3A_139 : vector<16xf32>
          %parallel_loop3A_473 = arith.index_cast %parallel_loop3A_161 : i32 to index
          %parallel_loop3A_474 = arith.constant 48 : index
          %parallel_loop3A_475 = tpu.vector_load %arg9[%parallel_loop3A_473, %parallel_loop3A_474] {strides = array<i32>} : memref<128x128xf32, #tpu.memory_space<vmem>>, vector<1x16xf32>,
          %parallel_loop3A_476 = vector.shape_cast %parallel_loop3A_475 : vector<1x16xf32> to vector<16xf32>
          %parallel_loop3A_477 = vector.shape_cast %parallel_loop3A_472 : vector<16xf32> to vector<1x16xf32>
          tpu.vector_store %arg9[%parallel_loop3A_473, %parallel_loop3A_474], %parallel_loop3A_477 {strides = array<i32>} : memref<128x128xf32, #tpu.memory_space<vmem>>, vector<1x16xf32>,
          %parallel_loop3A_478 = arith.index_cast %parallel_loop3A_161 : i32 to index
          %parallel_loop3A_479 = arith.constant 64 : index
          %parallel_loop3A_480 = tpu.vector_load %arg9[%parallel_loop3A_478, %parallel_loop3A_479] {strides = array<i32>} : memref<128x128xf32, #tpu.memory_space<vmem>>, vector<1x16xf32>,
          %parallel_loop3A_481 = vector.shape_cast %parallel_loop3A_480 : vector<1x16xf32> to vector<16xf32>
          %parallel_loop3A_482 = arith.mulf %parallel_loop3A_481, %parallel_loop3A_424 : vector<16xf32>
          %parallel_loop3A_483 = arith.subf %parallel_loop3A_482, %parallel_loop3A_425 : vector<16xf32>
          %parallel_loop3A_484 = arith.mulf %parallel_loop3A_483, %get3A_118 : vector<16xf32>
          %parallel_loop3A_485 = arith.addf %parallel_loop3A_484, %get3A_142 : vector<16xf32>
          %parallel_loop3A_486 = arith.index_cast %parallel_loop3A_161 : i32 to index
          %parallel_loop3A_487 = arith.constant 64 : index
          %parallel_loop3A_488 = tpu.vector_load %arg9[%parallel_loop3A_486, %parallel_loop3A_487] {strides = array<i32>} : memref<128x128xf32, #tpu.memory_space<vmem>>, vector<1x16xf32>,
          %parallel_loop3A_489 = vector.shape_cast %parallel_loop3A_488 : vector<1x16xf32> to vector<16xf32>
          %parallel_loop3A_490 = vector.shape_cast %parallel_loop3A_485 : vector<16xf32> to vector<1x16xf32>
          tpu.vector_store %arg9[%parallel_loop3A_486, %parallel_loop3A_487], %parallel_loop3A_490 {strides = array<i32>} : memref<128x128xf32, #tpu.memory_space<vmem>>, vector<1x16xf32>,
          %parallel_loop3A_491 = arith.index_cast %parallel_loop3A_161 : i32 to index
          %parallel_loop3A_492 = arith.constant 80 : index
          %parallel_loop3A_493 = tpu.vector_load %arg9[%parallel_loop3A_491, %parallel_loop3A_492] {strides = array<i32>} : memref<128x128xf32, #tpu.memory_space<vmem>>, vector<1x16xf32>,
          %parallel_loop3A_494 = vector.shape_cast %parallel_loop3A_493 : vector<1x16xf32> to vector<16xf32>
          %parallel_loop3A_495 = arith.mulf %parallel_loop3A_494, %parallel_loop3A_424 : vector<16xf32>
          %parallel_loop3A_496 = arith.subf %parallel_loop3A_495, %parallel_loop3A_425 : vector<16xf32>
          %parallel_loop3A_497 = arith.mulf %parallel_loop3A_496, %get3A_121 : vector<16xf32>
          %parallel_loop3A_498 = arith.addf %parallel_loop3A_497, %get3A_145 : vector<16xf32>
          %parallel_loop3A_499 = arith.index_cast %parallel_loop3A_161 : i32 to index
          %parallel_loop3A_500 = arith.constant 80 : index
          %parallel_loop3A_501 = tpu.vector_load %arg9[%parallel_loop3A_499, %parallel_loop3A_500] {strides = array<i32>} : memref<128x128xf32, #tpu.memory_space<vmem>>, vector<1x16xf32>,
          %parallel_loop3A_502 = vector.shape_cast %parallel_loop3A_501 : vector<1x16xf32> to vector<16xf32>
          %parallel_loop3A_503 = vector.shape_cast %parallel_loop3A_498 : vector<16xf32> to vector<1x16xf32>
          tpu.vector_store %arg9[%parallel_loop3A_499, %parallel_loop3A_500], %parallel_loop3A_503 {strides = array<i32>} : memref<128x128xf32, #tpu.memory_space<vmem>>, vector<1x16xf32>,
          %parallel_loop3A_504 = arith.index_cast %parallel_loop3A_161 : i32 to index
          %parallel_loop3A_505 = arith.constant 96 : index
          %parallel_loop3A_506 = tpu.vector_load %arg9[%parallel_loop3A_504, %parallel_loop3A_505] {strides = array<i32>} : memref<128x128xf32, #tpu.memory_space<vmem>>, vector<1x16xf32>,
          %parallel_loop3A_507 = vector.shape_cast %parallel_loop3A_506 : vector<1x16xf32> to vector<16xf32>
          %parallel_loop3A_508 = arith.mulf %parallel_loop3A_507, %parallel_loop3A_424 : vector<16xf32>
          %parallel_loop3A_509 = arith.subf %parallel_loop3A_508, %parallel_loop3A_425 : vector<16xf32>
          %parallel_loop3A_510 = arith.mulf %parallel_loop3A_509, %get3A_124 : vector<16xf32>
          %parallel_loop3A_511 = arith.addf %parallel_loop3A_510, %get3A_148 : vector<16xf32>
          %parallel_loop3A_512 = arith.index_cast %parallel_loop3A_161 : i32 to index
          %parallel_loop3A_513 = arith.constant 96 : index
          %parallel_loop3A_514 = tpu.vector_load %arg9[%parallel_loop3A_512, %parallel_loop3A_513] {strides = array<i32>} : memref<128x128xf32, #tpu.memory_space<vmem>>, vector<1x16xf32>,
          %parallel_loop3A_515 = vector.shape_cast %parallel_loop3A_514 : vector<1x16xf32> to vector<16xf32>
          %parallel_loop3A_516 = vector.shape_cast %parallel_loop3A_511 : vector<16xf32> to vector<1x16xf32>
          tpu.vector_store %arg9[%parallel_loop3A_512, %parallel_loop3A_513], %parallel_loop3A_516 {strides = array<i32>} : memref<128x128xf32, #tpu.memory_space<vmem>>, vector<1x16xf32>,
          %parallel_loop3A_517 = arith.index_cast %parallel_loop3A_161 : i32 to index
          %parallel_loop3A_518 = arith.constant 112 : index
          %parallel_loop3A_519 = tpu.vector_load %arg9[%parallel_loop3A_517, %parallel_loop3A_518] {strides = array<i32>} : memref<128x128xf32, #tpu.memory_space<vmem>>, vector<1x16xf32>,
          %parallel_loop3A_520 = vector.shape_cast %parallel_loop3A_519 : vector<1x16xf32> to vector<16xf32>
          %parallel_loop3A_521 = arith.mulf %parallel_loop3A_520, %parallel_loop3A_424 : vector<16xf32>
          %parallel_loop3A_522 = arith.subf %parallel_loop3A_521, %parallel_loop3A_425 : vector<16xf32>
          %parallel_loop3A_523 = arith.mulf %parallel_loop3A_522, %get3A_127 : vector<16xf32>
          %parallel_loop3A_524 = arith.addf %parallel_loop3A_523, %get3A_151 : vector<16xf32>
          %parallel_loop3A_525 = arith.index_cast %parallel_loop3A_161 : i32 to index
          %parallel_loop3A_526 = arith.constant 112 : index
          %parallel_loop3A_527 = tpu.vector_load %arg9[%parallel_loop3A_525, %parallel_loop3A_526] {strides = array<i32>} : memref<128x128xf32, #tpu.memory_space<vmem>>, vector<1x16xf32>,
          %parallel_loop3A_528 = vector.shape_cast %parallel_loop3A_527 : vector<1x16xf32> to vector<16xf32>
          %parallel_loop3A_529 = vector.shape_cast %parallel_loop3A_524 : vector<16xf32> to vector<1x16xf32>
          tpu.vector_store %arg9[%parallel_loop3A_525, %parallel_loop3A_526], %parallel_loop3A_529 {strides = array<i32>} : memref<128x128xf32, #tpu.memory_space<vmem>>, vector<1x16xf32>,
        } {sc.loop_unroll_factor = 2 : i64, sc.parallel_access}
        %mul3A_155 = arith.constant 128 : i32
        %mul3A_156 = arith.muli %sub3A_96, %mul3A_155 : i32
        %add3A_157 = arith.addi %mul3A_2, %mul3A_156 : i32
        %dma_start3A = arith.constant 0 : i32
        %dma_start3A_158 = tpu.memref_slice %arg7[%add3A_157, %dma_start3A] : memref<819200x128xf32, #tpu.memory_space<hbm>> -> memref<128x128xf32, #tpu.memory_space<hbm>>
        %dma_start3A_159 = arith.constant 0 : i32
        %dma_start3A_160 = tpu.memref_slice %arg7[%add3A_157, %dma_start3A_159] : memref<819200x128xf32, #tpu.memory_space<hbm>> -> memref<128x128xf32, #tpu.memory_space<hbm>>
        tpu.enqueue_dma source(%arg9 : memref<128x128xf32, #tpu.memory_space<vmem>>) target(%dma_start3A_160 : memref<128x128xf32, #tpu.memory_space<hbm>>) target_semaphore(%arg20 : memref<!tpu.dma_semaphore, #tpu.memory_space<semaphore_mem>>)
      } else {
      }
      %mul3A_51 = arith.constant 4 : i32
      %mul3A_52 = arith.muli %scan3A_11, %mul3A_51 : i32
      %add3A_53 = arith.constant 2 : i32
      %add3A_54 = arith.addi %mul3A_52, %add3A_53 : i32
      %gt3A_55 = arith.constant 0 : i32
      %gt3A_56 = arith.cmpi sgt, %scan3A_11, %gt3A_55 : i32
      %convert_element_type3A_57 = arith.extui %gt3A_56 : i1 to i32
      %cond3A_58 = arith.constant 0 : i32
      %cond3A_59 = arith.cmpi ne, %convert_element_type3A_57, %cond3A_58 : i32
      scf.if %cond3A_59 {
        %sub3A = arith.constant 4 : i32
        %sub3A_96 = arith.subi %add3A_54, %sub3A : i32
        %mul3A_97 = arith.constant 128 : i32
        %mul3A_98 = arith.muli %sub3A_96, %mul3A_97 : i32
        %add3A_99 = arith.addi %mul3A_2, %mul3A_98 : i32
        %dma_wait3A = arith.constant 0 : i32
        %dma_wait3A_100 = tpu.memref_slice %arg7[%add3A_99, %dma_wait3A] : memref<819200x128xf32, #tpu.memory_space<hbm>> -> memref<128x128xf32, #tpu.memory_space<hbm>>
        %dma_wait3A_101 = arith.constant 0 : i32
        %dma_wait3A_102 = tpu.memref_slice %arg7[%add3A_99, %dma_wait3A_101] : memref<819200x128xf32, #tpu.memory_space<hbm>> -> memref<128x128xf32, #tpu.memory_space<hbm>>
        tpu.wait_dma2 semaphore(%arg22 : memref<!tpu.dma_semaphore, #tpu.memory_space<semaphore_mem>>) src(%arg11 : memref<128x128xf32, #tpu.memory_space<vmem>>) dst(%dma_wait3A_102 : memref<128x128xf32, #tpu.memory_space<hbm>>)
      } else {
      }
      %lt3A_60 = arith.constant 200 : i32
      %lt3A_61 = arith.cmpi slt, %add3A_54, %lt3A_60 : i32
      %convert_element_type3A_62 = arith.extui %lt3A_61 : i1 to i32
      %cond3A_63 = arith.constant 0 : i32
      %cond3A_64 = arith.cmpi ne, %convert_element_type3A_62, %cond3A_63 : i32
      scf.if %cond3A_64 {
        %dma_start3A = arith.constant 0 : i32
        %dma_start3A_96 = tpu.memref_slice %arg8[%add3A_54, %dma_start3A] : memref<200x128xi32, #tpu.memory_space<vmem>> -> memref<1x128xi32, #tpu.memory_space<vmem>>
        %dma_start3A_97 = tpu.memref_squeeze %dma_start3A_96 : memref<1x128xi32, #tpu.memory_space<vmem>> -> memref<128xi32, #tpu.memory_space<vmem>>
        %dma_start3A_98 = arith.constant 0 : i32
        %dma_start3A_99 = arith.constant 0 : i32
        %dma_start3A_100 = tpu.memref_slice %arg3[%dma_start3A_98, %dma_start3A_99] : memref<100000x128xf32, #tpu.memory_space<hbm>> -> memref<100000x128xf32, #tpu.memory_space<hbm>>
        tpu.enqueue_indirect_dma source(%dma_start3A_100 : memref<100000x128xf32, #tpu.memory_space<hbm>>) target(%arg11 : memref<128x128xf32, #tpu.memory_space<vmem>>) offsets(%dma_start3A_97 : memref<128xi32, #tpu.memory_space<vmem>>) semaphore(%arg18 : memref<!tpu.dma_semaphore, #tpu.memory_space<semaphore_mem>>)
      } else {
      }
      %gt3A_65 = arith.constant 0 : i32
      %gt3A_66 = arith.cmpi sgt, %add3A_54, %gt3A_65 : i32
      %le3A_67 = arith.constant 200 : i32
      %le3A_68 = arith.cmpi sle, %add3A_54, %le3A_67 : i32
      %and3A_69 = arith.andi %gt3A_66, %le3A_68 : i1
      %convert_element_type3A_70 = arith.extui %and3A_69 : i1 to i32
      %cond3A_71 = arith.constant 0 : i32
      %cond3A_72 = arith.cmpi ne, %convert_element_type3A_70, %cond3A_71 : i32
      scf.if %cond3A_72 {
        %sub3A = arith.constant 1 : i32
        %sub3A_96 = arith.subi %add3A_54, %sub3A : i32
        %dma_wait3A = arith.constant 0 : i32
        %dma_wait3A_97 = tpu.memref_slice %arg8[%sub3A_96, %dma_wait3A] : memref<200x128xi32, #tpu.memory_space<vmem>> -> memref<1x128xi32, #tpu.memory_space<vmem>>
        %dma_wait3A_98 = tpu.memref_squeeze %dma_wait3A_97 : memref<1x128xi32, #tpu.memory_space<vmem>> -> memref<128xi32, #tpu.memory_space<vmem>>
        %dma_wait3A_99 = arith.constant 0 : i32
        %dma_wait3A_100 = arith.constant 0 : i32
        %dma_wait3A_101 = tpu.memref_slice %arg3[%dma_wait3A_99, %dma_wait3A_100] : memref<100000x128xf32, #tpu.memory_space<hbm>> -> memref<100000x128xf32, #tpu.memory_space<hbm>>
        tpu.wait_indirect_dma semaphore(%arg17 : memref<!tpu.dma_semaphore, #tpu.memory_space<semaphore_mem>>) src(%dma_wait3A_101 : memref<100000x128xf32, #tpu.memory_space<hbm>>) dst(%arg10 : memref<128x128xf32, #tpu.memory_space<vmem>>)
        %mul3A_102 = arith.constant 128 : i32
        %mul3A_103 = arith.muli %sub3A_96, %mul3A_102 : i32
        %rem3A = arith.constant 200 : i32
        %rem3A_104 = arith.remsi %mul3A_103, %rem3A : i32
        %get3A = arith.constant 0 : index
        %get3A_105 = tpu.vector_load %arg14[%get3A] {strides = array<i32>} : memref<128xf32, #tpu.memory_space<vmem>>, vector<16xf32>,
        %get3A_106 = vector.shape_cast %get3A_105 : vector<16xf32> to vector<16xf32>
        %get3A_107 = arith.constant 16 : index
        %get3A_108 = tpu.vector_load %arg14[%get3A_107] {strides = array<i32>} : memref<128xf32, #tpu.memory_space<vmem>>, vector<16xf32>,
        %get3A_109 = vector.shape_cast %get3A_108 : vector<16xf32> to vector<16xf32>
        %get3A_110 = arith.constant 32 : index
        %get3A_111 = tpu.vector_load %arg14[%get3A_110] {strides = array<i32>} : memref<128xf32, #tpu.memory_space<vmem>>, vector<16xf32>,
        %get3A_112 = vector.shape_cast %get3A_111 : vector<16xf32> to vector<16xf32>
        %get3A_113 = arith.constant 48 : index
        %get3A_114 = tpu.vector_load %arg14[%get3A_113] {strides = array<i32>} : memref<128xf32, #tpu.memory_space<vmem>>, vector<16xf32>,
        %get3A_115 = vector.shape_cast %get3A_114 : vector<16xf32> to vector<16xf32>
        %get3A_116 = arith.constant 64 : index
        %get3A_117 = tpu.vector_load %arg14[%get3A_116] {strides = array<i32>} : memref<128xf32, #tpu.memory_space<vmem>>, vector<16xf32>,
        %get3A_118 = vector.shape_cast %get3A_117 : vector<16xf32> to vector<16xf32>
        %get3A_119 = arith.constant 80 : index
        %get3A_120 = tpu.vector_load %arg14[%get3A_119] {strides = array<i32>} : memref<128xf32, #tpu.memory_space<vmem>>, vector<16xf32>,
        %get3A_121 = vector.shape_cast %get3A_120 : vector<16xf32> to vector<16xf32>
        %get3A_122 = arith.constant 96 : index
        %get3A_123 = tpu.vector_load %arg14[%get3A_122] {strides = array<i32>} : memref<128xf32, #tpu.memory_space<vmem>>, vector<16xf32>,
        %get3A_124 = vector.shape_cast %get3A_123 : vector<16xf32> to vector<16xf32>
        %get3A_125 = arith.constant 112 : index
        %get3A_126 = tpu.vector_load %arg14[%get3A_125] {strides = array<i32>} : memref<128xf32, #tpu.memory_space<vmem>>, vector<16xf32>,
        %get3A_127 = vector.shape_cast %get3A_126 : vector<16xf32> to vector<16xf32>
        %get3A_128 = arith.constant 0 : index
        %get3A_129 = tpu.vector_load %arg15[%get3A_128] {strides = array<i32>} : memref<128xf32, #tpu.memory_space<vmem>>, vector<16xf32>,
        %get3A_130 = vector.shape_cast %get3A_129 : vector<16xf32> to vector<16xf32>
        %get3A_131 = arith.constant 16 : index
        %get3A_132 = tpu.vector_load %arg15[%get3A_131] {strides = array<i32>} : memref<128xf32, #tpu.memory_space<vmem>>, vector<16xf32>,
        %get3A_133 = vector.shape_cast %get3A_132 : vector<16xf32> to vector<16xf32>
        %get3A_134 = arith.constant 32 : index
        %get3A_135 = tpu.vector_load %arg15[%get3A_134] {strides = array<i32>} : memref<128xf32, #tpu.memory_space<vmem>>, vector<16xf32>,
        %get3A_136 = vector.shape_cast %get3A_135 : vector<16xf32> to vector<16xf32>
        %get3A_137 = arith.constant 48 : index
        %get3A_138 = tpu.vector_load %arg15[%get3A_137] {strides = array<i32>} : memref<128xf32, #tpu.memory_space<vmem>>, vector<16xf32>,
        %get3A_139 = vector.shape_cast %get3A_138 : vector<16xf32> to vector<16xf32>
        %get3A_140 = arith.constant 64 : index
        %get3A_141 = tpu.vector_load %arg15[%get3A_140] {strides = array<i32>} : memref<128xf32, #tpu.memory_space<vmem>>, vector<16xf32>,
        %get3A_142 = vector.shape_cast %get3A_141 : vector<16xf32> to vector<16xf32>
        %get3A_143 = arith.constant 80 : index
        %get3A_144 = tpu.vector_load %arg15[%get3A_143] {strides = array<i32>} : memref<128xf32, #tpu.memory_space<vmem>>, vector<16xf32>,
        %get3A_145 = vector.shape_cast %get3A_144 : vector<16xf32> to vector<16xf32>
        %get3A_146 = arith.constant 96 : index
        %get3A_147 = tpu.vector_load %arg15[%get3A_146] {strides = array<i32>} : memref<128xf32, #tpu.memory_space<vmem>>, vector<16xf32>,
        %get3A_148 = vector.shape_cast %get3A_147 : vector<16xf32> to vector<16xf32>
        %get3A_149 = arith.constant 112 : index
        %get3A_150 = tpu.vector_load %arg15[%get3A_149] {strides = array<i32>} : memref<128xf32, #tpu.memory_space<vmem>>, vector<16xf32>,
        %get3A_151 = vector.shape_cast %get3A_150 : vector<16xf32> to vector<16xf32>
        %parallel_loop3A = arith.constant 0 : i32
        %parallel_loop3A_152 = arith.constant 128 : i32
        %parallel_loop3A_153 = arith.constant 1 : i32
        %parallel_loop3A_154 = arith.constant 7.812500e-03 : f32
        scf.for %parallel_loop3A_161 = %parallel_loop3A to %parallel_loop3A_152 step %parallel_loop3A_153  : i32 {
          %parallel_loop3A_162 = arith.addi %rem3A_104, %parallel_loop3A_161 : i32
          %parallel_loop3A_163 = arith.constant 200 : i32
          %parallel_loop3A_164 = arith.cmpi sge, %parallel_loop3A_162, %parallel_loop3A_163 : i32
          %parallel_loop3A_165 = arith.constant 200 : i32
          %parallel_loop3A_166 = arith.subi %parallel_loop3A_162, %parallel_loop3A_165 : i32
          %parallel_loop3A_167 = arith.select %parallel_loop3A_164, %parallel_loop3A_166, %parallel_loop3A_162 : i32
          %parallel_loop3A_168 = arith.constant 0.000000e+00 : f32
          %parallel_loop3A_169 = vector.broadcast %parallel_loop3A_168 : f32 to vector<16xf32>
          %parallel_loop3A_170 = arith.constant 0.000000e+00 : f32
          %parallel_loop3A_171 = vector.broadcast %parallel_loop3A_170 : f32 to vector<16xf32>
          %parallel_loop3A_172 = arith.index_cast %parallel_loop3A_161 : i32 to index
          %parallel_loop3A_173 = arith.constant 0 : index
          %parallel_loop3A_174 = tpu.vector_load %arg10[%parallel_loop3A_172, %parallel_loop3A_173] {strides = array<i32>} : memref<128x128xf32, #tpu.memory_space<vmem>>, vector<1x16xf32>,
          %parallel_loop3A_175 = vector.shape_cast %parallel_loop3A_174 : vector<1x16xf32> to vector<16xf32>
          %parallel_loop3A_176 = arith.index_cast %parallel_loop3A_167 : i32 to index
          %parallel_loop3A_177 = arith.constant 0 : index
          %parallel_loop3A_178 = tpu.vector_load %arg13[%parallel_loop3A_176, %parallel_loop3A_177] {strides = array<i32>} : memref<200x128xf32, #tpu.memory_space<vmem>>, vector<1x16xf32>,
          %parallel_loop3A_179 = vector.shape_cast %parallel_loop3A_178 : vector<1x16xf32> to vector<16xf32>
          %parallel_loop3A_180 = arith.addf %parallel_loop3A_175, %parallel_loop3A_179 : vector<16xf32>
          %parallel_loop3A_181 = arith.index_cast %parallel_loop3A_161 : i32 to index
          %parallel_loop3A_182 = arith.constant 0 : index
          %parallel_loop3A_183 = tpu.vector_load %arg10[%parallel_loop3A_181, %parallel_loop3A_182] {strides = array<i32>} : memref<128x128xf32, #tpu.memory_space<vmem>>, vector<1x16xf32>,
          %parallel_loop3A_184 = vector.shape_cast %parallel_loop3A_183 : vector<1x16xf32> to vector<16xf32>
          %parallel_loop3A_185 = vector.shape_cast %parallel_loop3A_180 : vector<16xf32> to vector<1x16xf32>
          tpu.vector_store %arg10[%parallel_loop3A_181, %parallel_loop3A_182], %parallel_loop3A_185 {strides = array<i32>} : memref<128x128xf32, #tpu.memory_space<vmem>>, vector<1x16xf32>,
          %parallel_loop3A_186 = arith.addf %parallel_loop3A_169, %parallel_loop3A_180 : vector<16xf32>
          %parallel_loop3A_187 = arith.mulf %parallel_loop3A_180, %parallel_loop3A_180 : vector<16xf32>
          %parallel_loop3A_188 = arith.addf %parallel_loop3A_171, %parallel_loop3A_187 : vector<16xf32>
          %parallel_loop3A_189 = arith.index_cast %parallel_loop3A_161 : i32 to index
          %parallel_loop3A_190 = arith.constant 16 : index
          %parallel_loop3A_191 = tpu.vector_load %arg10[%parallel_loop3A_189, %parallel_loop3A_190] {strides = array<i32>} : memref<128x128xf32, #tpu.memory_space<vmem>>, vector<1x16xf32>,
          %parallel_loop3A_192 = vector.shape_cast %parallel_loop3A_191 : vector<1x16xf32> to vector<16xf32>
          %parallel_loop3A_193 = arith.index_cast %parallel_loop3A_167 : i32 to index
          %parallel_loop3A_194 = arith.constant 16 : index
          %parallel_loop3A_195 = tpu.vector_load %arg13[%parallel_loop3A_193, %parallel_loop3A_194] {strides = array<i32>} : memref<200x128xf32, #tpu.memory_space<vmem>>, vector<1x16xf32>,
          %parallel_loop3A_196 = vector.shape_cast %parallel_loop3A_195 : vector<1x16xf32> to vector<16xf32>
          %parallel_loop3A_197 = arith.addf %parallel_loop3A_192, %parallel_loop3A_196 : vector<16xf32>
          %parallel_loop3A_198 = arith.index_cast %parallel_loop3A_161 : i32 to index
          %parallel_loop3A_199 = arith.constant 16 : index
          %parallel_loop3A_200 = tpu.vector_load %arg10[%parallel_loop3A_198, %parallel_loop3A_199] {strides = array<i32>} : memref<128x128xf32, #tpu.memory_space<vmem>>, vector<1x16xf32>,
          %parallel_loop3A_201 = vector.shape_cast %parallel_loop3A_200 : vector<1x16xf32> to vector<16xf32>
          %parallel_loop3A_202 = vector.shape_cast %parallel_loop3A_197 : vector<16xf32> to vector<1x16xf32>
          tpu.vector_store %arg10[%parallel_loop3A_198, %parallel_loop3A_199], %parallel_loop3A_202 {strides = array<i32>} : memref<128x128xf32, #tpu.memory_space<vmem>>, vector<1x16xf32>,
          %parallel_loop3A_203 = arith.addf %parallel_loop3A_186, %parallel_loop3A_197 : vector<16xf32>
          %parallel_loop3A_204 = arith.mulf %parallel_loop3A_197, %parallel_loop3A_197 : vector<16xf32>
          %parallel_loop3A_205 = arith.addf %parallel_loop3A_188, %parallel_loop3A_204 : vector<16xf32>
          %parallel_loop3A_206 = arith.index_cast %parallel_loop3A_161 : i32 to index
          %parallel_loop3A_207 = arith.constant 32 : index
          %parallel_loop3A_208 = tpu.vector_load %arg10[%parallel_loop3A_206, %parallel_loop3A_207] {strides = array<i32>} : memref<128x128xf32, #tpu.memory_space<vmem>>, vector<1x16xf32>,
          %parallel_loop3A_209 = vector.shape_cast %parallel_loop3A_208 : vector<1x16xf32> to vector<16xf32>
          %parallel_loop3A_210 = arith.index_cast %parallel_loop3A_167 : i32 to index
          %parallel_loop3A_211 = arith.constant 32 : index
          %parallel_loop3A_212 = tpu.vector_load %arg13[%parallel_loop3A_210, %parallel_loop3A_211] {strides = array<i32>} : memref<200x128xf32, #tpu.memory_space<vmem>>, vector<1x16xf32>,
          %parallel_loop3A_213 = vector.shape_cast %parallel_loop3A_212 : vector<1x16xf32> to vector<16xf32>
          %parallel_loop3A_214 = arith.addf %parallel_loop3A_209, %parallel_loop3A_213 : vector<16xf32>
          %parallel_loop3A_215 = arith.index_cast %parallel_loop3A_161 : i32 to index
          %parallel_loop3A_216 = arith.constant 32 : index
          %parallel_loop3A_217 = tpu.vector_load %arg10[%parallel_loop3A_215, %parallel_loop3A_216] {strides = array<i32>} : memref<128x128xf32, #tpu.memory_space<vmem>>, vector<1x16xf32>,
          %parallel_loop3A_218 = vector.shape_cast %parallel_loop3A_217 : vector<1x16xf32> to vector<16xf32>
          %parallel_loop3A_219 = vector.shape_cast %parallel_loop3A_214 : vector<16xf32> to vector<1x16xf32>
          tpu.vector_store %arg10[%parallel_loop3A_215, %parallel_loop3A_216], %parallel_loop3A_219 {strides = array<i32>} : memref<128x128xf32, #tpu.memory_space<vmem>>, vector<1x16xf32>,
          %parallel_loop3A_220 = arith.addf %parallel_loop3A_203, %parallel_loop3A_214 : vector<16xf32>
          %parallel_loop3A_221 = arith.mulf %parallel_loop3A_214, %parallel_loop3A_214 : vector<16xf32>
          %parallel_loop3A_222 = arith.addf %parallel_loop3A_205, %parallel_loop3A_221 : vector<16xf32>
          %parallel_loop3A_223 = arith.index_cast %parallel_loop3A_161 : i32 to index
          %parallel_loop3A_224 = arith.constant 48 : index
          %parallel_loop3A_225 = tpu.vector_load %arg10[%parallel_loop3A_223, %parallel_loop3A_224] {strides = array<i32>} : memref<128x128xf32, #tpu.memory_space<vmem>>, vector<1x16xf32>,
          %parallel_loop3A_226 = vector.shape_cast %parallel_loop3A_225 : vector<1x16xf32> to vector<16xf32>
          %parallel_loop3A_227 = arith.index_cast %parallel_loop3A_167 : i32 to index
          %parallel_loop3A_228 = arith.constant 48 : index
          %parallel_loop3A_229 = tpu.vector_load %arg13[%parallel_loop3A_227, %parallel_loop3A_228] {strides = array<i32>} : memref<200x128xf32, #tpu.memory_space<vmem>>, vector<1x16xf32>,
          %parallel_loop3A_230 = vector.shape_cast %parallel_loop3A_229 : vector<1x16xf32> to vector<16xf32>
          %parallel_loop3A_231 = arith.addf %parallel_loop3A_226, %parallel_loop3A_230 : vector<16xf32>
          %parallel_loop3A_232 = arith.index_cast %parallel_loop3A_161 : i32 to index
          %parallel_loop3A_233 = arith.constant 48 : index
          %parallel_loop3A_234 = tpu.vector_load %arg10[%parallel_loop3A_232, %parallel_loop3A_233] {strides = array<i32>} : memref<128x128xf32, #tpu.memory_space<vmem>>, vector<1x16xf32>,
          %parallel_loop3A_235 = vector.shape_cast %parallel_loop3A_234 : vector<1x16xf32> to vector<16xf32>
          %parallel_loop3A_236 = vector.shape_cast %parallel_loop3A_231 : vector<16xf32> to vector<1x16xf32>
          tpu.vector_store %arg10[%parallel_loop3A_232, %parallel_loop3A_233], %parallel_loop3A_236 {strides = array<i32>} : memref<128x128xf32, #tpu.memory_space<vmem>>, vector<1x16xf32>,
          %parallel_loop3A_237 = arith.addf %parallel_loop3A_220, %parallel_loop3A_231 : vector<16xf32>
          %parallel_loop3A_238 = arith.mulf %parallel_loop3A_231, %parallel_loop3A_231 : vector<16xf32>
          %parallel_loop3A_239 = arith.addf %parallel_loop3A_222, %parallel_loop3A_238 : vector<16xf32>
          %parallel_loop3A_240 = arith.index_cast %parallel_loop3A_161 : i32 to index
          %parallel_loop3A_241 = arith.constant 64 : index
          %parallel_loop3A_242 = tpu.vector_load %arg10[%parallel_loop3A_240, %parallel_loop3A_241] {strides = array<i32>} : memref<128x128xf32, #tpu.memory_space<vmem>>, vector<1x16xf32>,
          %parallel_loop3A_243 = vector.shape_cast %parallel_loop3A_242 : vector<1x16xf32> to vector<16xf32>
          %parallel_loop3A_244 = arith.index_cast %parallel_loop3A_167 : i32 to index
          %parallel_loop3A_245 = arith.constant 64 : index
          %parallel_loop3A_246 = tpu.vector_load %arg13[%parallel_loop3A_244, %parallel_loop3A_245] {strides = array<i32>} : memref<200x128xf32, #tpu.memory_space<vmem>>, vector<1x16xf32>,
          %parallel_loop3A_247 = vector.shape_cast %parallel_loop3A_246 : vector<1x16xf32> to vector<16xf32>
          %parallel_loop3A_248 = arith.addf %parallel_loop3A_243, %parallel_loop3A_247 : vector<16xf32>
          %parallel_loop3A_249 = arith.index_cast %parallel_loop3A_161 : i32 to index
          %parallel_loop3A_250 = arith.constant 64 : index
          %parallel_loop3A_251 = tpu.vector_load %arg10[%parallel_loop3A_249, %parallel_loop3A_250] {strides = array<i32>} : memref<128x128xf32, #tpu.memory_space<vmem>>, vector<1x16xf32>,
          %parallel_loop3A_252 = vector.shape_cast %parallel_loop3A_251 : vector<1x16xf32> to vector<16xf32>
          %parallel_loop3A_253 = vector.shape_cast %parallel_loop3A_248 : vector<16xf32> to vector<1x16xf32>
          tpu.vector_store %arg10[%parallel_loop3A_249, %parallel_loop3A_250], %parallel_loop3A_253 {strides = array<i32>} : memref<128x128xf32, #tpu.memory_space<vmem>>, vector<1x16xf32>,
          %parallel_loop3A_254 = arith.addf %parallel_loop3A_237, %parallel_loop3A_248 : vector<16xf32>
          %parallel_loop3A_255 = arith.mulf %parallel_loop3A_248, %parallel_loop3A_248 : vector<16xf32>
          %parallel_loop3A_256 = arith.addf %parallel_loop3A_239, %parallel_loop3A_255 : vector<16xf32>
          %parallel_loop3A_257 = arith.index_cast %parallel_loop3A_161 : i32 to index
          %parallel_loop3A_258 = arith.constant 80 : index
          %parallel_loop3A_259 = tpu.vector_load %arg10[%parallel_loop3A_257, %parallel_loop3A_258] {strides = array<i32>} : memref<128x128xf32, #tpu.memory_space<vmem>>, vector<1x16xf32>,
          %parallel_loop3A_260 = vector.shape_cast %parallel_loop3A_259 : vector<1x16xf32> to vector<16xf32>
          %parallel_loop3A_261 = arith.index_cast %parallel_loop3A_167 : i32 to index
          %parallel_loop3A_262 = arith.constant 80 : index
          %parallel_loop3A_263 = tpu.vector_load %arg13[%parallel_loop3A_261, %parallel_loop3A_262] {strides = array<i32>} : memref<200x128xf32, #tpu.memory_space<vmem>>, vector<1x16xf32>,
          %parallel_loop3A_264 = vector.shape_cast %parallel_loop3A_263 : vector<1x16xf32> to vector<16xf32>
          %parallel_loop3A_265 = arith.addf %parallel_loop3A_260, %parallel_loop3A_264 : vector<16xf32>
          %parallel_loop3A_266 = arith.index_cast %parallel_loop3A_161 : i32 to index
          %parallel_loop3A_267 = arith.constant 80 : index
          %parallel_loop3A_268 = tpu.vector_load %arg10[%parallel_loop3A_266, %parallel_loop3A_267] {strides = array<i32>} : memref<128x128xf32, #tpu.memory_space<vmem>>, vector<1x16xf32>,
          %parallel_loop3A_269 = vector.shape_cast %parallel_loop3A_268 : vector<1x16xf32> to vector<16xf32>
          %parallel_loop3A_270 = vector.shape_cast %parallel_loop3A_265 : vector<16xf32> to vector<1x16xf32>
          tpu.vector_store %arg10[%parallel_loop3A_266, %parallel_loop3A_267], %parallel_loop3A_270 {strides = array<i32>} : memref<128x128xf32, #tpu.memory_space<vmem>>, vector<1x16xf32>,
          %parallel_loop3A_271 = arith.addf %parallel_loop3A_254, %parallel_loop3A_265 : vector<16xf32>
          %parallel_loop3A_272 = arith.mulf %parallel_loop3A_265, %parallel_loop3A_265 : vector<16xf32>
          %parallel_loop3A_273 = arith.addf %parallel_loop3A_256, %parallel_loop3A_272 : vector<16xf32>
          %parallel_loop3A_274 = arith.index_cast %parallel_loop3A_161 : i32 to index
          %parallel_loop3A_275 = arith.constant 96 : index
          %parallel_loop3A_276 = tpu.vector_load %arg10[%parallel_loop3A_274, %parallel_loop3A_275] {strides = array<i32>} : memref<128x128xf32, #tpu.memory_space<vmem>>, vector<1x16xf32>,
          %parallel_loop3A_277 = vector.shape_cast %parallel_loop3A_276 : vector<1x16xf32> to vector<16xf32>
          %parallel_loop3A_278 = arith.index_cast %parallel_loop3A_167 : i32 to index
          %parallel_loop3A_279 = arith.constant 96 : index
          %parallel_loop3A_280 = tpu.vector_load %arg13[%parallel_loop3A_278, %parallel_loop3A_279] {strides = array<i32>} : memref<200x128xf32, #tpu.memory_space<vmem>>, vector<1x16xf32>,
          %parallel_loop3A_281 = vector.shape_cast %parallel_loop3A_280 : vector<1x16xf32> to vector<16xf32>
          %parallel_loop3A_282 = arith.addf %parallel_loop3A_277, %parallel_loop3A_281 : vector<16xf32>
          %parallel_loop3A_283 = arith.index_cast %parallel_loop3A_161 : i32 to index
          %parallel_loop3A_284 = arith.constant 96 : index
          %parallel_loop3A_285 = tpu.vector_load %arg10[%parallel_loop3A_283, %parallel_loop3A_284] {strides = array<i32>} : memref<128x128xf32, #tpu.memory_space<vmem>>, vector<1x16xf32>,
          %parallel_loop3A_286 = vector.shape_cast %parallel_loop3A_285 : vector<1x16xf32> to vector<16xf32>
          %parallel_loop3A_287 = vector.shape_cast %parallel_loop3A_282 : vector<16xf32> to vector<1x16xf32>
          tpu.vector_store %arg10[%parallel_loop3A_283, %parallel_loop3A_284], %parallel_loop3A_287 {strides = array<i32>} : memref<128x128xf32, #tpu.memory_space<vmem>>, vector<1x16xf32>,
          %parallel_loop3A_288 = arith.addf %parallel_loop3A_271, %parallel_loop3A_282 : vector<16xf32>
          %parallel_loop3A_289 = arith.mulf %parallel_loop3A_282, %parallel_loop3A_282 : vector<16xf32>
          %parallel_loop3A_290 = arith.addf %parallel_loop3A_273, %parallel_loop3A_289 : vector<16xf32>
          %parallel_loop3A_291 = arith.index_cast %parallel_loop3A_161 : i32 to index
          %parallel_loop3A_292 = arith.constant 112 : index
          %parallel_loop3A_293 = tpu.vector_load %arg10[%parallel_loop3A_291, %parallel_loop3A_292] {strides = array<i32>} : memref<128x128xf32, #tpu.memory_space<vmem>>, vector<1x16xf32>,
          %parallel_loop3A_294 = vector.shape_cast %parallel_loop3A_293 : vector<1x16xf32> to vector<16xf32>
          %parallel_loop3A_295 = arith.index_cast %parallel_loop3A_167 : i32 to index
          %parallel_loop3A_296 = arith.constant 112 : index
          %parallel_loop3A_297 = tpu.vector_load %arg13[%parallel_loop3A_295, %parallel_loop3A_296] {strides = array<i32>} : memref<200x128xf32, #tpu.memory_space<vmem>>, vector<1x16xf32>,
          %parallel_loop3A_298 = vector.shape_cast %parallel_loop3A_297 : vector<1x16xf32> to vector<16xf32>
          %parallel_loop3A_299 = arith.addf %parallel_loop3A_294, %parallel_loop3A_298 : vector<16xf32>
          %parallel_loop3A_300 = arith.index_cast %parallel_loop3A_161 : i32 to index
          %parallel_loop3A_301 = arith.constant 112 : index
          %parallel_loop3A_302 = tpu.vector_load %arg10[%parallel_loop3A_300, %parallel_loop3A_301] {strides = array<i32>} : memref<128x128xf32, #tpu.memory_space<vmem>>, vector<1x16xf32>,
          %parallel_loop3A_303 = vector.shape_cast %parallel_loop3A_302 : vector<1x16xf32> to vector<16xf32>
          %parallel_loop3A_304 = vector.shape_cast %parallel_loop3A_299 : vector<16xf32> to vector<1x16xf32>
          tpu.vector_store %arg10[%parallel_loop3A_300, %parallel_loop3A_301], %parallel_loop3A_304 {strides = array<i32>} : memref<128x128xf32, #tpu.memory_space<vmem>>, vector<1x16xf32>,
          %parallel_loop3A_305 = arith.addf %parallel_loop3A_288, %parallel_loop3A_299 : vector<16xf32>
          %parallel_loop3A_306 = arith.mulf %parallel_loop3A_299, %parallel_loop3A_299 : vector<16xf32>
          %parallel_loop3A_307 = arith.addf %parallel_loop3A_290, %parallel_loop3A_306 : vector<16xf32>
          %parallel_loop3A_308 = tpu.iota {dimensions = array<i32: 0>} : vector<16xi32>
          %parallel_loop3A_309 = arith.constant 8 : i32
          %parallel_loop3A_310 = vector.broadcast %parallel_loop3A_309 : i32 to vector<16xi32>
          %parallel_loop3A_311 = arith.xori %parallel_loop3A_308, %parallel_loop3A_310 : vector<16xi32>
          %parallel_loop3A_312 = vector.shape_cast %parallel_loop3A_311 : vector<16xi32> to vector<16x1xi32>
          %parallel_loop3A_313 = vector.shape_cast %parallel_loop3A_312 : vector<16x1xi32> to vector<16xi32>
          %parallel_loop3A_314 = tpu.dynamic_gather %parallel_loop3A_305[%parallel_loop3A_313] in [0] : vector<16xf32>, vector<16xi32> -> vector<16xf32>
          %parallel_loop3A_315 = arith.addf %parallel_loop3A_305, %parallel_loop3A_314 : vector<16xf32>
          %parallel_loop3A_316 = tpu.iota {dimensions = array<i32: 0>} : vector<16xi32>
          %parallel_loop3A_317 = arith.constant 4 : i32
          %parallel_loop3A_318 = vector.broadcast %parallel_loop3A_317 : i32 to vector<16xi32>
          %parallel_loop3A_319 = arith.xori %parallel_loop3A_316, %parallel_loop3A_318 : vector<16xi32>
          %parallel_loop3A_320 = vector.shape_cast %parallel_loop3A_319 : vector<16xi32> to vector<16x1xi32>
          %parallel_loop3A_321 = vector.shape_cast %parallel_loop3A_320 : vector<16x1xi32> to vector<16xi32>
          %parallel_loop3A_322 = tpu.dynamic_gather %parallel_loop3A_315[%parallel_loop3A_321] in [0] : vector<16xf32>, vector<16xi32> -> vector<16xf32>
          %parallel_loop3A_323 = arith.addf %parallel_loop3A_315, %parallel_loop3A_322 : vector<16xf32>
          %parallel_loop3A_324 = tpu.iota {dimensions = array<i32: 0>} : vector<16xi32>
          %parallel_loop3A_325 = arith.constant 2 : i32
          %parallel_loop3A_326 = vector.broadcast %parallel_loop3A_325 : i32 to vector<16xi32>
          %parallel_loop3A_327 = arith.xori %parallel_loop3A_324, %parallel_loop3A_326 : vector<16xi32>
          %parallel_loop3A_328 = vector.shape_cast %parallel_loop3A_327 : vector<16xi32> to vector<16x1xi32>
          %parallel_loop3A_329 = vector.shape_cast %parallel_loop3A_328 : vector<16x1xi32> to vector<16xi32>
          %parallel_loop3A_330 = tpu.dynamic_gather %parallel_loop3A_323[%parallel_loop3A_329] in [0] : vector<16xf32>, vector<16xi32> -> vector<16xf32>
          %parallel_loop3A_331 = arith.addf %parallel_loop3A_323, %parallel_loop3A_330 : vector<16xf32>
          %parallel_loop3A_332 = tpu.iota {dimensions = array<i32: 0>} : vector<16xi32>
          %parallel_loop3A_333 = arith.constant 1 : i32
          %parallel_loop3A_334 = vector.broadcast %parallel_loop3A_333 : i32 to vector<16xi32>
          %parallel_loop3A_335 = arith.xori %parallel_loop3A_332, %parallel_loop3A_334 : vector<16xi32>
          %parallel_loop3A_336 = vector.shape_cast %parallel_loop3A_335 : vector<16xi32> to vector<16x1xi32>
          %parallel_loop3A_337 = vector.shape_cast %parallel_loop3A_336 : vector<16x1xi32> to vector<16xi32>
          %parallel_loop3A_338 = tpu.dynamic_gather %parallel_loop3A_331[%parallel_loop3A_337] in [0] : vector<16xf32>, vector<16xi32> -> vector<16xf32>
          %parallel_loop3A_339 = arith.addf %parallel_loop3A_331, %parallel_loop3A_338 : vector<16xf32>
          %parallel_loop3A_340 = vector.broadcast %parallel_loop3A_154 : f32 to vector<16xf32>
          %parallel_loop3A_341 = arith.mulf %parallel_loop3A_339, %parallel_loop3A_340 : vector<16xf32>
          %parallel_loop3A_342 = tpu.iota {dimensions = array<i32: 0>} : vector<16xi32>
          %parallel_loop3A_343 = arith.constant 8 : i32
          %parallel_loop3A_344 = vector.broadcast %parallel_loop3A_343 : i32 to vector<16xi32>
          %parallel_loop3A_345 = arith.xori %parallel_loop3A_342, %parallel_loop3A_344 : vector<16xi32>
          %parallel_loop3A_346 = vector.shape_cast %parallel_loop3A_345 : vector<16xi32> to vector<16x1xi32>
          %parallel_loop3A_347 = vector.shape_cast %parallel_loop3A_346 : vector<16x1xi32> to vector<16xi32>
          %parallel_loop3A_348 = tpu.dynamic_gather %parallel_loop3A_307[%parallel_loop3A_347] in [0] : vector<16xf32>, vector<16xi32> -> vector<16xf32>
          %parallel_loop3A_349 = arith.addf %parallel_loop3A_307, %parallel_loop3A_348 : vector<16xf32>
          %parallel_loop3A_350 = tpu.iota {dimensions = array<i32: 0>} : vector<16xi32>
          %parallel_loop3A_351 = arith.constant 4 : i32
          %parallel_loop3A_352 = vector.broadcast %parallel_loop3A_351 : i32 to vector<16xi32>
          %parallel_loop3A_353 = arith.xori %parallel_loop3A_350, %parallel_loop3A_352 : vector<16xi32>
          %parallel_loop3A_354 = vector.shape_cast %parallel_loop3A_353 : vector<16xi32> to vector<16x1xi32>
          %parallel_loop3A_355 = vector.shape_cast %parallel_loop3A_354 : vector<16x1xi32> to vector<16xi32>
          %parallel_loop3A_356 = tpu.dynamic_gather %parallel_loop3A_349[%parallel_loop3A_355] in [0] : vector<16xf32>, vector<16xi32> -> vector<16xf32>
          %parallel_loop3A_357 = arith.addf %parallel_loop3A_349, %parallel_loop3A_356 : vector<16xf32>
          %parallel_loop3A_358 = tpu.iota {dimensions = array<i32: 0>} : vector<16xi32>
          %parallel_loop3A_359 = arith.constant 2 : i32
          %parallel_loop3A_360 = vector.broadcast %parallel_loop3A_359 : i32 to vector<16xi32>
          %parallel_loop3A_361 = arith.xori %parallel_loop3A_358, %parallel_loop3A_360 : vector<16xi32>
          %parallel_loop3A_362 = vector.shape_cast %parallel_loop3A_361 : vector<16xi32> to vector<16x1xi32>
          %parallel_loop3A_363 = vector.shape_cast %parallel_loop3A_362 : vector<16x1xi32> to vector<16xi32>
          %parallel_loop3A_364 = tpu.dynamic_gather %parallel_loop3A_357[%parallel_loop3A_363] in [0] : vector<16xf32>, vector<16xi32> -> vector<16xf32>
          %parallel_loop3A_365 = arith.addf %parallel_loop3A_357, %parallel_loop3A_364 : vector<16xf32>
          %parallel_loop3A_366 = tpu.iota {dimensions = array<i32: 0>} : vector<16xi32>
          %parallel_loop3A_367 = arith.constant 1 : i32
          %parallel_loop3A_368 = vector.broadcast %parallel_loop3A_367 : i32 to vector<16xi32>
          %parallel_loop3A_369 = arith.xori %parallel_loop3A_366, %parallel_loop3A_368 : vector<16xi32>
          %parallel_loop3A_370 = vector.shape_cast %parallel_loop3A_369 : vector<16xi32> to vector<16x1xi32>
          %parallel_loop3A_371 = vector.shape_cast %parallel_loop3A_370 : vector<16x1xi32> to vector<16xi32>
          %parallel_loop3A_372 = tpu.dynamic_gather %parallel_loop3A_365[%parallel_loop3A_371] in [0] : vector<16xf32>, vector<16xi32> -> vector<16xf32>
          %parallel_loop3A_373 = arith.addf %parallel_loop3A_365, %parallel_loop3A_372 : vector<16xf32>
          %parallel_loop3A_374 = vector.broadcast %parallel_loop3A_154 : f32 to vector<16xf32>
          %parallel_loop3A_375 = arith.mulf %parallel_loop3A_373, %parallel_loop3A_374 : vector<16xf32>
          %parallel_loop3A_376 = arith.mulf %parallel_loop3A_341, %parallel_loop3A_341 : vector<16xf32>
          %parallel_loop3A_377 = arith.subf %parallel_loop3A_375, %parallel_loop3A_376 : vector<16xf32>
          %parallel_loop3A_378 = arith.constant 9.99999974E-6 : f32
          %parallel_loop3A_379 = vector.broadcast %parallel_loop3A_378 : f32 to vector<16xf32>
          %parallel_loop3A_380 = arith.addf %parallel_loop3A_377, %parallel_loop3A_379 : vector<16xf32>
          %parallel_loop3A_381 = tpu.bitcast %parallel_loop3A_380 : vector<16xf32> -> vector<16xi32>
          %parallel_loop3A_382 = arith.constant 1 : i32
          %parallel_loop3A_383 = vector.broadcast %parallel_loop3A_382 : i32 to vector<16xi32>
          %parallel_loop3A_384 = arith.shrsi %parallel_loop3A_381, %parallel_loop3A_383 : vector<16xi32>
          %parallel_loop3A_385 = arith.constant 1597463007 : i32
          %parallel_loop3A_386 = vector.broadcast %parallel_loop3A_385 : i32 to vector<16xi32>
          %parallel_loop3A_387 = arith.subi %parallel_loop3A_386, %parallel_loop3A_384 : vector<16xi32>
          %parallel_loop3A_388 = tpu.bitcast %parallel_loop3A_387 : vector<16xi32> -> vector<16xf32>
          %parallel_loop3A_389 = arith.constant 5.000000e-01 : f32
          %parallel_loop3A_390 = vector.broadcast %parallel_loop3A_389 : f32 to vector<16xf32>
          %parallel_loop3A_391 = arith.mulf %parallel_loop3A_390, %parallel_loop3A_380 : vector<16xf32>
          %parallel_loop3A_392 = arith.mulf %parallel_loop3A_391, %parallel_loop3A_388 : vector<16xf32>
          %parallel_loop3A_393 = arith.mulf %parallel_loop3A_392, %parallel_loop3A_388 : vector<16xf32>
          %parallel_loop3A_394 = arith.constant 1.500000e+00 : f32
          %parallel_loop3A_395 = vector.broadcast %parallel_loop3A_394 : f32 to vector<16xf32>
          %parallel_loop3A_396 = arith.subf %parallel_loop3A_395, %parallel_loop3A_393 : vector<16xf32>
          %parallel_loop3A_397 = arith.mulf %parallel_loop3A_388, %parallel_loop3A_396 : vector<16xf32>
          %parallel_loop3A_398 = arith.constant 5.000000e-01 : f32
          %parallel_loop3A_399 = vector.broadcast %parallel_loop3A_398 : f32 to vector<16xf32>
          %parallel_loop3A_400 = arith.mulf %parallel_loop3A_399, %parallel_loop3A_380 : vector<16xf32>
          %parallel_loop3A_401 = arith.mulf %parallel_loop3A_400, %parallel_loop3A_397 : vector<16xf32>
          %parallel_loop3A_402 = arith.mulf %parallel_loop3A_401, %parallel_loop3A_397 : vector<16xf32>
          %parallel_loop3A_403 = arith.constant 1.500000e+00 : f32
          %parallel_loop3A_404 = vector.broadcast %parallel_loop3A_403 : f32 to vector<16xf32>
          %parallel_loop3A_405 = arith.subf %parallel_loop3A_404, %parallel_loop3A_402 : vector<16xf32>
          %parallel_loop3A_406 = arith.mulf %parallel_loop3A_397, %parallel_loop3A_405 : vector<16xf32>
          %parallel_loop3A_407 = arith.constant 5.000000e-01 : f32
          %parallel_loop3A_408 = vector.broadcast %parallel_loop3A_407 : f32 to vector<16xf32>
          %parallel_loop3A_409 = arith.mulf %parallel_loop3A_408, %parallel_loop3A_380 : vector<16xf32>
          %parallel_loop3A_410 = arith.mulf %parallel_loop3A_409, %parallel_loop3A_406 : vector<16xf32>
          %parallel_loop3A_411 = arith.mulf %parallel_loop3A_410, %parallel_loop3A_406 : vector<16xf32>
          %parallel_loop3A_412 = arith.constant 1.500000e+00 : f32
          %parallel_loop3A_413 = vector.broadcast %parallel_loop3A_412 : f32 to vector<16xf32>
          %parallel_loop3A_414 = arith.subf %parallel_loop3A_413, %parallel_loop3A_411 : vector<16xf32>
          %parallel_loop3A_415 = arith.mulf %parallel_loop3A_406, %parallel_loop3A_414 : vector<16xf32>
          %parallel_loop3A_416 = arith.constant 5.000000e-01 : f32
          %parallel_loop3A_417 = vector.broadcast %parallel_loop3A_416 : f32 to vector<16xf32>
          %parallel_loop3A_418 = arith.mulf %parallel_loop3A_417, %parallel_loop3A_380 : vector<16xf32>
          %parallel_loop3A_419 = arith.mulf %parallel_loop3A_418, %parallel_loop3A_415 : vector<16xf32>
          %parallel_loop3A_420 = arith.mulf %parallel_loop3A_419, %parallel_loop3A_415 : vector<16xf32>
          %parallel_loop3A_421 = arith.constant 1.500000e+00 : f32
          %parallel_loop3A_422 = vector.broadcast %parallel_loop3A_421 : f32 to vector<16xf32>
          %parallel_loop3A_423 = arith.subf %parallel_loop3A_422, %parallel_loop3A_420 : vector<16xf32>
          %parallel_loop3A_424 = arith.mulf %parallel_loop3A_415, %parallel_loop3A_423 : vector<16xf32>
          %parallel_loop3A_425 = arith.mulf %parallel_loop3A_341, %parallel_loop3A_424 : vector<16xf32>
          %parallel_loop3A_426 = arith.index_cast %parallel_loop3A_161 : i32 to index
          %parallel_loop3A_427 = arith.constant 0 : index
          %parallel_loop3A_428 = tpu.vector_load %arg10[%parallel_loop3A_426, %parallel_loop3A_427] {strides = array<i32>} : memref<128x128xf32, #tpu.memory_space<vmem>>, vector<1x16xf32>,
          %parallel_loop3A_429 = vector.shape_cast %parallel_loop3A_428 : vector<1x16xf32> to vector<16xf32>
          %parallel_loop3A_430 = arith.mulf %parallel_loop3A_429, %parallel_loop3A_424 : vector<16xf32>
          %parallel_loop3A_431 = arith.subf %parallel_loop3A_430, %parallel_loop3A_425 : vector<16xf32>
          %parallel_loop3A_432 = arith.mulf %parallel_loop3A_431, %get3A_106 : vector<16xf32>
          %parallel_loop3A_433 = arith.addf %parallel_loop3A_432, %get3A_130 : vector<16xf32>
          %parallel_loop3A_434 = arith.index_cast %parallel_loop3A_161 : i32 to index
          %parallel_loop3A_435 = arith.constant 0 : index
          %parallel_loop3A_436 = tpu.vector_load %arg10[%parallel_loop3A_434, %parallel_loop3A_435] {strides = array<i32>} : memref<128x128xf32, #tpu.memory_space<vmem>>, vector<1x16xf32>,
          %parallel_loop3A_437 = vector.shape_cast %parallel_loop3A_436 : vector<1x16xf32> to vector<16xf32>
          %parallel_loop3A_438 = vector.shape_cast %parallel_loop3A_433 : vector<16xf32> to vector<1x16xf32>
          tpu.vector_store %arg10[%parallel_loop3A_434, %parallel_loop3A_435], %parallel_loop3A_438 {strides = array<i32>} : memref<128x128xf32, #tpu.memory_space<vmem>>, vector<1x16xf32>,
          %parallel_loop3A_439 = arith.index_cast %parallel_loop3A_161 : i32 to index
          %parallel_loop3A_440 = arith.constant 16 : index
          %parallel_loop3A_441 = tpu.vector_load %arg10[%parallel_loop3A_439, %parallel_loop3A_440] {strides = array<i32>} : memref<128x128xf32, #tpu.memory_space<vmem>>, vector<1x16xf32>,
          %parallel_loop3A_442 = vector.shape_cast %parallel_loop3A_441 : vector<1x16xf32> to vector<16xf32>
          %parallel_loop3A_443 = arith.mulf %parallel_loop3A_442, %parallel_loop3A_424 : vector<16xf32>
          %parallel_loop3A_444 = arith.subf %parallel_loop3A_443, %parallel_loop3A_425 : vector<16xf32>
          %parallel_loop3A_445 = arith.mulf %parallel_loop3A_444, %get3A_109 : vector<16xf32>
          %parallel_loop3A_446 = arith.addf %parallel_loop3A_445, %get3A_133 : vector<16xf32>
          %parallel_loop3A_447 = arith.index_cast %parallel_loop3A_161 : i32 to index
          %parallel_loop3A_448 = arith.constant 16 : index
          %parallel_loop3A_449 = tpu.vector_load %arg10[%parallel_loop3A_447, %parallel_loop3A_448] {strides = array<i32>} : memref<128x128xf32, #tpu.memory_space<vmem>>, vector<1x16xf32>,
          %parallel_loop3A_450 = vector.shape_cast %parallel_loop3A_449 : vector<1x16xf32> to vector<16xf32>
          %parallel_loop3A_451 = vector.shape_cast %parallel_loop3A_446 : vector<16xf32> to vector<1x16xf32>
          tpu.vector_store %arg10[%parallel_loop3A_447, %parallel_loop3A_448], %parallel_loop3A_451 {strides = array<i32>} : memref<128x128xf32, #tpu.memory_space<vmem>>, vector<1x16xf32>,
          %parallel_loop3A_452 = arith.index_cast %parallel_loop3A_161 : i32 to index
          %parallel_loop3A_453 = arith.constant 32 : index
          %parallel_loop3A_454 = tpu.vector_load %arg10[%parallel_loop3A_452, %parallel_loop3A_453] {strides = array<i32>} : memref<128x128xf32, #tpu.memory_space<vmem>>, vector<1x16xf32>,
          %parallel_loop3A_455 = vector.shape_cast %parallel_loop3A_454 : vector<1x16xf32> to vector<16xf32>
          %parallel_loop3A_456 = arith.mulf %parallel_loop3A_455, %parallel_loop3A_424 : vector<16xf32>
          %parallel_loop3A_457 = arith.subf %parallel_loop3A_456, %parallel_loop3A_425 : vector<16xf32>
          %parallel_loop3A_458 = arith.mulf %parallel_loop3A_457, %get3A_112 : vector<16xf32>
          %parallel_loop3A_459 = arith.addf %parallel_loop3A_458, %get3A_136 : vector<16xf32>
          %parallel_loop3A_460 = arith.index_cast %parallel_loop3A_161 : i32 to index
          %parallel_loop3A_461 = arith.constant 32 : index
          %parallel_loop3A_462 = tpu.vector_load %arg10[%parallel_loop3A_460, %parallel_loop3A_461] {strides = array<i32>} : memref<128x128xf32, #tpu.memory_space<vmem>>, vector<1x16xf32>,
          %parallel_loop3A_463 = vector.shape_cast %parallel_loop3A_462 : vector<1x16xf32> to vector<16xf32>
          %parallel_loop3A_464 = vector.shape_cast %parallel_loop3A_459 : vector<16xf32> to vector<1x16xf32>
          tpu.vector_store %arg10[%parallel_loop3A_460, %parallel_loop3A_461], %parallel_loop3A_464 {strides = array<i32>} : memref<128x128xf32, #tpu.memory_space<vmem>>, vector<1x16xf32>,
          %parallel_loop3A_465 = arith.index_cast %parallel_loop3A_161 : i32 to index
          %parallel_loop3A_466 = arith.constant 48 : index
          %parallel_loop3A_467 = tpu.vector_load %arg10[%parallel_loop3A_465, %parallel_loop3A_466] {strides = array<i32>} : memref<128x128xf32, #tpu.memory_space<vmem>>, vector<1x16xf32>,
          %parallel_loop3A_468 = vector.shape_cast %parallel_loop3A_467 : vector<1x16xf32> to vector<16xf32>
          %parallel_loop3A_469 = arith.mulf %parallel_loop3A_468, %parallel_loop3A_424 : vector<16xf32>
          %parallel_loop3A_470 = arith.subf %parallel_loop3A_469, %parallel_loop3A_425 : vector<16xf32>
          %parallel_loop3A_471 = arith.mulf %parallel_loop3A_470, %get3A_115 : vector<16xf32>
          %parallel_loop3A_472 = arith.addf %parallel_loop3A_471, %get3A_139 : vector<16xf32>
          %parallel_loop3A_473 = arith.index_cast %parallel_loop3A_161 : i32 to index
          %parallel_loop3A_474 = arith.constant 48 : index
          %parallel_loop3A_475 = tpu.vector_load %arg10[%parallel_loop3A_473, %parallel_loop3A_474] {strides = array<i32>} : memref<128x128xf32, #tpu.memory_space<vmem>>, vector<1x16xf32>,
          %parallel_loop3A_476 = vector.shape_cast %parallel_loop3A_475 : vector<1x16xf32> to vector<16xf32>
          %parallel_loop3A_477 = vector.shape_cast %parallel_loop3A_472 : vector<16xf32> to vector<1x16xf32>
          tpu.vector_store %arg10[%parallel_loop3A_473, %parallel_loop3A_474], %parallel_loop3A_477 {strides = array<i32>} : memref<128x128xf32, #tpu.memory_space<vmem>>, vector<1x16xf32>,
          %parallel_loop3A_478 = arith.index_cast %parallel_loop3A_161 : i32 to index
          %parallel_loop3A_479 = arith.constant 64 : index
          %parallel_loop3A_480 = tpu.vector_load %arg10[%parallel_loop3A_478, %parallel_loop3A_479] {strides = array<i32>} : memref<128x128xf32, #tpu.memory_space<vmem>>, vector<1x16xf32>,
          %parallel_loop3A_481 = vector.shape_cast %parallel_loop3A_480 : vector<1x16xf32> to vector<16xf32>
          %parallel_loop3A_482 = arith.mulf %parallel_loop3A_481, %parallel_loop3A_424 : vector<16xf32>
          %parallel_loop3A_483 = arith.subf %parallel_loop3A_482, %parallel_loop3A_425 : vector<16xf32>
          %parallel_loop3A_484 = arith.mulf %parallel_loop3A_483, %get3A_118 : vector<16xf32>
          %parallel_loop3A_485 = arith.addf %parallel_loop3A_484, %get3A_142 : vector<16xf32>
          %parallel_loop3A_486 = arith.index_cast %parallel_loop3A_161 : i32 to index
          %parallel_loop3A_487 = arith.constant 64 : index
          %parallel_loop3A_488 = tpu.vector_load %arg10[%parallel_loop3A_486, %parallel_loop3A_487] {strides = array<i32>} : memref<128x128xf32, #tpu.memory_space<vmem>>, vector<1x16xf32>,
          %parallel_loop3A_489 = vector.shape_cast %parallel_loop3A_488 : vector<1x16xf32> to vector<16xf32>
          %parallel_loop3A_490 = vector.shape_cast %parallel_loop3A_485 : vector<16xf32> to vector<1x16xf32>
          tpu.vector_store %arg10[%parallel_loop3A_486, %parallel_loop3A_487], %parallel_loop3A_490 {strides = array<i32>} : memref<128x128xf32, #tpu.memory_space<vmem>>, vector<1x16xf32>,
          %parallel_loop3A_491 = arith.index_cast %parallel_loop3A_161 : i32 to index
          %parallel_loop3A_492 = arith.constant 80 : index
          %parallel_loop3A_493 = tpu.vector_load %arg10[%parallel_loop3A_491, %parallel_loop3A_492] {strides = array<i32>} : memref<128x128xf32, #tpu.memory_space<vmem>>, vector<1x16xf32>,
          %parallel_loop3A_494 = vector.shape_cast %parallel_loop3A_493 : vector<1x16xf32> to vector<16xf32>
          %parallel_loop3A_495 = arith.mulf %parallel_loop3A_494, %parallel_loop3A_424 : vector<16xf32>
          %parallel_loop3A_496 = arith.subf %parallel_loop3A_495, %parallel_loop3A_425 : vector<16xf32>
          %parallel_loop3A_497 = arith.mulf %parallel_loop3A_496, %get3A_121 : vector<16xf32>
          %parallel_loop3A_498 = arith.addf %parallel_loop3A_497, %get3A_145 : vector<16xf32>
          %parallel_loop3A_499 = arith.index_cast %parallel_loop3A_161 : i32 to index
          %parallel_loop3A_500 = arith.constant 80 : index
          %parallel_loop3A_501 = tpu.vector_load %arg10[%parallel_loop3A_499, %parallel_loop3A_500] {strides = array<i32>} : memref<128x128xf32, #tpu.memory_space<vmem>>, vector<1x16xf32>,
          %parallel_loop3A_502 = vector.shape_cast %parallel_loop3A_501 : vector<1x16xf32> to vector<16xf32>
          %parallel_loop3A_503 = vector.shape_cast %parallel_loop3A_498 : vector<16xf32> to vector<1x16xf32>
          tpu.vector_store %arg10[%parallel_loop3A_499, %parallel_loop3A_500], %parallel_loop3A_503 {strides = array<i32>} : memref<128x128xf32, #tpu.memory_space<vmem>>, vector<1x16xf32>,
          %parallel_loop3A_504 = arith.index_cast %parallel_loop3A_161 : i32 to index
          %parallel_loop3A_505 = arith.constant 96 : index
          %parallel_loop3A_506 = tpu.vector_load %arg10[%parallel_loop3A_504, %parallel_loop3A_505] {strides = array<i32>} : memref<128x128xf32, #tpu.memory_space<vmem>>, vector<1x16xf32>,
          %parallel_loop3A_507 = vector.shape_cast %parallel_loop3A_506 : vector<1x16xf32> to vector<16xf32>
          %parallel_loop3A_508 = arith.mulf %parallel_loop3A_507, %parallel_loop3A_424 : vector<16xf32>
          %parallel_loop3A_509 = arith.subf %parallel_loop3A_508, %parallel_loop3A_425 : vector<16xf32>
          %parallel_loop3A_510 = arith.mulf %parallel_loop3A_509, %get3A_124 : vector<16xf32>
          %parallel_loop3A_511 = arith.addf %parallel_loop3A_510, %get3A_148 : vector<16xf32>
          %parallel_loop3A_512 = arith.index_cast %parallel_loop3A_161 : i32 to index
          %parallel_loop3A_513 = arith.constant 96 : index
          %parallel_loop3A_514 = tpu.vector_load %arg10[%parallel_loop3A_512, %parallel_loop3A_513] {strides = array<i32>} : memref<128x128xf32, #tpu.memory_space<vmem>>, vector<1x16xf32>,
          %parallel_loop3A_515 = vector.shape_cast %parallel_loop3A_514 : vector<1x16xf32> to vector<16xf32>
          %parallel_loop3A_516 = vector.shape_cast %parallel_loop3A_511 : vector<16xf32> to vector<1x16xf32>
          tpu.vector_store %arg10[%parallel_loop3A_512, %parallel_loop3A_513], %parallel_loop3A_516 {strides = array<i32>} : memref<128x128xf32, #tpu.memory_space<vmem>>, vector<1x16xf32>,
          %parallel_loop3A_517 = arith.index_cast %parallel_loop3A_161 : i32 to index
          %parallel_loop3A_518 = arith.constant 112 : index
          %parallel_loop3A_519 = tpu.vector_load %arg10[%parallel_loop3A_517, %parallel_loop3A_518] {strides = array<i32>} : memref<128x128xf32, #tpu.memory_space<vmem>>, vector<1x16xf32>,
          %parallel_loop3A_520 = vector.shape_cast %parallel_loop3A_519 : vector<1x16xf32> to vector<16xf32>
          %parallel_loop3A_521 = arith.mulf %parallel_loop3A_520, %parallel_loop3A_424 : vector<16xf32>
          %parallel_loop3A_522 = arith.subf %parallel_loop3A_521, %parallel_loop3A_425 : vector<16xf32>
          %parallel_loop3A_523 = arith.mulf %parallel_loop3A_522, %get3A_127 : vector<16xf32>
          %parallel_loop3A_524 = arith.addf %parallel_loop3A_523, %get3A_151 : vector<16xf32>
          %parallel_loop3A_525 = arith.index_cast %parallel_loop3A_161 : i32 to index
          %parallel_loop3A_526 = arith.constant 112 : index
          %parallel_loop3A_527 = tpu.vector_load %arg10[%parallel_loop3A_525, %parallel_loop3A_526] {strides = array<i32>} : memref<128x128xf32, #tpu.memory_space<vmem>>, vector<1x16xf32>,
          %parallel_loop3A_528 = vector.shape_cast %parallel_loop3A_527 : vector<1x16xf32> to vector<16xf32>
          %parallel_loop3A_529 = vector.shape_cast %parallel_loop3A_524 : vector<16xf32> to vector<1x16xf32>
          tpu.vector_store %arg10[%parallel_loop3A_525, %parallel_loop3A_526], %parallel_loop3A_529 {strides = array<i32>} : memref<128x128xf32, #tpu.memory_space<vmem>>, vector<1x16xf32>,
        } {sc.loop_unroll_factor = 2 : i64, sc.parallel_access}
        %mul3A_155 = arith.constant 128 : i32
        %mul3A_156 = arith.muli %sub3A_96, %mul3A_155 : i32
        %add3A_157 = arith.addi %mul3A_2, %mul3A_156 : i32
        %dma_start3A = arith.constant 0 : i32
        %dma_start3A_158 = tpu.memref_slice %arg7[%add3A_157, %dma_start3A] : memref<819200x128xf32, #tpu.memory_space<hbm>> -> memref<128x128xf32, #tpu.memory_space<hbm>>
        %dma_start3A_159 = arith.constant 0 : i32
        %dma_start3A_160 = tpu.memref_slice %arg7[%add3A_157, %dma_start3A_159] : memref<819200x128xf32, #tpu.memory_space<hbm>> -> memref<128x128xf32, #tpu.memory_space<hbm>>
        tpu.enqueue_dma source(%arg10 : memref<128x128xf32, #tpu.memory_space<vmem>>) target(%dma_start3A_160 : memref<128x128xf32, #tpu.memory_space<hbm>>) target_semaphore(%arg21 : memref<!tpu.dma_semaphore, #tpu.memory_space<semaphore_mem>>)
      } else {
      }
      %mul3A_73 = arith.constant 4 : i32
      %mul3A_74 = arith.muli %scan3A_11, %mul3A_73 : i32
      %add3A_75 = arith.constant 3 : i32
      %add3A_76 = arith.addi %mul3A_74, %add3A_75 : i32
      %gt3A_77 = arith.constant 0 : i32
      %gt3A_78 = arith.cmpi sgt, %scan3A_11, %gt3A_77 : i32
      %convert_element_type3A_79 = arith.extui %gt3A_78 : i1 to i32
      %cond3A_80 = arith.constant 0 : i32
      %cond3A_81 = arith.cmpi ne, %convert_element_type3A_79, %cond3A_80 : i32
      scf.if %cond3A_81 {
        %sub3A = arith.constant 4 : i32
        %sub3A_96 = arith.subi %add3A_76, %sub3A : i32
        %mul3A_97 = arith.constant 128 : i32
        %mul3A_98 = arith.muli %sub3A_96, %mul3A_97 : i32
        %add3A_99 = arith.addi %mul3A_2, %mul3A_98 : i32
        %dma_wait3A = arith.constant 0 : i32
        %dma_wait3A_100 = tpu.memref_slice %arg7[%add3A_99, %dma_wait3A] : memref<819200x128xf32, #tpu.memory_space<hbm>> -> memref<128x128xf32, #tpu.memory_space<hbm>>
        %dma_wait3A_101 = arith.constant 0 : i32
        %dma_wait3A_102 = tpu.memref_slice %arg7[%add3A_99, %dma_wait3A_101] : memref<819200x128xf32, #tpu.memory_space<hbm>> -> memref<128x128xf32, #tpu.memory_space<hbm>>
        tpu.wait_dma2 semaphore(%arg23 : memref<!tpu.dma_semaphore, #tpu.memory_space<semaphore_mem>>) src(%arg12 : memref<128x128xf32, #tpu.memory_space<vmem>>) dst(%dma_wait3A_102 : memref<128x128xf32, #tpu.memory_space<hbm>>)
      } else {
      }
      %lt3A_82 = arith.constant 200 : i32
      %lt3A_83 = arith.cmpi slt, %add3A_76, %lt3A_82 : i32
      %convert_element_type3A_84 = arith.extui %lt3A_83 : i1 to i32
      %cond3A_85 = arith.constant 0 : i32
      %cond3A_86 = arith.cmpi ne, %convert_element_type3A_84, %cond3A_85 : i32
      scf.if %cond3A_86 {
        %dma_start3A = arith.constant 0 : i32
        %dma_start3A_96 = tpu.memref_slice %arg8[%add3A_76, %dma_start3A] : memref<200x128xi32, #tpu.memory_space<vmem>> -> memref<1x128xi32, #tpu.memory_space<vmem>>
        %dma_start3A_97 = tpu.memref_squeeze %dma_start3A_96 : memref<1x128xi32, #tpu.memory_space<vmem>> -> memref<128xi32, #tpu.memory_space<vmem>>
        %dma_start3A_98 = arith.constant 0 : i32
        %dma_start3A_99 = arith.constant 0 : i32
        %dma_start3A_100 = tpu.memref_slice %arg3[%dma_start3A_98, %dma_start3A_99] : memref<100000x128xf32, #tpu.memory_space<hbm>> -> memref<100000x128xf32, #tpu.memory_space<hbm>>
        tpu.enqueue_indirect_dma source(%dma_start3A_100 : memref<100000x128xf32, #tpu.memory_space<hbm>>) target(%arg12 : memref<128x128xf32, #tpu.memory_space<vmem>>) offsets(%dma_start3A_97 : memref<128xi32, #tpu.memory_space<vmem>>) semaphore(%arg19 : memref<!tpu.dma_semaphore, #tpu.memory_space<semaphore_mem>>)
      } else {
      }
      %gt3A_87 = arith.constant 0 : i32
      %gt3A_88 = arith.cmpi sgt, %add3A_76, %gt3A_87 : i32
      %le3A_89 = arith.constant 200 : i32
      %le3A_90 = arith.cmpi sle, %add3A_76, %le3A_89 : i32
      %and3A_91 = arith.andi %gt3A_88, %le3A_90 : i1
      %convert_element_type3A_92 = arith.extui %and3A_91 : i1 to i32
      %cond3A_93 = arith.constant 0 : i32
      %cond3A_94 = arith.cmpi ne, %convert_element_type3A_92, %cond3A_93 : i32
      scf.if %cond3A_94 {
        %sub3A = arith.constant 1 : i32
        %sub3A_96 = arith.subi %add3A_76, %sub3A : i32
        %dma_wait3A = arith.constant 0 : i32
        %dma_wait3A_97 = tpu.memref_slice %arg8[%sub3A_96, %dma_wait3A] : memref<200x128xi32, #tpu.memory_space<vmem>> -> memref<1x128xi32, #tpu.memory_space<vmem>>
        %dma_wait3A_98 = tpu.memref_squeeze %dma_wait3A_97 : memref<1x128xi32, #tpu.memory_space<vmem>> -> memref<128xi32, #tpu.memory_space<vmem>>
        %dma_wait3A_99 = arith.constant 0 : i32
        %dma_wait3A_100 = arith.constant 0 : i32
        %dma_wait3A_101 = tpu.memref_slice %arg3[%dma_wait3A_99, %dma_wait3A_100] : memref<100000x128xf32, #tpu.memory_space<hbm>> -> memref<100000x128xf32, #tpu.memory_space<hbm>>
        tpu.wait_indirect_dma semaphore(%arg18 : memref<!tpu.dma_semaphore, #tpu.memory_space<semaphore_mem>>) src(%dma_wait3A_101 : memref<100000x128xf32, #tpu.memory_space<hbm>>) dst(%arg11 : memref<128x128xf32, #tpu.memory_space<vmem>>)
        %mul3A_102 = arith.constant 128 : i32
        %mul3A_103 = arith.muli %sub3A_96, %mul3A_102 : i32
        %rem3A = arith.constant 200 : i32
        %rem3A_104 = arith.remsi %mul3A_103, %rem3A : i32
        %get3A = arith.constant 0 : index
        %get3A_105 = tpu.vector_load %arg14[%get3A] {strides = array<i32>} : memref<128xf32, #tpu.memory_space<vmem>>, vector<16xf32>,
        %get3A_106 = vector.shape_cast %get3A_105 : vector<16xf32> to vector<16xf32>
        %get3A_107 = arith.constant 16 : index
        %get3A_108 = tpu.vector_load %arg14[%get3A_107] {strides = array<i32>} : memref<128xf32, #tpu.memory_space<vmem>>, vector<16xf32>,
        %get3A_109 = vector.shape_cast %get3A_108 : vector<16xf32> to vector<16xf32>
        %get3A_110 = arith.constant 32 : index
        %get3A_111 = tpu.vector_load %arg14[%get3A_110] {strides = array<i32>} : memref<128xf32, #tpu.memory_space<vmem>>, vector<16xf32>,
        %get3A_112 = vector.shape_cast %get3A_111 : vector<16xf32> to vector<16xf32>
        %get3A_113 = arith.constant 48 : index
        %get3A_114 = tpu.vector_load %arg14[%get3A_113] {strides = array<i32>} : memref<128xf32, #tpu.memory_space<vmem>>, vector<16xf32>,
        %get3A_115 = vector.shape_cast %get3A_114 : vector<16xf32> to vector<16xf32>
        %get3A_116 = arith.constant 64 : index
        %get3A_117 = tpu.vector_load %arg14[%get3A_116] {strides = array<i32>} : memref<128xf32, #tpu.memory_space<vmem>>, vector<16xf32>,
        %get3A_118 = vector.shape_cast %get3A_117 : vector<16xf32> to vector<16xf32>
        %get3A_119 = arith.constant 80 : index
        %get3A_120 = tpu.vector_load %arg14[%get3A_119] {strides = array<i32>} : memref<128xf32, #tpu.memory_space<vmem>>, vector<16xf32>,
        %get3A_121 = vector.shape_cast %get3A_120 : vector<16xf32> to vector<16xf32>
        %get3A_122 = arith.constant 96 : index
        %get3A_123 = tpu.vector_load %arg14[%get3A_122] {strides = array<i32>} : memref<128xf32, #tpu.memory_space<vmem>>, vector<16xf32>,
        %get3A_124 = vector.shape_cast %get3A_123 : vector<16xf32> to vector<16xf32>
        %get3A_125 = arith.constant 112 : index
        %get3A_126 = tpu.vector_load %arg14[%get3A_125] {strides = array<i32>} : memref<128xf32, #tpu.memory_space<vmem>>, vector<16xf32>,
        %get3A_127 = vector.shape_cast %get3A_126 : vector<16xf32> to vector<16xf32>
        %get3A_128 = arith.constant 0 : index
        %get3A_129 = tpu.vector_load %arg15[%get3A_128] {strides = array<i32>} : memref<128xf32, #tpu.memory_space<vmem>>, vector<16xf32>,
        %get3A_130 = vector.shape_cast %get3A_129 : vector<16xf32> to vector<16xf32>
        %get3A_131 = arith.constant 16 : index
        %get3A_132 = tpu.vector_load %arg15[%get3A_131] {strides = array<i32>} : memref<128xf32, #tpu.memory_space<vmem>>, vector<16xf32>,
        %get3A_133 = vector.shape_cast %get3A_132 : vector<16xf32> to vector<16xf32>
        %get3A_134 = arith.constant 32 : index
        %get3A_135 = tpu.vector_load %arg15[%get3A_134] {strides = array<i32>} : memref<128xf32, #tpu.memory_space<vmem>>, vector<16xf32>,
        %get3A_136 = vector.shape_cast %get3A_135 : vector<16xf32> to vector<16xf32>
        %get3A_137 = arith.constant 48 : index
        %get3A_138 = tpu.vector_load %arg15[%get3A_137] {strides = array<i32>} : memref<128xf32, #tpu.memory_space<vmem>>, vector<16xf32>,
        %get3A_139 = vector.shape_cast %get3A_138 : vector<16xf32> to vector<16xf32>
        %get3A_140 = arith.constant 64 : index
        %get3A_141 = tpu.vector_load %arg15[%get3A_140] {strides = array<i32>} : memref<128xf32, #tpu.memory_space<vmem>>, vector<16xf32>,
        %get3A_142 = vector.shape_cast %get3A_141 : vector<16xf32> to vector<16xf32>
        %get3A_143 = arith.constant 80 : index
        %get3A_144 = tpu.vector_load %arg15[%get3A_143] {strides = array<i32>} : memref<128xf32, #tpu.memory_space<vmem>>, vector<16xf32>,
        %get3A_145 = vector.shape_cast %get3A_144 : vector<16xf32> to vector<16xf32>
        %get3A_146 = arith.constant 96 : index
        %get3A_147 = tpu.vector_load %arg15[%get3A_146] {strides = array<i32>} : memref<128xf32, #tpu.memory_space<vmem>>, vector<16xf32>,
        %get3A_148 = vector.shape_cast %get3A_147 : vector<16xf32> to vector<16xf32>
        %get3A_149 = arith.constant 112 : index
        %get3A_150 = tpu.vector_load %arg15[%get3A_149] {strides = array<i32>} : memref<128xf32, #tpu.memory_space<vmem>>, vector<16xf32>,
        %get3A_151 = vector.shape_cast %get3A_150 : vector<16xf32> to vector<16xf32>
        %parallel_loop3A = arith.constant 0 : i32
        %parallel_loop3A_152 = arith.constant 128 : i32
        %parallel_loop3A_153 = arith.constant 1 : i32
        %parallel_loop3A_154 = arith.constant 7.812500e-03 : f32
        scf.for %parallel_loop3A_161 = %parallel_loop3A to %parallel_loop3A_152 step %parallel_loop3A_153  : i32 {
          %parallel_loop3A_162 = arith.addi %rem3A_104, %parallel_loop3A_161 : i32
          %parallel_loop3A_163 = arith.constant 200 : i32
          %parallel_loop3A_164 = arith.cmpi sge, %parallel_loop3A_162, %parallel_loop3A_163 : i32
          %parallel_loop3A_165 = arith.constant 200 : i32
          %parallel_loop3A_166 = arith.subi %parallel_loop3A_162, %parallel_loop3A_165 : i32
          %parallel_loop3A_167 = arith.select %parallel_loop3A_164, %parallel_loop3A_166, %parallel_loop3A_162 : i32
          %parallel_loop3A_168 = arith.constant 0.000000e+00 : f32
          %parallel_loop3A_169 = vector.broadcast %parallel_loop3A_168 : f32 to vector<16xf32>
          %parallel_loop3A_170 = arith.constant 0.000000e+00 : f32
          %parallel_loop3A_171 = vector.broadcast %parallel_loop3A_170 : f32 to vector<16xf32>
          %parallel_loop3A_172 = arith.index_cast %parallel_loop3A_161 : i32 to index
          %parallel_loop3A_173 = arith.constant 0 : index
          %parallel_loop3A_174 = tpu.vector_load %arg11[%parallel_loop3A_172, %parallel_loop3A_173] {strides = array<i32>} : memref<128x128xf32, #tpu.memory_space<vmem>>, vector<1x16xf32>,
          %parallel_loop3A_175 = vector.shape_cast %parallel_loop3A_174 : vector<1x16xf32> to vector<16xf32>
          %parallel_loop3A_176 = arith.index_cast %parallel_loop3A_167 : i32 to index
          %parallel_loop3A_177 = arith.constant 0 : index
          %parallel_loop3A_178 = tpu.vector_load %arg13[%parallel_loop3A_176, %parallel_loop3A_177] {strides = array<i32>} : memref<200x128xf32, #tpu.memory_space<vmem>>, vector<1x16xf32>,
          %parallel_loop3A_179 = vector.shape_cast %parallel_loop3A_178 : vector<1x16xf32> to vector<16xf32>
          %parallel_loop3A_180 = arith.addf %parallel_loop3A_175, %parallel_loop3A_179 : vector<16xf32>
          %parallel_loop3A_181 = arith.index_cast %parallel_loop3A_161 : i32 to index
          %parallel_loop3A_182 = arith.constant 0 : index
          %parallel_loop3A_183 = tpu.vector_load %arg11[%parallel_loop3A_181, %parallel_loop3A_182] {strides = array<i32>} : memref<128x128xf32, #tpu.memory_space<vmem>>, vector<1x16xf32>,
          %parallel_loop3A_184 = vector.shape_cast %parallel_loop3A_183 : vector<1x16xf32> to vector<16xf32>
          %parallel_loop3A_185 = vector.shape_cast %parallel_loop3A_180 : vector<16xf32> to vector<1x16xf32>
          tpu.vector_store %arg11[%parallel_loop3A_181, %parallel_loop3A_182], %parallel_loop3A_185 {strides = array<i32>} : memref<128x128xf32, #tpu.memory_space<vmem>>, vector<1x16xf32>,
          %parallel_loop3A_186 = arith.addf %parallel_loop3A_169, %parallel_loop3A_180 : vector<16xf32>
          %parallel_loop3A_187 = arith.mulf %parallel_loop3A_180, %parallel_loop3A_180 : vector<16xf32>
          %parallel_loop3A_188 = arith.addf %parallel_loop3A_171, %parallel_loop3A_187 : vector<16xf32>
          %parallel_loop3A_189 = arith.index_cast %parallel_loop3A_161 : i32 to index
          %parallel_loop3A_190 = arith.constant 16 : index
          %parallel_loop3A_191 = tpu.vector_load %arg11[%parallel_loop3A_189, %parallel_loop3A_190] {strides = array<i32>} : memref<128x128xf32, #tpu.memory_space<vmem>>, vector<1x16xf32>,
          %parallel_loop3A_192 = vector.shape_cast %parallel_loop3A_191 : vector<1x16xf32> to vector<16xf32>
          %parallel_loop3A_193 = arith.index_cast %parallel_loop3A_167 : i32 to index
          %parallel_loop3A_194 = arith.constant 16 : index
          %parallel_loop3A_195 = tpu.vector_load %arg13[%parallel_loop3A_193, %parallel_loop3A_194] {strides = array<i32>} : memref<200x128xf32, #tpu.memory_space<vmem>>, vector<1x16xf32>,
          %parallel_loop3A_196 = vector.shape_cast %parallel_loop3A_195 : vector<1x16xf32> to vector<16xf32>
          %parallel_loop3A_197 = arith.addf %parallel_loop3A_192, %parallel_loop3A_196 : vector<16xf32>
          %parallel_loop3A_198 = arith.index_cast %parallel_loop3A_161 : i32 to index
          %parallel_loop3A_199 = arith.constant 16 : index
          %parallel_loop3A_200 = tpu.vector_load %arg11[%parallel_loop3A_198, %parallel_loop3A_199] {strides = array<i32>} : memref<128x128xf32, #tpu.memory_space<vmem>>, vector<1x16xf32>,
          %parallel_loop3A_201 = vector.shape_cast %parallel_loop3A_200 : vector<1x16xf32> to vector<16xf32>
          %parallel_loop3A_202 = vector.shape_cast %parallel_loop3A_197 : vector<16xf32> to vector<1x16xf32>
          tpu.vector_store %arg11[%parallel_loop3A_198, %parallel_loop3A_199], %parallel_loop3A_202 {strides = array<i32>} : memref<128x128xf32, #tpu.memory_space<vmem>>, vector<1x16xf32>,
          %parallel_loop3A_203 = arith.addf %parallel_loop3A_186, %parallel_loop3A_197 : vector<16xf32>
          %parallel_loop3A_204 = arith.mulf %parallel_loop3A_197, %parallel_loop3A_197 : vector<16xf32>
          %parallel_loop3A_205 = arith.addf %parallel_loop3A_188, %parallel_loop3A_204 : vector<16xf32>
          %parallel_loop3A_206 = arith.index_cast %parallel_loop3A_161 : i32 to index
          %parallel_loop3A_207 = arith.constant 32 : index
          %parallel_loop3A_208 = tpu.vector_load %arg11[%parallel_loop3A_206, %parallel_loop3A_207] {strides = array<i32>} : memref<128x128xf32, #tpu.memory_space<vmem>>, vector<1x16xf32>,
          %parallel_loop3A_209 = vector.shape_cast %parallel_loop3A_208 : vector<1x16xf32> to vector<16xf32>
          %parallel_loop3A_210 = arith.index_cast %parallel_loop3A_167 : i32 to index
          %parallel_loop3A_211 = arith.constant 32 : index
          %parallel_loop3A_212 = tpu.vector_load %arg13[%parallel_loop3A_210, %parallel_loop3A_211] {strides = array<i32>} : memref<200x128xf32, #tpu.memory_space<vmem>>, vector<1x16xf32>,
          %parallel_loop3A_213 = vector.shape_cast %parallel_loop3A_212 : vector<1x16xf32> to vector<16xf32>
          %parallel_loop3A_214 = arith.addf %parallel_loop3A_209, %parallel_loop3A_213 : vector<16xf32>
          %parallel_loop3A_215 = arith.index_cast %parallel_loop3A_161 : i32 to index
          %parallel_loop3A_216 = arith.constant 32 : index
          %parallel_loop3A_217 = tpu.vector_load %arg11[%parallel_loop3A_215, %parallel_loop3A_216] {strides = array<i32>} : memref<128x128xf32, #tpu.memory_space<vmem>>, vector<1x16xf32>,
          %parallel_loop3A_218 = vector.shape_cast %parallel_loop3A_217 : vector<1x16xf32> to vector<16xf32>
          %parallel_loop3A_219 = vector.shape_cast %parallel_loop3A_214 : vector<16xf32> to vector<1x16xf32>
          tpu.vector_store %arg11[%parallel_loop3A_215, %parallel_loop3A_216], %parallel_loop3A_219 {strides = array<i32>} : memref<128x128xf32, #tpu.memory_space<vmem>>, vector<1x16xf32>,
          %parallel_loop3A_220 = arith.addf %parallel_loop3A_203, %parallel_loop3A_214 : vector<16xf32>
          %parallel_loop3A_221 = arith.mulf %parallel_loop3A_214, %parallel_loop3A_214 : vector<16xf32>
          %parallel_loop3A_222 = arith.addf %parallel_loop3A_205, %parallel_loop3A_221 : vector<16xf32>
          %parallel_loop3A_223 = arith.index_cast %parallel_loop3A_161 : i32 to index
          %parallel_loop3A_224 = arith.constant 48 : index
          %parallel_loop3A_225 = tpu.vector_load %arg11[%parallel_loop3A_223, %parallel_loop3A_224] {strides = array<i32>} : memref<128x128xf32, #tpu.memory_space<vmem>>, vector<1x16xf32>,
          %parallel_loop3A_226 = vector.shape_cast %parallel_loop3A_225 : vector<1x16xf32> to vector<16xf32>
          %parallel_loop3A_227 = arith.index_cast %parallel_loop3A_167 : i32 to index
          %parallel_loop3A_228 = arith.constant 48 : index
          %parallel_loop3A_229 = tpu.vector_load %arg13[%parallel_loop3A_227, %parallel_loop3A_228] {strides = array<i32>} : memref<200x128xf32, #tpu.memory_space<vmem>>, vector<1x16xf32>,
          %parallel_loop3A_230 = vector.shape_cast %parallel_loop3A_229 : vector<1x16xf32> to vector<16xf32>
          %parallel_loop3A_231 = arith.addf %parallel_loop3A_226, %parallel_loop3A_230 : vector<16xf32>
          %parallel_loop3A_232 = arith.index_cast %parallel_loop3A_161 : i32 to index
          %parallel_loop3A_233 = arith.constant 48 : index
          %parallel_loop3A_234 = tpu.vector_load %arg11[%parallel_loop3A_232, %parallel_loop3A_233] {strides = array<i32>} : memref<128x128xf32, #tpu.memory_space<vmem>>, vector<1x16xf32>,
          %parallel_loop3A_235 = vector.shape_cast %parallel_loop3A_234 : vector<1x16xf32> to vector<16xf32>
          %parallel_loop3A_236 = vector.shape_cast %parallel_loop3A_231 : vector<16xf32> to vector<1x16xf32>
          tpu.vector_store %arg11[%parallel_loop3A_232, %parallel_loop3A_233], %parallel_loop3A_236 {strides = array<i32>} : memref<128x128xf32, #tpu.memory_space<vmem>>, vector<1x16xf32>,
          %parallel_loop3A_237 = arith.addf %parallel_loop3A_220, %parallel_loop3A_231 : vector<16xf32>
          %parallel_loop3A_238 = arith.mulf %parallel_loop3A_231, %parallel_loop3A_231 : vector<16xf32>
          %parallel_loop3A_239 = arith.addf %parallel_loop3A_222, %parallel_loop3A_238 : vector<16xf32>
          %parallel_loop3A_240 = arith.index_cast %parallel_loop3A_161 : i32 to index
          %parallel_loop3A_241 = arith.constant 64 : index
          %parallel_loop3A_242 = tpu.vector_load %arg11[%parallel_loop3A_240, %parallel_loop3A_241] {strides = array<i32>} : memref<128x128xf32, #tpu.memory_space<vmem>>, vector<1x16xf32>,
          %parallel_loop3A_243 = vector.shape_cast %parallel_loop3A_242 : vector<1x16xf32> to vector<16xf32>
          %parallel_loop3A_244 = arith.index_cast %parallel_loop3A_167 : i32 to index
          %parallel_loop3A_245 = arith.constant 64 : index
          %parallel_loop3A_246 = tpu.vector_load %arg13[%parallel_loop3A_244, %parallel_loop3A_245] {strides = array<i32>} : memref<200x128xf32, #tpu.memory_space<vmem>>, vector<1x16xf32>,
          %parallel_loop3A_247 = vector.shape_cast %parallel_loop3A_246 : vector<1x16xf32> to vector<16xf32>
          %parallel_loop3A_248 = arith.addf %parallel_loop3A_243, %parallel_loop3A_247 : vector<16xf32>
          %parallel_loop3A_249 = arith.index_cast %parallel_loop3A_161 : i32 to index
          %parallel_loop3A_250 = arith.constant 64 : index
          %parallel_loop3A_251 = tpu.vector_load %arg11[%parallel_loop3A_249, %parallel_loop3A_250] {strides = array<i32>} : memref<128x128xf32, #tpu.memory_space<vmem>>, vector<1x16xf32>,
          %parallel_loop3A_252 = vector.shape_cast %parallel_loop3A_251 : vector<1x16xf32> to vector<16xf32>
          %parallel_loop3A_253 = vector.shape_cast %parallel_loop3A_248 : vector<16xf32> to vector<1x16xf32>
          tpu.vector_store %arg11[%parallel_loop3A_249, %parallel_loop3A_250], %parallel_loop3A_253 {strides = array<i32>} : memref<128x128xf32, #tpu.memory_space<vmem>>, vector<1x16xf32>,
          %parallel_loop3A_254 = arith.addf %parallel_loop3A_237, %parallel_loop3A_248 : vector<16xf32>
          %parallel_loop3A_255 = arith.mulf %parallel_loop3A_248, %parallel_loop3A_248 : vector<16xf32>
          %parallel_loop3A_256 = arith.addf %parallel_loop3A_239, %parallel_loop3A_255 : vector<16xf32>
          %parallel_loop3A_257 = arith.index_cast %parallel_loop3A_161 : i32 to index
          %parallel_loop3A_258 = arith.constant 80 : index
          %parallel_loop3A_259 = tpu.vector_load %arg11[%parallel_loop3A_257, %parallel_loop3A_258] {strides = array<i32>} : memref<128x128xf32, #tpu.memory_space<vmem>>, vector<1x16xf32>,
          %parallel_loop3A_260 = vector.shape_cast %parallel_loop3A_259 : vector<1x16xf32> to vector<16xf32>
          %parallel_loop3A_261 = arith.index_cast %parallel_loop3A_167 : i32 to index
          %parallel_loop3A_262 = arith.constant 80 : index
          %parallel_loop3A_263 = tpu.vector_load %arg13[%parallel_loop3A_261, %parallel_loop3A_262] {strides = array<i32>} : memref<200x128xf32, #tpu.memory_space<vmem>>, vector<1x16xf32>,
          %parallel_loop3A_264 = vector.shape_cast %parallel_loop3A_263 : vector<1x16xf32> to vector<16xf32>
          %parallel_loop3A_265 = arith.addf %parallel_loop3A_260, %parallel_loop3A_264 : vector<16xf32>
          %parallel_loop3A_266 = arith.index_cast %parallel_loop3A_161 : i32 to index
          %parallel_loop3A_267 = arith.constant 80 : index
          %parallel_loop3A_268 = tpu.vector_load %arg11[%parallel_loop3A_266, %parallel_loop3A_267] {strides = array<i32>} : memref<128x128xf32, #tpu.memory_space<vmem>>, vector<1x16xf32>,
          %parallel_loop3A_269 = vector.shape_cast %parallel_loop3A_268 : vector<1x16xf32> to vector<16xf32>
          %parallel_loop3A_270 = vector.shape_cast %parallel_loop3A_265 : vector<16xf32> to vector<1x16xf32>
          tpu.vector_store %arg11[%parallel_loop3A_266, %parallel_loop3A_267], %parallel_loop3A_270 {strides = array<i32>} : memref<128x128xf32, #tpu.memory_space<vmem>>, vector<1x16xf32>,
          %parallel_loop3A_271 = arith.addf %parallel_loop3A_254, %parallel_loop3A_265 : vector<16xf32>
          %parallel_loop3A_272 = arith.mulf %parallel_loop3A_265, %parallel_loop3A_265 : vector<16xf32>
          %parallel_loop3A_273 = arith.addf %parallel_loop3A_256, %parallel_loop3A_272 : vector<16xf32>
          %parallel_loop3A_274 = arith.index_cast %parallel_loop3A_161 : i32 to index
          %parallel_loop3A_275 = arith.constant 96 : index
          %parallel_loop3A_276 = tpu.vector_load %arg11[%parallel_loop3A_274, %parallel_loop3A_275] {strides = array<i32>} : memref<128x128xf32, #tpu.memory_space<vmem>>, vector<1x16xf32>,
          %parallel_loop3A_277 = vector.shape_cast %parallel_loop3A_276 : vector<1x16xf32> to vector<16xf32>
          %parallel_loop3A_278 = arith.index_cast %parallel_loop3A_167 : i32 to index
          %parallel_loop3A_279 = arith.constant 96 : index
          %parallel_loop3A_280 = tpu.vector_load %arg13[%parallel_loop3A_278, %parallel_loop3A_279] {strides = array<i32>} : memref<200x128xf32, #tpu.memory_space<vmem>>, vector<1x16xf32>,
          %parallel_loop3A_281 = vector.shape_cast %parallel_loop3A_280 : vector<1x16xf32> to vector<16xf32>
          %parallel_loop3A_282 = arith.addf %parallel_loop3A_277, %parallel_loop3A_281 : vector<16xf32>
          %parallel_loop3A_283 = arith.index_cast %parallel_loop3A_161 : i32 to index
          %parallel_loop3A_284 = arith.constant 96 : index
          %parallel_loop3A_285 = tpu.vector_load %arg11[%parallel_loop3A_283, %parallel_loop3A_284] {strides = array<i32>} : memref<128x128xf32, #tpu.memory_space<vmem>>, vector<1x16xf32>,
          %parallel_loop3A_286 = vector.shape_cast %parallel_loop3A_285 : vector<1x16xf32> to vector<16xf32>
          %parallel_loop3A_287 = vector.shape_cast %parallel_loop3A_282 : vector<16xf32> to vector<1x16xf32>
          tpu.vector_store %arg11[%parallel_loop3A_283, %parallel_loop3A_284], %parallel_loop3A_287 {strides = array<i32>} : memref<128x128xf32, #tpu.memory_space<vmem>>, vector<1x16xf32>,
          %parallel_loop3A_288 = arith.addf %parallel_loop3A_271, %parallel_loop3A_282 : vector<16xf32>
          %parallel_loop3A_289 = arith.mulf %parallel_loop3A_282, %parallel_loop3A_282 : vector<16xf32>
          %parallel_loop3A_290 = arith.addf %parallel_loop3A_273, %parallel_loop3A_289 : vector<16xf32>
          %parallel_loop3A_291 = arith.index_cast %parallel_loop3A_161 : i32 to index
          %parallel_loop3A_292 = arith.constant 112 : index
          %parallel_loop3A_293 = tpu.vector_load %arg11[%parallel_loop3A_291, %parallel_loop3A_292] {strides = array<i32>} : memref<128x128xf32, #tpu.memory_space<vmem>>, vector<1x16xf32>,
          %parallel_loop3A_294 = vector.shape_cast %parallel_loop3A_293 : vector<1x16xf32> to vector<16xf32>
          %parallel_loop3A_295 = arith.index_cast %parallel_loop3A_167 : i32 to index
          %parallel_loop3A_296 = arith.constant 112 : index
          %parallel_loop3A_297 = tpu.vector_load %arg13[%parallel_loop3A_295, %parallel_loop3A_296] {strides = array<i32>} : memref<200x128xf32, #tpu.memory_space<vmem>>, vector<1x16xf32>,
          %parallel_loop3A_298 = vector.shape_cast %parallel_loop3A_297 : vector<1x16xf32> to vector<16xf32>
          %parallel_loop3A_299 = arith.addf %parallel_loop3A_294, %parallel_loop3A_298 : vector<16xf32>
          %parallel_loop3A_300 = arith.index_cast %parallel_loop3A_161 : i32 to index
          %parallel_loop3A_301 = arith.constant 112 : index
          %parallel_loop3A_302 = tpu.vector_load %arg11[%parallel_loop3A_300, %parallel_loop3A_301] {strides = array<i32>} : memref<128x128xf32, #tpu.memory_space<vmem>>, vector<1x16xf32>,
          %parallel_loop3A_303 = vector.shape_cast %parallel_loop3A_302 : vector<1x16xf32> to vector<16xf32>
          %parallel_loop3A_304 = vector.shape_cast %parallel_loop3A_299 : vector<16xf32> to vector<1x16xf32>
          tpu.vector_store %arg11[%parallel_loop3A_300, %parallel_loop3A_301], %parallel_loop3A_304 {strides = array<i32>} : memref<128x128xf32, #tpu.memory_space<vmem>>, vector<1x16xf32>,
          %parallel_loop3A_305 = arith.addf %parallel_loop3A_288, %parallel_loop3A_299 : vector<16xf32>
          %parallel_loop3A_306 = arith.mulf %parallel_loop3A_299, %parallel_loop3A_299 : vector<16xf32>
          %parallel_loop3A_307 = arith.addf %parallel_loop3A_290, %parallel_loop3A_306 : vector<16xf32>
          %parallel_loop3A_308 = tpu.iota {dimensions = array<i32: 0>} : vector<16xi32>
          %parallel_loop3A_309 = arith.constant 8 : i32
          %parallel_loop3A_310 = vector.broadcast %parallel_loop3A_309 : i32 to vector<16xi32>
          %parallel_loop3A_311 = arith.xori %parallel_loop3A_308, %parallel_loop3A_310 : vector<16xi32>
          %parallel_loop3A_312 = vector.shape_cast %parallel_loop3A_311 : vector<16xi32> to vector<16x1xi32>
          %parallel_loop3A_313 = vector.shape_cast %parallel_loop3A_312 : vector<16x1xi32> to vector<16xi32>
          %parallel_loop3A_314 = tpu.dynamic_gather %parallel_loop3A_305[%parallel_loop3A_313] in [0] : vector<16xf32>, vector<16xi32> -> vector<16xf32>
          %parallel_loop3A_315 = arith.addf %parallel_loop3A_305, %parallel_loop3A_314 : vector<16xf32>
          %parallel_loop3A_316 = tpu.iota {dimensions = array<i32: 0>} : vector<16xi32>
          %parallel_loop3A_317 = arith.constant 4 : i32
          %parallel_loop3A_318 = vector.broadcast %parallel_loop3A_317 : i32 to vector<16xi32>
          %parallel_loop3A_319 = arith.xori %parallel_loop3A_316, %parallel_loop3A_318 : vector<16xi32>
          %parallel_loop3A_320 = vector.shape_cast %parallel_loop3A_319 : vector<16xi32> to vector<16x1xi32>
          %parallel_loop3A_321 = vector.shape_cast %parallel_loop3A_320 : vector<16x1xi32> to vector<16xi32>
          %parallel_loop3A_322 = tpu.dynamic_gather %parallel_loop3A_315[%parallel_loop3A_321] in [0] : vector<16xf32>, vector<16xi32> -> vector<16xf32>
          %parallel_loop3A_323 = arith.addf %parallel_loop3A_315, %parallel_loop3A_322 : vector<16xf32>
          %parallel_loop3A_324 = tpu.iota {dimensions = array<i32: 0>} : vector<16xi32>
          %parallel_loop3A_325 = arith.constant 2 : i32
          %parallel_loop3A_326 = vector.broadcast %parallel_loop3A_325 : i32 to vector<16xi32>
          %parallel_loop3A_327 = arith.xori %parallel_loop3A_324, %parallel_loop3A_326 : vector<16xi32>
          %parallel_loop3A_328 = vector.shape_cast %parallel_loop3A_327 : vector<16xi32> to vector<16x1xi32>
          %parallel_loop3A_329 = vector.shape_cast %parallel_loop3A_328 : vector<16x1xi32> to vector<16xi32>
          %parallel_loop3A_330 = tpu.dynamic_gather %parallel_loop3A_323[%parallel_loop3A_329] in [0] : vector<16xf32>, vector<16xi32> -> vector<16xf32>
          %parallel_loop3A_331 = arith.addf %parallel_loop3A_323, %parallel_loop3A_330 : vector<16xf32>
          %parallel_loop3A_332 = tpu.iota {dimensions = array<i32: 0>} : vector<16xi32>
          %parallel_loop3A_333 = arith.constant 1 : i32
          %parallel_loop3A_334 = vector.broadcast %parallel_loop3A_333 : i32 to vector<16xi32>
          %parallel_loop3A_335 = arith.xori %parallel_loop3A_332, %parallel_loop3A_334 : vector<16xi32>
          %parallel_loop3A_336 = vector.shape_cast %parallel_loop3A_335 : vector<16xi32> to vector<16x1xi32>
          %parallel_loop3A_337 = vector.shape_cast %parallel_loop3A_336 : vector<16x1xi32> to vector<16xi32>
          %parallel_loop3A_338 = tpu.dynamic_gather %parallel_loop3A_331[%parallel_loop3A_337] in [0] : vector<16xf32>, vector<16xi32> -> vector<16xf32>
          %parallel_loop3A_339 = arith.addf %parallel_loop3A_331, %parallel_loop3A_338 : vector<16xf32>
          %parallel_loop3A_340 = vector.broadcast %parallel_loop3A_154 : f32 to vector<16xf32>
          %parallel_loop3A_341 = arith.mulf %parallel_loop3A_339, %parallel_loop3A_340 : vector<16xf32>
          %parallel_loop3A_342 = tpu.iota {dimensions = array<i32: 0>} : vector<16xi32>
          %parallel_loop3A_343 = arith.constant 8 : i32
          %parallel_loop3A_344 = vector.broadcast %parallel_loop3A_343 : i32 to vector<16xi32>
          %parallel_loop3A_345 = arith.xori %parallel_loop3A_342, %parallel_loop3A_344 : vector<16xi32>
          %parallel_loop3A_346 = vector.shape_cast %parallel_loop3A_345 : vector<16xi32> to vector<16x1xi32>
          %parallel_loop3A_347 = vector.shape_cast %parallel_loop3A_346 : vector<16x1xi32> to vector<16xi32>
          %parallel_loop3A_348 = tpu.dynamic_gather %parallel_loop3A_307[%parallel_loop3A_347] in [0] : vector<16xf32>, vector<16xi32> -> vector<16xf32>
          %parallel_loop3A_349 = arith.addf %parallel_loop3A_307, %parallel_loop3A_348 : vector<16xf32>
          %parallel_loop3A_350 = tpu.iota {dimensions = array<i32: 0>} : vector<16xi32>
          %parallel_loop3A_351 = arith.constant 4 : i32
          %parallel_loop3A_352 = vector.broadcast %parallel_loop3A_351 : i32 to vector<16xi32>
          %parallel_loop3A_353 = arith.xori %parallel_loop3A_350, %parallel_loop3A_352 : vector<16xi32>
          %parallel_loop3A_354 = vector.shape_cast %parallel_loop3A_353 : vector<16xi32> to vector<16x1xi32>
          %parallel_loop3A_355 = vector.shape_cast %parallel_loop3A_354 : vector<16x1xi32> to vector<16xi32>
          %parallel_loop3A_356 = tpu.dynamic_gather %parallel_loop3A_349[%parallel_loop3A_355] in [0] : vector<16xf32>, vector<16xi32> -> vector<16xf32>
          %parallel_loop3A_357 = arith.addf %parallel_loop3A_349, %parallel_loop3A_356 : vector<16xf32>
          %parallel_loop3A_358 = tpu.iota {dimensions = array<i32: 0>} : vector<16xi32>
          %parallel_loop3A_359 = arith.constant 2 : i32
          %parallel_loop3A_360 = vector.broadcast %parallel_loop3A_359 : i32 to vector<16xi32>
          %parallel_loop3A_361 = arith.xori %parallel_loop3A_358, %parallel_loop3A_360 : vector<16xi32>
          %parallel_loop3A_362 = vector.shape_cast %parallel_loop3A_361 : vector<16xi32> to vector<16x1xi32>
          %parallel_loop3A_363 = vector.shape_cast %parallel_loop3A_362 : vector<16x1xi32> to vector<16xi32>
          %parallel_loop3A_364 = tpu.dynamic_gather %parallel_loop3A_357[%parallel_loop3A_363] in [0] : vector<16xf32>, vector<16xi32> -> vector<16xf32>
          %parallel_loop3A_365 = arith.addf %parallel_loop3A_357, %parallel_loop3A_364 : vector<16xf32>
          %parallel_loop3A_366 = tpu.iota {dimensions = array<i32: 0>} : vector<16xi32>
          %parallel_loop3A_367 = arith.constant 1 : i32
          %parallel_loop3A_368 = vector.broadcast %parallel_loop3A_367 : i32 to vector<16xi32>
          %parallel_loop3A_369 = arith.xori %parallel_loop3A_366, %parallel_loop3A_368 : vector<16xi32>
          %parallel_loop3A_370 = vector.shape_cast %parallel_loop3A_369 : vector<16xi32> to vector<16x1xi32>
          %parallel_loop3A_371 = vector.shape_cast %parallel_loop3A_370 : vector<16x1xi32> to vector<16xi32>
          %parallel_loop3A_372 = tpu.dynamic_gather %parallel_loop3A_365[%parallel_loop3A_371] in [0] : vector<16xf32>, vector<16xi32> -> vector<16xf32>
          %parallel_loop3A_373 = arith.addf %parallel_loop3A_365, %parallel_loop3A_372 : vector<16xf32>
          %parallel_loop3A_374 = vector.broadcast %parallel_loop3A_154 : f32 to vector<16xf32>
          %parallel_loop3A_375 = arith.mulf %parallel_loop3A_373, %parallel_loop3A_374 : vector<16xf32>
          %parallel_loop3A_376 = arith.mulf %parallel_loop3A_341, %parallel_loop3A_341 : vector<16xf32>
          %parallel_loop3A_377 = arith.subf %parallel_loop3A_375, %parallel_loop3A_376 : vector<16xf32>
          %parallel_loop3A_378 = arith.constant 9.99999974E-6 : f32
          %parallel_loop3A_379 = vector.broadcast %parallel_loop3A_378 : f32 to vector<16xf32>
          %parallel_loop3A_380 = arith.addf %parallel_loop3A_377, %parallel_loop3A_379 : vector<16xf32>
          %parallel_loop3A_381 = tpu.bitcast %parallel_loop3A_380 : vector<16xf32> -> vector<16xi32>
          %parallel_loop3A_382 = arith.constant 1 : i32
          %parallel_loop3A_383 = vector.broadcast %parallel_loop3A_382 : i32 to vector<16xi32>
          %parallel_loop3A_384 = arith.shrsi %parallel_loop3A_381, %parallel_loop3A_383 : vector<16xi32>
          %parallel_loop3A_385 = arith.constant 1597463007 : i32
          %parallel_loop3A_386 = vector.broadcast %parallel_loop3A_385 : i32 to vector<16xi32>
          %parallel_loop3A_387 = arith.subi %parallel_loop3A_386, %parallel_loop3A_384 : vector<16xi32>
          %parallel_loop3A_388 = tpu.bitcast %parallel_loop3A_387 : vector<16xi32> -> vector<16xf32>
          %parallel_loop3A_389 = arith.constant 5.000000e-01 : f32
          %parallel_loop3A_390 = vector.broadcast %parallel_loop3A_389 : f32 to vector<16xf32>
          %parallel_loop3A_391 = arith.mulf %parallel_loop3A_390, %parallel_loop3A_380 : vector<16xf32>
          %parallel_loop3A_392 = arith.mulf %parallel_loop3A_391, %parallel_loop3A_388 : vector<16xf32>
          %parallel_loop3A_393 = arith.mulf %parallel_loop3A_392, %parallel_loop3A_388 : vector<16xf32>
          %parallel_loop3A_394 = arith.constant 1.500000e+00 : f32
          %parallel_loop3A_395 = vector.broadcast %parallel_loop3A_394 : f32 to vector<16xf32>
          %parallel_loop3A_396 = arith.subf %parallel_loop3A_395, %parallel_loop3A_393 : vector<16xf32>
          %parallel_loop3A_397 = arith.mulf %parallel_loop3A_388, %parallel_loop3A_396 : vector<16xf32>
          %parallel_loop3A_398 = arith.constant 5.000000e-01 : f32
          %parallel_loop3A_399 = vector.broadcast %parallel_loop3A_398 : f32 to vector<16xf32>
          %parallel_loop3A_400 = arith.mulf %parallel_loop3A_399, %parallel_loop3A_380 : vector<16xf32>
          %parallel_loop3A_401 = arith.mulf %parallel_loop3A_400, %parallel_loop3A_397 : vector<16xf32>
          %parallel_loop3A_402 = arith.mulf %parallel_loop3A_401, %parallel_loop3A_397 : vector<16xf32>
          %parallel_loop3A_403 = arith.constant 1.500000e+00 : f32
          %parallel_loop3A_404 = vector.broadcast %parallel_loop3A_403 : f32 to vector<16xf32>
          %parallel_loop3A_405 = arith.subf %parallel_loop3A_404, %parallel_loop3A_402 : vector<16xf32>
          %parallel_loop3A_406 = arith.mulf %parallel_loop3A_397, %parallel_loop3A_405 : vector<16xf32>
          %parallel_loop3A_407 = arith.constant 5.000000e-01 : f32
          %parallel_loop3A_408 = vector.broadcast %parallel_loop3A_407 : f32 to vector<16xf32>
          %parallel_loop3A_409 = arith.mulf %parallel_loop3A_408, %parallel_loop3A_380 : vector<16xf32>
          %parallel_loop3A_410 = arith.mulf %parallel_loop3A_409, %parallel_loop3A_406 : vector<16xf32>
          %parallel_loop3A_411 = arith.mulf %parallel_loop3A_410, %parallel_loop3A_406 : vector<16xf32>
          %parallel_loop3A_412 = arith.constant 1.500000e+00 : f32
          %parallel_loop3A_413 = vector.broadcast %parallel_loop3A_412 : f32 to vector<16xf32>
          %parallel_loop3A_414 = arith.subf %parallel_loop3A_413, %parallel_loop3A_411 : vector<16xf32>
          %parallel_loop3A_415 = arith.mulf %parallel_loop3A_406, %parallel_loop3A_414 : vector<16xf32>
          %parallel_loop3A_416 = arith.constant 5.000000e-01 : f32
          %parallel_loop3A_417 = vector.broadcast %parallel_loop3A_416 : f32 to vector<16xf32>
          %parallel_loop3A_418 = arith.mulf %parallel_loop3A_417, %parallel_loop3A_380 : vector<16xf32>
          %parallel_loop3A_419 = arith.mulf %parallel_loop3A_418, %parallel_loop3A_415 : vector<16xf32>
          %parallel_loop3A_420 = arith.mulf %parallel_loop3A_419, %parallel_loop3A_415 : vector<16xf32>
          %parallel_loop3A_421 = arith.constant 1.500000e+00 : f32
          %parallel_loop3A_422 = vector.broadcast %parallel_loop3A_421 : f32 to vector<16xf32>
          %parallel_loop3A_423 = arith.subf %parallel_loop3A_422, %parallel_loop3A_420 : vector<16xf32>
          %parallel_loop3A_424 = arith.mulf %parallel_loop3A_415, %parallel_loop3A_423 : vector<16xf32>
          %parallel_loop3A_425 = arith.mulf %parallel_loop3A_341, %parallel_loop3A_424 : vector<16xf32>
          %parallel_loop3A_426 = arith.index_cast %parallel_loop3A_161 : i32 to index
          %parallel_loop3A_427 = arith.constant 0 : index
          %parallel_loop3A_428 = tpu.vector_load %arg11[%parallel_loop3A_426, %parallel_loop3A_427] {strides = array<i32>} : memref<128x128xf32, #tpu.memory_space<vmem>>, vector<1x16xf32>,
          %parallel_loop3A_429 = vector.shape_cast %parallel_loop3A_428 : vector<1x16xf32> to vector<16xf32>
          %parallel_loop3A_430 = arith.mulf %parallel_loop3A_429, %parallel_loop3A_424 : vector<16xf32>
          %parallel_loop3A_431 = arith.subf %parallel_loop3A_430, %parallel_loop3A_425 : vector<16xf32>
          %parallel_loop3A_432 = arith.mulf %parallel_loop3A_431, %get3A_106 : vector<16xf32>
          %parallel_loop3A_433 = arith.addf %parallel_loop3A_432, %get3A_130 : vector<16xf32>
          %parallel_loop3A_434 = arith.index_cast %parallel_loop3A_161 : i32 to index
          %parallel_loop3A_435 = arith.constant 0 : index
          %parallel_loop3A_436 = tpu.vector_load %arg11[%parallel_loop3A_434, %parallel_loop3A_435] {strides = array<i32>} : memref<128x128xf32, #tpu.memory_space<vmem>>, vector<1x16xf32>,
          %parallel_loop3A_437 = vector.shape_cast %parallel_loop3A_436 : vector<1x16xf32> to vector<16xf32>
          %parallel_loop3A_438 = vector.shape_cast %parallel_loop3A_433 : vector<16xf32> to vector<1x16xf32>
          tpu.vector_store %arg11[%parallel_loop3A_434, %parallel_loop3A_435], %parallel_loop3A_438 {strides = array<i32>} : memref<128x128xf32, #tpu.memory_space<vmem>>, vector<1x16xf32>,
          %parallel_loop3A_439 = arith.index_cast %parallel_loop3A_161 : i32 to index
          %parallel_loop3A_440 = arith.constant 16 : index
          %parallel_loop3A_441 = tpu.vector_load %arg11[%parallel_loop3A_439, %parallel_loop3A_440] {strides = array<i32>} : memref<128x128xf32, #tpu.memory_space<vmem>>, vector<1x16xf32>,
          %parallel_loop3A_442 = vector.shape_cast %parallel_loop3A_441 : vector<1x16xf32> to vector<16xf32>
          %parallel_loop3A_443 = arith.mulf %parallel_loop3A_442, %parallel_loop3A_424 : vector<16xf32>
          %parallel_loop3A_444 = arith.subf %parallel_loop3A_443, %parallel_loop3A_425 : vector<16xf32>
          %parallel_loop3A_445 = arith.mulf %parallel_loop3A_444, %get3A_109 : vector<16xf32>
          %parallel_loop3A_446 = arith.addf %parallel_loop3A_445, %get3A_133 : vector<16xf32>
          %parallel_loop3A_447 = arith.index_cast %parallel_loop3A_161 : i32 to index
          %parallel_loop3A_448 = arith.constant 16 : index
          %parallel_loop3A_449 = tpu.vector_load %arg11[%parallel_loop3A_447, %parallel_loop3A_448] {strides = array<i32>} : memref<128x128xf32, #tpu.memory_space<vmem>>, vector<1x16xf32>,
          %parallel_loop3A_450 = vector.shape_cast %parallel_loop3A_449 : vector<1x16xf32> to vector<16xf32>
          %parallel_loop3A_451 = vector.shape_cast %parallel_loop3A_446 : vector<16xf32> to vector<1x16xf32>
          tpu.vector_store %arg11[%parallel_loop3A_447, %parallel_loop3A_448], %parallel_loop3A_451 {strides = array<i32>} : memref<128x128xf32, #tpu.memory_space<vmem>>, vector<1x16xf32>,
          %parallel_loop3A_452 = arith.index_cast %parallel_loop3A_161 : i32 to index
          %parallel_loop3A_453 = arith.constant 32 : index
          %parallel_loop3A_454 = tpu.vector_load %arg11[%parallel_loop3A_452, %parallel_loop3A_453] {strides = array<i32>} : memref<128x128xf32, #tpu.memory_space<vmem>>, vector<1x16xf32>,
          %parallel_loop3A_455 = vector.shape_cast %parallel_loop3A_454 : vector<1x16xf32> to vector<16xf32>
          %parallel_loop3A_456 = arith.mulf %parallel_loop3A_455, %parallel_loop3A_424 : vector<16xf32>
          %parallel_loop3A_457 = arith.subf %parallel_loop3A_456, %parallel_loop3A_425 : vector<16xf32>
          %parallel_loop3A_458 = arith.mulf %parallel_loop3A_457, %get3A_112 : vector<16xf32>
          %parallel_loop3A_459 = arith.addf %parallel_loop3A_458, %get3A_136 : vector<16xf32>
          %parallel_loop3A_460 = arith.index_cast %parallel_loop3A_161 : i32 to index
          %parallel_loop3A_461 = arith.constant 32 : index
          %parallel_loop3A_462 = tpu.vector_load %arg11[%parallel_loop3A_460, %parallel_loop3A_461] {strides = array<i32>} : memref<128x128xf32, #tpu.memory_space<vmem>>, vector<1x16xf32>,
          %parallel_loop3A_463 = vector.shape_cast %parallel_loop3A_462 : vector<1x16xf32> to vector<16xf32>
          %parallel_loop3A_464 = vector.shape_cast %parallel_loop3A_459 : vector<16xf32> to vector<1x16xf32>
          tpu.vector_store %arg11[%parallel_loop3A_460, %parallel_loop3A_461], %parallel_loop3A_464 {strides = array<i32>} : memref<128x128xf32, #tpu.memory_space<vmem>>, vector<1x16xf32>,
          %parallel_loop3A_465 = arith.index_cast %parallel_loop3A_161 : i32 to index
          %parallel_loop3A_466 = arith.constant 48 : index
          %parallel_loop3A_467 = tpu.vector_load %arg11[%parallel_loop3A_465, %parallel_loop3A_466] {strides = array<i32>} : memref<128x128xf32, #tpu.memory_space<vmem>>, vector<1x16xf32>,
          %parallel_loop3A_468 = vector.shape_cast %parallel_loop3A_467 : vector<1x16xf32> to vector<16xf32>
          %parallel_loop3A_469 = arith.mulf %parallel_loop3A_468, %parallel_loop3A_424 : vector<16xf32>
          %parallel_loop3A_470 = arith.subf %parallel_loop3A_469, %parallel_loop3A_425 : vector<16xf32>
          %parallel_loop3A_471 = arith.mulf %parallel_loop3A_470, %get3A_115 : vector<16xf32>
          %parallel_loop3A_472 = arith.addf %parallel_loop3A_471, %get3A_139 : vector<16xf32>
          %parallel_loop3A_473 = arith.index_cast %parallel_loop3A_161 : i32 to index
          %parallel_loop3A_474 = arith.constant 48 : index
          %parallel_loop3A_475 = tpu.vector_load %arg11[%parallel_loop3A_473, %parallel_loop3A_474] {strides = array<i32>} : memref<128x128xf32, #tpu.memory_space<vmem>>, vector<1x16xf32>,
          %parallel_loop3A_476 = vector.shape_cast %parallel_loop3A_475 : vector<1x16xf32> to vector<16xf32>
          %parallel_loop3A_477 = vector.shape_cast %parallel_loop3A_472 : vector<16xf32> to vector<1x16xf32>
          tpu.vector_store %arg11[%parallel_loop3A_473, %parallel_loop3A_474], %parallel_loop3A_477 {strides = array<i32>} : memref<128x128xf32, #tpu.memory_space<vmem>>, vector<1x16xf32>,
          %parallel_loop3A_478 = arith.index_cast %parallel_loop3A_161 : i32 to index
          %parallel_loop3A_479 = arith.constant 64 : index
          %parallel_loop3A_480 = tpu.vector_load %arg11[%parallel_loop3A_478, %parallel_loop3A_479] {strides = array<i32>} : memref<128x128xf32, #tpu.memory_space<vmem>>, vector<1x16xf32>,
          %parallel_loop3A_481 = vector.shape_cast %parallel_loop3A_480 : vector<1x16xf32> to vector<16xf32>
          %parallel_loop3A_482 = arith.mulf %parallel_loop3A_481, %parallel_loop3A_424 : vector<16xf32>
          %parallel_loop3A_483 = arith.subf %parallel_loop3A_482, %parallel_loop3A_425 : vector<16xf32>
          %parallel_loop3A_484 = arith.mulf %parallel_loop3A_483, %get3A_118 : vector<16xf32>
          %parallel_loop3A_485 = arith.addf %parallel_loop3A_484, %get3A_142 : vector<16xf32>
          %parallel_loop3A_486 = arith.index_cast %parallel_loop3A_161 : i32 to index
          %parallel_loop3A_487 = arith.constant 64 : index
          %parallel_loop3A_488 = tpu.vector_load %arg11[%parallel_loop3A_486, %parallel_loop3A_487] {strides = array<i32>} : memref<128x128xf32, #tpu.memory_space<vmem>>, vector<1x16xf32>,
          %parallel_loop3A_489 = vector.shape_cast %parallel_loop3A_488 : vector<1x16xf32> to vector<16xf32>
          %parallel_loop3A_490 = vector.shape_cast %parallel_loop3A_485 : vector<16xf32> to vector<1x16xf32>
          tpu.vector_store %arg11[%parallel_loop3A_486, %parallel_loop3A_487], %parallel_loop3A_490 {strides = array<i32>} : memref<128x128xf32, #tpu.memory_space<vmem>>, vector<1x16xf32>,
          %parallel_loop3A_491 = arith.index_cast %parallel_loop3A_161 : i32 to index
          %parallel_loop3A_492 = arith.constant 80 : index
          %parallel_loop3A_493 = tpu.vector_load %arg11[%parallel_loop3A_491, %parallel_loop3A_492] {strides = array<i32>} : memref<128x128xf32, #tpu.memory_space<vmem>>, vector<1x16xf32>,
          %parallel_loop3A_494 = vector.shape_cast %parallel_loop3A_493 : vector<1x16xf32> to vector<16xf32>
          %parallel_loop3A_495 = arith.mulf %parallel_loop3A_494, %parallel_loop3A_424 : vector<16xf32>
          %parallel_loop3A_496 = arith.subf %parallel_loop3A_495, %parallel_loop3A_425 : vector<16xf32>
          %parallel_loop3A_497 = arith.mulf %parallel_loop3A_496, %get3A_121 : vector<16xf32>
          %parallel_loop3A_498 = arith.addf %parallel_loop3A_497, %get3A_145 : vector<16xf32>
          %parallel_loop3A_499 = arith.index_cast %parallel_loop3A_161 : i32 to index
          %parallel_loop3A_500 = arith.constant 80 : index
          %parallel_loop3A_501 = tpu.vector_load %arg11[%parallel_loop3A_499, %parallel_loop3A_500] {strides = array<i32>} : memref<128x128xf32, #tpu.memory_space<vmem>>, vector<1x16xf32>,
          %parallel_loop3A_502 = vector.shape_cast %parallel_loop3A_501 : vector<1x16xf32> to vector<16xf32>
          %parallel_loop3A_503 = vector.shape_cast %parallel_loop3A_498 : vector<16xf32> to vector<1x16xf32>
          tpu.vector_store %arg11[%parallel_loop3A_499, %parallel_loop3A_500], %parallel_loop3A_503 {strides = array<i32>} : memref<128x128xf32, #tpu.memory_space<vmem>>, vector<1x16xf32>,
          %parallel_loop3A_504 = arith.index_cast %parallel_loop3A_161 : i32 to index
          %parallel_loop3A_505 = arith.constant 96 : index
          %parallel_loop3A_506 = tpu.vector_load %arg11[%parallel_loop3A_504, %parallel_loop3A_505] {strides = array<i32>} : memref<128x128xf32, #tpu.memory_space<vmem>>, vector<1x16xf32>,
          %parallel_loop3A_507 = vector.shape_cast %parallel_loop3A_506 : vector<1x16xf32> to vector<16xf32>
          %parallel_loop3A_508 = arith.mulf %parallel_loop3A_507, %parallel_loop3A_424 : vector<16xf32>
          %parallel_loop3A_509 = arith.subf %parallel_loop3A_508, %parallel_loop3A_425 : vector<16xf32>
          %parallel_loop3A_510 = arith.mulf %parallel_loop3A_509, %get3A_124 : vector<16xf32>
          %parallel_loop3A_511 = arith.addf %parallel_loop3A_510, %get3A_148 : vector<16xf32>
          %parallel_loop3A_512 = arith.index_cast %parallel_loop3A_161 : i32 to index
          %parallel_loop3A_513 = arith.constant 96 : index
          %parallel_loop3A_514 = tpu.vector_load %arg11[%parallel_loop3A_512, %parallel_loop3A_513] {strides = array<i32>} : memref<128x128xf32, #tpu.memory_space<vmem>>, vector<1x16xf32>,
          %parallel_loop3A_515 = vector.shape_cast %parallel_loop3A_514 : vector<1x16xf32> to vector<16xf32>
          %parallel_loop3A_516 = vector.shape_cast %parallel_loop3A_511 : vector<16xf32> to vector<1x16xf32>
          tpu.vector_store %arg11[%parallel_loop3A_512, %parallel_loop3A_513], %parallel_loop3A_516 {strides = array<i32>} : memref<128x128xf32, #tpu.memory_space<vmem>>, vector<1x16xf32>,
          %parallel_loop3A_517 = arith.index_cast %parallel_loop3A_161 : i32 to index
          %parallel_loop3A_518 = arith.constant 112 : index
          %parallel_loop3A_519 = tpu.vector_load %arg11[%parallel_loop3A_517, %parallel_loop3A_518] {strides = array<i32>} : memref<128x128xf32, #tpu.memory_space<vmem>>, vector<1x16xf32>,
          %parallel_loop3A_520 = vector.shape_cast %parallel_loop3A_519 : vector<1x16xf32> to vector<16xf32>
          %parallel_loop3A_521 = arith.mulf %parallel_loop3A_520, %parallel_loop3A_424 : vector<16xf32>
          %parallel_loop3A_522 = arith.subf %parallel_loop3A_521, %parallel_loop3A_425 : vector<16xf32>
          %parallel_loop3A_523 = arith.mulf %parallel_loop3A_522, %get3A_127 : vector<16xf32>
          %parallel_loop3A_524 = arith.addf %parallel_loop3A_523, %get3A_151 : vector<16xf32>
          %parallel_loop3A_525 = arith.index_cast %parallel_loop3A_161 : i32 to index
          %parallel_loop3A_526 = arith.constant 112 : index
          %parallel_loop3A_527 = tpu.vector_load %arg11[%parallel_loop3A_525, %parallel_loop3A_526] {strides = array<i32>} : memref<128x128xf32, #tpu.memory_space<vmem>>, vector<1x16xf32>,
          %parallel_loop3A_528 = vector.shape_cast %parallel_loop3A_527 : vector<1x16xf32> to vector<16xf32>
          %parallel_loop3A_529 = vector.shape_cast %parallel_loop3A_524 : vector<16xf32> to vector<1x16xf32>
          tpu.vector_store %arg11[%parallel_loop3A_525, %parallel_loop3A_526], %parallel_loop3A_529 {strides = array<i32>} : memref<128x128xf32, #tpu.memory_space<vmem>>, vector<1x16xf32>,
        } {sc.loop_unroll_factor = 2 : i64, sc.parallel_access}
        %mul3A_155 = arith.constant 128 : i32
        %mul3A_156 = arith.muli %sub3A_96, %mul3A_155 : i32
        %add3A_157 = arith.addi %mul3A_2, %mul3A_156 : i32
        %dma_start3A = arith.constant 0 : i32
        %dma_start3A_158 = tpu.memref_slice %arg7[%add3A_157, %dma_start3A] : memref<819200x128xf32, #tpu.memory_space<hbm>> -> memref<128x128xf32, #tpu.memory_space<hbm>>
        %dma_start3A_159 = arith.constant 0 : i32
        %dma_start3A_160 = tpu.memref_slice %arg7[%add3A_157, %dma_start3A_159] : memref<819200x128xf32, #tpu.memory_space<hbm>> -> memref<128x128xf32, #tpu.memory_space<hbm>>
        tpu.enqueue_dma source(%arg11 : memref<128x128xf32, #tpu.memory_space<vmem>>) target(%dma_start3A_160 : memref<128x128xf32, #tpu.memory_space<hbm>>) target_semaphore(%arg22 : memref<!tpu.dma_semaphore, #tpu.memory_space<semaphore_mem>>)
      } else {
      }
      %scan3A_95 = arith.constant 0 : i32
      scf.yield %scan3A_95 : i32
    }
    %scan3A_10 = arith.constant 51 : i32
    return
  }
}

</mosaic_0001>

<sc_bundles>
// kernel: kernel.3.cloned.1.call-start
scs
__scs_entry_jumppad:
0x0: {  	(pc) =	sbr.rel $0x88, $3  }
0x1: {  	(tag) =	ssettag $0x0;
	lr =	simm.s32 $0x1  }
0x2: {  	[smem:$0x3F9C] =	sst lr;
	_ =	strace $0xD0000000  }
0x3: {  	_ = 	snop  }
0x4: {  	_ = 	snop  }
0x5: {  	_ = 	snop  }
0x6: {  	_ = 	snop  }
0x7: {  	_ = 	snop  }
__scs_overlays_trampoline_lowered:
0x8: {  	[smem:$0x3FAB] =	sst s0  }
0x9: {  	[smem:$0x3FAC] =	sst s1  }
0xa: {  	[smem:$0x3FAD] =	sst s2  }
0xb: {  	[smem:$0x3FAE] =	sst s3  }
0xc: {  	[smem:$0x3FAF] =	sst s4  }
0xd: {  	[smem:$0x3FB0] =	sst s5  }
0xe: {  	[smem:$0x3FB1] =	sst s6  }
0xf: {  	[smem:$0x3FB2] =	sst s7  }
0x10: {  	[smem:$0x3FB3] =	sst s8  }
0x11: {  	[smem:$0x3FB4] =	sst s9;
	s0 =	simm.s32 @!p0 $0x0  }
0x12: {  	s1 =	sld [smem:$0x3F9A];
	s0 =	simm.s32 @p0 $0x1  }
0x13: {  	[smem:$0x3FB5] =	sst s0;
	s0 =	simm.s32 @!p1 $0x0  }
0x14: {  	s2 =	sld [smem:$0x3F99];
	s0 =	simm.s32 @p1 $0x1  }
0x15: {  	[smem:$0x3FB6] =	sst s0;
	s0 =	simm.s32 @!p2 $0x0  }
0x16: {  	s3 =	sld [smem:$0x3FDB];
	s0 =	simm.s32 @p2 $0x1  }
0x17: {  	s4 =	simm.s32 $0x1BF5;
	[smem:$0x3FB8] =	sst s0  }
0x18: {  	s0 =	sld [smem:$0x3F9B];
	_ =	swait.ge [sflag:s4], $0x0  }
0x19: {  	s7 =	sld [smem:$0x3F9C]  }
0x1a: {  	s8 =	sadd.s32 $0xFFFFE003, lr  }
0x1b: {  	s9 =	sadd.s32 $0xFFFFFEF7, lr;
	s5 =	simm.s32 $0xFFFFFFFF;
	p2 =	slt.u32 s8, $0xFFFFF086  }
0x1c: {  	p1 =	slt.u32 s9, $0xF7A;
	s5 =	simm.s32 @!p2 $0x0  }
0x1d: {  	s5 =	simm.s32 @p1 $0x1;
	p0 =	seq.s32 s7, s2  }
0x1e: {  	s7 =	smul.u32 @!p0 $0xF7A, s2;
	p2 =	seq.s32 @!p0 s5, $0x0  }
0x1f: {  	s9 =	smul.u32 $0xF7A, s1;
	s8 =	simm.s32 @!p0 $0x1BF5;
	p2 =	por !p2, p0  }
0x20: {  	[sflag:s8] =	ssyncset.s32 @!p0 $0xFFFFF086;
	s6 =	sadd.s32 @!p0 s3, s7;
	s7 =	simm.s32 @!p0 $0x108  }
0x21: {  	s3 =	sadd.s32 s3, s9;
	s6 =	sadd.s32 @!p0 $0x88, s6;
	s7 =	simm.s32 @p2 $0x1082  }
0x22: {  	[simem:s7], [sflag:s8] =	dma.local @!p0 [hbm:s6], $0xF7A  }
0x23: {  	s9 =	sor.u32 $0xD0000000, s2;
	s6 =	simm.s32 $0x108;
	_ =	swait.ge @!p0 [sflag:s8], $0x0  }
0x24: {  	s3 =	sadd.s32 $0x88, s3;
	s6 =	simm.s32 @!p1 $0x1082;
	[sflag:s4] =	ssyncset.s32 $0xFFFFF086  }
0x25: {  	[simem:s6], [sflag:s4] =	dma.local [hbm:s3], $0xF7A  }
0x26: {  	[smem:$0x3F9C] =	sst s1;
	(tag) =	ssettag s2;
	_ =	strace s9  }
0x27: {  	s1 =	sld [smem:$0x3FAC]  }
0x28: {  	s2 =	sld [smem:$0x3FAD]  }
0x29: {  	s4 =	sld [smem:$0x3FAF]  }
0x2a: {  	p0 =	seq.s32 s5, $0x0;
	s5 =	sld [smem:$0x3FB0]  }
0x2b: {  	s6 =	sld [smem:$0x3FB1]  }
0x2c: {  	s7 =	sld [smem:$0x3FB2]  }
0x2d: {  	s3 =	simm.s32 $0x108;
	s8 =	sld [smem:$0x3FB3]  }
0x2e: {  	s3 =	simm.s32 @!p0 $0x1082;
	s9 =	sld [smem:$0x3FB4]  }
0x2f: {  	lr =	sadd.s32 s0, s3;
	s0 =	sld [smem:$0x3FAB]  }
0x30: {  	s3 =	sld [smem:$0x3FAE]  }
0x31: {  	[smem:$0x3FB7] =	sst s10  }
0x32: {  	s10 =	sld [smem:$0x3FB5];
	_ =	sdelay $0x3  }
0x33: {  	p0 =	seq.s32 s10, $0x1;
	s10 =	sld [smem:$0x3FB7];
	_ =	sdelay $0x3  }
0x34: {  	[smem:$0x3FB7] =	sst s10  }
0x35: {  	s10 =	sld [smem:$0x3FB6];
	_ =	sdelay $0x3  }
0x36: {  	p1 =	seq.s32 s10, $0x1;
	s10 =	sld [smem:$0x3FB7];
	_ =	sdelay $0x3  }
0x37: {  	[smem:$0x3FB7] =	sst s10  }
0x38: {  	s10 =	sld [smem:$0x3FB8]  }
0x39: {  	_ = 	snop;
	(pc) =	sbr.ind lr, $3  }
0x3a: {  	_ = 	snop  }
0x3b: {  	_ = 	snop  }
0x3c: {  	p2 =	seq.s32 s10, $0x1;
	s10 =	sld [smem:$0x3FB7]  }
0x3d: {  	_ =	shalt  }
0x3e: {  	_ =	shalt  }
0x3f: {  	_ =	shalt  }
0x40: {  	_ =	shalt  }
0x41: {  	_ =	shalt  }
0x42: {  	_ =	shalt  }
0x43: {  	_ =	shalt  }
0x44: {  	_ =	shalt  }
0x45: {  	_ =	shalt  }
0x46: {  	_ =	shalt  }
0x47: {  	_ =	shalt  }
0x48: {  	_ =	shalt  }
0x49: {  	_ =	shalt  }
0x4a: {  	_ =	shalt  }
0x4b: {  	_ =	shalt  }
0x4c: {  	_ =	shalt  }
0x4d: {  	_ =	shalt  }
0x4e: {  	_ =	shalt  }
0x4f: {  	_ =	shalt  }
0x50: {  	_ =	shalt  }
0x51: {  	_ =	shalt  }
0x52: {  	_ =	shalt  }
0x53: {  	_ =	shalt  }
0x54: {  	_ =	shalt  }
0x55: {  	_ =	shalt  }
0x56: {  	_ =	shalt  }
0x57: {  	_ =	shalt  }
0x58: {  	_ =	shalt  }
0x59: {  	_ =	shalt  }
0x5a: {  	_ =	shalt  }
0x5b: {  	_ =	shalt  }
0x5c: {  	_ =	shalt  }
0x5d: {  	_ =	shalt  }
0x5e: {  	_ =	shalt  }
0x5f: {  	_ =	shalt  }
0x60: {  	_ =	shalt  }
0x61: {  	_ =	shalt  }
0x62: {  	_ =	shalt  }
0x63: {  	_ =	shalt  }
0x64: {  	_ =	shalt  }
0x65: {  	_ =	shalt  }
0x66: {  	_ =	shalt  }
0x67: {  	_ =	shalt  }
0x68: {  	_ =	shalt  }
0x69: {  	_ =	shalt  }
0x6a: {  	_ =	shalt  }
0x6b: {  	_ =	shalt  }
0x6c: {  	_ =	shalt  }
0x6d: {  	_ =	shalt  }
0x6e: {  	_ =	shalt  }
0x6f: {  	_ =	shalt  }
0x70: {  	_ =	shalt  }
0x71: {  	_ =	shalt  }
0x72: {  	_ =	shalt  }
0x73: {  	_ =	shalt  }
0x74: {  	_ =	shalt  }
0x75: {  	_ =	shalt  }
0x76: {  	_ =	shalt  }
0x77: {  	_ =	shalt  }
0x78: {  	_ =	shalt  }
0x79: {  	_ =	shalt  }
0x7a: {  	_ =	shalt  }
0x7b: {  	_ =	shalt  }
0x7c: {  	_ =	shalt  }
0x7d: {  	_ =	shalt  }
0x7e: {  	_ =	shalt  }
0x7f: {  	_ =	shalt  }
0x80: {  	_ =	shalt  }
0x81: {  	_ =	shalt  }
0x82: {  	_ =	shalt  }
0x83: {  	_ =	shalt  }
0x84: {  	_ =	shalt  }
0x85: {  	_ =	shalt  }
0x86: {  	_ =	shalt  }
0x87: {  	_ =	shalt  }
.Lfunc_end0:
.L_simem_size_0:
called_computation_lowered:
.L_overlay_start_0:
0x88: {  	s2 =	sld [smem:$0x3FD9]  }
0x89: {  	s3 =	sld [smem:$0x3FFE];
	_ =	sdelay $0x1  }
0x8a: {  	s1 =	srdreg.scid  }
0x8b: {  	s0 =	sand.u32 $0x1, s1  }
0x8c: {  	s17 =	sshll.u32 s0, $0xA;
	s2 =	sadd.s32 s3, s2  }
0x8d: {  	s2 =	sadd.s32 s2, s17  }
0x8e: {  	[smem:$0x3FC3] =	sst s2  }
0x8f: {  	_ = 	snop  }
0x90: {  	s2 =	sld [smem:$0x3FC8]  }
0x91: {  	s18 =	sld [smem:$0x3FC7]  }
0x92: {  	s4 =	sld [smem:$0x3FC6]  }
0x93: {  	s5 =	sld [smem:$0x3FC5]  }
0x94: {  	s6 =	sld [smem:$0x3FD0];
	(tm) =	ssettm $0x1  }
0x95: {  	s7 =	sld [smem:$0x3FFB];
	_ =	sdelay $0x3  }
0x96: {  	_ =	strace s7  }
0x97: {  	s7 =	sld [smem:$0x3FFC];
	_ =	sdelay $0x3  }
0x98: {  	_ =	strace s7  }
0x99: {  	s7 =	sld [smem:$0x3FFD];
	_ =	sdelay $0x3  }
0x9a: {  	_ =	strace s7  }
0x9b: {  	_ =	strace $0x8FFFFFFF  }
0x9c: {  	s19 =	sld [smem:$0x3FDB];
	_ =	sdelay $0x1  }
0x9d: {  	s8 =	simm.s32 $_scs_section_size  }
0x9e: {  	s9 =	simm.s32 $_size__tile_overlayer_lowered;
	s10 =	simm.s32 $_tile_overlayer_lowered  }
0x9f: {  	s22 =	simm.s32 $0x1BFF;
	s21 =	sshll.u32 s10, $0x1;
	s7 =	sadd.s32 s8, s19  }
0xa0: {  	s11 =	simm.s32 $0x0;
	s20 =	sshll.u32 s9, $0x1;
	s9 =	sadd.s32 s21, s7  }
0xa1: {  	[timem:s11], [sflag:s22] =	dma.local [hbm:s9], s20  }
0xa2: {  	_ =	swait.ge [sflag:s22], s20  }
0xa3: {  	s8 =	ssub.s32 $0x0, s20;
	[sflag:s22] =	ssyncset.done $0x0  }
0xa4: {  	[sflag:s22] =	ssyncadd.s32 s8;
	_ =	sdelay $0x1  }
0xa5: {  	s23 =	simm.s32 $0x1B8B  }
0xa6: {  	_ =	swait.ge [sflag:s23], $0x1  }
0xa7: {  	[sflag:s23] =	ssyncset.done $0x0  }
0xa8: {  	s25 =	simm.s32 $0x1B8E;
	s24 =	sld [smem:$0x3FFE];
	[sflag:s23] =	ssyncadd.s32 $0xFFFFFFFF  }
0xa9: {  	s26 =	simm.s32 $execute0_lowered;
	[smem:$0x3FD2] =	sst s25  }
0xaa: {  	s9 =	sshll.u32 s26, $0x1;
	_ =	strace $0x80000046;
	[dreg:$0x1] =	wrdreg $0xFFFFFFFF  }
0xab: {  	s28 =	simm.s32 $_size_execute0_lowered;
	s7 =	sadd.s32 s7, s9;
	[dreg:$0x0] =	wrdreg $0x0  }
0xac: {  	s9 =	sshll.u32 s28, $0x1;
	[dreg:$0x2] =	wrdreg s7  }
0xad: {  	[dreg:$0x3] =	wrdreg s9  }
0xae: {  	[dreg:$0x4] =	wrdreg $0xC0  }
0xaf: {  	_ =	task [dreg:s11], $0x5FFFF  }
0xb0: {  	[dreg:$0x1] =	wrdreg $0xFFFFFFFF  }
0xb1: {  	[dreg:$0x0] =	wrdreg $0x60  }
0xb2: {  	[dreg:$0x2] =	wrdreg s24  }
0xb3: {  	[dreg:$0x3] =	wrdreg s2  }
0xb4: {  	[dreg:$0x4] =	wrdreg s18  }
0xb5: {  	[dreg:$0x5] =	wrdreg s4  }
0xb6: {  	[dreg:$0x6] =	wrdreg s5  }
0xb7: {  	[dreg:$0x7] =	wrdreg s6  }
0xb8: {  	[dreg:$0x8] =	wrdreg $0x9  }
0xb9: {  	_ =	task.clear_ibuf [dreg:s11], $0x9FFFF;
	_ =	strace $0x90000046  }
0xba: {  	s29 =	simm.s32 $0x9;
	_ =	strace $0x80000048  }
0xbb: {  	_ =	swait.ge [sflag:s29], $0x1  }
0xbc: {  	[sflag:s29] =	ssyncadd.s32 $0xFFFFFFFF  }
0xbd: {  	_ =	strace $0x90000048  }
0xbe: {  	_ =	sfence  }
0xbf: {  	s30 =	sld [smem:$0x0];
	_ =	sdelay $0x2  }
0xc0: {  	s31 =	sshll.u32 s1, $0xD;
	s1 =	sshrl.u32 s1, $0x2  }
0xc1: {  	s3 =	sand.u32 $0x4000, s31;
	s1 =	sadd.s32 s1, s30  }
0xc2: {  	s0 =	sor.u32 s3, s0;
	s1 =	sshll.u32 s1, $0x11  }
0xc3: {  	s0 =	sor.u32 s1, s0  }
0xc4: {  	s0 =	sadd.s32 $0x8F2B, s0  }
0xc5: {  	[sflag:s0] =	ssyncadd.remote.s32 $0x1  }
0xc6: {  	_ =	sfence.sel $0xFFFF  }
0xc7: {  	[dreg:$0x0] =	wrdreg $0xFFFFFFFF;
	(pc) =	sbr.abs _section_cstart, $3  }
0xc8: {  	[dreg:$0x1] =	wrdreg $0xFFFFFFFF  }
0xc9: {  	_ =	task.clear_ibuf [dreg:s11], $0x2FFFF;
	_ =	strace $0x9FFFFFFF  }
0xca: {  	(tm) =	ssettm $0x7FFFFFFF  }
0xcb: {  	_ =	shalt  }
tec
execute0_lowered:
.L_overlay_start_1:
0x0: {  	(tag) =	ssettag $0x1  }
0x1: {  	v0 =	vimm.s32 $0xFEDCBA98;
	v1 =	vimm.s32 $0x76543210;
	v2 =	vimm.s32 $0xBA98FEDC  }
0x2: {  	v3 =	vimm.s32 $0x32107654;
	v4 =	vimm.s32 $0xDCFE98BA;
	v5 =	vimm.s32 $0x54761032  }
0x3: {  	s1 =	rddreg [dreg:$0x0];
	v6 =	vimm.s32 $0xEFCDAB89;
	v7 =	vimm.s32 $0x67452301;
	v0 =	vunpack.c.l.s4.s8 v0  }
0x4: {  	s0 =	rddreg [dreg:$0x1];
	v1 =	vunpack.c.l.s4.s8 v1;
	v2 =	vunpack.c.l.s4.s8 v2;
	v3 =	vunpack.c.l.s4.s8 v3  }
0x5: {  	s5 =	rddreg [dreg:$0x5];
	s6 =	simm.s32 $0x0;
	v4 =	vunpack.c.l.s4.s8 v4;
	v5 =	vunpack.c.l.s4.s8 v5;
	v6 =	vunpack.c.l.s4.s8 v6  }
0x6: {  	s2 =	srdreg.scid;
	s3 =	stileid.u32;
	s15 =	simm.s32 $0x80;
	v7 =	vunpack.c.l.s4.s8 v7;
	v0 =	vunpack.c.0.s8.s32 v0;
	v2 =	vunpack.c.0.s8.s32 v2  }
0x7: {  	s17 =	simm.s32 $0xA400;
	s2 =	sand.u32 $0x1, s2;
	s3 =	sshll.u32 s3, $0x1;
	v3 =	vunpack.c.0.s8.s32 v3;
	v4 =	vunpack.c.0.s8.s32 v4;
	v1 =	vunpack.c.0.s8.s32 v1  }
0x8: {  	s18 =	simm.s32 $0x1;
	s19 =	simm.s32 $0x2;
	s3 =	sor.u32 s2, s3;
	v5 =	vunpack.c.0.s8.s32 v5;
	v6 =	vunpack.c.0.s8.s32 v6;
	v0 =	vand.u32 $0xF, v0  }
0x9: {  	s20 =	simm.s32 $0x3;
	s2 =	ssub.s32 $0x2, s2;
	s4 =	smul.u32 $0xC80, s3;
	v7 =	vunpack.c.0.s8.s32 v7;
	v2 =	vcombine.low v3, v2;
	v0 =	vcombine.low v0, v1  }
.Ltmp0:
0xa: {  	[smem:$0x7FF] =	sst s6;
	s7 =	sshrl.u32 s2, $0x1;
	v59 =	vcombine.low v5, v4;
	(pc) =	sbr.rel .LBB2_1-.Ltmp0, $4  }
0xb: {  	s22 =	simm.s32 $0x5;
	_ =	strace $0x80000047;
	s2 =	ssub.s32 s2, s7;
	v60 =	vcombine.low v7, v6;
	v61 =	vand.u32 $0xF, v2;
	[tilespmem:$0x1FFC0] =	vst v0  }
0xc: {  	s23 =	simm.s32 $0x4;
	s1 =	sadd.s32 s4, s1;
	s31 =	smax.u32 s2, $0x1;
	v62 =	vand.u32 $0xF, v59;
	[tilespmem:$0x1FFD0] =	vst v61  }
0xd: {  	s25 =	simm.s32 $0x6;
	s1 =	sadd.s32 $0x400, s1;
	[dreg:$0x8] =	wrdreg s31;
	v63 =	vand.u32 $0xF, v60;
	[tilespmem:$0x1FFE0] =	vst v62  }
0xe: {  	s8 =	smul.u32 $0x6400, s3;
	s2 =	simm.s32 $0x0;
	[dreg:$0x7] =	wrdreg s1;
	[tilespmem:$0x1FFF0] =	vst v63  }
.LBB2_21:
0xf: {  	s2 =	rddreg [dreg:$0x9]  }
0x10: {  	s1 =	rddreg [dreg:$0x8];
	s2 =	sadd.s32 $0x1, s2  }
0x11: {  	p0 =	sne.s32 s2, s1  }
.Ltmp1:
0x12: {  	_ = 	snop;
	(pc) =	sbr.rel @!p0 .LBB2_22-.Ltmp1, $1  }
0x13: {  	_ =	sdelay $0x3  }
.LBB2_1:
0x14: {  	[dreg:$0x9] =	wrdreg s2  }
0x15: {  	s1 =	rddreg [dreg:$0x7];
	s13 =	simm.s32 $0x9  }
0x16: {  	[tilespmem:s6], [sflag:$0x9] =	stream.linear.gather [hbm4b:s1+s6], $0x6400, $0x38;
	[tilespmem:$0x1C900] =	vst v63  }
0x17: {  	_ =	swait.ge [sflag:s13], $0x6400  }
0x18: {  	[sflag:s13] =	ssyncset.done $0x0  }
0x19: {  	[sflag:s13] =	ssyncadd.s32 $0xFFFF9C00  }
0x1a: {  	s3 =	simm.s32 $0x16400;
	s14 =	rddreg [dreg:$0x2]  }
0x1b: {  	[tilespmem:s3], [sflag:$0x9] =	stream.linear.gather [hbm4b:s14+s6], $0x6400, $0x38;
	[tilespmem:$0x1C900] =	vst v63  }
0x1c: {  	_ =	swait.ge [sflag:s13], $0x6400  }
0x1d: {  	[sflag:s13] =	ssyncset.done $0x0  }
0x1e: {  	[sflag:s13] =	ssyncadd.s32 $0xFFFF9C00  }
0x1f: {  	s21 =	simm.s32 $0x1C800;
	s16 =	rddreg [dreg:$0x3]  }
0x20: {  	[tilespmem:s21], [sflag:$0x9] =	stream.linear.gather [hbm4b:s16+s6], $0x80, $0x38;
	[tilespmem:$0x1C900] =	vst v63  }
0x21: {  	_ =	swait.ge [sflag:s13], $0x80  }
0x22: {  	[sflag:s13] =	ssyncset.done $0x0  }
0x23: {  	[sflag:s13] =	ssyncadd.s32 $0xFFFFFF80  }
.Ltmp2:
0x24: {  	s26 =	simm.s32 $0x1C880;
	s24 =	rddreg [dreg:$0x4];
	(pc) =	sbr.rel .LBB2_2-.Ltmp2, $4  }
0x25: {  	[tilespmem:s26], [sflag:$0x9] =	stream.linear.gather [hbm4b:s24+s6], $0x80, $0x38;
	[tilespmem:$0x1C900] =	vst v63  }
0x26: {  	s28 =	simm.s32 $0xFE00;
	s29 =	simm.s32 $0x100;
	_ =	swait.ge [sflag:s13], $0x80  }
0x27: {  	s30 =	simm.s32 $0x8080;
	s31 =	simm.s32 $0x0;
	[sflag:s13] =	ssyncset.done $0x0  }
0x28: {  	s7 =	simm.s32 $0x0;
	s4 =	simm.s32 $0x0;
	[sflag:s13] =	ssyncadd.s32 $0xFFFFFF80  }
.LBB2_20:
0x29: {  	s4 =	sadd.s32 $0x1, s4  }
0x2a: {  	p0 =	sne.s32 s4, $0x33  }
.Ltmp3:
0x2b: {  	_ = 	snop;
	(pc) =	sbr.rel @!p0 .LBB2_21-.Ltmp3, $3  }
0x2c: {  	_ =	sdelay $0x1  }
0x2d: {  	s28 =	sadd.s32 $0x200, s28;
	s7 =	sadd.s32 $0x200, s7  }
0x2e: {  	s31 =	sadd.s32 $0x10000, s31;
	s29 =	sadd.s32 $0x200, s29;
	s30 =	sadd.s32 $0x10000, s30  }
.LBB2_2:
0x2f: {  	p0 =	sne.s32 s4, $0x0  }
.Ltmp4:
0x30: {  	_ = 	snop;
	(pc) =	sbr.rel @!p0 .LBB2_3-.Ltmp4, $2  }
0x31: {  	_ =	sdelay $0x2  }
0x32: {  	s1 =	sshll.u32 s4, $0x2  }
0x33: {  	_ =	swait.ge [sflag:s22], $0x4000;
	p1 =	seq.s32 s4, $0x32  }
0x34: {  	[sflag:s22] =	ssyncset.done $0x0;
	s2 =	sshll.u32 @!p1 s4, $0x9;
	s3 =	simm.s32 @!p1 $0x80  }
0x35: {  	s9 =	simm.s32 @!p1 $0x6400;
	[sflag:s22] =	ssyncadd.s32 $0xFFFFC000;
	s2 =	sand.u32 @!p1 $0x3FFFFE00, s2  }
0x36: {  	[tilespmem:s9], [sflag:$0x1] =	stream.indirect.gather @!p1 [hbm4b:s0+s3], $0x80, s2, s3, $0xb8;
	[tilespmem:$0x1C900] =	vst v63  }
0x37: {  	_ =	swait.ge [sflag:s23], $0x4000  }
0x38: {  	[sflag:s23] =	ssyncset.done $0x0  }
0x39: {  	[sflag:s23] =	ssyncadd.s32 $0xFFFFC000  }
0x3a: {  	v0 =	vld [tilespmem:$0x1C800];
	_ =	sdelay $0x4  }
0x3b: {  	[tilespmem:$0x1FEC0] =	vst v0;
	v0 =	vld [tilespmem:$0x1C880];
	_ =	sdelay $0x4  }
0x3c: {  	[tilespmem:$0x1FF30] =	vst v0;
	v0 =	vld [tilespmem:$0x1C890]  }
0x3d: {  	v1 =	vld [tilespmem:$0x1C810]  }
0x3e: {  	s16 =	sand.u32 $0xFFFF, s28;
	v4 =	vld [tilespmem:$0x1C820]  }
0x3f: {  	s21 =	sadd.s32 $0x180, s16;
	v57 =	vld [tilespmem:$0x1C830]  }
0x40: {  	s24 =	smulhi.u32 $0x147AE15, s21;
	v58 =	vld [tilespmem:$0x1C840]  }
0x41: {  	[tilespmem:$0x1FF40] =	vst v0;
	v0 =	vld [tilespmem:$0x1C8A0]  }
0x42: {  	s3 =	smul.u32 $0xC8, s24;
	v59 =	vld [tilespmem:$0x1C850];
	[tilespmem:$0x1FED0] =	vst v1  }
0x43: {  	v60 =	vld [tilespmem:$0x1C860];
	[tilespmem:$0x1FEE0] =	vst v4  }
0x44: {  	s3 =	ssub.s32 s16, s3;
	[tilespmem:$0x1FEF0] =	vst v57  }
0x45: {  	s9 =	smul.u32 $0x6400, s24;
	s11 =	sadd.s32 $0xFFFFFFFE, s3;
	[tilespmem:$0x1FF00] =	vst v58  }
0x46: {  	s2 =	sshll.u32 s16, $0x7;
	s10 =	sadd.s32 $0x182, s11;
	[tilespmem:$0x1FF50] =	vst v0;
	v0 =	vld [tilespmem:$0x1C8B0]  }
0x47: {  	s2 =	ssub.s32 s2, s9;
	p0 =	sgt.u32 s10, $0xC7;
	s10 =	simm.s32 $0xFFFFFF80;
	[tilespmem:$0x1FF10] =	vst v59  }
0x48: {  	s9 =	sadd.s32 $0x5C80, s2;
	s2 =	simm.s32 $0x12480;
	s10 =	simm.s32 @!p0 $0x6380;
	[tilespmem:$0x1FF20] =	vst v60  }
0x49: {  	s10 =	sadd.s32 s10, s9;
	v20 =	vld [tilespmem:s2+$0xFFFFFF80]  }
0x4a: {  	v21 =	vld [tilespmem:s10+$0x16400]  }
0x4b: {  	[tilespmem:$0x1FF60] =	vst v0;
	v0 =	vld [tilespmem:$0x1C8C0];
	_ =	sdelay $0x4  }
0x4c: {  	[tilespmem:$0x1FF70] =	vst v0;
	v0 =	vld [tilespmem:$0x1C8D0];
	_ =	sdelay $0x4  }
0x4d: {  	[tilespmem:$0x1FF80] =	vst v0;
	v0 =	vld [tilespmem:$0x1C8E0];
	_ =	sdelay $0x2  }
0x4e: {  	s11 =	sadd.s32 $0x183, s11  }
0x4f: {  	v5 =	vld [tilespmem:$0x1C8F0];
	p0 =	sgt.u32 s11, $0xC7;
	s11 =	sadd.s32 $0x6400, s9  }
0x50: {  	s11 =	smov.u32 @p0 s9;
	v4 =	vld [tilespmem:$0x1C870];
	[tilespmem:$0x1FF90] =	vst v0  }
0x51: {  	v55 =	vadd.f32 v21, v20;
	v61 =	vld [tilespmem:s11+$0x16400]  }
0x52: {  	v62 =	vld [tilespmem:s2+$0x0]  }
0x53: {  	[tilespmem:s2+$0xFFFFFF80] =	vst v55;
	v22 =	vld [tilespmem:s2+$0xFFFFFF90]  }
0x54: {  	v23 =	vld [tilespmem:s10+$0x16410];
	_ =	sdelay $0x3  }
0x55: {  	v12 =	vadd.f32 v61, v62  }
0x56: {  	v24 =	vld [tilespmem:s2+$0x10];
	v6 =	vadd.f32 v23, v22  }
0x57: {  	v7 =	vld [tilespmem:s2+$0xFFFFFFA0];
	[tilespmem:s2+$0x0] =	vst v12  }
0x58: {  	v63 =	vld [tilespmem:s11+$0x16410];
	[tilespmem:s2+$0xFFFFFF90] =	vst v6  }
0x59: {  	v8 =	vld [tilespmem:s10+$0x16420];
	_ =	sdelay $0x3  }
0x5a: {  	v13 =	vadd.f32 v63, v24  }
0x5b: {  	v25 =	vld [tilespmem:s2+$0x20];
	v47 =	vadd.f32 v8, v7  }
0x5c: {  	v10 =	vld [tilespmem:s2+$0xFFFFFFB0];
	[tilespmem:s2+$0x10] =	vst v13  }
0x5d: {  	v9 =	vld [tilespmem:s11+$0x16420];
	[tilespmem:s2+$0xFFFFFFA0] =	vst v47  }
0x5e: {  	v24 =	vld [tilespmem:s10+$0x16430];
	_ =	sdelay $0x3  }
0x5f: {  	v14 =	vadd.f32 v9, v25  }
0x60: {  	v26 =	vld [tilespmem:s2+$0x30];
	v48 =	vadd.f32 v24, v10  }
0x61: {  	v24 =	vld [tilespmem:s2+$0xFFFFFFC0];
	[tilespmem:s2+$0x20] =	vst v14  }
0x62: {  	v11 =	vld [tilespmem:s11+$0x16430];
	[tilespmem:s2+$0xFFFFFFB0] =	vst v48  }
0x63: {  	v25 =	vld [tilespmem:s10+$0x16440];
	_ =	sdelay $0x3  }
0x64: {  	v15 =	vadd.f32 v11, v26  }
0x65: {  	v27 =	vld [tilespmem:s2+$0x40];
	v49 =	vadd.f32 v25, v24  }
0x66: {  	v25 =	vld [tilespmem:s2+$0xFFFFFFD0];
	[tilespmem:s2+$0x30] =	vst v15  }
0x67: {  	v24 =	vld [tilespmem:s11+$0x16440];
	[tilespmem:s2+$0xFFFFFFC0] =	vst v49  }
0x68: {  	v26 =	vld [tilespmem:s10+$0x16450];
	_ =	sdelay $0x3  }
0x69: {  	v16 =	vadd.f32 v24, v27  }
0x6a: {  	v28 =	vld [tilespmem:s2+$0x50];
	v51 =	vadd.f32 v26, v25  }
0x6b: {  	v27 =	vld [tilespmem:s2+$0xFFFFFFE0];
	[tilespmem:s2+$0x40] =	vst v16  }
0x6c: {  	v25 =	vld [tilespmem:s11+$0x16450];
	[tilespmem:s2+$0xFFFFFFD0] =	vst v51  }
0x6d: {  	v31 =	vld [tilespmem:s10+$0x16460];
	_ =	sdelay $0x1  }
0x6e: {  	v32 =	vadd.f32 $0.0e+00, v55  }
0x6f: {  	v34 =	vmul.f32 v55, v55;
	v35 =	vmul.f32 v6, v6  }
0x70: {  	v17 =	vadd.f32 v25, v28;
	v25 =	vadd.f32 v6, v32  }
0x71: {  	v22 =	vmul.f32 v47, v47;
	v28 =	vadd.f32 v35, v34;
	v52 =	vadd.f32 v31, v27  }
0x72: {  	s12 =	sadd.s32 $0x0, s3;
	v29 =	vld [tilespmem:s2+$0x60];
	v43 =	vmul.f32 v48, v48;
	[tilespmem:s2+$0x50] =	vst v17;
	v25 =	vadd.f32 v47, v25  }
0x73: {  	s13 =	sadd.s32 $0x182, s12;
	v27 =	vmul.f32 v12, v12;
	v31 =	vmul.f32 v13, v13;
	v28 =	vadd.f32 v22, v28;
	v23 =	vld [tilespmem:s11+$0x16460];
	[tilespmem:s2+$0xFFFFFFE0] =	vst v52  }
0x74: {  	p0 =	sgt.u32 s13, $0xC7;
	v33 =	vadd.f32 $0.0e+00, v12;
	v25 =	vadd.f32 v48, v25;
	v36 =	vld [tilespmem:s10+$0x16470];
	s10 =	simm.s32 $0xFFFFFF80  }
0x75: {  	s13 =	sadd.s32 $0x100, s9;
	s9 =	simm.s32 $0x12580;
	v45 =	vmul.f32 v49, v49;
	v27 =	vadd.f32 v31, v27;
	v31 =	vld [tilespmem:s2+$0xFFFFFFF0];
	v28 =	vadd.f32 v43, v28;
	s10 =	simm.s32 @!p0 $0x6380  }
0x76: {  	v38 =	vld [tilespmem:s9+$0xFFFFFF80];
	v25 =	vadd.f32 v49, v25;
	s10 =	sadd.s32 s10, s13  }
0x77: {  	v33 =	vadd.f32 v13, v33;
	v46 =	vmul.f32 v51, v51;
	v32 =	vadd.f32 v45, v28;
	v39 =	vld [tilespmem:s10+$0x16400]  }
0x78: {  	v25 =	vadd.f32 v51, v25;
	v24 =	vadd.f32 v23, v29  }
0x79: {  	v44 =	vmul.f32 v14, v14;
	v33 =	vadd.f32 v14, v33;
	v29 =	vadd.f32 v46, v32  }
0x7a: {  	v30 =	vld [tilespmem:s2+$0x70];
	v46 =	vadd.f32 v36, v31;
	v25 =	vadd.f32 v52, v25;
	[tilespmem:s2+$0x60] =	vst v24  }
0x7b: {  	v33 =	vadd.f32 v15, v33;
	v40 =	vmul.f32 v15, v15;
	v27 =	vadd.f32 v44, v27;
	v0 =	vld [tilespmem:$0x1FFC0]  }
0x7c: {  	v50 =	vmul.f32 v52, v52;
	v54 =	vld [tilespmem:s11+$0x16470];
	v56 =	vadd.f32 v46, v25;
	v25 =	vadd.f32 v39, v38  }
0x7d: {  	v61 =	vld [tilespmem:s9+$0x0];
	v53 =	vmul.f32 v16, v16;
	v27 =	vadd.f32 v40, v27  }
0x7e: {  	s12 =	sadd.s32 $0x183, s12;
	v7 =	vld [tilespmem:s9+$0xFFFFFF90];
	v31 =	vadd.f32 v16, v33;
	v29 =	vadd.f32 v50, v29;
	v57 =	vmul.f32 v46, v46;
	[tilespmem:s9+$0xFFFFFF80] =	vst v25  }
0x7f: {  	v58 =	vmul.f32 v17, v17;
	p0 =	sgt.u32 s12, $0xC7;
	v27 =	vadd.f32 v53, v27;
	s11 =	sadd.s32 $0x6400, s13;
	v1 =	vld [tilespmem:$0x1FFD0]  }
0x80: {  	v31 =	vadd.f32 v17, v31;
	s11 =	smov.u32 @p0 s13;
	v29 =	vadd.f32 v57, v29;
	v9 =	vld [tilespmem:s10+$0x16410];
	v59 =	vperm.xlane v56, v0  }
0x81: {  	v8 =	vmul.f32 v24, v24;
	v27 =	vadd.f32 v58, v27;
	v60 =	vld [tilespmem:s11+$0x16400];
	v32 =	vadd.f32 v54, v30  }
0x82: {  	v31 =	vadd.f32 v24, v31;
	v63 =	vperm.xlane v29, v0;
	v62 =	vadd.f32 v59, v56  }
0x83: {  	v27 =	vadd.f32 v8, v27;
	v10 =	vmul.f32 v32, v32  }
0x84: {  	v29 =	vadd.f32 v63, v29;
	v31 =	vadd.f32 v32, v31;
	v30 =	vperm.xlane v62, v1  }
0x85: {  	v2 =	vld [tilespmem:$0x1FFE0];
	v35 =	vadd.f32 v10, v27;
	v27 =	vadd.f32 v9, v7  }
0x86: {  	v33 =	vadd.f32 v30, v62;
	v30 =	vadd.f32 v60, v61  }
0x87: {  	v44 =	vperm.xlane v31, v0;
	[tilespmem:s9+$0xFFFFFF90] =	vst v27  }
0x88: {  	v42 =	vperm.xlane v29, v1;
	[tilespmem:s9+$0x0] =	vst v30  }
0x89: {  	v31 =	vadd.f32 v44, v31;
	v21 =	vperm.xlane v35, v0;
	v3 =	vld [tilespmem:$0x1FFF0]  }
0x8a: {  	v29 =	vadd.f32 v42, v29;
	v20 =	vperm.xlane v33, v2  }
0x8b: {  	v60 =	vperm.xlane v31, v1;
	v34 =	vadd.f32 v21, v35  }
0x8c: {  	v22 =	vperm.xlane v29, v2;
	v33 =	vadd.f32 v20, v33  }
0x8d: {  	v11 =	vld [tilespmem:s9+$0x10];
	v31 =	vadd.f32 v60, v31;
	v7 =	vperm.xlane v34, v1  }
0x8e: {  	v23 =	vld [tilespmem:s11+$0x16410];
	v29 =	vadd.f32 v22, v29;
	v62 =	vperm.xlane v33, v3  }
0x8f: {  	v61 =	vld [tilespmem:s9+$0xFFFFFFA0];
	v53 =	vperm.xlane v31, v2;
	v39 =	vadd.f32 v7, v34  }
0x90: {  	v63 =	vld [tilespmem:s10+$0x16420];
	v8 =	vperm.xlane v29, v3;
	v33 =	vadd.f32 v62, v33  }
0x91: {  	v10 =	vperm.xlane v39, v2;
	v31 =	vadd.f32 v53, v31  }
0x92: {  	v9 =	vadd.f32 v8, v29;
	v56 =	vmul.f32 $7.812500000e-03, v33  }
0x93: {  	v34 =	vadd.f32 v23, v11;
	v20 =	vadd.f32 v10, v39;
	v22 =	vperm.xlane v31, v3  }
0x94: {  	v33 =	vmul.f32 $7.812500000e-03, v9;
	v11 =	vmul.f32 v56, v56  }
0x95: {  	v43 =	vld [tilespmem:s9+$0x20];
	v29 =	vadd.f32 v63, v61;
	[tilespmem:s9+$0x10] =	vst v34;
	v57 =	vperm.xlane v20, v3  }
0x96: {  	v21 =	vld [tilespmem:s11+$0x16420];
	v31 =	vadd.f32 v22, v31;
	v33 =	vsub.f32 v33, v11  }
0x97: {  	v23 =	vld [tilespmem:s9+$0xFFFFFFB0];
	[tilespmem:s9+$0xFFFFFFA0] =	vst v29;
	v35 =	vadd.f32 v57, v20  }
0x98: {  	v58 =	vld [tilespmem:s10+$0x16430];
	v38 =	vmul.f32 $7.812500000e-03, v31;
	v33 =	vadd.f32 $9.999999740e-06, v33  }
0x99: {  	v59 =	vmul.f32 $7.812500000e-03, v35  }
0x9a: {  	v61 =	vmul.f32 v38, v38;
	v31 =	vshra.s32 v33, $0x1;
	v53 =	vmul.f32 $5.000000000e-01, v33  }
0x9b: {  	v35 =	vadd.f32 v21, v43;
	v60 =	vsub.s32 $0x5F3759DF, v31  }
0x9c: {  	v33 =	vsub.f32 v59, v61;
	v62 =	vmul.f32 v60, v53  }
0x9d: {  	v45 =	vld [tilespmem:s9+$0x30];
	[tilespmem:s9+$0x20] =	vst v35;
	v31 =	vadd.f32 v58, v23  }
0x9e: {  	v7 =	vld [tilespmem:s11+$0x16430];
	v33 =	vadd.f32 $9.999999740e-06, v33;
	v63 =	vmul.f32 v60, v62  }
0x9f: {  	v8 =	vld [tilespmem:s9+$0xFFFFFFC0];
	[tilespmem:s9+$0xFFFFFFB0] =	vst v31  }
0xa0: {  	v9 =	vld [tilespmem:s10+$0x16440];
	v57 =	vshra.s32 v33, $0x1;
	v58 =	vmul.f32 $5.000000000e-01, v33;
	v39 =	vsub.f32 $1.500000000e+00, v63  }
0xa1: {  	v57 =	vsub.s32 $0x5F3759DF, v57  }
0xa2: {  	v59 =	vmul.f32 v57, v58;
	v39 =	vmul.f32 v60, v39  }
0xa3: {  	v36 =	vadd.f32 v7, v45  }
0xa4: {  	v10 =	vmul.f32 v57, v59;
	v60 =	vmul.f32 v39, v53  }
0xa5: {  	v42 =	vld [tilespmem:s9+$0x40];
	[tilespmem:s9+$0x30] =	vst v36;
	v33 =	vadd.f32 v9, v8  }
0xa6: {  	v20 =	vld [tilespmem:s11+$0x16440];
	v40 =	vsub.f32 $1.500000000e+00, v10;
	v11 =	vmul.f32 v60, v39  }
0xa7: {  	v21 =	vld [tilespmem:s9+$0xFFFFFFD0];
	[tilespmem:s9+$0xFFFFFFC0] =	vst v33  }
0xa8: {  	v22 =	vld [tilespmem:s10+$0x16450];
	v40 =	vmul.f32 v57, v40;
	v43 =	vsub.f32 $1.500000000e+00, v11;
	_ =	sdelay $0x1  }
0xa9: {  	v57 =	vmul.f32 v40, v58;
	v43 =	vmul.f32 v43, v39  }
0xaa: {  	v39 =	vadd.f32 v20, v42  }
0xab: {  	v7 =	vmul.f32 v57, v40;
	v23 =	vmul.f32 v43, v53  }
0xac: {  	v54 =	vld [tilespmem:s9+$0x50];
	v10 =	vmul.f32 v30, v30;
	v11 =	vmul.f32 v34, v34;
	v42 =	vadd.f32 v22, v21;
	[tilespmem:s9+$0x40] =	vst v39  }
0xad: {  	v41 =	vmul.f32 v27, v27;
	v44 =	vsub.f32 $1.500000000e+00, v7;
	v9 =	vld [tilespmem:s11+$0x16450];
	v8 =	vmul.f32 v23, v43  }
0xae: {  	v61 =	vld [tilespmem:s9+$0xFFFFFFE0];
	v62 =	vadd.f32 $0.0e+00, v30;
	v63 =	vmul.f32 v36, v36;
	v59 =	vadd.f32 v11, v10;
	[tilespmem:s9+$0xFFFFFFD0] =	vst v42  }
0xaf: {  	v21 =	vmul.f32 v35, v35;
	v44 =	vmul.f32 v44, v40;
	v20 =	vld [tilespmem:s10+$0x16460];
	v57 =	vsub.f32 $1.500000000e+00, v8  }
0xb0: {  	v11 =	vmul.f32 v31, v31;
	v7 =	vadd.f32 v34, v62;
	v10 =	vmul.f32 v39, v39  }
0xb1: {  	v22 =	vadd.f32 v21, v59;
	v37 =	vmul.f32 v44, v58;
	v57 =	vmul.f32 v57, v43  }
0xb2: {  	v23 =	vmul.f32 v25, v25;
	v60 =	vadd.f32 v35, v7;
	v40 =	vadd.f32 v9, v54  }
0xb3: {  	v45 =	vadd.f32 v63, v22;
	v37 =	vmul.f32 v37, v44;
	v53 =	vmul.f32 v57, v53  }
0xb4: {  	v50 =	vld [tilespmem:s9+$0x60];
	v54 =	vadd.f32 v41, v23;
	v9 =	vmul.f32 v29, v29;
	v43 =	vadd.f32 v20, v61;
	[tilespmem:s9+$0x50] =	vst v40  }
0xb5: {  	v20 =	vadd.f32 $0.0e+00, v25;
	v37 =	vsub.f32 $1.500000000e+00, v37;
	v8 =	vld [tilespmem:s11+$0x16460];
	v53 =	vmul.f32 v53, v57  }
0xb6: {  	v21 =	vld [tilespmem:s9+$0xFFFFFFF0];
	v45 =	vadd.f32 v10, v45;
	v23 =	vmul.f32 v33, v33;
	v54 =	vadd.f32 v9, v54;
	[tilespmem:s9+$0xFFFFFFE0] =	vst v43  }
0xb7: {  	v62 =	vmul.f32 v37, v44;
	v41 =	vld [tilespmem:s10+$0x16470];
	v37 =	vadd.f32 v27, v20;
	v53 =	vsub.f32 $1.500000000e+00, v53  }
0xb8: {  	v7 =	vmul.f32 v40, v40;
	v9 =	vadd.f32 v36, v60;
	v22 =	vadd.f32 v11, v54  }
0xb9: {  	v58 =	vmul.f32 v62, v58;
	v10 =	vadd.f32 v29, v37;
	v0 =	vmul.f32 v53, v57  }
0xba: {  	v44 =	vadd.f32 v8, v50;
	v53 =	vadd.f32 v23, v22;
	v8 =	vmul.f32 v42, v42  }
0xbb: {  	v50 =	vadd.f32 v7, v45;
	v58 =	vmul.f32 v58, v62;
	v22 =	vadd.f32 v31, v10  }
0xbc: {  	v23 =	vmul.f32 v43, v43;
	v37 =	vadd.f32 v41, v21;
	v21 =	vadd.f32 v39, v9  }
0xbd: {  	v45 =	vmul.f32 v0, v56;
	v53 =	vadd.f32 v8, v53;
	v46 =	vmul.f32 v0, v46  }
0xbe: {  	v20 =	vmul.f32 v44, v44;
	v59 =	vadd.f32 v33, v22;
	v55 =	vmul.f32 v0, v55  }
0xbf: {  	v1 =	vld [tilespmem:s9+$0x70];
	[tilespmem:s9+$0x60] =	vst v44;
	v57 =	vmul.f32 v0, v6;
	v56 =	vmul.f32 v0, v47;
	v46 =	vsub.f32 v46, v45  }
0xc0: {  	v41 =	vsub.f32 $1.500000000e+00, v58;
	v54 =	vmul.f32 v0, v48;
	v49 =	vmul.f32 v0, v49;
	v11 =	vld [tilespmem:s11+$0x16470]  }
0xc1: {  	v60 =	vadd.f32 v20, v50;
	v63 =	vadd.f32 v42, v59;
	v46 =	vmul.f32 v46, v4  }
0xc2: {  	v61 =	vadd.f32 v23, v53;
	v58 =	vmul.f32 v41, v62;
	v62 =	vadd.f32 v40, v21  }
0xc3: {  	[tilespmem:$0x1FFA0] =	vst v4;
	v53 =	vmul.f32 v0, v51;
	v59 =	vadd.f32 v43, v63;
	v46 =	vadd.f32 v46, v5  }
0xc4: {  	s26 =	sshll.u32 s4, $0x9;
	[tilespmem:$0x1FFB0] =	vst v5;
	v51 =	vmul.f32 v0, v52;
	v52 =	vmul.f32 v37, v37;
	v47 =	vadd.f32 v44, v62  }
0xc5: {  	s12 =	sadd.s32 $0xFFFFFF80, s26;
	s10 =	simm.s32 $0x12580;
	s11 =	simm.s32 $0x2;
	v50 =	vadd.f32 v11, v1;
	v62 =	vadd.f32 v37, v59;
	v1 =	vmov v3;
	[tilespmem:s2+$0xFFFFFFF0] =	vst v46  }
.LBB2_5:
0xc6: {  	v0 =	vld [tilespmem:$0x1FFC0];
	_ =	sdelay $0x1  }
0xc7: {  	v59 =	vmul.f32 v58, v38;
	v2 =	vmov v42  }
0xc8: {  	s14 =	sadd.s32 s11, s3;
	v3 =	vmovc v34;
	v63 =	vmul.f32 v58, v15;
	v4 =	vmul.f32 v58, v16;
	v46 =	vadd.f32 v52, v61  }
0xc9: {  	s9 =	sadd.s32 $0x100, s9;
	v5 =	vmul.f32 v58, v17;
	s21 =	sadd.s32 $0x182, s14;
	s14 =	sadd.s32 $0x183, s14;
	v6 =	vadd.f32 v50, v47;
	v7 =	vmul.f32 v50, v50;
	[tilespmem:$0x1FEA0] =	vst v3;
	v3 =	vld [tilespmem:$0x1FFD0]  }
0xca: {  	v22 =	vmovc v30;
	v23 =	vmov v27;
	p3 =	sgt.u32 s21, $0xC7;
	p2 =	sgt.u32 s14, $0xC7;
	s14 =	simm.s32 $0xFFFFFF80;
	v48 =	vperm.xlane v62, v0;
	v8 =	vperm.xlane v46, v0  }
0xcb: {  	s13 =	sadd.s32 $0x100, s13;
	v27 =	vmovc v25;
	[tilespmem:$0x1FEB0] =	vst v2;
	s14 =	simm.s32 @!p3 $0x6380;
	v9 =	vadd.f32 v7, v60;
	v2 =	vmov v35;
	v35 =	vld [tilespmem:s9+$0xFFFFFF80];
	v10 =	vperm.xlane v6, v0  }
0xcc: {  	v42 =	vmul.f32 v58, v24;
	[tilespmem:$0x1FE90] =	vst v2;
	s26 =	sadd.s32 s14, s13;
	v2 =	vld [tilespmem:$0x1FFE0];
	v30 =	vadd.f32 v48, v62;
	v47 =	vadd.f32 v8, v46  }
0xcd: {  	v25 =	vmovc v36;
	v61 =	vmul.f32 v58, v12;
	v36 =	vld [tilespmem:s26+$0x16400];
	v11 =	vperm.xlane v9, v0;
	v38 =	vadd.f32 v10, v6  }
0xce: {  	v48 =	vperm.xlane v30, v3;
	v20 =	vperm.xlane v47, v3  }
0xcf: {  	v60 =	vmul.f32 v58, v14;
	s14 =	sadd.s32 $0x6400, s13;
	v34 =	vadd.f32 v11, v9;
	v21 =	vperm.xlane v38, v3  }
0xd0: {  	v28 =	vmovc v40;
	v40 =	vld [tilespmem:s9+$0x0];
	s14 =	smov.u32 @p2 s13;
	v62 =	vmul.f32 v58, v13;
	v30 =	vadd.f32 v48, v30;
	v7 =	vadd.f32 v20, v47  }
0xd1: {  	v52 =	vld [tilespmem:s14+$0x16400];
	v58 =	vmul.f32 v58, v32;
	v38 =	vadd.f32 v21, v38;
	v20 =	vperm.xlane v34, v3  }
0xd2: {  	v47 =	vadd.f32 v36, v35;
	v6 =	vperm.xlane v30, v2;
	v21 =	vperm.xlane v7, v2  }
0xd3: {  	v32 =	vmovc v50;
	v50 =	vsub.f32 v57, v45;
	v48 =	vperm.xlane v38, v2;
	v34 =	vadd.f32 v20, v34  }
0xd4: {  	v57 =	vld [tilespmem:s9+$0xFFFFFF90];
	[tilespmem:s9+$0xFFFFFF80] =	vst v47;
	v6 =	vadd.f32 v6, v30;
	v7 =	vadd.f32 v21, v7  }
0xd5: {  	v35 =	vld [tilespmem:s26+$0x16410];
	v38 =	vadd.f32 v48, v38;
	v20 =	vperm.xlane v34, v2  }
0xd6: {  	v30 =	vadd.f32 v52, v40;
	v52 =	vperm.xlane v6, v1;
	v10 =	vperm.xlane v7, v1  }
0xd7: {  	v13 =	vperm.xlane v38, v1;
	v34 =	vadd.f32 v20, v34  }
0xd8: {  	v46 =	vmov v43;
	v43 =	vld [tilespmem:s9+$0x10];
	[tilespmem:s9+$0x0] =	vst v30;
	v6 =	vadd.f32 v52, v6;
	v21 =	vadd.f32 v10, v7  }
0xd9: {  	v12 =	vld [tilespmem:s14+$0x16410];
	v7 =	vsub.f32 v54, v45;
	v38 =	vadd.f32 v13, v38;
	v13 =	vperm.xlane v34, v1  }
0xda: {  	v0 =	vld [tilespmem:$0x1FED0];
	v54 =	vsub.f32 v49, v45;
	v49 =	vadd.f32 v35, v57;
	v52 =	vmul.f32 $7.812500000e-03, v6  }
0xdb: {  	v20 =	vld [tilespmem:$0x1FEC0];
	v38 =	vmul.f32 $7.812500000e-03, v38;
	v57 =	vadd.f32 v13, v34  }
0xdc: {  	v6 =	vmul.f32 $7.812500000e-03, v21;
	v13 =	vsub.f32 v53, v45;
	[tilespmem:s9+$0xFFFFFF90] =	vst v49;
	v53 =	vld [tilespmem:s9+$0xFFFFFFA0];
	v41 =	vmul.f32 v52, v52  }
0xdd: {  	v55 =	vsub.f32 v55, v45;
	v35 =	vld [tilespmem:s26+$0x16420];
	v10 =	vmul.f32 $7.812500000e-03, v57;
	v21 =	vmul.f32 v38, v38  }
0xde: {  	v34 =	vadd.f32 v12, v43;
	v6 =	vsub.f32 v6, v41  }
0xdf: {  	v56 =	vsub.f32 v56, v45;
	v11 =	vmul.f32 v30, v30;
	v10 =	vsub.f32 v10, v21  }
0xe0: {  	v8 =	vld [tilespmem:s9+$0x20];
	v45 =	vsub.f32 v51, v45;
	v12 =	vmul.f32 v55, v20;
	[tilespmem:s9+$0x10] =	vst v34;
	v6 =	vadd.f32 $9.999999740e-06, v6  }
0xe1: {  	v57 =	vmul.f32 v50, v0;
	v41 =	vmul.f32 v34, v34;
	v55 =	vld [tilespmem:s14+$0x16420];
	v10 =	vadd.f32 $9.999999740e-06, v10  }
0xe2: {  	v19 =	vld [tilespmem:$0x1FEF0];
	v50 =	vadd.f32 v35, v53;
	v51 =	vshra.s32 v6, $0x1;
	v6 =	vmul.f32 $5.000000000e-01, v6  }
0xe3: {  	v18 =	vld [tilespmem:$0x1FF00];
	v14 =	vshra.s32 v10, $0x1;
	v43 =	vmul.f32 $5.000000000e-01, v10;
	v51 =	vsub.s32 $0x5F3759DF, v51  }
0xe4: {  	v17 =	vld [tilespmem:$0x1FF10];
	v14 =	vsub.s32 $0x5F3759DF, v14;
	v21 =	vmul.f32 v51, v6  }
0xe5: {  	v11 =	vadd.f32 v41, v11;
	v10 =	vsub.f32 v63, v59;
	[tilespmem:s9+$0xFFFFFFA0] =	vst v50;
	v63 =	vld [tilespmem:s9+$0xFFFFFFB0];
	v41 =	vmul.f32 v14, v43  }
0xe6: {  	v4 =	vsub.f32 v4, v59;
	v35 =	vadd.f32 v55, v8;
	v8 =	vmul.f32 v51, v21;
	v21 =	vld [tilespmem:s26+$0x16430]  }
0xe7: {  	v26 =	vmov v39;
	v39 =	vld [tilespmem:s9+$0x40];
	v5 =	vsub.f32 v5, v59;
	v55 =	vmul.f32 v14, v41  }
0xe8: {  	v42 =	vsub.f32 v42, v59;
	v61 =	vsub.f32 v61, v59;
	v4 =	vmul.f32 v4, v18;
	v36 =	vld [tilespmem:s9+$0x30]  }
0xe9: {  	v54 =	vmul.f32 v54, v18;
	v18 =	vld [tilespmem:$0x1FF70];
	[tilespmem:s9+$0x20] =	vst v35;
	v8 =	vsub.f32 $1.500000000e+00, v8;
	v55 =	vsub.f32 $1.500000000e+00, v55  }
0xea: {  	v60 =	vsub.f32 v60, v59;
	v62 =	vsub.f32 v62, v59;
	v16 =	vld [tilespmem:s14+$0x16430]  }
0xeb: {  	v8 =	vmul.f32 v51, v8;
	v14 =	vmul.f32 v14, v55;
	v51 =	vadd.f32 v21, v63;
	v21 =	vld [tilespmem:$0x1FF30]  }
0xec: {  	v2 =	vld [tilespmem:$0x1FEE0];
	v9 =	vadd.f32 $0.0e+00, v30;
	v7 =	vmul.f32 v7, v19;
	v53 =	vmul.f32 v61, v20  }
0xed: {  	v58 =	vsub.f32 v58, v59;
	v20 =	vld [tilespmem:$0x1FF40];
	v59 =	vmul.f32 v8, v6;
	v41 =	vmul.f32 v14, v43  }
0xee: {  	v9 =	vadd.f32 v34, v9;
	v10 =	vmul.f32 v10, v19;
	v19 =	vld [tilespmem:$0x1FF60];
	v15 =	vmul.f32 v35, v35  }
0xef: {  	v36 =	vadd.f32 v16, v36;
	v16 =	vmul.f32 v59, v8;
	v59 =	vmul.f32 v41, v14;
	v41 =	vld [tilespmem:$0x1FF50]  }
0xf0: {  	v5 =	vmul.f32 v5, v17;
	v54 =	vadd.f32 v54, v18;
	v55 =	vld [tilespmem:s9+$0xFFFFFFC0];
	[tilespmem:s9+$0xFFFFFFB0] =	vst v51;
	v12 =	vadd.f32 v12, v21  }
0xf1: {  	v4 =	vadd.f32 v4, v18;
	v11 =	vadd.f32 v15, v11;
	v15 =	vmul.f32 v56, v2;
	v56 =	vld [tilespmem:s26+$0x16440];
	[tilespmem:s9+$0x30] =	vst v36  }
0xf2: {  	v63 =	vld [tilespmem:$0x1FF20];
	v61 =	vmul.f32 v36, v36;
	v16 =	vsub.f32 $1.500000000e+00, v16;
	[tilespmem:s2+$0xFFFFFF80] =	vst v12;
	v12 =	vadd.f32 v57, v20  }
0xf3: {  	v9 =	vadd.f32 v35, v9;
	v7 =	vadd.f32 v7, v19;
	v57 =	vmul.f32 v62, v0;
	v62 =	vld [tilespmem:s14+$0x16440]  }
0xf4: {  	v11 =	vadd.f32 v61, v11;
	v61 =	vld [tilespmem:$0x1FFA0];
	v8 =	vmul.f32 v16, v8;
	[tilespmem:s2+$0xFFFFFF90] =	vst v12;
	v12 =	vadd.f32 v15, v41  }
0xf5: {  	v13 =	vmul.f32 v13, v17;
	v10 =	vadd.f32 v10, v19;
	v9 =	vadd.f32 v36, v9;
	v0 =	vld [tilespmem:$0x1FF80]  }
0xf6: {  	v17 =	vld [tilespmem:$0x1FF90];
	v16 =	vsub.f32 $1.500000000e+00, v59;
	v59 =	vadd.f32 v56, v55;
	[tilespmem:s2+$0xFFFFFFA0] =	vst v12;
	v12 =	vmul.f32 v8, v6  }
0xf7: {  	v45 =	vmul.f32 v45, v63;
	v53 =	vadd.f32 v53, v21;
	v55 =	vmul.f32 v42, v63  }
0xf8: {  	v14 =	vmul.f32 v16, v14;
	[tilespmem:s9+$0xFFFFFFC0] =	vst v59;
	v42 =	vld [tilespmem:s9+$0xFFFFFFD0];
	v39 =	vadd.f32 v62, v39;
	v12 =	vmul.f32 v12, v8  }
0xf9: {  	v15 =	vmul.f32 v60, v2;
	v21 =	vadd.f32 v57, v20;
	v16 =	vmul.f32 v58, v61;
	v56 =	vld [tilespmem:s26+$0x16450];
	[tilespmem:s2+$0xFFFFFFB0] =	vst v7  }
0xfa: {  	v40 =	vld [tilespmem:s9+$0x50];
	v58 =	vmul.f32 v14, v43;
	v7 =	vadd.f32 v13, v0;
	[tilespmem:s9+$0x40] =	vst v39;
	v12 =	vsub.f32 $1.500000000e+00, v12  }
0xfb: {  	v63 =	vmul.f32 v49, v49;
	v57 =	vadd.f32 v15, v41;
	v13 =	vadd.f32 v45, v17;
	[tilespmem:s2+$0xFFFFFFC0] =	vst v54;
	v60 =	vld [tilespmem:s14+$0x16450]  }
0xfc: {  	v5 =	vadd.f32 v5, v0;
	v58 =	vmul.f32 v58, v14;
	v0 =	vld [tilespmem:$0x1FFB0];
	[tilespmem:s2+$0xFFFFFFD0] =	vst v7;
	v8 =	vmul.f32 v12, v8  }
0xfd: {  	v62 =	vmul.f32 v47, v47;
	v9 =	vadd.f32 v39, v9;
	v45 =	vmul.f32 v39, v39;
	[tilespmem:s2+$0xFFFFFFE0] =	vst v13  }
0xfe: {  	[tilespmem:s2+$0x0] =	vst v53;
	v12 =	vsub.f32 $1.500000000e+00, v58;
	v42 =	vadd.f32 v56, v42;
	v6 =	vmul.f32 v8, v6  }
0xff: {  	v54 =	vadd.f32 v63, v62;
	[tilespmem:s2+$0x10] =	vst v21;
	v11 =	vadd.f32 v45, v11  }
0x100: {  	v12 =	vmul.f32 v12, v14;
	v14 =	vld [tilespmem:s9+$0xFFFFFFE0];
	[tilespmem:s9+$0xFFFFFFD0] =	vst v42;
	v40 =	vadd.f32 v60, v40;
	v6 =	vmul.f32 v6, v8  }
0x101: {  	[tilespmem:s2+$0x20] =	vst v57;
	v15 =	vadd.f32 v16, v0;
	v16 =	vadd.f32 $0.0e+00, v47;
	v45 =	vld [tilespmem:s26+$0x16460]  }
0x102: {  	v24 =	vmovc v44;
	v44 =	vld [tilespmem:s9+$0x60];
	v62 =	vmul.f32 v59, v59;
	v13 =	vadd.f32 v55, v17;
	[tilespmem:s9+$0x50] =	vst v40;
	v6 =	vsub.f32 $1.500000000e+00, v6  }
0x103: {  	v57 =	vmul.f32 v50, v50;
	v2 =	vadd.f32 v49, v16;
	v43 =	vmul.f32 v12, v43;
	v20 =	vld [tilespmem:s14+$0x16460]  }
0x104: {  	v7 =	vadd.f32 v40, v9;
	v60 =	vmul.f32 v40, v40;
	[tilespmem:s2+$0x30] =	vst v10;
	v6 =	vmul.f32 v6, v8  }
0x105: {  	v48 =	vld [tilespmem:s9+$0x70];
	v55 =	vadd.f32 v50, v2;
	v21 =	vmul.f32 v43, v12;
	[tilespmem:s2+$0x40] =	vst v4;
	v4 =	vadd.f32 v57, v54  }
0x106: {  	[tilespmem:s2+$0x50] =	vst v5;
	v43 =	vadd.f32 v45, v14;
	v45 =	vmul.f32 v6, v52;
	v58 =	vmul.f32 v6, v37  }
0x107: {  	[tilespmem:s2+$0x60] =	vst v13;
	v9 =	vadd.f32 v60, v11;
	v60 =	vmul.f32 v51, v51;
	v10 =	vadd.f32 v51, v55  }
0x108: {  	v63 =	vmul.f32 v42, v42;
	v13 =	vld [tilespmem:s9+$0xFFFFFFF0];
	[tilespmem:s9+$0xFFFFFFE0] =	vst v43;
	v44 =	vadd.f32 v20, v44;
	v5 =	vsub.f32 v58, v45  }
0x109: {  	v17 =	vmovc v28;
	[tilespmem:s2+$0x70] =	vst v15;
	v8 =	vsub.f32 $1.500000000e+00, v21;
	v4 =	vadd.f32 v60, v4;
	v55 =	vmul.f32 v6, v27;
	v14 =	vld [tilespmem:s26+$0x16470]  }
0x10a: {  	v10 =	vadd.f32 v59, v10;
	v57 =	vmul.f32 v6, v23;
	[tilespmem:s9+$0x60] =	vst v44;
	v5 =	vmul.f32 v5, v61  }
0x10b: {  	s11 =	sadd.s32 $0x2, s11;
	v56 =	vmul.f32 v6, v29;
	v4 =	vadd.f32 v62, v4;
	v58 =	vmul.f32 v8, v12;
	v12 =	vmovc v22;
	v22 =	vld [tilespmem:s14+$0x16470]  }
0x10c: {  	p0 =	slt.u32 s11, $0x7E;
	v15 =	vmovc v25;
	v54 =	vmul.f32 v6, v31;
	v20 =	vadd.f32 v42, v10;
	v5 =	vadd.f32 v5, v0;
	v0 =	vld [tilespmem:$0x1FEB0]  }
.Ltmp5:
0x10d: {  	v25 =	vmovc v47;
	v47 =	vadd.f32 v44, v7;
	v21 =	vmul.f32 v44, v44;
	v4 =	vadd.f32 v63, v4;
	(pc) =	sbr.rel @p0 .LBB2_5-.Ltmp5, $4  }
0x10e: {  	v16 =	vmovc v26;
	v41 =	vmul.f32 v43, v43;
	v7 =	vadd.f32 v43, v20;
	v37 =	vadd.f32 v14, v13  }
0x10f: {  	v27 =	vmovc v49;
	v49 =	vmul.f32 v6, v33;
	v29 =	vmovc v50;
	v31 =	vmov v51;
	v60 =	vadd.f32 v21, v9  }
0x110: {  	s2 =	smov.u32 s10;
	v51 =	vmul.f32 v6, v46;
	v33 =	vmovc v59;
	v61 =	vadd.f32 v41, v4;
	v14 =	vld [tilespmem:$0x1FE90];
	v62 =	vadd.f32 v37, v7  }
0x111: {  	s10 =	smov.u32 s9;
	v13 =	vld [tilespmem:$0x1FEA0];
	[tilespmem:s2+$0xFFFFFFF0] =	vst v5;
	v52 =	vmul.f32 v37, v37;
	v50 =	vadd.f32 v22, v48;
	v53 =	vmul.f32 v6, v0  }
0x112: {  	v0 =	vld [tilespmem:$0x1FFC0];
	_ =	sdelay $0x3  }
0x113: {  	v11 =	vld [tilespmem:$0x1FFD0]  }
0x114: {  	v4 =	vadd.f32 v52, v61;
	v5 =	vperm.xlane v62, v0;
	_ =	sdelay $0x1  }
0x115: {  	v8 =	vperm.xlane v4, v0;
	v5 =	vadd.f32 v5, v62  }
0x116: {  	v20 =	vld [tilespmem:$0x1FFE0];
	v6 =	vadd.f32 v50, v47;
	v7 =	vmul.f32 v50, v50  }
0x117: {  	v4 =	vadd.f32 v8, v4;
	v10 =	vperm.xlane v5, v11  }
0x118: {  	v7 =	vadd.f32 v7, v60;
	v9 =	vperm.xlane v6, v0  }
0x119: {  	v18 =	vperm.xlane v4, v11;
	v5 =	vadd.f32 v10, v5  }
0x11a: {  	v2 =	vperm.xlane v7, v0;
	v6 =	vadd.f32 v9, v6  }
0x11b: {  	v4 =	vadd.f32 v18, v4;
	v21 =	vperm.xlane v5, v20  }
0x11c: {  	v7 =	vadd.f32 v2, v7;
	v19 =	vperm.xlane v6, v11  }
0x11d: {  	v23 =	vperm.xlane v4, v20;
	v5 =	vadd.f32 v21, v5  }
0x11e: {  	v22 =	vperm.xlane v7, v11;
	v6 =	vadd.f32 v19, v6  }
0x11f: {  	v4 =	vadd.f32 v23, v4;
	v26 =	vperm.xlane v5, v1  }
0x120: {  	v7 =	vadd.f32 v22, v7;
	v10 =	vperm.xlane v6, v20  }
0x121: {  	v41 =	vperm.xlane v4, v1;
	v5 =	vadd.f32 v26, v5  }
0x122: {  	v28 =	vperm.xlane v7, v20;
	v6 =	vadd.f32 v10, v6  }
0x123: {  	v4 =	vadd.f32 v41, v4;
	v5 =	vmul.f32 $7.812500000e-03, v5  }
0x124: {  	v7 =	vadd.f32 v28, v7;
	v10 =	vperm.xlane v6, v1  }
0x125: {  	v4 =	vmul.f32 $7.812500000e-03, v4;
	v46 =	vmul.f32 v5, v5  }
0x126: {  	v8 =	vperm.xlane v7, v1;
	v6 =	vadd.f32 v10, v6  }
0x127: {  	v4 =	vsub.f32 v4, v46  }
0x128: {  	v7 =	vadd.f32 v8, v7;
	v6 =	vmul.f32 $7.812500000e-03, v6  }
0x129: {  	v4 =	vadd.f32 $9.999999740e-06, v4  }
0x12a: {  	v7 =	vmul.f32 $7.812500000e-03, v7;
	v47 =	vmul.f32 v6, v6  }
0x12b: {  	v48 =	vshra.s32 v4, $0x1;
	v4 =	vmul.f32 $5.000000000e-01, v4  }
0x12c: {  	v7 =	vsub.f32 v7, v47;
	v8 =	vsub.s32 $0x5F3759DF, v48  }
0x12d: {  	v52 =	vmul.f32 v8, v4  }
0x12e: {  	v7 =	vadd.f32 $9.999999740e-06, v7  }
0x12f: {  	v9 =	vmul.f32 v8, v52  }
0x130: {  	v59 =	vshra.s32 v7, $0x1;
	v7 =	vmul.f32 $5.000000000e-01, v7  }
0x131: {  	v10 =	vsub.s32 $0x5F3759DF, v59;
	v9 =	vsub.f32 $1.500000000e+00, v9  }
0x132: {  	v60 =	vmul.f32 v10, v7  }
0x133: {  	v8 =	vmul.f32 v8, v9  }
0x134: {  	v11 =	vmul.f32 v10, v60  }
0x135: {  	v62 =	vmul.f32 v8, v4  }
0x136: {  	v63 =	vmul.f32 v58, v38;
	v12 =	vmul.f32 v58, v12;
	v61 =	vsub.f32 $1.500000000e+00, v11  }
0x137: {  	v15 =	vmul.f32 v58, v15;
	v11 =	vmul.f32 v62, v8  }
0x138: {  	v16 =	vmul.f32 v58, v16;
	v54 =	vsub.f32 v54, v45;
	v0 =	vld [tilespmem:$0x1FED0];
	v9 =	vmul.f32 v10, v61  }
0x139: {  	v12 =	vsub.f32 v12, v63;
	v13 =	vmul.f32 v58, v13;
	v2 =	vld [tilespmem:$0x1FEE0];
	v11 =	vsub.f32 $1.500000000e+00, v11  }
0x13a: {  	v15 =	vsub.f32 v15, v63;
	v14 =	vmul.f32 v58, v14;
	v19 =	vld [tilespmem:$0x1FEF0];
	v23 =	vmul.f32 v9, v7  }
0x13b: {  	v16 =	vsub.f32 v16, v63;
	v13 =	vsub.f32 v13, v63;
	v18 =	vld [tilespmem:$0x1FF00];
	v8 =	vmul.f32 v11, v8  }
0x13c: {  	v14 =	vsub.f32 v14, v63;
	v20 =	vmul.f32 v58, v17;
	v17 =	vld [tilespmem:$0x1FF10];
	v23 =	vmul.f32 v23, v9  }
0x13d: {  	v13 =	vmul.f32 v13, v0;
	v22 =	vsub.f32 v55, v45;
	v28 =	vmul.f32 v8, v4  }
0x13e: {  	v14 =	vmul.f32 v14, v2;
	v21 =	vmul.f32 v58, v24;
	v46 =	vld [tilespmem:$0x1FEC0];
	v23 =	vsub.f32 $1.500000000e+00, v23  }
0x13f: {  	v20 =	vsub.f32 v20, v63;
	v15 =	vmul.f32 v15, v19;
	v28 =	vmul.f32 v28, v8  }
0x140: {  	v55 =	vsub.f32 v49, v45;
	v16 =	vmul.f32 v16, v18;
	v9 =	vmul.f32 v23, v9  }
0x141: {  	v21 =	vsub.f32 v21, v63;
	v20 =	vmul.f32 v20, v17;
	v47 =	vld [tilespmem:$0x1FF50];
	v28 =	vsub.f32 $1.500000000e+00, v28  }
0x142: {  	v49 =	vld [tilespmem:$0x1FF30];
	v26 =	vsub.f32 v56, v45;
	v48 =	vmul.f32 v58, v32;
	v59 =	vmul.f32 v9, v7  }
0x143: {  	v56 =	vsub.f32 v51, v45;
	v51 =	vld [tilespmem:$0x1FF60];
	v22 =	vmul.f32 v22, v46;
	v8 =	vmul.f32 v28, v8  }
0x144: {  	v41 =	vsub.f32 v53, v45;
	v58 =	vmul.f32 v54, v19;
	v28 =	vmul.f32 v59, v9  }
0x145: {  	v12 =	vmul.f32 v12, v46;
	v52 =	vsub.f32 v57, v45;
	v45 =	vld [tilespmem:$0x1FF40];
	v4 =	vmul.f32 v8, v4  }
0x146: {  	v53 =	vadd.f32 v14, v47;
	v61 =	vmul.f32 v41, v17;
	v41 =	vld [tilespmem:$0x1FF20];
	v28 =	vsub.f32 $1.500000000e+00, v28  }
0x147: {  	v22 =	vadd.f32 v22, v49;
	v10 =	vsub.f32 v48, v63;
	v48 =	vld [tilespmem:$0x1FF70];
	v4 =	vmul.f32 v4, v8  }
0x148: {  	v54 =	vadd.f32 v15, v51;
	v12 =	vadd.f32 v12, v49;
	v9 =	vmul.f32 v28, v9  }
0x149: {  	v57 =	vmul.f32 v26, v2;
	v24 =	vmul.f32 v52, v0;
	[tilespmem:s2+$0xFFFFFF80] =	vst v22;
	v4 =	vsub.f32 $1.500000000e+00, v4  }
0x14a: {  	v60 =	vmul.f32 v55, v18;
	v63 =	vadd.f32 v58, v51;
	v32 =	vld [tilespmem:$0x1FF80];
	v7 =	vmul.f32 v9, v7  }
0x14b: {  	v24 =	vadd.f32 v24, v45;
	v13 =	vadd.f32 v13, v45;
	v4 =	vmul.f32 v4, v8  }
0x14c: {  	v62 =	vmul.f32 v56, v41;
	v1 =	vadd.f32 v60, v48;
	v7 =	vmul.f32 v7, v9  }
0x14d: {  	v21 =	vmul.f32 v21, v41;
	v23 =	vadd.f32 v57, v47;
	v5 =	vmul.f32 v4, v5  }
0x14e: {  	[tilespmem:s2+$0xFFFFFF90] =	vst v24;
	v28 =	vmul.f32 v4, v37;
	v7 =	vsub.f32 $1.500000000e+00, v7;
	v55 =	vmul.f32 v4, v25  }
0x14f: {  	v58 =	vadd.f32 v20, v32;
	v37 =	vld [tilespmem:$0x1FF90];
	v57 =	vmul.f32 v4, v27;
	v59 =	vmul.f32 v4, v29  }
0x150: {  	v11 =	vadd.f32 v61, v32;
	[tilespmem:s2+$0xFFFFFFA0] =	vst v23;
	v60 =	vmul.f32 v4, v31;
	v7 =	vmul.f32 v7, v9  }
0x151: {  	v22 =	vsub.f32 v28, v5;
	v28 =	vld [tilespmem:$0x1FFA0];
	[tilespmem:s2+$0xFFFFFFB0] =	vst v63;
	v63 =	vmul.f32 v4, v42;
	v15 =	vsub.f32 v55, v5  }
0x152: {  	[tilespmem:s2+$0xFFFFFFC0] =	vst v1;
	v9 =	vsub.f32 v57, v5;
	v6 =	vmul.f32 v7, v6;
	v34 =	vmul.f32 v7, v34  }
0x153: {  	[tilespmem:s2+$0xFFFFFFD0] =	vst v11;
	v20 =	vsub.f32 v59, v5;
	v35 =	vmul.f32 v7, v35;
	v36 =	vmul.f32 v7, v36  }
0x154: {  	[tilespmem:s2+$0x0] =	vst v12;
	v38 =	vmul.f32 v7, v39;
	v39 =	vmul.f32 v7, v40;
	v52 =	vadd.f32 v62, v37  }
0x155: {  	[tilespmem:s2+$0x10] =	vst v13;
	v42 =	vsub.f32 v60, v5;
	v40 =	vmul.f32 v7, v44;
	v15 =	vmul.f32 v15, v46  }
0x156: {  	v56 =	vadd.f32 v16, v48;
	v9 =	vmul.f32 v9, v0;
	v20 =	vmul.f32 v20, v2;
	[tilespmem:s2+$0xFFFFFFE0] =	vst v52  }
0x157: {  	v44 =	vsub.f32 v63, v5;
	v12 =	vmul.f32 v42, v19;
	v61 =	vadd.f32 v21, v37;
	v1 =	vld [tilespmem:$0x1FFB0];
	[tilespmem:s2+$0x20] =	vst v53  }
0x158: {  	v62 =	vmul.f32 v4, v33;
	v15 =	vadd.f32 v15, v49;
	v9 =	vadd.f32 v9, v45;
	[tilespmem:s2+$0x30] =	vst v54  }
0x159: {  	v4 =	vmul.f32 v4, v43;
	v55 =	vsub.f32 v35, v6;
	v57 =	vsub.f32 v38, v6;
	[tilespmem:s2+$0x40] =	vst v56  }
0x15a: {  	v33 =	vmul.f32 v7, v30;
	v59 =	vsub.f32 v39, v6;
	v60 =	vsub.f32 v40, v6;
	[tilespmem:s2+$0x50] =	vst v58  }
0x15b: {  	v7 =	vmul.f32 v7, v50;
	v43 =	vsub.f32 v62, v5;
	v4 =	vsub.f32 v4, v5;
	[tilespmem:s2+$0x60] =	vst v61  }
0x15c: {  	v8 =	vmul.f32 v44, v17;
	v52 =	vadd.f32 v20, v47;
	v13 =	vsub.f32 v33, v6;
	[tilespmem:s10+$0xFFFFFF80] =	vst v15  }
0x15d: {  	[tilespmem:s10+$0xFFFFFF90] =	vst v9;
	v53 =	vadd.f32 v12, v51;
	v54 =	vsub.f32 v34, v6;
	v61 =	vmul.f32 v59, v17  }
0x15e: {  	v8 =	vadd.f32 v8, v32;
	v56 =	vsub.f32 v36, v6;
	v50 =	vmul.f32 v43, v18;
	[tilespmem:s10+$0xFFFFFFA0] =	vst v52  }
0x15f: {  	v6 =	vsub.f32 v7, v6;
	v4 =	vmul.f32 v4, v41;
	[tilespmem:s10+$0xFFFFFFB0] =	vst v53;
	v7 =	vadd.f32 v61, v32  }
0x160: {  	v13 =	vmul.f32 v13, v46;
	[tilespmem:s10+$0xFFFFFFD0] =	vst v8;
	v5 =	vadd.f32 v50, v48  }
0x161: {  	v12 =	vmul.f32 v54, v0;
	v4 =	vadd.f32 v4, v37;
	[tilespmem:s10+$0x50] =	vst v7  }
0x162: {  	v9 =	vmul.f32 v56, v19;
	v58 =	vadd.f32 v13, v49;
	[tilespmem:s10+$0xFFFFFFC0] =	vst v5  }
0x163: {  	v10 =	vmul.f32 v10, v28;
	v12 =	vadd.f32 v12, v45;
	[tilespmem:s10+$0xFFFFFFE0] =	vst v4  }
0x164: {  	v22 =	vmul.f32 v22, v28;
	v62 =	vadd.f32 v9, v51;
	[tilespmem:s10+$0x0] =	vst v58  }
0x165: {  	v6 =	vmul.f32 v6, v28;
	v10 =	vadd.f32 v10, v1;
	[tilespmem:s10+$0x10] =	vst v12  }
0x166: {  	v31 =	vadd.f32 v22, v1;
	v5 =	vmul.f32 v57, v18;
	[tilespmem:s10+$0x30] =	vst v62  }
0x167: {  	v4 =	vmul.f32 v60, v41;
	v63 =	vadd.f32 v6, v1;
	[tilespmem:s2+$0x70] =	vst v10  }
0x168: {  	[tilespmem:s10+$0xFFFFFFF0] =	vst v31;
	v10 =	vmul.f32 v55, v2;
	v5 =	vadd.f32 v5, v48  }
0x169: {  	v4 =	vadd.f32 v4, v37;
	[tilespmem:s10+$0x70] =	vst v63  }
0x16a: {  	s26 =	sadd.s32 s8, s12;
	v10 =	vadd.f32 v10, v47;
	[tilespmem:s10+$0x40] =	vst v5  }
0x16b: {  	s2 =	sshll.u32 s26, $0x4;
	[tilespmem:s10+$0x60] =	vst v4  }
0x16c: {  	s3 =	simm.s32 $0x12400;
	s2 =	sadd.s32 s5, s2;
	[tilespmem:s10+$0x20] =	vst v10  }
0x16d: {  	[hbm4b:s2+s6] =	stream.linear.scatter [tilespmem:s3], [sflag:$0x8], $0x4000, $0x38;
	[tilespmem:$0x1C900] =	vst v63  }
.Ltmp6:
0x16e: {  	_ = 	snop;
	(pc) =	sbr.rel @p1 .LBB2_8-.Ltmp6, $4  }
.Ltmp7:
0x16f: {  	_ = 	snop;
	(pc) =	sbr.rel @!p1 .LBB2_7-.Ltmp7, $4  }
0x170: {  	_ =	swait.ge [sflag:s25], $0x4000  }
0x171: {  	[sflag:s25] =	ssyncset.done $0x0  }
0x172: {  	p0 =	por $0x1, $0x1;
	s3 =	sor.u32 $0x1, s1;
	[sflag:s25] =	ssyncadd.s32 $0xFFFFC000  }
0x173: {  	_ = 	snop  }
.LBB2_3:
0x174: {  	s2 =	simm.s32 $0x6400;
	s3 =	simm.s32 $0x1  }
0x175: {  	[tilespmem:s2], [sflag:$0x1] =	stream.indirect.gather [hbm4b:s0+s15], $0x80, s6, s15, $0xb8;
	[tilespmem:$0x1C900] =	vst v63  }
.LBB2_7:
0x176: {  	s2 =	sshll.u32 s3, $0x7  }
0x177: {  	p0 =	por $0x0, $0x0;
	s2 =	sand.u32 $0x3FFFFF80, s2  }
0x178: {  	[tilespmem:s17], [sflag:$0x2] =	stream.indirect.gather [hbm4b:s0+s15], $0x80, s2, s15, $0xb8;
	[tilespmem:$0x1C900] =	vst v63  }
.LBB2_8:
0x179: {  	p1 =	sgt.u32 s3, $0xC8  }
.Ltmp8:
0x17a: {  	_ = 	snop;
	(pc) =	sbr.rel @p1 .LBB2_12-.Ltmp8, $1  }
0x17b: {  	_ =	sdelay $0x3  }
0x17c: {  	_ =	swait.ge [sflag:s18], $0x4000  }
0x17d: {  	[sflag:s18] =	ssyncset.done $0x0  }
0x17e: {  	[sflag:s18] =	ssyncadd.s32 $0xFFFFC000  }
0x17f: {  	v0 =	vld [tilespmem:$0x1C800];
	_ =	sdelay $0x1  }
0x180: {  	v4 =	vld [tilespmem:$0x1C820];
	_ =	sdelay $0x2  }
0x181: {  	[tilespmem:$0x1FD90] =	vst v0;
	v0 =	vld [tilespmem:$0x1C810];
	_ =	sdelay $0x1  }
0x182: {  	[tilespmem:$0x1FDB0] =	vst v4;
	v4 =	vld [tilespmem:$0x1C830];
	_ =	sdelay $0x2  }
0x183: {  	[tilespmem:$0x1FDA0] =	vst v0;
	v0 =	vld [tilespmem:$0x1C880];
	_ =	sdelay $0x1  }
0x184: {  	[tilespmem:$0x1FDC0] =	vst v4;
	v4 =	vld [tilespmem:$0x1C840];
	_ =	sdelay $0x2  }
0x185: {  	[tilespmem:$0x1FE00] =	vst v0;
	v0 =	vld [tilespmem:$0x1C890];
	_ =	sdelay $0x1  }
0x186: {  	[tilespmem:$0x1FDD0] =	vst v4;
	v4 =	vld [tilespmem:$0x1C850]  }
0x187: {  	s2 =	smulhi.u32 $0x51EB851F, s7;
	_ =	sdelay $0x1  }
0x188: {  	s2 =	sshrl.u32 s2, $0x6;
	[tilespmem:$0x1FE10] =	vst v0;
	v0 =	vld [tilespmem:$0x1C8A0]  }
0x189: {  	s9 =	smul.u32 $0xC8, s2  }
0x18a: {  	[tilespmem:$0x1FDE0] =	vst v4;
	v4 =	vld [tilespmem:$0x1C860]  }
0x18b: {  	s12 =	ssub.s32 s7, s9  }
0x18c: {  	s11 =	sadd.s32 $0xFFFFFFFE, s12  }
0x18d: {  	s2 =	smul.u32 $0x6400, s2;
	s21 =	sadd.s32 $0x3, s11;
	[tilespmem:$0x1FE20] =	vst v0;
	v0 =	vld [tilespmem:$0x1C8B0]  }
0x18e: {  	s10 =	simm.s32 $0xFFFF9C80;
	p1 =	sgt.u32 s21, $0xC7  }
0x18f: {  	s24 =	ssub.s32 s31, s2;
	s2 =	simm.s32 $0x6480;
	s10 =	simm.s32 @!p1 $0x80;
	[tilespmem:$0x1FDF0] =	vst v4  }
0x190: {  	s10 =	sadd.s32 s10, s24;
	v20 =	vld [tilespmem:s2+$0x0]  }
0x191: {  	v21 =	vld [tilespmem:s10+$0x16400]  }
0x192: {  	[tilespmem:$0x1FE30] =	vst v0;
	v0 =	vld [tilespmem:$0x1C8C0];
	_ =	sdelay $0x4  }
0x193: {  	[tilespmem:$0x1FE40] =	vst v0;
	v0 =	vld [tilespmem:$0x1C8D0];
	_ =	sdelay $0x4  }
0x194: {  	[tilespmem:$0x1FE50] =	vst v0;
	v0 =	vld [tilespmem:$0x1C8E0];
	_ =	sdelay $0x2  }
0x195: {  	s11 =	sadd.s32 $0x2, s11  }
0x196: {  	v5 =	vld [tilespmem:$0x1C8F0];
	s13 =	sadd.s32 $0xFFFF9C00, s24;
	p1 =	sgt.u32 s11, $0xC7;
	s11 =	smov.u32 s24  }
0x197: {  	s11 =	smov.u32 @p1 s13;
	v4 =	vld [tilespmem:$0x1C870];
	[tilespmem:$0x1FE60] =	vst v0  }
0x198: {  	v55 =	vadd.f32 v21, v20;
	v20 =	vld [tilespmem:s11+$0x16400]  }
0x199: {  	v63 =	vld [tilespmem:s2+$0xFFFFFF80]  }
0x19a: {  	[tilespmem:s2+$0x0] =	vst v55;
	v22 =	vld [tilespmem:s2+$0x10]  }
0x19b: {  	v23 =	vld [tilespmem:s10+$0x16410];
	_ =	sdelay $0x3  }
0x19c: {  	v13 =	vadd.f32 v20, v63  }
0x19d: {  	v24 =	vld [tilespmem:s2+$0xFFFFFF90];
	v2 =	vadd.f32 v23, v22  }
0x19e: {  	v7 =	vld [tilespmem:s2+$0x20];
	[tilespmem:s2+$0xFFFFFF80] =	vst v13  }
0x19f: {  	v6 =	vld [tilespmem:s11+$0x16410];
	[tilespmem:s2+$0x10] =	vst v2  }
0x1a0: {  	v8 =	vld [tilespmem:s10+$0x16420];
	_ =	sdelay $0x3  }
0x1a1: {  	v14 =	vadd.f32 v6, v24  }
0x1a2: {  	v25 =	vld [tilespmem:s2+$0xFFFFFFA0];
	v47 =	vadd.f32 v8, v7  }
0x1a3: {  	v10 =	vld [tilespmem:s2+$0x30];
	[tilespmem:s2+$0xFFFFFF90] =	vst v14  }
0x1a4: {  	v9 =	vld [tilespmem:s11+$0x16420];
	[tilespmem:s2+$0x20] =	vst v47  }
0x1a5: {  	v24 =	vld [tilespmem:s10+$0x16430];
	_ =	sdelay $0x3  }
0x1a6: {  	v15 =	vadd.f32 v9, v25  }
0x1a7: {  	v26 =	vld [tilespmem:s2+$0xFFFFFFB0];
	v48 =	vadd.f32 v24, v10  }
0x1a8: {  	v24 =	vld [tilespmem:s2+$0x40];
	[tilespmem:s2+$0xFFFFFFA0] =	vst v15  }
0x1a9: {  	v11 =	vld [tilespmem:s11+$0x16430];
	[tilespmem:s2+$0x30] =	vst v48  }
0x1aa: {  	v25 =	vld [tilespmem:s10+$0x16440];
	_ =	sdelay $0x3  }
0x1ab: {  	v16 =	vadd.f32 v11, v26  }
0x1ac: {  	v27 =	vld [tilespmem:s2+$0xFFFFFFC0];
	v49 =	vadd.f32 v25, v24  }
0x1ad: {  	v25 =	vld [tilespmem:s2+$0x50];
	[tilespmem:s2+$0xFFFFFFB0] =	vst v16  }
0x1ae: {  	v24 =	vld [tilespmem:s11+$0x16440];
	[tilespmem:s2+$0x40] =	vst v49  }
0x1af: {  	v26 =	vld [tilespmem:s10+$0x16450];
	_ =	sdelay $0x3  }
0x1b0: {  	v17 =	vadd.f32 v24, v27  }
0x1b1: {  	v28 =	vld [tilespmem:s2+$0xFFFFFFD0];
	v51 =	vadd.f32 v26, v25  }
0x1b2: {  	v27 =	vld [tilespmem:s2+$0x60];
	[tilespmem:s2+$0xFFFFFFC0] =	vst v17  }
0x1b3: {  	v25 =	vld [tilespmem:s11+$0x16450];
	[tilespmem:s2+$0x50] =	vst v51  }
0x1b4: {  	v31 =	vld [tilespmem:s10+$0x16460];
	_ =	sdelay $0x1  }
0x1b5: {  	v32 =	vadd.f32 $0.0e+00, v55;
	_ =	sdelay $0x1  }
0x1b6: {  	v18 =	vadd.f32 v25, v28;
	v25 =	vadd.f32 v2, v32  }
0x1b7: {  	v52 =	vadd.f32 v31, v27  }
0x1b8: {  	v29 =	vld [tilespmem:s2+$0xFFFFFFE0];
	v27 =	vmul.f32 v13, v13;
	v31 =	vmul.f32 v14, v14;
	[tilespmem:s2+$0xFFFFFFD0] =	vst v18;
	v25 =	vadd.f32 v47, v25  }
0x1b9: {  	s26 =	sadd.s32 $0x0, s12;
	v34 =	vmul.f32 v55, v55;
	v33 =	vadd.f32 $0.0e+00, v13;
	v35 =	vmul.f32 v2, v2;
	v23 =	vld [tilespmem:s11+$0x16460]  }
0x1ba: {  	s14 =	sadd.s32 $0x3, s26;
	[tilespmem:s2+$0x60] =	vst v52;
	v27 =	vadd.f32 v31, v27;
	v31 =	vld [tilespmem:s2+$0x70];
	v25 =	vadd.f32 v48, v25  }
0x1bb: {  	p1 =	sgt.u32 s14, $0xC7;
	v22 =	vmul.f32 v47, v47;
	v28 =	vadd.f32 v35, v34;
	v36 =	vld [tilespmem:s10+$0x16470];
	s10 =	simm.s32 $0xFFFF9C80  }
0x1bc: {  	s9 =	simm.s32 $0x6580;
	s14 =	sadd.s32 $0x100, s24;
	v33 =	vadd.f32 v14, v33;
	s10 =	simm.s32 @!p1 $0x80;
	v25 =	vadd.f32 v49, v25  }
0x1bd: {  	v37 =	vld [tilespmem:s9+$0x0];
	v39 =	vmul.f32 v48, v48;
	v28 =	vadd.f32 v22, v28;
	s10 =	sadd.s32 s10, s14  }
0x1be: {  	v33 =	vadd.f32 v15, v33;
	v38 =	vld [tilespmem:s10+$0x16400];
	v0 =	vadd.f32 v51, v25  }
0x1bf: {  	v41 =	vmul.f32 v49, v49;
	v28 =	vadd.f32 v39, v28;
	v19 =	vadd.f32 v23, v29  }
0x1c0: {  	v40 =	vmul.f32 v15, v15;
	v46 =	vadd.f32 v36, v31;
	v0 =	vadd.f32 v52, v0  }
0x1c1: {  	v30 =	vld [tilespmem:s2+$0xFFFFFFF0];
	v33 =	vadd.f32 v16, v33;
	v42 =	vmul.f32 v51, v51;
	v32 =	vadd.f32 v41, v28;
	[tilespmem:s2+$0xFFFFFFE0] =	vst v19  }
0x1c2: {  	v39 =	vmul.f32 v16, v16;
	v27 =	vadd.f32 v40, v27;
	v53 =	vadd.f32 v46, v0;
	v0 =	vld [tilespmem:$0x1FFC0]  }
0x1c3: {  	v43 =	vmul.f32 v52, v52;
	v29 =	vadd.f32 v42, v32;
	v50 =	vld [tilespmem:s11+$0x16470];
	v24 =	vadd.f32 v38, v37  }
0x1c4: {  	v59 =	vld [tilespmem:s9+$0xFFFFFF80];
	v45 =	vmul.f32 v17, v17;
	v27 =	vadd.f32 v39, v27  }
0x1c5: {  	s13 =	sadd.s32 $0x2, s26;
	v62 =	vld [tilespmem:s9+$0x10];
	v31 =	vadd.f32 v17, v33;
	v29 =	vadd.f32 v43, v29;
	v54 =	vmul.f32 v46, v46;
	[tilespmem:s9+$0x0] =	vst v24  }
0x1c6: {  	v56 =	vmul.f32 v18, v18;
	p1 =	sgt.u32 s13, $0xC7;
	s13 =	sadd.s32 $0xFFFF9C00, s14;
	v27 =	vadd.f32 v45, v27;
	s11 =	smov.u32 s14;
	v1 =	vld [tilespmem:$0x1FFD0]  }
0x1c7: {  	v31 =	vadd.f32 v18, v31;
	s11 =	smov.u32 @p1 s13;
	v29 =	vadd.f32 v54, v29;
	v63 =	vld [tilespmem:s10+$0x16410];
	v57 =	vperm.xlane v53, v0  }
0x1c8: {  	v40 =	vmul.f32 v19, v19;
	v27 =	vadd.f32 v56, v27;
	v58 =	vld [tilespmem:s11+$0x16400];
	v32 =	vadd.f32 v50, v30  }
0x1c9: {  	v31 =	vadd.f32 v19, v31;
	v61 =	vperm.xlane v29, v0;
	v60 =	vadd.f32 v57, v53  }
0x1ca: {  	v27 =	vadd.f32 v40, v27;
	v6 =	vmul.f32 v32, v32  }
0x1cb: {  	v31 =	vadd.f32 v32, v31;
	v29 =	vadd.f32 v61, v29;
	v30 =	vperm.xlane v60, v1  }
0x1cc: {  	v3 =	vld [tilespmem:$0x1FFE0];
	v35 =	vadd.f32 v6, v27;
	v27 =	vadd.f32 v63, v62  }
0x1cd: {  	v33 =	vadd.f32 v30, v60;
	v30 =	vadd.f32 v58, v59  }
0x1ce: {  	v44 =	vperm.xlane v31, v0;
	[tilespmem:s9+$0x10] =	vst v27  }
0x1cf: {  	v42 =	vperm.xlane v29, v1;
	[tilespmem:s9+$0xFFFFFF80] =	vst v30  }
0x1d0: {  	v31 =	vadd.f32 v44, v31;
	v21 =	vperm.xlane v35, v0;
	v0 =	vld [tilespmem:$0x1FFF0]  }
0x1d1: {  	v29 =	vadd.f32 v42, v29;
	v11 =	vperm.xlane v33, v3  }
0x1d2: {  	v60 =	vperm.xlane v31, v1;
	v34 =	vadd.f32 v21, v35  }
0x1d3: {  	v22 =	vperm.xlane v29, v3;
	v33 =	vadd.f32 v11, v33  }
0x1d4: {  	v7 =	vld [tilespmem:s9+$0xFFFFFF90];
	v31 =	vadd.f32 v60, v31;
	v8 =	vperm.xlane v34, v1  }
0x1d5: {  	v23 =	vld [tilespmem:s11+$0x16410];
	v29 =	vadd.f32 v22, v29;
	v62 =	vperm.xlane v33, v0  }
0x1d6: {  	v61 =	vld [tilespmem:s9+$0x20];
	v53 =	vperm.xlane v31, v3;
	v39 =	vadd.f32 v8, v34  }
0x1d7: {  	v63 =	vld [tilespmem:s10+$0x16420];
	v9 =	vperm.xlane v29, v0;
	v33 =	vadd.f32 v62, v33  }
0x1d8: {  	v11 =	vperm.xlane v39, v3;
	v31 =	vadd.f32 v53, v31  }
0x1d9: {  	v10 =	vadd.f32 v9, v29;
	v56 =	vmul.f32 $7.812500000e-03, v33  }
0x1da: {  	v34 =	vadd.f32 v23, v7;
	v22 =	vadd.f32 v11, v39;
	v53 =	vperm.xlane v31, v0  }
0x1db: {  	v33 =	vmul.f32 $7.812500000e-03, v10;
	v21 =	vmul.f32 v56, v56  }
0x1dc: {  	v43 =	vld [tilespmem:s9+$0xFFFFFFA0];
	v29 =	vadd.f32 v63, v61;
	[tilespmem:s9+$0xFFFFFF90] =	vst v34;
	v58 =	vperm.xlane v22, v0  }
0x1dd: {  	v23 =	vld [tilespmem:s11+$0x16420];
	v31 =	vadd.f32 v53, v31;
	v33 =	vsub.f32 v33, v21  }
0x1de: {  	v57 =	vld [tilespmem:s9+$0x30];
	[tilespmem:s9+$0x20] =	vst v29;
	v35 =	vadd.f32 v58, v22  }
0x1df: {  	v59 =	vld [tilespmem:s10+$0x16430];
	v38 =	vmul.f32 $7.812500000e-03, v31;
	v33 =	vadd.f32 $9.999999740e-06, v33  }
0x1e0: {  	v60 =	vmul.f32 $7.812500000e-03, v35  }
0x1e1: {  	v62 =	vmul.f32 v38, v38;
	v31 =	vshra.s32 v33, $0x1;
	v53 =	vmul.f32 $5.000000000e-01, v33  }
0x1e2: {  	v35 =	vadd.f32 v23, v43;
	v61 =	vsub.s32 $0x5F3759DF, v31  }
0x1e3: {  	v33 =	vsub.f32 v60, v62;
	v63 =	vmul.f32 v61, v53  }
0x1e4: {  	v45 =	vld [tilespmem:s9+$0xFFFFFFB0];
	[tilespmem:s9+$0xFFFFFFA0] =	vst v35;
	v31 =	vadd.f32 v59, v57  }
0x1e5: {  	v8 =	vld [tilespmem:s11+$0x16430];
	v33 =	vadd.f32 $9.999999740e-06, v33;
	v7 =	vmul.f32 v61, v63  }
0x1e6: {  	v9 =	vld [tilespmem:s9+$0x40];
	[tilespmem:s9+$0x30] =	vst v31  }
0x1e7: {  	v10 =	vld [tilespmem:s10+$0x16440];
	v57 =	vshra.s32 v33, $0x1;
	v58 =	vmul.f32 $5.000000000e-01, v33;
	v39 =	vsub.f32 $1.500000000e+00, v7  }
0x1e8: {  	v57 =	vsub.s32 $0x5F3759DF, v57  }
0x1e9: {  	v59 =	vmul.f32 v57, v58;
	v39 =	vmul.f32 v61, v39  }
0x1ea: {  	v37 =	vadd.f32 v8, v45  }
0x1eb: {  	v11 =	vmul.f32 v57, v59;
	v60 =	vmul.f32 v39, v53  }
0x1ec: {  	v42 =	vld [tilespmem:s9+$0xFFFFFFC0];
	[tilespmem:s9+$0xFFFFFFB0] =	vst v37;
	v33 =	vadd.f32 v10, v9  }
0x1ed: {  	v22 =	vld [tilespmem:s11+$0x16440];
	v40 =	vsub.f32 $1.500000000e+00, v11;
	v21 =	vmul.f32 v60, v39  }
0x1ee: {  	v23 =	vld [tilespmem:s9+$0x50];
	[tilespmem:s9+$0x40] =	vst v33  }
0x1ef: {  	v7 =	vld [tilespmem:s10+$0x16450];
	v40 =	vmul.f32 v57, v40;
	v43 =	vsub.f32 $1.500000000e+00, v21;
	_ =	sdelay $0x1  }
0x1f0: {  	v57 =	vmul.f32 v40, v58;
	v43 =	vmul.f32 v43, v39  }
0x1f1: {  	v39 =	vadd.f32 v22, v42  }
0x1f2: {  	v9 =	vmul.f32 v57, v40;
	v8 =	vmul.f32 v43, v53  }
0x1f3: {  	v54 =	vld [tilespmem:s9+$0xFFFFFFD0];
	v21 =	vmul.f32 v30, v30;
	v22 =	vmul.f32 v34, v34;
	v42 =	vadd.f32 v7, v23;
	[tilespmem:s9+$0xFFFFFFC0] =	vst v39  }
0x1f4: {  	v62 =	vadd.f32 $0.0e+00, v30;
	v44 =	vsub.f32 $1.500000000e+00, v9;
	v11 =	vld [tilespmem:s11+$0x16450];
	v10 =	vmul.f32 v8, v43  }
0x1f5: {  	v63 =	vmul.f32 v37, v37;
	v61 =	vld [tilespmem:s9+$0x60];
	v7 =	vmul.f32 v35, v35;
	v59 =	vadd.f32 v22, v21;
	[tilespmem:s9+$0x50] =	vst v42  }
0x1f6: {  	v21 =	vadd.f32 v34, v62;
	v44 =	vmul.f32 v44, v40;
	v23 =	vld [tilespmem:s10+$0x16460];
	v57 =	vsub.f32 $1.500000000e+00, v10  }
0x1f7: {  	v41 =	vmul.f32 v39, v39;
	v9 =	vadd.f32 v7, v59;
	v7 =	vmul.f32 v31, v31  }
0x1f8: {  	v60 =	vadd.f32 v35, v21;
	v8 =	vmul.f32 v44, v58;
	v57 =	vmul.f32 v57, v43  }
0x1f9: {  	v10 =	vmul.f32 v24, v24;
	v40 =	vadd.f32 v11, v54;
	v11 =	vmul.f32 v27, v27  }
0x1fa: {  	v45 =	vadd.f32 v63, v9;
	v36 =	vmul.f32 v8, v44;
	v53 =	vmul.f32 v57, v53  }
0x1fb: {  	v50 =	vld [tilespmem:s9+$0xFFFFFFE0];
	v43 =	vadd.f32 v23, v61;
	v23 =	vmul.f32 v29, v29;
	[tilespmem:s9+$0xFFFFFFD0] =	vst v40;
	v54 =	vadd.f32 v11, v10  }
0x1fc: {  	v8 =	vadd.f32 $0.0e+00, v24;
	v36 =	vsub.f32 $1.500000000e+00, v36;
	v22 =	vld [tilespmem:s11+$0x16460];
	v53 =	vmul.f32 v53, v57  }
0x1fd: {  	v63 =	vld [tilespmem:s9+$0x70];
	v45 =	vadd.f32 v41, v45;
	v10 =	vmul.f32 v33, v33;
	[tilespmem:s9+$0x60] =	vst v43;
	v54 =	vadd.f32 v23, v54  }
0x1fe: {  	v62 =	vmul.f32 v36, v44;
	v11 =	vld [tilespmem:s10+$0x16470];
	v36 =	vadd.f32 v27, v8;
	v53 =	vsub.f32 $1.500000000e+00, v53  }
0x1ff: {  	v21 =	vmul.f32 v40, v40;
	v23 =	vadd.f32 v37, v60;
	v9 =	vadd.f32 v7, v54  }
0x200: {  	v58 =	vmul.f32 v62, v58;
	v7 =	vadd.f32 v29, v36;
	v41 =	vmul.f32 v53, v57  }
0x201: {  	v44 =	vadd.f32 v22, v50;
	v53 =	vadd.f32 v10, v9;
	v22 =	vmul.f32 v42, v42  }
0x202: {  	v50 =	vadd.f32 v21, v45;
	v10 =	vadd.f32 v39, v23;
	v58 =	vmul.f32 v58, v62  }
0x203: {  	v21 =	vmul.f32 v43, v43;
	v36 =	vadd.f32 v11, v63;
	v11 =	vadd.f32 v31, v7  }
0x204: {  	v45 =	vmul.f32 v41, v56;
	v53 =	vadd.f32 v22, v53;
	v46 =	vmul.f32 v41, v46  }
0x205: {  	v9 =	vmul.f32 v44, v44;
	v22 =	vsub.f32 $1.500000000e+00, v58;
	v55 =	vmul.f32 v41, v55  }
0x206: {  	v6 =	vld [tilespmem:s9+$0xFFFFFFF0];
	[tilespmem:s9+$0xFFFFFFE0] =	vst v44;
	v57 =	vmul.f32 v41, v2;
	v59 =	vadd.f32 v33, v11;
	v46 =	vsub.f32 v46, v45  }
0x207: {  	v23 =	vadd.f32 v40, v10;
	v56 =	vmul.f32 v41, v47;
	v54 =	vmul.f32 v41, v48;
	v8 =	vld [tilespmem:s11+$0x16470]  }
0x208: {  	v58 =	vmul.f32 v22, v62;
	v62 =	vadd.f32 v42, v59;
	v46 =	vmul.f32 v46, v4  }
0x209: {  	v49 =	vmul.f32 v41, v49;
	v60 =	vadd.f32 v9, v50;
	v61 =	vadd.f32 v21, v53  }
0x20a: {  	[tilespmem:$0x1FE70] =	vst v4;
	v53 =	vmul.f32 v41, v51;
	v63 =	vadd.f32 v43, v62;
	v46 =	vadd.f32 v46, v5  }
0x20b: {  	[tilespmem:$0x1FE80] =	vst v5;
	v48 =	vadd.f32 v44, v23;
	v51 =	vmul.f32 v41, v52;
	v52 =	vmul.f32 v36, v36  }
0x20c: {  	s13 =	sshll.u32 s4, $0x9;
	s10 =	simm.s32 $0x6580;
	v2 =	vmovc v1;
	s11 =	simm.s32 $0x2;
	v41 =	vmov v0;
	v50 =	vadd.f32 v8, v6;
	v62 =	vadd.f32 v36, v63;
	[tilespmem:s2+$0x70] =	vst v46  }
.LBB2_10:
0x20d: {  	v1 =	vld [tilespmem:$0x1FFC0];
	_ =	sdelay $0x3  }
0x20e: {  	s21 =	sadd.s32 s11, s12  }
0x20f: {  	v46 =	vadd.f32 v52, v61;
	s24 =	sadd.s32 $0x2, s21;
	s21 =	sadd.s32 $0x3, s21;
	v47 =	vperm.xlane v62, v1  }
0x210: {  	v23 =	vadd.f32 v50, v48;
	p3 =	sgt.u32 s21, $0xC7;
	s21 =	simm.s32 $0xFFFF9C80  }
0x211: {  	v4 =	vmovc v30;
	s14 =	sadd.s32 $0x100, s14;
	s9 =	sadd.s32 $0x100, s9;
	v52 =	vmul.f32 v50, v50;
	s21 =	simm.s32 @!p3 $0x80;
	v8 =	vperm.xlane v46, v1;
	v30 =	vadd.f32 v47, v62  }
0x212: {  	v26 =	vmov v35;
	v35 =	vld [tilespmem:s9+$0x0];
	s21 =	sadd.s32 s21, s14;
	v10 =	vperm.xlane v23, v1  }
0x213: {  	v9 =	vadd.f32 v52, v60;
	v21 =	vld [tilespmem:s21+$0x16400];
	v47 =	vadd.f32 v8, v46;
	v11 =	vperm.xlane v30, v2  }
0x214: {  	v59 =	vmul.f32 v58, v38;
	v0 =	vmov v34;
	v38 =	vadd.f32 v10, v23  }
0x215: {  	[tilespmem:$0x1FD60] =	vst v0;
	s26 =	smov.u32 s14;
	p2 =	sgt.u32 s24, $0xC7;
	s24 =	sadd.s32 $0xFFFF9C00, s14;
	v0 =	vperm.xlane v9, v1;
	v22 =	vperm.xlane v47, v2;
	v30 =	vadd.f32 v11, v30  }
0x216: {  	[tilespmem:$0x1FD40] =	vst v27;
	v63 =	vmul.f32 v58, v17;
	v25 =	vmov v40;
	v40 =	vld [tilespmem:s9+$0xFFFFFF80];
	s26 =	smov.u32 @p2 s24;
	v48 =	vperm.xlane v38, v2  }
0x217: {  	[tilespmem:$0x1FD70] =	vst v4;
	v4 =	vld [tilespmem:s26+$0x16400];
	v34 =	vadd.f32 v0, v9;
	v47 =	vadd.f32 v22, v47;
	v52 =	vperm.xlane v30, v3  }
0x218: {  	v5 =	vmovc v42;
	v6 =	vmul.f32 v58, v19;
	v38 =	vadd.f32 v48, v38;
	v48 =	vadd.f32 v21, v35  }
0x219: {  	[tilespmem:$0x1FD80] =	vst v5;
	v23 =	vperm.xlane v34, v2;
	v21 =	vperm.xlane v47, v3;
	v35 =	vadd.f32 v52, v30  }
0x21a: {  	v57 =	vsub.f32 v57, v45;
	v56 =	vsub.f32 v56, v45;
	v5 =	vmul.f32 v58, v18;
	[tilespmem:s9+$0x0] =	vst v48  }
0x21b: {  	v27 =	vmovc v37;
	v34 =	vadd.f32 v23, v34;
	v9 =	vld [tilespmem:s21+$0x16410];
	v37 =	vadd.f32 v21, v47;
	v23 =	vperm.xlane v35, v41  }
0x21c: {  	v55 =	vsub.f32 v55, v45;
	v22 =	vperm.xlane v38, v3;
	v30 =	vadd.f32 v4, v40;
	v4 =	vld [tilespmem:s9+$0x10]  }
0x21d: {  	v52 =	vperm.xlane v34, v3;
	v10 =	vperm.xlane v37, v41;
	v35 =	vadd.f32 v23, v35  }
0x21e: {  	v60 =	vmul.f32 v58, v15;
	v61 =	vmul.f32 v58, v13;
	v38 =	vadd.f32 v22, v38  }
0x21f: {  	v46 =	vmovc v43;
	v43 =	vld [tilespmem:s9+$0xFFFFFF90];
	[tilespmem:s9+$0xFFFFFF80] =	vst v30;
	v34 =	vadd.f32 v52, v34;
	v10 =	vadd.f32 v10, v37;
	v52 =	vmul.f32 $7.812500000e-03, v35  }
0x220: {  	v13 =	vperm.xlane v38, v41;
	v12 =	vld [tilespmem:s26+$0x16410];
	v37 =	vsub.f32 v54, v45;
	v54 =	vsub.f32 v49, v45  }
0x221: {  	v49 =	vadd.f32 v9, v4;
	v4 =	vmul.f32 $7.812500000e-03, v10;
	v22 =	vmul.f32 v52, v52  }
0x222: {  	v42 =	vmul.f32 v58, v14;
	v13 =	vadd.f32 v13, v38;
	v21 =	vperm.xlane v34, v41  }
0x223: {  	v62 =	vmul.f32 v58, v16;
	v58 =	vmul.f32 v58, v32;
	v4 =	vsub.f32 v4, v22;
	v22 =	vld [tilespmem:$0x1FD90]  }
0x224: {  	v32 =	vmovc v50;
	v50 =	vadd.f32 $0.0e+00, v30;
	v38 =	vmul.f32 $7.812500000e-03, v13;
	v10 =	vadd.f32 v21, v34  }
0x225: {  	v13 =	vsub.f32 v53, v45;
	[tilespmem:s9+$0x10] =	vst v49;
	v34 =	vadd.f32 v12, v43;
	v12 =	vld [tilespmem:s9+$0x20]  }
0x226: {  	v45 =	vsub.f32 v51, v45;
	v35 =	vld [tilespmem:s21+$0x16420];
	v10 =	vmul.f32 $7.812500000e-03, v10;
	v23 =	vmul.f32 v38, v38  }
0x227: {  	v11 =	vmul.f32 v30, v30;
	v51 =	vadd.f32 v34, v50;
	v4 =	vadd.f32 $9.999999740e-06, v4  }
0x228: {  	v7 =	vld [tilespmem:s9+$0xFFFFFFA0];
	[tilespmem:s9+$0xFFFFFF90] =	vst v34;
	v50 =	vmul.f32 v34, v34;
	v10 =	vsub.f32 v10, v23;
	v9 =	vmul.f32 v55, v22  }
0x229: {  	v53 =	vld [tilespmem:s26+$0x16420];
	v55 =	vsub.f32 v61, v59;
	v61 =	vshra.s32 v4, $0x1;
	v4 =	vmul.f32 $5.000000000e-01, v4  }
0x22a: {  	v11 =	vadd.f32 v50, v11;
	v61 =	vsub.s32 $0x5F3759DF, v61  }
0x22b: {  	v10 =	vadd.f32 $9.999999740e-06, v10;
	v50 =	vadd.f32 v35, v12;
	v12 =	vmul.f32 v61, v4;
	_ =	sdelay $0x1  }
0x22c: {  	v8 =	vld [tilespmem:s9+$0xFFFFFFB0];
	v14 =	vshra.s32 v10, $0x1;
	v43 =	vmul.f32 $5.000000000e-01, v10;
	v12 =	vmul.f32 v61, v12  }
0x22d: {  	v21 =	vld [tilespmem:$0x1FDA0];
	v14 =	vsub.s32 $0x5F3759DF, v14;
	v35 =	vadd.f32 v53, v7  }
0x22e: {  	v10 =	vsub.f32 v62, v59;
	[tilespmem:s9+$0x20] =	vst v50;
	v7 =	vld [tilespmem:s9+$0x30];
	v62 =	vmul.f32 v14, v43;
	v12 =	vsub.f32 $1.500000000e+00, v12  }
0x22f: {  	v53 =	vld [tilespmem:s21+$0x16430];
	v23 =	vmul.f32 v35, v35  }
0x230: {  	v0 =	vld [tilespmem:$0x1FDC0];
	[tilespmem:s9+$0xFFFFFFA0] =	vst v35;
	v62 =	vmul.f32 v14, v62;
	v12 =	vmul.f32 v61, v12  }
0x231: {  	v42 =	vsub.f32 v42, v59;
	v16 =	vld [tilespmem:s26+$0x16430]  }
0x232: {  	v11 =	vadd.f32 v23, v11;
	v23 =	vsub.f32 $1.500000000e+00, v62;
	v62 =	vmul.f32 v12, v4  }
0x233: {  	v57 =	vmul.f32 v57, v21;
	v42 =	vmul.f32 v42, v21;
	v21 =	vld [tilespmem:$0x1FE10]  }
0x234: {  	v20 =	vld [tilespmem:$0x1FDB0];
	v15 =	vadd.f32 v35, v51;
	v51 =	vadd.f32 v53, v7;
	v7 =	vmul.f32 v62, v12  }
0x235: {  	v19 =	vld [tilespmem:$0x1FDD0]  }
0x236: {  	v61 =	vmul.f32 v37, v0;
	[tilespmem:s9+$0x30] =	vst v51;
	v37 =	vadd.f32 v16, v8;
	v8 =	vld [tilespmem:s9+$0x40];
	v7 =	vsub.f32 $1.500000000e+00, v7  }
0x237: {  	v28 =	vmov v24;
	v63 =	vsub.f32 v63, v59;
	v16 =	vmul.f32 v55, v22;
	v53 =	vld [tilespmem:s21+$0x16440]  }
0x238: {  	v24 =	vmovc v39;
	v39 =	vld [tilespmem:s9+$0xFFFFFFC0];
	v22 =	vadd.f32 v57, v21;
	v57 =	vmul.f32 v37, v37;
	v7 =	vmul.f32 v7, v12  }
0x239: {  	v18 =	vld [tilespmem:$0x1FDE0];
	v6 =	vsub.f32 v6, v59;
	v60 =	vsub.f32 v60, v59;
	[tilespmem:s9+$0xFFFFFFB0] =	vst v37  }
0x23a: {  	v56 =	vmul.f32 v56, v20;
	v62 =	vld [tilespmem:s26+$0x16440];
	v11 =	vadd.f32 v57, v11;
	v57 =	vmul.f32 v7, v4  }
0x23b: {  	v5 =	vsub.f32 v5, v59;
	v60 =	vmul.f32 v60, v20;
	v20 =	vld [tilespmem:$0x1FE20];
	v14 =	vmul.f32 v14, v23  }
0x23c: {  	v58 =	vsub.f32 v58, v59;
	v23 =	vld [tilespmem:$0x1FE00];
	v59 =	vadd.f32 v53, v8;
	v8 =	vmul.f32 v57, v7  }
0x23d: {  	v17 =	vld [tilespmem:$0x1FDF0];
	v55 =	vmul.f32 v14, v43  }
0x23e: {  	v5 =	vmul.f32 v5, v18;
	v40 =	vld [tilespmem:s9+$0xFFFFFFD0];
	v54 =	vmul.f32 v54, v19;
	v8 =	vsub.f32 $1.500000000e+00, v8  }
0x23f: {  	[tilespmem:$0x1FD50] =	vst v29;
	v13 =	vmul.f32 v13, v18;
	v18 =	vld [tilespmem:$0x1FE40];
	v55 =	vmul.f32 v55, v14;
	v39 =	vadd.f32 v62, v39  }
0x240: {  	v10 =	vmul.f32 v10, v0;
	v0 =	vld [tilespmem:$0x1FE50];
	[tilespmem:s2+$0x10] =	vst v22;
	v22 =	vadd.f32 v56, v20;
	v7 =	vmul.f32 v8, v7  }
0x241: {  	v9 =	vadd.f32 v9, v23;
	v12 =	vsub.f32 $1.500000000e+00, v55;
	v55 =	vmul.f32 v63, v19;
	v19 =	vld [tilespmem:$0x1FE30];
	[tilespmem:s9+$0xFFFFFFC0] =	vst v39  }
0x242: {  	[tilespmem:s2+$0x20] =	vst v22;
	v22 =	vld [tilespmem:s26+$0x16450];
	v4 =	vmul.f32 v7, v4  }
0x243: {  	v6 =	vmul.f32 v6, v17;
	v45 =	vmul.f32 v45, v17;
	v17 =	vld [tilespmem:$0x1FE60];
	v16 =	vadd.f32 v16, v23;
	[tilespmem:s2+$0x0] =	vst v9  }
0x244: {  	v29 =	vmovc v31;
	v31 =	vmov v44;
	v44 =	vld [tilespmem:s9+$0xFFFFFFE0];
	v23 =	vadd.f32 v42, v21;
	[tilespmem:s9+$0x40] =	vst v59;
	v4 =	vmul.f32 v4, v7  }
0x245: {  	v60 =	vadd.f32 v60, v20;
	v54 =	vadd.f32 v54, v18;
	v53 =	vld [tilespmem:s9+$0x50];
	v9 =	vmul.f32 v12, v14;
	[tilespmem:s2+$0xFFFFFF80] =	vst v16  }
0x246: {  	v56 =	vld [tilespmem:s21+$0x16450];
	[tilespmem:s2+$0xFFFFFF90] =	vst v23;
	v14 =	vadd.f32 v61, v19;
	v4 =	vsub.f32 $1.500000000e+00, v4  }
0x247: {  	v47 =	vld [tilespmem:s9+$0xFFFFFFF0];
	v5 =	vadd.f32 v5, v0;
	v62 =	vmul.f32 v9, v43;
	[tilespmem:s2+$0xFFFFFFA0] =	vst v60;
	v40 =	vadd.f32 v22, v40  }
0x248: {  	v63 =	vld [tilespmem:$0x1FE70];
	[tilespmem:s2+$0x30] =	vst v14;
	v14 =	vadd.f32 v45, v17;
	v45 =	vmul.f32 v39, v39;
	v4 =	vmul.f32 v4, v7  }
0x249: {  	v15 =	vadd.f32 v37, v15;
	v13 =	vadd.f32 v13, v0;
	v0 =	vld [tilespmem:$0x1FE80];
	v57 =	vmul.f32 v62, v9;
	[tilespmem:s9+$0xFFFFFFD0] =	vst v40  }
0x24a: {  	v11 =	vadd.f32 v45, v11;
	v21 =	vld [tilespmem:s26+$0x16460];
	[tilespmem:s2+$0xFFFFFFD0] =	vst v5;
	v45 =	vmul.f32 v4, v52;
	v5 =	vmul.f32 v4, v36  }
0x24b: {  	[tilespmem:s2+$0x40] =	vst v54;
	v15 =	vadd.f32 v39, v15;
	v42 =	vadd.f32 v56, v53  }
0x24c: {  	[tilespmem:s2+$0x50] =	vst v13;
	v13 =	vsub.f32 $1.500000000e+00, v57;
	v5 =	vsub.f32 v5, v45  }
0x24d: {  	v16 =	vadd.f32 $0.0e+00, v48;
	v23 =	vmul.f32 v49, v49;
	v12 =	vmul.f32 v58, v63;
	[tilespmem:s2+$0x60] =	vst v14  }
0x24e: {  	v10 =	vadd.f32 v10, v19;
	v9 =	vmul.f32 v13, v9;
	[tilespmem:s9+$0x50] =	vst v42;
	v13 =	vld [tilespmem:s9+$0x60];
	v5 =	vmul.f32 v5, v63  }
0x24f: {  	v1 =	vadd.f32 v49, v16;
	v12 =	vadd.f32 v12, v0;
	v22 =	vmul.f32 v48, v48;
	v61 =	vld [tilespmem:s21+$0x16460]  }
0x250: {  	v14 =	vadd.f32 v55, v18;
	v5 =	vadd.f32 v5, v0;
	v0 =	vld [tilespmem:$0x1FD40]  }
0x251: {  	v62 =	vadd.f32 v40, v15;
	v15 =	vmul.f32 v40, v40;
	v57 =	vadd.f32 v23, v22  }
0x252: {  	v43 =	vmul.f32 v9, v43;
	[tilespmem:s2+$0xFFFFFFC0] =	vst v14;
	v14 =	vadd.f32 v50, v1;
	v1 =	vmul.f32 v50, v50  }
0x253: {  	v6 =	vadd.f32 v6, v17;
	v60 =	vmul.f32 v51, v51  }
0x254: {  	[tilespmem:s2+$0xFFFFFFB0] =	vst v10;
	v10 =	vadd.f32 v15, v11;
	v56 =	vmul.f32 v43, v9;
	v58 =	vadd.f32 v1, v57  }
0x255: {  	[tilespmem:s2+$0xFFFFFFF0] =	vst v12;
	v12 =	vadd.f32 v51, v14;
	v43 =	vadd.f32 v61, v13;
	v57 =	vmul.f32 v4, v0;
	v0 =	vld [tilespmem:$0x1FD50]  }
0x256: {  	[tilespmem:s2+$0xFFFFFFE0] =	vst v6;
	v11 =	vsub.f32 $1.500000000e+00, v56;
	v44 =	vadd.f32 v21, v44  }
0x257: {  	v13 =	vld [tilespmem:s9+$0x70];
	v6 =	vadd.f32 v60, v58;
	v61 =	vmul.f32 v59, v59;
	[tilespmem:s9+$0x60] =	vst v43  }
0x258: {  	v19 =	vmovc v31;
	v17 =	vmov v24;
	v12 =	vadd.f32 v59, v12;
	v58 =	vmul.f32 v11, v9;
	v14 =	vld [tilespmem:s21+$0x16470];
	[tilespmem:s9+$0xFFFFFFE0] =	vst v44  }
0x259: {  	s11 =	sadd.s32 $0x2, s11;
	v24 =	vmovc v48;
	v6 =	vadd.f32 v61, v6;
	v48 =	vadd.f32 v44, v62;
	v62 =	vmul.f32 v42, v42;
	v9 =	vld [tilespmem:s26+$0x16470]  }
0x25a: {  	p1 =	slt.u32 s11, $0x7E;
	v31 =	vmovc v51;
	v16 =	vmovc v27;
	v27 =	vmov v49;
	v21 =	vadd.f32 v42, v12;
	v56 =	vmul.f32 v4, v0;
	v0 =	vld [tilespmem:$0x1FD80]  }
.Ltmp9:
0x25b: {  	v18 =	vmovc v25;
	v55 =	vmul.f32 v4, v28;
	v23 =	vmul.f32 v43, v43;
	v6 =	vadd.f32 v62, v6;
	(pc) =	sbr.rel @p1 .LBB2_10-.Ltmp9, $4  }
0x25c: {  	v15 =	vmovc v26;
	v54 =	vmul.f32 v4, v29;
	v22 =	vadd.f32 v43, v21;
	v63 =	vmul.f32 v44, v44  }
0x25d: {  	v49 =	vmul.f32 v4, v33;
	v29 =	vmovc v50;
	v61 =	vadd.f32 v23, v6;
	v36 =	vadd.f32 v14, v13  }
0x25e: {  	s2 =	smov.u32 s10;
	v51 =	vmul.f32 v4, v46;
	v33 =	vmovc v59;
	v14 =	vld [tilespmem:$0x1FD60];
	v60 =	vadd.f32 v63, v10;
	v50 =	vadd.f32 v9, v47  }
0x25f: {  	s10 =	smov.u32 s9;
	v13 =	vld [tilespmem:$0x1FD70];
	[tilespmem:s2+$0x70] =	vst v5;
	v62 =	vadd.f32 v36, v22;
	v52 =	vmul.f32 v36, v36;
	v53 =	vmul.f32 v4, v0  }
0x260: {  	v0 =	vld [tilespmem:$0x1FFC0];
	_ =	sdelay $0x4  }
0x261: {  	v4 =	vadd.f32 v52, v61;
	v5 =	vperm.xlane v62, v0  }
0x262: {  	v8 =	vmul.f32 v50, v50  }
0x263: {  	v7 =	vadd.f32 v50, v48;
	v6 =	vperm.xlane v4, v0;
	v5 =	vadd.f32 v5, v62  }
0x264: {  	v63 =	vadd.f32 v8, v60  }
0x265: {  	v1 =	vperm.xlane v7, v0;
	v4 =	vadd.f32 v6, v4;
	v9 =	vperm.xlane v5, v2  }
0x266: {  	v20 =	vperm.xlane v63, v0  }
0x267: {  	v7 =	vadd.f32 v1, v7;
	v12 =	vperm.xlane v4, v2;
	v5 =	vadd.f32 v9, v5  }
0x268: {  	v6 =	vadd.f32 v20, v63  }
0x269: {  	v21 =	vperm.xlane v7, v2;
	v4 =	vadd.f32 v12, v4;
	v10 =	vperm.xlane v5, v3  }
0x26a: {  	v23 =	vperm.xlane v6, v2  }
0x26b: {  	v7 =	vadd.f32 v21, v7;
	v22 =	vperm.xlane v4, v3;
	v5 =	vadd.f32 v10, v5  }
0x26c: {  	v6 =	vadd.f32 v23, v6  }
0x26d: {  	v25 =	vperm.xlane v7, v3;
	v4 =	vadd.f32 v22, v4;
	v10 =	vperm.xlane v5, v41  }
0x26e: {  	v28 =	vperm.xlane v6, v3  }
0x26f: {  	v7 =	vadd.f32 v25, v7;
	v26 =	vperm.xlane v4, v41;
	v5 =	vadd.f32 v10, v5  }
0x270: {  	v6 =	vadd.f32 v28, v6  }
0x271: {  	v46 =	vperm.xlane v7, v41;
	v4 =	vadd.f32 v26, v4;
	v5 =	vmul.f32 $7.812500000e-03, v5  }
0x272: {  	v48 =	vperm.xlane v6, v41  }
0x273: {  	v7 =	vadd.f32 v46, v7;
	v4 =	vmul.f32 $7.812500000e-03, v4;
	v47 =	vmul.f32 v5, v5;
	_ =	sdelay $0x1  }
0x274: {  	v6 =	vadd.f32 v48, v6;
	v7 =	vmul.f32 $7.812500000e-03, v7;
	v4 =	vsub.f32 v4, v47;
	_ =	sdelay $0x1  }
0x275: {  	v6 =	vmul.f32 $7.812500000e-03, v6;
	v52 =	vmul.f32 v7, v7;
	v4 =	vadd.f32 $9.999999740e-06, v4;
	_ =	sdelay $0x1  }
0x276: {  	v6 =	vsub.f32 v6, v52;
	v59 =	vshra.s32 v4, $0x1;
	v4 =	vmul.f32 $5.000000000e-01, v4  }
0x277: {  	v60 =	vsub.s32 $0x5F3759DF, v59  }
0x278: {  	v6 =	vadd.f32 $9.999999740e-06, v6;
	v9 =	vmul.f32 v60, v4;
	_ =	sdelay $0x1  }
0x279: {  	v61 =	vshra.s32 v6, $0x1;
	v6 =	vmul.f32 $5.000000000e-01, v6;
	v9 =	vmul.f32 v60, v9  }
0x27a: {  	v10 =	vsub.s32 $0x5F3759DF, v61  }
0x27b: {  	v11 =	vmul.f32 v10, v6;
	v9 =	vsub.f32 $1.500000000e+00, v9;
	_ =	sdelay $0x1  }
0x27c: {  	v62 =	vmul.f32 v10, v11;
	v8 =	vmul.f32 v60, v9  }
0x27d: {  	v15 =	vmul.f32 v58, v15;
	v14 =	vmul.f32 v58, v14;
	v48 =	vld [tilespmem:$0x1FD90]  }
0x27e: {  	v13 =	vmul.f32 v58, v13;
	v9 =	vsub.f32 $1.500000000e+00, v62;
	v12 =	vmul.f32 v8, v4  }
0x27f: {  	v63 =	vmul.f32 v58, v38;
	v21 =	vmul.f32 v58, v19  }
0x280: {  	v19 =	vld [tilespmem:$0x1FDD0];
	v47 =	vsub.f32 v55, v45;
	v9 =	vmul.f32 v10, v9;
	v12 =	vmul.f32 v12, v8  }
0x281: {  	v16 =	vmul.f32 v58, v16;
	v0 =	vld [tilespmem:$0x1FDC0];
	v13 =	vsub.f32 v13, v63;
	v14 =	vsub.f32 v14, v63  }
0x282: {  	v25 =	vmul.f32 v47, v48;
	v47 =	vld [tilespmem:$0x1FDA0];
	v22 =	vmul.f32 v9, v6;
	v12 =	vsub.f32 $1.500000000e+00, v12  }
0x283: {  	v20 =	vmul.f32 v58, v18;
	v28 =	vsub.f32 v54, v45;
	v54 =	vsub.f32 v49, v45  }
0x284: {  	v15 =	vsub.f32 v15, v63;
	v22 =	vmul.f32 v22, v9;
	v8 =	vmul.f32 v12, v8  }
0x285: {  	v16 =	vsub.f32 v16, v63;
	v52 =	vsub.f32 v57, v45;
	v60 =	vmul.f32 v54, v19;
	v54 =	vld [tilespmem:$0x1FE00]  }
0x286: {  	v23 =	vmul.f32 v58, v32;
	v46 =	vld [tilespmem:$0x1FDB0];
	v22 =	vsub.f32 $1.500000000e+00, v22;
	v55 =	vmul.f32 v8, v4  }
0x287: {  	v16 =	vmul.f32 v16, v0;
	v57 =	vsub.f32 v51, v45;
	v51 =	vld [tilespmem:$0x1FE10];
	v12 =	vmul.f32 v52, v47  }
0x288: {  	v20 =	vsub.f32 v20, v63;
	v52 =	vld [tilespmem:$0x1FE20];
	v9 =	vmul.f32 v22, v9;
	v38 =	vmul.f32 v55, v8  }
0x289: {  	v41 =	vmul.f32 v58, v17;
	v26 =	vsub.f32 v56, v45;
	v56 =	vsub.f32 v53, v45;
	v53 =	vld [tilespmem:$0x1FE40]  }
0x28a: {  	v18 =	vld [tilespmem:$0x1FDE0];
	v25 =	vadd.f32 v25, v54;
	v59 =	vmul.f32 v9, v6;
	v58 =	vsub.f32 $1.500000000e+00, v38  }
0x28b: {  	v21 =	vsub.f32 v21, v63;
	v28 =	vmul.f32 v28, v0;
	v17 =	vld [tilespmem:$0x1FDF0];
	v26 =	vmul.f32 v26, v46  }
0x28c: {  	v12 =	vadd.f32 v12, v51;
	v55 =	vld [tilespmem:$0x1FE30];
	[tilespmem:s2+$0x0] =	vst v25;
	v61 =	vmul.f32 v59, v9;
	v8 =	vmul.f32 v58, v8  }
0x28d: {  	v13 =	vmul.f32 v13, v48;
	v14 =	vmul.f32 v14, v47;
	v26 =	vadd.f32 v26, v52;
	v45 =	vld [tilespmem:$0x1FE50]  }
0x28e: {  	v22 =	vadd.f32 v60, v53;
	v49 =	vld [tilespmem:$0x1FE60];
	[tilespmem:s2+$0x10] =	vst v12;
	v32 =	vsub.f32 $1.500000000e+00, v61;
	v4 =	vmul.f32 v8, v4  }
0x28f: {  	v11 =	vsub.f32 v23, v63;
	v62 =	vmul.f32 v56, v18;
	v25 =	vadd.f32 v13, v54;
	[tilespmem:s2+$0x20] =	vst v26  }
0x290: {  	v14 =	vadd.f32 v14, v51;
	v9 =	vmul.f32 v32, v9;
	v32 =	vld [tilespmem:$0x1FE70];
	[tilespmem:s2+$0x40] =	vst v22;
	v4 =	vmul.f32 v4, v8  }
0x291: {  	v10 =	vsub.f32 v41, v63;
	v63 =	vmul.f32 v57, v17;
	v28 =	vadd.f32 v28, v55;
	[tilespmem:s2+$0xFFFFFF80] =	vst v25  }
0x292: {  	v1 =	vadd.f32 v62, v45;
	[tilespmem:s2+$0xFFFFFF90] =	vst v14;
	v6 =	vmul.f32 v9, v6;
	v4 =	vsub.f32 $1.500000000e+00, v4  }
0x293: {  	v20 =	vmul.f32 v20, v18;
	v10 =	vmul.f32 v10, v19;
	v2 =	vadd.f32 v63, v49;
	[tilespmem:s2+$0x30] =	vst v28  }
0x294: {  	[tilespmem:s2+$0x50] =	vst v1;
	v6 =	vmul.f32 v6, v9;
	v4 =	vmul.f32 v4, v8  }
0x295: {  	v21 =	vmul.f32 v21, v17;
	v15 =	vmul.f32 v15, v46;
	v56 =	vadd.f32 v10, v53;
	[tilespmem:s2+$0x60] =	vst v2  }
0x296: {  	v2 =	vld [tilespmem:$0x1FE80];
	v11 =	vmul.f32 v11, v32;
	v6 =	vsub.f32 $1.500000000e+00, v6;
	v5 =	vmul.f32 v4, v5  }
0x297: {  	v15 =	vadd.f32 v15, v52;
	v38 =	vmul.f32 v4, v36;
	v41 =	vmul.f32 v4, v24  }
0x298: {  	v16 =	vadd.f32 v16, v55;
	v6 =	vmul.f32 v6, v9;
	v58 =	vmul.f32 v4, v27  }
0x299: {  	v59 =	vadd.f32 v20, v45;
	v60 =	vmul.f32 v4, v29;
	v61 =	vmul.f32 v4, v31  }
0x29a: {  	v62 =	vadd.f32 v21, v49;
	v63 =	vmul.f32 v4, v33;
	v1 =	vmul.f32 v4, v42  }
0x29b: {  	v11 =	vadd.f32 v11, v2;
	v4 =	vmul.f32 v4, v43;
	v7 =	vmul.f32 v6, v7  }
0x29c: {  	v13 =	vsub.f32 v38, v5;
	v28 =	vmul.f32 v6, v30;
	v29 =	vmul.f32 v6, v34  }
0x29d: {  	[tilespmem:s2+$0xFFFFFFA0] =	vst v15;
	v30 =	vmul.f32 v6, v35;
	v31 =	vmul.f32 v6, v37;
	v22 =	vsub.f32 v41, v5  }
0x29e: {  	[tilespmem:s2+$0xFFFFFFB0] =	vst v16;
	v33 =	vmul.f32 v6, v39;
	v34 =	vmul.f32 v6, v40;
	v10 =	vsub.f32 v58, v5  }
0x29f: {  	[tilespmem:s2+$0xFFFFFFC0] =	vst v56;
	v35 =	vmul.f32 v6, v44;
	v20 =	vsub.f32 v60, v5;
	v57 =	vmul.f32 v13, v32  }
0x2a0: {  	[tilespmem:s2+$0xFFFFFFD0] =	vst v59;
	v6 =	vmul.f32 v6, v50;
	v36 =	vsub.f32 v61, v5;
	v22 =	vmul.f32 v22, v48  }
0x2a1: {  	[tilespmem:s2+$0xFFFFFFE0] =	vst v62;
	v37 =	vsub.f32 v63, v5;
	v10 =	vmul.f32 v10, v47;
	v9 =	vadd.f32 v57, v2  }
0x2a2: {  	[tilespmem:s2+$0xFFFFFFF0] =	vst v11;
	v39 =	vsub.f32 v1, v5;
	v20 =	vmul.f32 v20, v46;
	v38 =	vadd.f32 v22, v54  }
0x2a3: {  	v4 =	vsub.f32 v4, v5;
	v12 =	vmul.f32 v36, v0;
	v10 =	vadd.f32 v10, v51;
	[tilespmem:s10+$0x70] =	vst v9  }
0x2a4: {  	v40 =	vmul.f32 v37, v19;
	v14 =	vsub.f32 v28, v7;
	v41 =	vadd.f32 v20, v52;
	[tilespmem:s10+$0x0] =	vst v38  }
0x2a5: {  	v43 =	vsub.f32 v29, v7;
	v4 =	vmul.f32 v4, v17;
	v42 =	vadd.f32 v12, v55;
	[tilespmem:s10+$0x10] =	vst v10  }
0x2a6: {  	v44 =	vsub.f32 v30, v7;
	v5 =	vadd.f32 v40, v53;
	v14 =	vmul.f32 v14, v48;
	[tilespmem:s10+$0x20] =	vst v41  }
0x2a7: {  	v59 =	vsub.f32 v34, v7;
	v12 =	vmul.f32 v43, v47;
	v4 =	vadd.f32 v4, v49;
	[tilespmem:s10+$0x30] =	vst v42  }
0x2a8: {  	v6 =	vsub.f32 v6, v7;
	v57 =	vmul.f32 v44, v46;
	[tilespmem:s10+$0x40] =	vst v5;
	v58 =	vadd.f32 v14, v54  }
0x2a9: {  	v50 =	vsub.f32 v31, v7;
	v61 =	vmul.f32 v59, v18;
	v12 =	vadd.f32 v12, v51;
	[tilespmem:s10+$0x60] =	vst v4  }
0x2aa: {  	v56 =	vsub.f32 v33, v7;
	v6 =	vmul.f32 v6, v32;
	v8 =	vadd.f32 v57, v52;
	[tilespmem:s10+$0xFFFFFF80] =	vst v58  }
0x2ab: {  	v60 =	vsub.f32 v35, v7;
	v9 =	vmul.f32 v39, v18;
	v7 =	vadd.f32 v61, v45;
	[tilespmem:s10+$0xFFFFFF90] =	vst v12  }
0x2ac: {  	v10 =	vmul.f32 v50, v0;
	v63 =	vadd.f32 v6, v2;
	[tilespmem:s10+$0xFFFFFFA0] =	vst v8  }
0x2ad: {  	v5 =	vmul.f32 v56, v19;
	v9 =	vadd.f32 v9, v45;
	[tilespmem:s10+$0xFFFFFFD0] =	vst v7  }
0x2ae: {  	v4 =	vmul.f32 v60, v17;
	v62 =	vadd.f32 v10, v55;
	[tilespmem:s10+$0xFFFFFFF0] =	vst v63  }
0x2af: {  	v5 =	vadd.f32 v5, v53;
	[tilespmem:s10+$0x50] =	vst v9  }
0x2b0: {  	s26 =	sadd.s32 s8, s13;
	v4 =	vadd.f32 v4, v49;
	[tilespmem:s10+$0xFFFFFFB0] =	vst v62  }
0x2b1: {  	s2 =	sshll.u32 s26, $0x4;
	[tilespmem:s10+$0xFFFFFFC0] =	vst v5  }
0x2b2: {  	s9 =	simm.s32 $0x6400;
	s2 =	sadd.s32 s5, s2;
	[tilespmem:s10+$0xFFFFFFE0] =	vst v4  }
0x2b3: {  	[hbm4b:s2+s6] =	stream.linear.scatter [tilespmem:s9], [sflag:$0x5], $0x4000, $0x38;
	[tilespmem:$0x1C900] =	vst v63  }
.LBB2_12:
0x2b4: {  	p1 =	seq.s32 s4, $0x0;
	s2 =	sor.u32 $0x2, s1  }
0x2b5: {  	s9 =	simm.s32 @!p1 $0x7;
	p2 =	sgt.u32 s2, $0xC8  }
.Ltmp10:
0x2b6: {  	_ =	swait.ge @!p1 [sflag:s9], $0x4000;
	(pc) =	sbr.rel @p2 .LBB2_16-.Ltmp10, $4  }
0x2b7: {  	[sflag:s9] =	ssyncset.done @!p1 $0x0  }
0x2b8: {  	[sflag:s9] =	ssyncadd.s32 @!p1 $0xFFFFC000;
	s9 =	sshll.u32 @!p0 s2, $0x7  }
0x2b9: {  	s12 =	simm.s32 @!p0 $0x80;
	s10 =	simm.s32 @!p0 $0xE400;
	s9 =	sand.u32 @!p0 $0x3FFFFF80, s9  }
0x2ba: {  	[tilespmem:s10], [sflag:$0x3] =	stream.indirect.gather @!p0 [hbm4b:s0+s12], $0x80, s9, s12, $0xb8;
	[tilespmem:$0x1C900] =	vst v63  }
0x2bb: {  	_ =	swait.ge [sflag:s19], $0x4000  }
0x2bc: {  	[sflag:s19] =	ssyncset.done $0x0  }
0x2bd: {  	[sflag:s19] =	ssyncadd.s32 $0xFFFFC000  }
0x2be: {  	v0 =	vld [tilespmem:$0x1C800];
	_ =	sdelay $0x1  }
0x2bf: {  	v4 =	vld [tilespmem:$0x1C820];
	_ =	sdelay $0x2  }
0x2c0: {  	[tilespmem:$0x1FC40] =	vst v0;
	v0 =	vld [tilespmem:$0x1C810];
	_ =	sdelay $0x1  }
0x2c1: {  	[tilespmem:$0x1FC60] =	vst v4;
	v4 =	vld [tilespmem:$0x1C830];
	_ =	sdelay $0x2  }
0x2c2: {  	[tilespmem:$0x1FC50] =	vst v0;
	v0 =	vld [tilespmem:$0x1C880];
	_ =	sdelay $0x1  }
0x2c3: {  	[tilespmem:$0x1FC70] =	vst v4;
	v4 =	vld [tilespmem:$0x1C840];
	_ =	sdelay $0x2  }
0x2c4: {  	[tilespmem:$0x1FCB0] =	vst v0;
	v0 =	vld [tilespmem:$0x1C890];
	_ =	sdelay $0x1  }
0x2c5: {  	s13 =	sshll.u32 s3, $0x7;
	[tilespmem:$0x1FC80] =	vst v4;
	v4 =	vld [tilespmem:$0x1C850]  }
0x2c6: {  	s9 =	smulhi.u32 $0x51EB851F, s13;
	_ =	sdelay $0x1  }
0x2c7: {  	s9 =	sshrl.u32 s9, $0x6;
	[tilespmem:$0x1FCC0] =	vst v0;
	v0 =	vld [tilespmem:$0x1C8A0]  }
0x2c8: {  	s10 =	smul.u32 $0xC8, s9  }
0x2c9: {  	[tilespmem:$0x1FC90] =	vst v4;
	v4 =	vld [tilespmem:$0x1C860]  }
0x2ca: {  	s14 =	ssub.s32 s13, s10  }
0x2cb: {  	s10 =	sadd.s32 $0xFFFFFFFE, s14  }
0x2cc: {  	s9 =	smul.u32 $0x6400, s9;
	s11 =	sadd.s32 $0x3, s10;
	[tilespmem:$0x1FCD0] =	vst v0;
	v0 =	vld [tilespmem:$0x1C8B0]  }
0x2cd: {  	s24 =	sshll.u32 s3, $0xE;
	p2 =	sgt.u32 s11, $0xC7;
	s11 =	simm.s32 $0xFFFF9C80  }
0x2ce: {  	s3 =	simm.s32 $0xA480;
	s9 =	ssub.s32 s24, s9;
	s11 =	simm.s32 @!p2 $0x80;
	[tilespmem:$0x1FCA0] =	vst v4  }
0x2cf: {  	s11 =	sadd.s32 s11, s9;
	v20 =	vld [tilespmem:s3+$0x0]  }
0x2d0: {  	v21 =	vld [tilespmem:s11+$0x16400]  }
0x2d1: {  	[tilespmem:$0x1FCE0] =	vst v0;
	v0 =	vld [tilespmem:$0x1C8C0];
	_ =	sdelay $0x4  }
0x2d2: {  	[tilespmem:$0x1FCF0] =	vst v0;
	v0 =	vld [tilespmem:$0x1C8D0];
	_ =	sdelay $0x4  }
0x2d3: {  	[tilespmem:$0x1FD00] =	vst v0;
	v0 =	vld [tilespmem:$0x1C8E0];
	_ =	sdelay $0x2  }
0x2d4: {  	s10 =	sadd.s32 $0x2, s10  }
0x2d5: {  	s21 =	sadd.s32 $0xFFFF9C00, s9;
	p2 =	sgt.u32 s10, $0xC7;
	s10 =	smov.u32 s9  }
0x2d6: {  	v3 =	vld [tilespmem:$0x1C8F0];
	s10 =	smov.u32 @p2 s21;
	[tilespmem:$0x1FD10] =	vst v0  }
0x2d7: {  	v55 =	vadd.f32 v21, v20;
	v20 =	vld [tilespmem:s10+$0x16400]  }
0x2d8: {  	v21 =	vld [tilespmem:s3+$0xFFFFFF80]  }
0x2d9: {  	v4 =	vld [tilespmem:$0x1C870]  }
0x2da: {  	[tilespmem:s3+$0x0] =	vst v55;
	v22 =	vld [tilespmem:s3+$0x10]  }
0x2db: {  	v23 =	vld [tilespmem:s11+$0x16410];
	_ =	sdelay $0x1  }
0x2dc: {  	v13 =	vadd.f32 v20, v21;
	_ =	sdelay $0x1  }
0x2dd: {  	v24 =	vld [tilespmem:s3+$0xFFFFFF90];
	[tilespmem:s3+$0xFFFFFF80] =	vst v13  }
0x2de: {  	v5 =	vadd.f32 v23, v22;
	v21 =	vld [tilespmem:s10+$0x16410];
	_ =	sdelay $0x1  }
0x2df: {  	v22 =	vld [tilespmem:s3+$0x20];
	[tilespmem:s3+$0x10] =	vst v5  }
0x2e0: {  	v23 =	vld [tilespmem:s11+$0x16420];
	_ =	sdelay $0x1  }
0x2e1: {  	v14 =	vadd.f32 v21, v24;
	_ =	sdelay $0x1  }
0x2e2: {  	v25 =	vld [tilespmem:s3+$0xFFFFFFA0];
	[tilespmem:s3+$0xFFFFFF90] =	vst v14  }
0x2e3: {  	v47 =	vadd.f32 v23, v22;
	v22 =	vld [tilespmem:s10+$0x16420];
	_ =	sdelay $0x1  }
0x2e4: {  	v23 =	vld [tilespmem:s3+$0x30];
	[tilespmem:s3+$0x20] =	vst v47  }
0x2e5: {  	v24 =	vld [tilespmem:s11+$0x16430];
	_ =	sdelay $0x1  }
0x2e6: {  	v15 =	vadd.f32 v22, v25;
	_ =	sdelay $0x1  }
0x2e7: {  	v26 =	vld [tilespmem:s3+$0xFFFFFFB0];
	[tilespmem:s3+$0xFFFFFFA0] =	vst v15  }
0x2e8: {  	v48 =	vadd.f32 v24, v23;
	v23 =	vld [tilespmem:s10+$0x16430];
	_ =	sdelay $0x1  }
0x2e9: {  	v24 =	vld [tilespmem:s3+$0x40];
	[tilespmem:s3+$0x30] =	vst v48  }
0x2ea: {  	v25 =	vld [tilespmem:s11+$0x16440];
	_ =	sdelay $0x1  }
0x2eb: {  	v16 =	vadd.f32 v23, v26;
	_ =	sdelay $0x1  }
0x2ec: {  	v27 =	vld [tilespmem:s3+$0xFFFFFFC0];
	[tilespmem:s3+$0xFFFFFFB0] =	vst v16  }
0x2ed: {  	v49 =	vadd.f32 v25, v24;
	v24 =	vld [tilespmem:s10+$0x16440];
	_ =	sdelay $0x1  }
0x2ee: {  	v25 =	vld [tilespmem:s3+$0x50];
	[tilespmem:s3+$0x40] =	vst v49  }
0x2ef: {  	v26 =	vld [tilespmem:s11+$0x16450];
	_ =	sdelay $0x1  }
0x2f0: {  	v17 =	vadd.f32 v24, v27;
	_ =	sdelay $0x1  }
0x2f1: {  	v28 =	vld [tilespmem:s3+$0xFFFFFFD0];
	[tilespmem:s3+$0xFFFFFFC0] =	vst v17  }
0x2f2: {  	v51 =	vadd.f32 v26, v25;
	v25 =	vld [tilespmem:s10+$0x16450];
	_ =	sdelay $0x1  }
0x2f3: {  	v27 =	vld [tilespmem:s3+$0x60];
	[tilespmem:s3+$0x50] =	vst v51  }
0x2f4: {  	v31 =	vld [tilespmem:s11+$0x16460]  }
0x2f5: {  	s24 =	sadd.s32 $0x0, s14;
	v32 =	vadd.f32 $0.0e+00, v55  }
0x2f6: {  	s26 =	sadd.s32 $0x3, s24;
	v34 =	vmul.f32 v55, v55;
	v35 =	vmul.f32 v5, v5;
	v18 =	vadd.f32 v25, v28  }
0x2f7: {  	p2 =	sgt.u32 s26, $0xC7;
	s26 =	simm.s32 $0xFFFF9C80;
	v33 =	vadd.f32 $0.0e+00, v13  }
0x2f8: {  	s21 =	sadd.s32 $0x100, s9;
	s26 =	simm.s32 @!p2 $0x80;
	v29 =	vld [tilespmem:s3+$0xFFFFFFE0];
	v10 =	vmul.f32 v47, v47;
	v25 =	vadd.f32 v5, v32;
	v28 =	vadd.f32 v35, v34;
	[tilespmem:s3+$0xFFFFFFD0] =	vst v18  }
0x2f9: {  	s9 =	sadd.s32 s26, s21;
	v52 =	vadd.f32 v31, v27;
	v27 =	vmul.f32 v13, v13;
	v31 =	vmul.f32 v14, v14;
	v11 =	vld [tilespmem:s10+$0x16460]  }
0x2fa: {  	v38 =	vld [tilespmem:s9+$0x16400];
	v33 =	vadd.f32 v14, v33;
	v40 =	vmul.f32 v15, v15;
	v25 =	vadd.f32 v47, v25  }
0x2fb: {  	v39 =	vmul.f32 v48, v48;
	v28 =	vadd.f32 v10, v28;
	[tilespmem:s3+$0x60] =	vst v52;
	v27 =	vadd.f32 v31, v27;
	v31 =	vld [tilespmem:s3+$0x70]  }
0x2fc: {  	v33 =	vadd.f32 v15, v33;
	v25 =	vadd.f32 v48, v25;
	v36 =	vld [tilespmem:s11+$0x16470];
	s11 =	simm.s32 $0xA580  }
0x2fd: {  	v41 =	vmul.f32 v49, v49;
	v28 =	vadd.f32 v39, v28;
	v27 =	vadd.f32 v40, v27;
	v37 =	vld [tilespmem:s11+$0x0]  }
0x2fe: {  	v39 =	vmul.f32 v16, v16;
	v25 =	vadd.f32 v49, v25;
	v19 =	vadd.f32 v11, v29  }
0x2ff: {  	v33 =	vadd.f32 v16, v33;
	v42 =	vmul.f32 v51, v51;
	v32 =	vadd.f32 v41, v28  }
0x300: {  	v30 =	vld [tilespmem:s3+$0xFFFFFFF0];
	v27 =	vadd.f32 v39, v27;
	v25 =	vadd.f32 v51, v25;
	[tilespmem:s3+$0xFFFFFFE0] =	vst v19  }
0x301: {  	v50 =	vmul.f32 v17, v17;
	v29 =	vadd.f32 v42, v32;
	v46 =	vadd.f32 v36, v31;
	v0 =	vld [tilespmem:$0x1FFC0]  }
0x302: {  	v43 =	vmul.f32 v52, v52;
	v25 =	vadd.f32 v52, v25;
	v2 =	vadd.f32 v38, v37;
	v53 =	vld [tilespmem:s10+$0x16470]  }
0x303: {  	v57 =	vmul.f32 v18, v18;
	v60 =	vld [tilespmem:s11+$0xFFFFFF80];
	v31 =	vadd.f32 v17, v33;
	v27 =	vadd.f32 v50, v27  }
0x304: {  	s24 =	sadd.s32 $0x2, s24;
	v63 =	vld [tilespmem:s11+$0x10];
	v29 =	vadd.f32 v43, v29;
	v56 =	vmul.f32 v46, v46;
	v54 =	vadd.f32 v46, v25;
	[tilespmem:s11+$0x0] =	vst v2  }
0x305: {  	p2 =	sgt.u32 s24, $0xC7;
	s24 =	sadd.s32 $0xFFFF9C00, s21;
	v40 =	vmul.f32 v19, v19;
	s10 =	smov.u32 s21;
	v27 =	vadd.f32 v57, v27;
	v1 =	vld [tilespmem:$0x1FFD0]  }
0x306: {  	v31 =	vadd.f32 v18, v31;
	s10 =	smov.u32 @p2 s24;
	v29 =	vadd.f32 v56, v29;
	v6 =	vld [tilespmem:s9+$0x16410];
	v58 =	vperm.xlane v54, v0  }
0x307: {  	v59 =	vld [tilespmem:s10+$0x16400];
	v27 =	vadd.f32 v40, v27;
	v32 =	vadd.f32 v53, v30  }
0x308: {  	v31 =	vadd.f32 v19, v31;
	v62 =	vperm.xlane v29, v0;
	v61 =	vadd.f32 v58, v54  }
0x309: {  	v7 =	vmul.f32 v32, v32  }
0x30a: {  	v29 =	vadd.f32 v62, v29;
	v31 =	vadd.f32 v32, v31;
	v30 =	vperm.xlane v61, v1  }
0x30b: {  	v23 =	vadd.f32 v6, v63;
	v35 =	vadd.f32 v7, v27;
	v27 =	vmov v2;
	v2 =	vld [tilespmem:$0x1FFE0]  }
0x30c: {  	v33 =	vadd.f32 v30, v61;
	v30 =	vadd.f32 v59, v60  }
0x30d: {  	v44 =	vperm.xlane v31, v0;
	[tilespmem:s11+$0x10] =	vst v23  }
0x30e: {  	v42 =	vperm.xlane v29, v1;
	[tilespmem:s11+$0xFFFFFF80] =	vst v30  }
0x30f: {  	v31 =	vadd.f32 v44, v31;
	v9 =	vperm.xlane v35, v0;
	v0 =	vld [tilespmem:$0x1FFF0]  }
0x310: {  	v29 =	vadd.f32 v42, v29;
	v8 =	vperm.xlane v33, v2  }
0x311: {  	v59 =	vperm.xlane v31, v1;
	v34 =	vadd.f32 v9, v35  }
0x312: {  	v40 =	vld [tilespmem:s11+$0xFFFFFF90];
	v10 =	vperm.xlane v29, v2;
	v33 =	vadd.f32 v8, v33  }
0x313: {  	v11 =	vld [tilespmem:s10+$0x16410];
	v31 =	vadd.f32 v59, v31;
	v63 =	vperm.xlane v34, v1  }
0x314: {  	v29 =	vadd.f32 v10, v29;
	v61 =	vperm.xlane v33, v0  }
0x315: {  	v62 =	vld [tilespmem:s9+$0x16420];
	v53 =	vperm.xlane v31, v2;
	v39 =	vadd.f32 v63, v34  }
0x316: {  	v60 =	vld [tilespmem:s11+$0x20];
	v6 =	vperm.xlane v29, v0;
	v33 =	vadd.f32 v61, v33  }
0x317: {  	v8 =	vperm.xlane v39, v2;
	v31 =	vadd.f32 v53, v31  }
0x318: {  	v34 =	vadd.f32 v11, v40;
	v7 =	vadd.f32 v6, v29;
	v56 =	vmul.f32 $7.812500000e-03, v33  }
0x319: {  	v10 =	vadd.f32 v8, v39;
	v53 =	vperm.xlane v31, v0  }
0x31a: {  	v43 =	vld [tilespmem:s11+$0xFFFFFFA0];
	[tilespmem:s11+$0xFFFFFF90] =	vst v34;
	v33 =	vmul.f32 $7.812500000e-03, v7;
	v9 =	vmul.f32 v56, v56  }
0x31b: {  	v29 =	vadd.f32 v62, v60;
	v11 =	vld [tilespmem:s10+$0x16420];
	v58 =	vperm.xlane v10, v0;
	v31 =	vadd.f32 v53, v31  }
0x31c: {  	v33 =	vsub.f32 v33, v9  }
0x31d: {  	v57 =	vld [tilespmem:s11+$0x30];
	[tilespmem:s11+$0x20] =	vst v29;
	v35 =	vadd.f32 v58, v10;
	v38 =	vmul.f32 $7.812500000e-03, v31  }
0x31e: {  	v59 =	vld [tilespmem:s9+$0x16430];
	v33 =	vadd.f32 $9.999999740e-06, v33  }
0x31f: {  	v60 =	vmul.f32 $7.812500000e-03, v35;
	v62 =	vmul.f32 v38, v38  }
0x320: {  	v35 =	vadd.f32 v11, v43;
	v31 =	vshra.s32 v33, $0x1;
	v53 =	vmul.f32 $5.000000000e-01, v33  }
0x321: {  	v33 =	vsub.f32 v60, v62;
	v61 =	vsub.s32 $0x5F3759DF, v31  }
0x322: {  	v45 =	vld [tilespmem:s11+$0xFFFFFFB0];
	[tilespmem:s11+$0xFFFFFFA0] =	vst v35;
	v63 =	vmul.f32 v61, v53  }
0x323: {  	v7 =	vld [tilespmem:s10+$0x16430];
	v31 =	vadd.f32 v59, v57;
	v33 =	vadd.f32 $9.999999740e-06, v33  }
0x324: {  	v6 =	vmul.f32 v61, v63  }
0x325: {  	v8 =	vld [tilespmem:s11+$0x40];
	[tilespmem:s11+$0x30] =	vst v31;
	v57 =	vshra.s32 v33, $0x1;
	v58 =	vmul.f32 $5.000000000e-01, v33  }
0x326: {  	v9 =	vld [tilespmem:s9+$0x16440];
	v57 =	vsub.s32 $0x5F3759DF, v57;
	v39 =	vsub.f32 $1.500000000e+00, v6  }
0x327: {  	v59 =	vmul.f32 v57, v58  }
0x328: {  	v37 =	vadd.f32 v7, v45;
	v39 =	vmul.f32 v61, v39  }
0x329: {  	v10 =	vmul.f32 v57, v59  }
0x32a: {  	v42 =	vld [tilespmem:s11+$0xFFFFFFC0];
	[tilespmem:s11+$0xFFFFFFB0] =	vst v37;
	v60 =	vmul.f32 v39, v53  }
0x32b: {  	v36 =	vld [tilespmem:s10+$0x16440];
	v33 =	vadd.f32 v9, v8;
	v40 =	vsub.f32 $1.500000000e+00, v10  }
0x32c: {  	v11 =	vmul.f32 v60, v39  }
0x32d: {  	v6 =	vld [tilespmem:s11+$0x50];
	[tilespmem:s11+$0x40] =	vst v33;
	v40 =	vmul.f32 v57, v40  }
0x32e: {  	v7 =	vld [tilespmem:s9+$0x16450];
	v43 =	vsub.f32 $1.500000000e+00, v11  }
0x32f: {  	v57 =	vmul.f32 v40, v58  }
0x330: {  	v43 =	vmul.f32 v43, v39;
	v39 =	vadd.f32 v36, v42  }
0x331: {  	v9 =	vmul.f32 v57, v40  }
0x332: {  	v54 =	vld [tilespmem:s11+$0xFFFFFFD0];
	v36 =	vmul.f32 v30, v30;
	v8 =	vmul.f32 v43, v53;
	[tilespmem:s11+$0xFFFFFFC0] =	vst v39  }
0x333: {  	v42 =	vadd.f32 v7, v6;
	v6 =	vmul.f32 v34, v34;
	v44 =	vsub.f32 $1.500000000e+00, v9;
	v11 =	vld [tilespmem:s10+$0x16450]  }
0x334: {  	v41 =	vmul.f32 v23, v23;
	v62 =	vadd.f32 $0.0e+00, v30;
	v10 =	vmul.f32 v8, v43  }
0x335: {  	v61 =	vld [tilespmem:s11+$0x60];
	[tilespmem:s11+$0x50] =	vst v42;
	v59 =	vadd.f32 v6, v36;
	v44 =	vmul.f32 v44, v40;
	v8 =	vmul.f32 v35, v35  }
0x336: {  	v63 =	vmul.f32 v37, v37;
	v60 =	vadd.f32 v34, v62;
	v7 =	vld [tilespmem:s9+$0x16460];
	v57 =	vsub.f32 $1.500000000e+00, v10  }
0x337: {  	v6 =	vmul.f32 v29, v29;
	v9 =	vmul.f32 v44, v58;
	v10 =	vadd.f32 v8, v59  }
0x338: {  	v57 =	vmul.f32 v57, v43;
	v40 =	vadd.f32 v11, v54;
	v11 =	vmul.f32 v27, v27  }
0x339: {  	v60 =	vadd.f32 v35, v60;
	v8 =	vmul.f32 v31, v31;
	v36 =	vmul.f32 v9, v44  }
0x33a: {  	v50 =	vld [tilespmem:s11+$0xFFFFFFE0];
	v45 =	vadd.f32 v63, v10;
	v53 =	vmul.f32 v57, v53;
	[tilespmem:s11+$0xFFFFFFD0] =	vst v40;
	v54 =	vadd.f32 v41, v11  }
0x33b: {  	v43 =	vadd.f32 v7, v61;
	v7 =	vmul.f32 v39, v39;
	v36 =	vsub.f32 $1.500000000e+00, v36;
	v59 =	vld [tilespmem:s10+$0x16460]  }
0x33c: {  	v9 =	vadd.f32 $0.0e+00, v27;
	v53 =	vmul.f32 v53, v57;
	v54 =	vadd.f32 v6, v54  }
0x33d: {  	v63 =	vld [tilespmem:s11+$0x70];
	v11 =	vmul.f32 v33, v33;
	[tilespmem:s11+$0x60] =	vst v43;
	v45 =	vadd.f32 v7, v45;
	v62 =	vmul.f32 v36, v44  }
0x33e: {  	v7 =	vmul.f32 v40, v40;
	v6 =	vld [tilespmem:s9+$0x16470];
	v53 =	vsub.f32 $1.500000000e+00, v53;
	v10 =	vadd.f32 v8, v54  }
0x33f: {  	v36 =	vadd.f32 v23, v9;
	v9 =	vadd.f32 v37, v60;
	v58 =	vmul.f32 v62, v58  }
0x340: {  	v41 =	vmul.f32 v53, v57;
	v44 =	vadd.f32 v59, v50;
	v53 =	vadd.f32 v11, v10  }
0x341: {  	v8 =	vmul.f32 v42, v42;
	v50 =	vadd.f32 v7, v45;
	v10 =	vadd.f32 v29, v36  }
0x342: {  	v7 =	vadd.f32 v39, v9;
	v58 =	vmul.f32 v58, v62;
	v9 =	vmul.f32 v43, v43  }
0x343: {  	v1 =	vld [tilespmem:s11+$0xFFFFFFF0];
	v36 =	vadd.f32 v6, v63;
	[tilespmem:s11+$0xFFFFFFE0] =	vst v44;
	v45 =	vmul.f32 v41, v56;
	v53 =	vadd.f32 v8, v53  }
0x344: {  	v46 =	vmul.f32 v41, v46;
	v6 =	vmul.f32 v44, v44;
	v8 =	vadd.f32 v31, v10;
	v11 =	vld [tilespmem:s10+$0x16470]  }
0x345: {  	v10 =	vsub.f32 $1.500000000e+00, v58;
	v55 =	vmul.f32 v41, v55;
	v57 =	vmul.f32 v41, v5  }
0x346: {  	v56 =	vmul.f32 v41, v47;
	v46 =	vsub.f32 v46, v45;
	v59 =	vadd.f32 v33, v8  }
0x347: {  	v54 =	vmul.f32 v41, v48;
	v60 =	vadd.f32 v6, v50;
	v61 =	vadd.f32 v9, v53  }
0x348: {  	v58 =	vmul.f32 v10, v62;
	v46 =	vmul.f32 v46, v4;
	v62 =	vadd.f32 v42, v59  }
0x349: {  	v49 =	vmul.f32 v41, v49;
	v50 =	vadd.f32 v11, v1;
	v11 =	vadd.f32 v40, v7  }
0x34a: {  	[tilespmem:$0x1FD20] =	vst v4;
	v53 =	vmul.f32 v41, v51;
	v46 =	vadd.f32 v46, v3;
	v63 =	vadd.f32 v43, v62  }
0x34b: {  	[tilespmem:$0x1FD30] =	vst v3;
	v51 =	vmul.f32 v41, v52;
	v52 =	vmul.f32 v36, v36  }
0x34c: {  	s26 =	simm.s32 $0x2;
	s10 =	simm.s32 $0xA580;
	v41 =	vmovc v0;
	v3 =	vmov v2;
	v48 =	vadd.f32 v44, v11;
	[tilespmem:s3+$0x70] =	vst v46;
	v62 =	vadd.f32 v36, v63  }
.LBB2_14:
0x34d: {  	v0 =	vld [tilespmem:$0x1FFC0];
	_ =	sdelay $0x2  }
0x34e: {  	v2 =	vmov v30  }
0x34f: {  	s9 =	sadd.s32 s26, s14;
	[tilespmem:$0x1FC20] =	vst v2;
	v2 =	vld [tilespmem:$0x1FFD0]  }
0x350: {  	v46 =	vadd.f32 v52, v61;
	s24 =	sadd.s32 $0x2, s9;
	s9 =	sadd.s32 $0x3, s9;
	v47 =	vperm.xlane v62, v0  }
0x351: {  	v59 =	vmul.f32 v58, v38;
	v4 =	vmovc v42;
	v7 =	vadd.f32 v50, v48;
	v9 =	vmul.f32 v50, v50;
	p4 =	sgt.u32 s9, $0xC7;
	s9 =	simm.s32 $0xFFFF9C80  }
0x352: {  	v1 =	vmovc v34;
	s21 =	sadd.s32 $0x100, s21;
	s11 =	sadd.s32 $0x100, s11;
	v63 =	vmul.f32 v58, v17;
	s9 =	simm.s32 @!p4 $0x80;
	v10 =	vperm.xlane v46, v0;
	v30 =	vadd.f32 v47, v62  }
0x353: {  	v25 =	vmovc v35;
	v5 =	vmul.f32 v58, v18;
	v35 =	vld [tilespmem:s11+$0x0];
	p3 =	sgt.u32 s24, $0xC7;
	v11 =	vadd.f32 v9, v60;
	s24 =	sadd.s32 s9, s21;
	v8 =	vperm.xlane v7, v0  }
0x354: {  	v26 =	vmovc v37;
	v6 =	vmul.f32 v58, v19;
	s16 =	sadd.s32 $0xFFFF9C00, s21;
	s9 =	smov.u32 s21;
	v37 =	vld [tilespmem:s24+$0x16400];
	v47 =	vadd.f32 v10, v46;
	v9 =	vperm.xlane v30, v2  }
0x355: {  	v28 =	vmovc v40;
	v57 =	vsub.f32 v57, v45;
	v40 =	vld [tilespmem:s11+$0xFFFFFF80];
	s9 =	smov.u32 @p3 s16;
	v0 =	vperm.xlane v11, v0;
	v38 =	vadd.f32 v8, v7  }
0x356: {  	[tilespmem:$0x1FC30] =	vst v4;
	v55 =	vsub.f32 v55, v45;
	v4 =	vld [tilespmem:s9+$0x16400];
	v10 =	vperm.xlane v47, v2;
	v30 =	vadd.f32 v9, v30  }
0x357: {  	v24 =	vmovc v31;
	v56 =	vsub.f32 v56, v45;
	v34 =	vadd.f32 v0, v11;
	v48 =	vperm.xlane v38, v2  }
0x358: {  	v31 =	vmovc v29;
	v60 =	vmul.f32 v58, v15;
	v47 =	vadd.f32 v10, v47;
	v52 =	vperm.xlane v30, v3  }
0x359: {  	v29 =	vmovc v44;
	v44 =	vperm.xlane v34, v2;
	v38 =	vadd.f32 v48, v38;
	v48 =	vadd.f32 v37, v35  }
0x35a: {  	v61 =	vmul.f32 v58, v13;
	v46 =	vmovc v43;
	v11 =	vperm.xlane v47, v3;
	v35 =	vadd.f32 v52, v30  }
0x35b: {  	v43 =	vld [tilespmem:s11+$0xFFFFFF90];
	v34 =	vadd.f32 v44, v34;
	[tilespmem:s11+$0x0] =	vst v48;
	v52 =	vperm.xlane v38, v3;
	v30 =	vadd.f32 v4, v40  }
0x35c: {  	v42 =	vmul.f32 v58, v14;
	v9 =	vld [tilespmem:s24+$0x16410];
	v37 =	vadd.f32 v11, v47;
	v44 =	vperm.xlane v35, v41  }
0x35d: {  	v62 =	vmul.f32 v58, v16;
	v4 =	vld [tilespmem:s11+$0x10];
	v38 =	vadd.f32 v52, v38;
	v52 =	vperm.xlane v34, v3;
	[tilespmem:s11+$0xFFFFFF80] =	vst v30  }
0x35e: {  	v58 =	vmul.f32 v58, v32;
	v10 =	vperm.xlane v37, v41;
	v12 =	vld [tilespmem:s9+$0x16410];
	v35 =	vadd.f32 v44, v35  }
0x35f: {  	v32 =	vmovc v50;
	v50 =	vadd.f32 $0.0e+00, v30;
	v13 =	vperm.xlane v38, v41;
	v34 =	vadd.f32 v52, v34  }
0x360: {  	v10 =	vadd.f32 v10, v37;
	v37 =	vsub.f32 v54, v45;
	v52 =	vmul.f32 $7.812500000e-03, v35  }
0x361: {  	v54 =	vsub.f32 v49, v45;
	v13 =	vadd.f32 v13, v38;
	v35 =	vperm.xlane v34, v41  }
0x362: {  	v21 =	vld [tilespmem:$0x1FC40];
	v49 =	vadd.f32 v9, v4;
	v4 =	vmul.f32 $7.812500000e-03, v10;
	v9 =	vmul.f32 v52, v52  }
0x363: {  	v7 =	vld [tilespmem:s11+$0xFFFFFFA0];
	v38 =	vmul.f32 $7.812500000e-03, v13;
	v10 =	vadd.f32 v35, v34;
	v34 =	vadd.f32 v12, v43  }
0x364: {  	v11 =	vmul.f32 v30, v30;
	[tilespmem:s11+$0x10] =	vst v49;
	v13 =	vsub.f32 v53, v45;
	v12 =	vld [tilespmem:s11+$0x20];
	v4 =	vsub.f32 v4, v9  }
0x365: {  	v35 =	vld [tilespmem:s24+$0x16420];
	v45 =	vsub.f32 v51, v45;
	v10 =	vmul.f32 $7.812500000e-03, v10;
	v43 =	vmul.f32 v38, v38;
	[tilespmem:s11+$0xFFFFFF90] =	vst v34  }
0x366: {  	v51 =	vadd.f32 v34, v50;
	v50 =	vmul.f32 v34, v34;
	v53 =	vld [tilespmem:s9+$0x16420];
	v4 =	vadd.f32 $9.999999740e-06, v4  }
0x367: {  	v10 =	vsub.f32 v10, v43  }
0x368: {  	v11 =	vadd.f32 v50, v11;
	v50 =	vshra.s32 v4, $0x1;
	v4 =	vmul.f32 $5.000000000e-01, v4  }
0x369: {  	v20 =	vld [tilespmem:$0x1FC60];
	v9 =	vmul.f32 v55, v21;
	v55 =	vsub.f32 v61, v59;
	v61 =	vsub.s32 $0x5F3759DF, v50  }
0x36a: {  	[tilespmem:$0x1FC10] =	vst v1;
	v1 =	vld [tilespmem:$0x1FC70];
	v10 =	vadd.f32 $9.999999740e-06, v10;
	v50 =	vadd.f32 v35, v12;
	v12 =	vmul.f32 v61, v4  }
0x36b: {  	v63 =	vsub.f32 v63, v59;
	v8 =	vld [tilespmem:s11+$0xFFFFFFB0];
	v35 =	vadd.f32 v53, v7  }
0x36c: {  	v14 =	vshra.s32 v10, $0x1;
	v43 =	vmul.f32 $5.000000000e-01, v10;
	v7 =	vld [tilespmem:s11+$0x30];
	[tilespmem:s11+$0x20] =	vst v50;
	v12 =	vmul.f32 v61, v12  }
0x36d: {  	v5 =	vsub.f32 v5, v59;
	v6 =	vsub.f32 v6, v59;
	v14 =	vsub.s32 $0x5F3759DF, v14;
	v53 =	vld [tilespmem:s24+$0x16430];
	[tilespmem:s11+$0xFFFFFFA0] =	vst v35  }
0x36e: {  	v10 =	vsub.f32 v62, v59;
	v62 =	vmul.f32 v14, v43;
	v16 =	vld [tilespmem:s9+$0x16430];
	v12 =	vsub.f32 $1.500000000e+00, v12  }
0x36f: {  	v18 =	vld [tilespmem:$0x1FC90];
	v60 =	vsub.f32 v60, v59;
	v15 =	vadd.f32 v35, v51;
	v51 =	vmul.f32 v35, v35  }
0x370: {  	v22 =	vld [tilespmem:$0x1FCB0];
	v42 =	vsub.f32 v42, v59;
	v62 =	vmul.f32 v14, v62;
	v12 =	vmul.f32 v61, v12  }
0x371: {  	v56 =	vmul.f32 v56, v20;
	v0 =	vld [tilespmem:$0x1FC50];
	v58 =	vsub.f32 v58, v59;
	v11 =	vadd.f32 v51, v11  }
0x372: {  	v17 =	vld [tilespmem:$0x1FCA0];
	v59 =	vsub.f32 $1.500000000e+00, v62;
	v51 =	vadd.f32 v53, v7;
	v53 =	vmul.f32 v12, v4  }
0x373: {  	v61 =	vmul.f32 v37, v1;
	v37 =	vadd.f32 v16, v8;
	v16 =	vmul.f32 v55, v21;
	v21 =	vld [tilespmem:$0x1FCC0]  }
0x374: {  	v60 =	vmul.f32 v60, v20;
	v20 =	vld [tilespmem:$0x1FCD0];
	v7 =	vmul.f32 v53, v12  }
0x375: {  	v19 =	vld [tilespmem:$0x1FC80];
	v5 =	vmul.f32 v5, v18;
	v14 =	vmul.f32 v14, v59  }
0x376: {  	v57 =	vmul.f32 v57, v0;
	v9 =	vadd.f32 v9, v22;
	v8 =	vld [tilespmem:s11+$0x40];
	[tilespmem:s11+$0x30] =	vst v51;
	v7 =	vsub.f32 $1.500000000e+00, v7  }
0x377: {  	[tilespmem:$0x1FC00] =	vst v23;
	v23 =	vmovc v27;
	v27 =	vmov v39;
	v6 =	vmul.f32 v6, v17;
	v53 =	vld [tilespmem:s24+$0x16440];
	v55 =	vmul.f32 v14, v43  }
0x378: {  	v39 =	vld [tilespmem:s11+$0xFFFFFFC0];
	[tilespmem:s3+$0x0] =	vst v9;
	v9 =	vadd.f32 v57, v21;
	v57 =	vmul.f32 v37, v37;
	v7 =	vmul.f32 v7, v12  }
0x379: {  	v42 =	vmul.f32 v42, v0;
	v13 =	vmul.f32 v13, v18;
	v18 =	vld [tilespmem:$0x1FCE0];
	v59 =	vadd.f32 v56, v20;
	[tilespmem:s11+$0xFFFFFFB0] =	vst v37  }
0x37a: {  	v62 =	vld [tilespmem:s9+$0x16440];
	v55 =	vmul.f32 v55, v14;
	v11 =	vadd.f32 v57, v11;
	v57 =	vmul.f32 v7, v4  }
0x37b: {  	v54 =	vmul.f32 v54, v19;
	v45 =	vmul.f32 v45, v17;
	v17 =	vld [tilespmem:$0x1FCF0]  }
0x37c: {  	v0 =	vld [tilespmem:$0x1FD00];
	[tilespmem:s3+$0x20] =	vst v59;
	v12 =	vsub.f32 $1.500000000e+00, v55;
	v59 =	vadd.f32 v53, v8;
	v8 =	vmul.f32 v57, v7  }
0x37d: {  	v10 =	vmul.f32 v10, v1;
	v55 =	vmul.f32 v63, v19;
	v63 =	vld [tilespmem:$0x1FD20]  }
0x37e: {  	v1 =	vld [tilespmem:$0x1FD10];
	[tilespmem:s3+$0x10] =	vst v9;
	v9 =	vmul.f32 v12, v14;
	v14 =	vadd.f32 v61, v18;
	v8 =	vsub.f32 $1.500000000e+00, v8  }
0x37f: {  	v53 =	vld [tilespmem:s11+$0x50];
	v39 =	vadd.f32 v62, v39;
	[tilespmem:s11+$0x40] =	vst v59  }
0x380: {  	v54 =	vadd.f32 v54, v17;
	v56 =	vld [tilespmem:s24+$0x16450];
	[tilespmem:s3+$0x30] =	vst v14;
	v7 =	vmul.f32 v8, v7  }
0x381: {  	v40 =	vld [tilespmem:s11+$0xFFFFFFD0];
	v13 =	vadd.f32 v13, v0;
	[tilespmem:s11+$0xFFFFFFC0] =	vst v39  }
0x382: {  	v16 =	vadd.f32 v16, v22;
	[tilespmem:s3+$0x40] =	vst v54;
	v12 =	vmul.f32 v58, v63;
	v58 =	vld [tilespmem:s9+$0x16450];
	v4 =	vmul.f32 v7, v4  }
0x383: {  	v61 =	vadd.f32 v42, v21;
	v62 =	vmul.f32 v9, v43;
	[tilespmem:s3+$0x50] =	vst v13  }
0x384: {  	v5 =	vadd.f32 v5, v0;
	v14 =	vadd.f32 v45, v1;
	[tilespmem:s3+$0xFFFFFF80] =	vst v16;
	v4 =	vmul.f32 v4, v7  }
0x385: {  	v15 =	vadd.f32 v37, v15;
	v54 =	vadd.f32 v60, v20;
	[tilespmem:s3+$0xFFFFFF90] =	vst v61;
	v57 =	vmul.f32 v62, v9  }
0x386: {  	v47 =	vld [tilespmem:s11+$0xFFFFFFF0];
	[tilespmem:s3+$0x60] =	vst v14;
	v42 =	vadd.f32 v56, v53;
	v4 =	vsub.f32 $1.500000000e+00, v4  }
0x387: {  	v0 =	vld [tilespmem:$0x1FD30];
	[tilespmem:s3+$0xFFFFFFA0] =	vst v54;
	v13 =	vsub.f32 $1.500000000e+00, v57;
	v40 =	vadd.f32 v58, v40  }
0x388: {  	v44 =	vld [tilespmem:s11+$0xFFFFFFE0];
	v10 =	vadd.f32 v10, v18;
	v45 =	vmul.f32 v39, v39;
	[tilespmem:s11+$0x50] =	vst v42;
	v4 =	vmul.f32 v4, v7  }
0x389: {  	v6 =	vadd.f32 v6, v1;
	v15 =	vadd.f32 v39, v15;
	v9 =	vmul.f32 v13, v9;
	v13 =	vld [tilespmem:s11+$0x60];
	[tilespmem:s11+$0xFFFFFFD0] =	vst v40  }
0x38a: {  	v11 =	vadd.f32 v45, v11;
	v53 =	vld [tilespmem:s9+$0x16460];
	[tilespmem:s3+$0xFFFFFFD0] =	vst v5;
	v45 =	vmul.f32 v4, v52;
	v5 =	vmul.f32 v4, v36  }
0x38b: {  	v19 =	vmovc v29;
	v60 =	vmul.f32 v48, v48;
	v16 =	vadd.f32 $0.0e+00, v48;
	v14 =	vadd.f32 v55, v17;
	v58 =	vld [tilespmem:s24+$0x16460]  }
0x38c: {  	v29 =	vmovc v50;
	v61 =	vmul.f32 v49, v49;
	v12 =	vadd.f32 v12, v0;
	v5 =	vsub.f32 v5, v45  }
0x38d: {  	v18 =	vmovc v28;
	v1 =	vadd.f32 v49, v16;
	v8 =	vadd.f32 v40, v15;
	v15 =	vmul.f32 v40, v40  }
0x38e: {  	v56 =	vadd.f32 v61, v60;
	v43 =	vmul.f32 v9, v43;
	[tilespmem:s3+$0xFFFFFFB0] =	vst v10;
	v5 =	vmul.f32 v5, v63  }
0x38f: {  	[tilespmem:s3+$0xFFFFFFC0] =	vst v14;
	v14 =	vadd.f32 v50, v1;
	v1 =	vmul.f32 v50, v50;
	v10 =	vadd.f32 v15, v11  }
0x390: {  	[tilespmem:s3+$0xFFFFFFE0] =	vst v6;
	v62 =	vmul.f32 v43, v9;
	v43 =	vadd.f32 v58, v13;
	v5 =	vadd.f32 v5, v0;
	v0 =	vld [tilespmem:$0x1FC00]  }
0x391: {  	[tilespmem:s3+$0xFFFFFFF0] =	vst v12;
	v57 =	vadd.f32 v1, v56;
	v58 =	vmul.f32 v51, v51;
	v44 =	vadd.f32 v53, v44  }
0x392: {  	v17 =	vmovc v27;
	v60 =	vmul.f32 v59, v59;
	v12 =	vadd.f32 v51, v14;
	v11 =	vsub.f32 $1.500000000e+00, v62;
	v13 =	vld [tilespmem:s11+$0x70];
	[tilespmem:s11+$0x60] =	vst v43  }
0x393: {  	v61 =	vmul.f32 v42, v42;
	v55 =	vmul.f32 v4, v23;
	v6 =	vadd.f32 v58, v57;
	v14 =	vld [tilespmem:s24+$0x16470];
	[tilespmem:s11+$0xFFFFFFE0] =	vst v44  }
0x394: {  	s26 =	sadd.s32 $0x2, s26;
	v27 =	vmovc v48;
	v12 =	vadd.f32 v59, v12;
	v56 =	vmul.f32 v4, v31;
	v58 =	vmul.f32 v11, v9;
	v9 =	vld [tilespmem:s9+$0x16470]  }
0x395: {  	p2 =	slt.u32 s26, $0x7E;
	v16 =	vmovc v26;
	v62 =	vmul.f32 v44, v44;
	v6 =	vadd.f32 v60, v6;
	v57 =	vmul.f32 v4, v0;
	v0 =	vld [tilespmem:$0x1FC30]  }
.Ltmp11:
0x396: {  	v15 =	vmovc v25;
	v54 =	vmul.f32 v4, v24;
	v48 =	vadd.f32 v44, v8;
	v63 =	vadd.f32 v42, v12;
	(pc) =	sbr.rel @p2 .LBB2_14-.Ltmp11, $4  }
0x397: {  	v23 =	vmovc v49;
	v11 =	vmul.f32 v43, v43;
	v60 =	vadd.f32 v62, v10;
	v6 =	vadd.f32 v61, v6  }
0x398: {  	v49 =	vmul.f32 v4, v33;
	v31 =	vmovc v51;
	v7 =	vadd.f32 v43, v63;
	v36 =	vadd.f32 v14, v13  }
0x399: {  	s3 =	smov.u32 s10;
	v51 =	vmul.f32 v4, v46;
	v33 =	vmovc v59;
	v14 =	vld [tilespmem:$0x1FC10];
	v61 =	vadd.f32 v11, v6;
	v50 =	vadd.f32 v9, v47  }
0x39a: {  	s10 =	smov.u32 s11;
	v13 =	vld [tilespmem:$0x1FC20];
	[tilespmem:s3+$0x70] =	vst v5;
	v62 =	vadd.f32 v36, v7;
	v52 =	vmul.f32 v36, v36;
	v53 =	vmul.f32 v4, v0  }
0x39b: {  	v0 =	vld [tilespmem:$0x1FFC0];
	_ =	sdelay $0x3  }
0x39c: {  	v1 =	vld [tilespmem:$0x1FFD0]  }
0x39d: {  	v4 =	vadd.f32 v52, v61;
	v5 =	vperm.xlane v62, v0  }
0x39e: {  	v7 =	vadd.f32 v50, v48;
	v8 =	vmul.f32 v50, v50  }
0x39f: {  	v6 =	vperm.xlane v4, v0;
	v5 =	vadd.f32 v5, v62  }
0x3a0: {  	v63 =	vadd.f32 v8, v60;
	v2 =	vperm.xlane v7, v0  }
0x3a1: {  	v4 =	vadd.f32 v6, v4;
	v9 =	vperm.xlane v5, v1  }
0x3a2: {  	v20 =	vperm.xlane v63, v0;
	v7 =	vadd.f32 v2, v7  }
0x3a3: {  	v12 =	vperm.xlane v4, v1;
	v5 =	vadd.f32 v9, v5  }
0x3a4: {  	v6 =	vadd.f32 v20, v63;
	v21 =	vperm.xlane v7, v1  }
0x3a5: {  	v4 =	vadd.f32 v12, v4;
	v10 =	vperm.xlane v5, v3  }
0x3a6: {  	v24 =	vperm.xlane v6, v1;
	v7 =	vadd.f32 v21, v7  }
0x3a7: {  	v22 =	vperm.xlane v4, v3;
	v5 =	vadd.f32 v10, v5  }
0x3a8: {  	v6 =	vadd.f32 v24, v6;
	v25 =	vperm.xlane v7, v3  }
0x3a9: {  	v4 =	vadd.f32 v22, v4;
	v10 =	vperm.xlane v5, v41  }
0x3aa: {  	v28 =	vperm.xlane v6, v3;
	v7 =	vadd.f32 v25, v7  }
0x3ab: {  	v26 =	vperm.xlane v4, v41;
	v5 =	vadd.f32 v10, v5  }
0x3ac: {  	v6 =	vadd.f32 v28, v6;
	v46 =	vperm.xlane v7, v41  }
0x3ad: {  	v4 =	vadd.f32 v26, v4;
	v5 =	vmul.f32 $7.812500000e-03, v5  }
0x3ae: {  	v48 =	vperm.xlane v6, v41;
	v7 =	vadd.f32 v46, v7  }
0x3af: {  	v4 =	vmul.f32 $7.812500000e-03, v4;
	v47 =	vmul.f32 v5, v5  }
0x3b0: {  	v6 =	vadd.f32 v48, v6;
	v7 =	vmul.f32 $7.812500000e-03, v7  }
0x3b1: {  	v4 =	vsub.f32 v4, v47  }
0x3b2: {  	v6 =	vmul.f32 $7.812500000e-03, v6;
	v52 =	vmul.f32 v7, v7  }
0x3b3: {  	v4 =	vadd.f32 $9.999999740e-06, v4  }
0x3b4: {  	v6 =	vsub.f32 v6, v52  }
0x3b5: {  	v59 =	vshra.s32 v4, $0x1;
	v4 =	vmul.f32 $5.000000000e-01, v4  }
0x3b6: {  	v6 =	vadd.f32 $9.999999740e-06, v6;
	v60 =	vsub.s32 $0x5F3759DF, v59  }
0x3b7: {  	v9 =	vmul.f32 v60, v4  }
0x3b8: {  	v61 =	vshra.s32 v6, $0x1;
	v6 =	vmul.f32 $5.000000000e-01, v6  }
0x3b9: {  	v10 =	vsub.s32 $0x5F3759DF, v61;
	v9 =	vmul.f32 v60, v9  }
0x3ba: {  	v11 =	vmul.f32 v10, v6  }
0x3bb: {  	v9 =	vsub.f32 $1.500000000e+00, v9  }
0x3bc: {  	v62 =	vmul.f32 v10, v11  }
0x3bd: {  	v15 =	vmul.f32 v58, v15;
	v8 =	vmul.f32 v60, v9  }
0x3be: {  	v16 =	vmul.f32 v58, v16;
	v14 =	vmul.f32 v58, v14;
	v9 =	vsub.f32 $1.500000000e+00, v62  }
0x3bf: {  	v13 =	vmul.f32 v58, v13;
	v12 =	vmul.f32 v8, v4  }
0x3c0: {  	v63 =	vmul.f32 v58, v38;
	v9 =	vmul.f32 v10, v9  }
0x3c1: {  	v0 =	vld [tilespmem:$0x1FC50];
	v20 =	vmul.f32 v58, v18;
	v12 =	vmul.f32 v12, v8  }
0x3c2: {  	v18 =	vld [tilespmem:$0x1FC90];
	v13 =	vsub.f32 v13, v63;
	v14 =	vsub.f32 v14, v63;
	v22 =	vmul.f32 v9, v6  }
0x3c3: {  	v15 =	vsub.f32 v15, v63;
	v1 =	vld [tilespmem:$0x1FC70];
	v12 =	vsub.f32 $1.500000000e+00, v12  }
0x3c4: {  	v16 =	vsub.f32 v16, v63;
	v52 =	vsub.f32 v57, v45;
	v47 =	vld [tilespmem:$0x1FC40];
	v22 =	vmul.f32 v22, v9  }
0x3c5: {  	v20 =	vsub.f32 v20, v63;
	v21 =	vmul.f32 v58, v19;
	v19 =	vld [tilespmem:$0x1FC80];
	v8 =	vmul.f32 v12, v8  }
0x3c6: {  	v14 =	vmul.f32 v14, v0;
	v22 =	vsub.f32 $1.500000000e+00, v22;
	v12 =	vmul.f32 v52, v0;
	v52 =	vld [tilespmem:$0x1FCB0]  }
0x3c7: {  	v24 =	vsub.f32 v55, v45;
	v20 =	vmul.f32 v20, v18;
	v46 =	vld [tilespmem:$0x1FC60];
	v55 =	vmul.f32 v8, v4  }
0x3c8: {  	v28 =	vsub.f32 v54, v45;
	v54 =	vsub.f32 v49, v45;
	v49 =	vld [tilespmem:$0x1FCC0];
	v9 =	vmul.f32 v22, v9  }
0x3c9: {  	v57 =	vsub.f32 v51, v45;
	v51 =	vld [tilespmem:$0x1FCD0];
	v24 =	vmul.f32 v24, v47;
	v38 =	vmul.f32 v55, v8  }
0x3ca: {  	v41 =	vmul.f32 v58, v17;
	v26 =	vsub.f32 v56, v45;
	v59 =	vmul.f32 v9, v6  }
0x3cb: {  	v17 =	vld [tilespmem:$0x1FCA0];
	v48 =	vmul.f32 v58, v32;
	v24 =	vadd.f32 v24, v52;
	v58 =	vsub.f32 $1.500000000e+00, v38  }
0x3cc: {  	v56 =	vsub.f32 v53, v45;
	v53 =	vld [tilespmem:$0x1FCF0];
	v26 =	vmul.f32 v26, v46;
	v61 =	vmul.f32 v59, v9  }
0x3cd: {  	v60 =	vmul.f32 v54, v19;
	v54 =	vld [tilespmem:$0x1FCE0];
	v12 =	vadd.f32 v12, v49;
	[tilespmem:s3+$0x0] =	vst v24;
	v8 =	vmul.f32 v58, v8  }
0x3ce: {  	v16 =	vmul.f32 v16, v1;
	v26 =	vadd.f32 v26, v51;
	v32 =	vsub.f32 $1.500000000e+00, v61;
	v45 =	vld [tilespmem:$0x1FD00]  }
0x3cf: {  	v28 =	vmul.f32 v28, v1;
	v11 =	vsub.f32 v48, v63;
	v48 =	vld [tilespmem:$0x1FD10];
	[tilespmem:s3+$0x10] =	vst v12;
	v4 =	vmul.f32 v8, v4  }
0x3d0: {  	v21 =	vsub.f32 v21, v63;
	v15 =	vmul.f32 v15, v46;
	[tilespmem:s3+$0x20] =	vst v26;
	v9 =	vmul.f32 v32, v9  }
0x3d1: {  	v14 =	vadd.f32 v14, v49;
	v25 =	vmul.f32 v56, v18;
	v32 =	vld [tilespmem:$0x1FD20];
	v4 =	vmul.f32 v4, v8  }
0x3d2: {  	v21 =	vmul.f32 v21, v17;
	v15 =	vadd.f32 v15, v51;
	v6 =	vmul.f32 v9, v6  }
0x3d3: {  	v13 =	vmul.f32 v13, v47;
	v10 =	vsub.f32 v41, v63;
	v4 =	vsub.f32 $1.500000000e+00, v4  }
0x3d4: {  	v62 =	vmul.f32 v57, v17;
	v28 =	vadd.f32 v28, v54;
	v6 =	vmul.f32 v6, v9  }
0x3d5: {  	v10 =	vmul.f32 v10, v19;
	v22 =	vadd.f32 v60, v53;
	v4 =	vmul.f32 v4, v8  }
0x3d6: {  	v16 =	vadd.f32 v16, v54;
	[tilespmem:s3+$0x30] =	vst v28;
	v11 =	vmul.f32 v11, v32;
	v6 =	vsub.f32 $1.500000000e+00, v6  }
0x3d7: {  	[tilespmem:s3+$0x40] =	vst v22;
	v63 =	vadd.f32 v25, v45;
	v5 =	vmul.f32 v4, v5;
	v38 =	vmul.f32 v4, v36  }
0x3d8: {  	[tilespmem:s3+$0xFFFFFF90] =	vst v14;
	v2 =	vadd.f32 v62, v48;
	v41 =	vmul.f32 v4, v27;
	v6 =	vmul.f32 v6, v9  }
0x3d9: {  	v25 =	vadd.f32 v13, v52;
	[tilespmem:s3+$0x50] =	vst v63;
	v57 =	vmul.f32 v4, v23;
	v59 =	vmul.f32 v4, v29  }
0x3da: {  	v55 =	vadd.f32 v10, v53;
	[tilespmem:s3+$0x60] =	vst v2;
	v60 =	vmul.f32 v4, v31;
	v62 =	vmul.f32 v4, v33  }
0x3db: {  	v58 =	vadd.f32 v20, v45;
	[tilespmem:s3+$0xFFFFFF80] =	vst v25;
	v63 =	vmul.f32 v4, v42;
	v4 =	vmul.f32 v4, v43  }
0x3dc: {  	v61 =	vadd.f32 v21, v48;
	v2 =	vld [tilespmem:$0x1FD30];
	v7 =	vmul.f32 v6, v7;
	v29 =	vmul.f32 v6, v30  }
0x3dd: {  	v13 =	vsub.f32 v38, v5;
	v30 =	vmul.f32 v6, v34;
	v31 =	vmul.f32 v6, v35  }
0x3de: {  	[tilespmem:s3+$0xFFFFFFA0] =	vst v15;
	v33 =	vmul.f32 v6, v37;
	v22 =	vsub.f32 v41, v5;
	v34 =	vmul.f32 v6, v39  }
0x3df: {  	[tilespmem:s3+$0xFFFFFFB0] =	vst v16;
	v35 =	vmul.f32 v6, v40;
	v10 =	vsub.f32 v57, v5;
	v36 =	vmul.f32 v6, v44  }
0x3e0: {  	[tilespmem:s3+$0xFFFFFFC0] =	vst v55;
	v20 =	vsub.f32 v59, v5;
	v6 =	vmul.f32 v6, v50;
	v56 =	vmul.f32 v13, v32  }
0x3e1: {  	[tilespmem:s3+$0xFFFFFFD0] =	vst v58;
	v37 =	vsub.f32 v60, v5;
	v11 =	vadd.f32 v11, v2;
	v22 =	vmul.f32 v22, v47  }
0x3e2: {  	[tilespmem:s3+$0xFFFFFFE0] =	vst v61;
	v38 =	vsub.f32 v62, v5;
	v10 =	vmul.f32 v10, v0;
	v9 =	vadd.f32 v56, v2  }
0x3e3: {  	v40 =	vsub.f32 v63, v5;
	v20 =	vmul.f32 v20, v46;
	[tilespmem:s3+$0xFFFFFFF0] =	vst v11;
	v39 =	vadd.f32 v22, v52  }
0x3e4: {  	v4 =	vsub.f32 v4, v5;
	v12 =	vmul.f32 v37, v1;
	v10 =	vadd.f32 v10, v49;
	[tilespmem:s10+$0x70] =	vst v9  }
0x3e5: {  	v41 =	vmul.f32 v38, v19;
	v14 =	vsub.f32 v29, v7;
	v42 =	vadd.f32 v20, v51;
	[tilespmem:s10+$0x0] =	vst v39  }
0x3e6: {  	v44 =	vsub.f32 v30, v7;
	v4 =	vmul.f32 v4, v17;
	v43 =	vadd.f32 v12, v54;
	[tilespmem:s10+$0x10] =	vst v10  }
0x3e7: {  	v50 =	vsub.f32 v31, v7;
	v5 =	vadd.f32 v41, v53;
	v14 =	vmul.f32 v14, v47;
	[tilespmem:s10+$0x20] =	vst v42  }
0x3e8: {  	v59 =	vsub.f32 v35, v7;
	v12 =	vmul.f32 v44, v0;
	v4 =	vadd.f32 v4, v48;
	[tilespmem:s10+$0x30] =	vst v43  }
0x3e9: {  	v6 =	vsub.f32 v6, v7;
	v57 =	vmul.f32 v50, v46;
	[tilespmem:s10+$0x40] =	vst v5;
	v58 =	vadd.f32 v14, v52  }
0x3ea: {  	v55 =	vsub.f32 v33, v7;
	v61 =	vmul.f32 v59, v18;
	v12 =	vadd.f32 v12, v49;
	[tilespmem:s10+$0x60] =	vst v4  }
0x3eb: {  	v60 =	vsub.f32 v36, v7;
	v6 =	vmul.f32 v6, v32;
	v8 =	vadd.f32 v57, v51;
	[tilespmem:s10+$0xFFFFFF80] =	vst v58  }
0x3ec: {  	v56 =	vsub.f32 v34, v7;
	v9 =	vmul.f32 v40, v18;
	v7 =	vadd.f32 v61, v45;
	[tilespmem:s10+$0xFFFFFF90] =	vst v12  }
0x3ed: {  	v10 =	vmul.f32 v55, v1;
	v63 =	vadd.f32 v6, v2;
	[tilespmem:s10+$0xFFFFFFA0] =	vst v8  }
0x3ee: {  	v5 =	vmul.f32 v56, v19;
	v9 =	vadd.f32 v9, v45;
	[tilespmem:s10+$0xFFFFFFD0] =	vst v7  }
0x3ef: {  	v4 =	vmul.f32 v60, v17;
	v62 =	vadd.f32 v10, v54;
	[tilespmem:s10+$0xFFFFFFF0] =	vst v63  }
0x3f0: {  	v5 =	vadd.f32 v5, v53;
	[tilespmem:s10+$0x50] =	vst v9  }
0x3f1: {  	s26 =	sadd.s32 s8, s13;
	v4 =	vadd.f32 v4, v48;
	[tilespmem:s10+$0xFFFFFFB0] =	vst v62  }
0x3f2: {  	s3 =	sshll.u32 s26, $0x4;
	[tilespmem:s10+$0xFFFFFFC0] =	vst v5  }
0x3f3: {  	s3 =	sadd.s32 s5, s3;
	[tilespmem:s10+$0xFFFFFFE0] =	vst v4  }
0x3f4: {  	[hbm4b:s3+s6] =	stream.linear.scatter [tilespmem:s17], [sflag:$0x6], $0x4000, $0x38;
	[tilespmem:$0x1C900] =	vst v63  }
.LBB2_16:
0x3f5: {  	s3 =	simm.s32 @!p1 $0x8  }
0x3f6: {  	s1 =	sor.u32 $0x3, s1;
	_ =	swait.ge @!p1 [sflag:s3], $0x4000  }
0x3f7: {  	s9 =	sshll.u32 @!p0 s1, $0x7;
	[sflag:s3] =	ssyncset.done @!p1 $0x0  }
0x3f8: {  	[sflag:s3] =	ssyncadd.s32 @!p1 $0xFFFFC000;
	s3 =	sand.u32 @!p0 $0x3FFFFF80, s9;
	s9 =	simm.s32 @!p0 $0x12400  }
0x3f9: {  	[tilespmem:s9], [sflag:$0x4] =	stream.indirect.gather @!p0 [hbm4b:s0+s12], $0x80, s3, s12, $0xb8;
	[tilespmem:$0x1C900] =	vst v63  }
0x3fa: {  	p0 =	sgt.u32 s1, $0xC8  }
.Ltmp12:
0x3fb: {  	_ = 	snop;
	(pc) =	sbr.rel @p0 .LBB2_20-.Ltmp12, $1  }
0x3fc: {  	_ =	sdelay $0x3  }
0x3fd: {  	_ =	swait.ge [sflag:s20], $0x4000  }
0x3fe: {  	[sflag:s20] =	ssyncset.done $0x0  }
0x3ff: {  	[sflag:s20] =	ssyncadd.s32 $0xFFFFC000  }
0x400: {  	v0 =	vld [tilespmem:$0x1C800]  }
0x401: {  	v39 =	vld [tilespmem:$0x1C810]  }
0x402: {  	v1 =	vld [tilespmem:$0x1C820]  }
0x403: {  	v4 =	vld [tilespmem:$0x1C830]  }
0x404: {  	v40 =	vld [tilespmem:$0x1C840]  }
0x405: {  	s1 =	smulhi.u32 $0x51EB851F, s29;
	v41 =	vld [tilespmem:$0x1C850];
	[tilespmem:$0x1FB00] =	vst v0  }
0x406: {  	v42 =	vld [tilespmem:$0x1C860];
	[tilespmem:$0x1FB10] =	vst v39  }
0x407: {  	s1 =	sshrl.u32 s1, $0x6;
	v43 =	vld [tilespmem:$0x1C880];
	[tilespmem:$0x1FB20] =	vst v1  }
0x408: {  	s3 =	smul.u32 $0xC8, s1;
	v44 =	vld [tilespmem:$0x1C890];
	[tilespmem:$0x1FB30] =	vst v4  }
0x409: {  	v45 =	vld [tilespmem:$0x1C8A0];
	[tilespmem:$0x1FB40] =	vst v40  }
0x40a: {  	s3 =	ssub.s32 s7, s3;
	[tilespmem:$0x1FB50] =	vst v41  }
0x40b: {  	v46 =	vld [tilespmem:$0x1C8B0];
	s10 =	sadd.s32 $0xFFFFFFFE, s3;
	[tilespmem:$0x1FB60] =	vst v42  }
0x40c: {  	s12 =	smul.u32 $0xFFFF9C00, s1;
	v47 =	vld [tilespmem:$0x1C8C0];
	s24 =	sadd.s32 $0x102, s10;
	[tilespmem:$0x1FB70] =	vst v43  }
0x40d: {  	s9 =	simm.s32 $0xFFFF9B80;
	v48 =	vld [tilespmem:$0x1C8D0];
	[tilespmem:$0x1FB80] =	vst v44;
	p0 =	sgt.u32 s24, $0xC7  }
0x40e: {  	s1 =	simm.s32 $0xE480;
	v49 =	vld [tilespmem:$0x1C8E0];
	s14 =	sadd.s32 s30, s12;
	[tilespmem:$0x1FB90] =	vst v45;
	s9 =	simm.s32 @!p0 $0xFFFFFF80  }
0x40f: {  	v20 =	vld [tilespmem:s1+$0xFFFFFF80];
	s9 =	sadd.s32 s9, s14  }
0x410: {  	v21 =	vld [tilespmem:s9+$0x16400]  }
0x411: {  	[tilespmem:$0x1FBA0] =	vst v46  }
0x412: {  	s10 =	sadd.s32 $0x103, s10;
	[tilespmem:$0x1FBB0] =	vst v47  }
0x413: {  	p0 =	sgt.u32 s10, $0xC7;
	s10 =	sadd.s32 $0xFFFF9C00, s14;
	[tilespmem:$0x1FBC0] =	vst v48  }
0x414: {  	v3 =	vld [tilespmem:$0x1C8F0];
	s14 =	smov.u32 @p0 s10;
	[tilespmem:$0x1FBD0] =	vst v49  }
0x415: {  	v55 =	vadd.f32 v21, v20;
	v20 =	vld [tilespmem:s14+$0x16400]  }
0x416: {  	v21 =	vld [tilespmem:s1+$0x0]  }
0x417: {  	v4 =	vld [tilespmem:$0x1C870]  }
0x418: {  	v22 =	vld [tilespmem:s1+$0xFFFFFF90];
	[tilespmem:s1+$0xFFFFFF80] =	vst v55  }
0x419: {  	v23 =	vld [tilespmem:s9+$0x16410];
	_ =	sdelay $0x1  }
0x41a: {  	v12 =	vadd.f32 v20, v21;
	_ =	sdelay $0x1  }
0x41b: {  	v24 =	vld [tilespmem:s1+$0x10];
	[tilespmem:s1+$0x0] =	vst v12  }
0x41c: {  	v5 =	vadd.f32 v23, v22;
	v21 =	vld [tilespmem:s14+$0x16410];
	_ =	sdelay $0x1  }
0x41d: {  	v22 =	vld [tilespmem:s1+$0xFFFFFFA0];
	[tilespmem:s1+$0xFFFFFF90] =	vst v5  }
0x41e: {  	v23 =	vld [tilespmem:s9+$0x16420];
	_ =	sdelay $0x1  }
0x41f: {  	v13 =	vadd.f32 v21, v24;
	_ =	sdelay $0x1  }
0x420: {  	v25 =	vld [tilespmem:s1+$0x20];
	[tilespmem:s1+$0x10] =	vst v13  }
0x421: {  	v47 =	vadd.f32 v23, v22;
	v22 =	vld [tilespmem:s14+$0x16420];
	_ =	sdelay $0x1  }
0x422: {  	v23 =	vld [tilespmem:s1+$0xFFFFFFB0];
	[tilespmem:s1+$0xFFFFFFA0] =	vst v47  }
0x423: {  	v24 =	vld [tilespmem:s9+$0x16430];
	_ =	sdelay $0x1  }
0x424: {  	v14 =	vadd.f32 v22, v25;
	_ =	sdelay $0x1  }
0x425: {  	v26 =	vld [tilespmem:s1+$0x30];
	[tilespmem:s1+$0x20] =	vst v14  }
0x426: {  	v48 =	vadd.f32 v24, v23;
	v23 =	vld [tilespmem:s14+$0x16430];
	_ =	sdelay $0x1  }
0x427: {  	v24 =	vld [tilespmem:s1+$0xFFFFFFC0];
	[tilespmem:s1+$0xFFFFFFB0] =	vst v48  }
0x428: {  	v25 =	vld [tilespmem:s9+$0x16440];
	_ =	sdelay $0x1  }
0x429: {  	v15 =	vadd.f32 v23, v26;
	_ =	sdelay $0x1  }
0x42a: {  	v27 =	vld [tilespmem:s1+$0x40];
	[tilespmem:s1+$0x30] =	vst v15  }
0x42b: {  	v49 =	vadd.f32 v25, v24;
	v24 =	vld [tilespmem:s14+$0x16440];
	_ =	sdelay $0x1  }
0x42c: {  	v25 =	vld [tilespmem:s1+$0xFFFFFFD0];
	[tilespmem:s1+$0xFFFFFFC0] =	vst v49  }
0x42d: {  	v26 =	vld [tilespmem:s9+$0x16450];
	_ =	sdelay $0x1  }
0x42e: {  	v16 =	vadd.f32 v24, v27;
	_ =	sdelay $0x1  }
0x42f: {  	v28 =	vld [tilespmem:s1+$0x50];
	[tilespmem:s1+$0x40] =	vst v16  }
0x430: {  	v51 =	vadd.f32 v26, v25;
	v25 =	vld [tilespmem:s14+$0x16450];
	_ =	sdelay $0x1  }
0x431: {  	v27 =	vld [tilespmem:s1+$0xFFFFFFE0];
	[tilespmem:s1+$0xFFFFFFD0] =	vst v51  }
0x432: {  	v32 =	vadd.f32 $0.0e+00, v55;
	v31 =	vld [tilespmem:s9+$0x16460];
	_ =	sdelay $0x1  }
0x433: {  	v17 =	vadd.f32 v25, v28;
	v25 =	vadd.f32 v5, v32;
	_ =	sdelay $0x1  }
0x434: {  	v34 =	vmul.f32 v55, v55;
	v35 =	vmul.f32 v5, v5;
	v25 =	vadd.f32 v47, v25  }
0x435: {  	s16 =	sadd.s32 $0x0, s3;
	v29 =	vld [tilespmem:s1+$0x60];
	[tilespmem:s1+$0x50] =	vst v17;
	v52 =	vadd.f32 v31, v27;
	v27 =	vmul.f32 v12, v12;
	v31 =	vmul.f32 v13, v13  }
0x436: {  	s26 =	sadd.s32 $0x102, s16;
	v33 =	vadd.f32 $0.0e+00, v12;
	v50 =	vmul.f32 v47, v47;
	v28 =	vadd.f32 v35, v34;
	v54 =	vld [tilespmem:s14+$0x16460]  }
0x437: {  	s13 =	sadd.s32 $0x100, s30;
	s11 =	simm.s32 $0xFFFF9B80;
	p0 =	sgt.u32 s26, $0xC7;
	v25 =	vadd.f32 v48, v25;
	[tilespmem:s1+$0xFFFFFFE0] =	vst v52;
	v27 =	vadd.f32 v31, v27;
	v31 =	vld [tilespmem:s1+$0xFFFFFFF0]  }
0x438: {  	s10 =	simm.s32 $0xE580;
	s11 =	simm.s32 @!p0 $0xFFFFFF80;
	v33 =	vadd.f32 v13, v33;
	v56 =	vmul.f32 v48, v48;
	v28 =	vadd.f32 v50, v28;
	v36 =	vld [tilespmem:s9+$0x16470];
	s9 =	sadd.s32 s13, s12  }
0x439: {  	v38 =	vld [tilespmem:s10+$0xFFFFFF80];
	v25 =	vadd.f32 v49, v25;
	s11 =	sadd.s32 s11, s9  }
0x43a: {  	v33 =	vadd.f32 v14, v33;
	v58 =	vmul.f32 v49, v49;
	v28 =	vadd.f32 v56, v28;
	v39 =	vld [tilespmem:s11+$0x16400]  }
0x43b: {  	v57 =	vmul.f32 v14, v14;
	v25 =	vadd.f32 v51, v25;
	v23 =	vadd.f32 v54, v29  }
0x43c: {  	v33 =	vadd.f32 v15, v33;
	v59 =	vmul.f32 v51, v51;
	v32 =	vadd.f32 v58, v28  }
0x43d: {  	v30 =	vld [tilespmem:s1+$0x70];
	v25 =	vadd.f32 v52, v25;
	[tilespmem:s1+$0x60] =	vst v23;
	v46 =	vadd.f32 v36, v31  }
0x43e: {  	v40 =	vmul.f32 v15, v15;
	v27 =	vadd.f32 v57, v27;
	v29 =	vadd.f32 v59, v32;
	v8 =	vld [tilespmem:$0x1FFC0]  }
0x43f: {  	v60 =	vmul.f32 v52, v52;
	v62 =	vld [tilespmem:s14+$0x16470];
	v63 =	vadd.f32 v46, v25;
	v25 =	vadd.f32 v39, v38  }
0x440: {  	v11 =	vld [tilespmem:s10+$0x0];
	v61 =	vmul.f32 v16, v16;
	v27 =	vadd.f32 v40, v27  }
0x441: {  	s16 =	sadd.s32 $0x103, s16;
	v53 =	vld [tilespmem:s10+$0xFFFFFF90];
	v29 =	vadd.f32 v60, v29;
	v31 =	vadd.f32 v16, v33;
	v6 =	vmul.f32 v46, v46;
	[tilespmem:s10+$0xFFFFFF80] =	vst v25  }
0x442: {  	p0 =	sgt.u32 s16, $0xC7;
	v7 =	vmul.f32 v17, v17;
	s14 =	sadd.s32 $0xFFFF9C00, s9;
	v27 =	vadd.f32 v61, v27;
	v57 =	vld [tilespmem:$0x1FFD0]  }
0x443: {  	s9 =	smov.u32 @p0 s14;
	v31 =	vadd.f32 v17, v31;
	v29 =	vadd.f32 v6, v29;
	v9 =	vperm.xlane v63, v8;
	v56 =	vld [tilespmem:s11+$0x16410]  }
0x444: {  	v54 =	vmul.f32 v23, v23;
	v10 =	vld [tilespmem:s9+$0x16400];
	v27 =	vadd.f32 v7, v27;
	v32 =	vadd.f32 v62, v30  }
0x445: {  	v31 =	vadd.f32 v23, v31;
	v50 =	vperm.xlane v29, v8;
	v45 =	vadd.f32 v9, v63  }
0x446: {  	v27 =	vadd.f32 v54, v27;
	v58 =	vmul.f32 v32, v32  }
0x447: {  	v31 =	vadd.f32 v32, v31;
	v29 =	vadd.f32 v50, v29;
	v30 =	vperm.xlane v45, v57  }
0x448: {  	v2 =	vld [tilespmem:$0x1FFE0];
	v35 =	vadd.f32 v58, v27;
	v27 =	vadd.f32 v56, v53  }
0x449: {  	v33 =	vadd.f32 v30, v45;
	v30 =	vadd.f32 v10, v11  }
0x44a: {  	v44 =	vperm.xlane v31, v8;
	[tilespmem:s10+$0xFFFFFF90] =	vst v27  }
0x44b: {  	v42 =	vperm.xlane v29, v57;
	[tilespmem:s10+$0x0] =	vst v30  }
0x44c: {  	v31 =	vadd.f32 v44, v31;
	v60 =	vperm.xlane v35, v8;
	v7 =	vld [tilespmem:$0x1FFF0]  }
0x44d: {  	v29 =	vadd.f32 v42, v29;
	v59 =	vperm.xlane v33, v2  }
0x44e: {  	v63 =	vperm.xlane v31, v57;
	v34 =	vadd.f32 v60, v35  }
0x44f: {  	v40 =	vld [tilespmem:s10+$0x10];
	v61 =	vperm.xlane v29, v2;
	v33 =	vadd.f32 v59, v33  }
0x450: {  	v62 =	vld [tilespmem:s9+$0x16410];
	v31 =	vadd.f32 v63, v31;
	v10 =	vperm.xlane v34, v57  }
0x451: {  	v6 =	vld [tilespmem:s10+$0xFFFFFFA0];
	v29 =	vadd.f32 v61, v29;
	v8 =	vperm.xlane v33, v7  }
0x452: {  	v9 =	vld [tilespmem:s11+$0x16420];
	v53 =	vperm.xlane v31, v2;
	v39 =	vadd.f32 v10, v34  }
0x453: {  	v11 =	vperm.xlane v29, v7;
	v33 =	vadd.f32 v8, v33  }
0x454: {  	v44 =	vperm.xlane v39, v2;
	v31 =	vadd.f32 v53, v31  }
0x455: {  	v34 =	vadd.f32 v62, v40;
	v41 =	vadd.f32 v11, v29;
	v56 =	vmul.f32 $7.812500000e-03, v33  }
0x456: {  	v58 =	vadd.f32 v44, v39;
	v60 =	vperm.xlane v31, v7  }
0x457: {  	v43 =	vld [tilespmem:s10+$0x20];
	v29 =	vadd.f32 v9, v6;
	[tilespmem:s10+$0x10] =	vst v34;
	v33 =	vmul.f32 $7.812500000e-03, v41;
	v57 =	vmul.f32 v56, v56  }
0x458: {  	v59 =	vld [tilespmem:s9+$0x16420];
	v62 =	vperm.xlane v58, v7;
	v31 =	vadd.f32 v60, v31  }
0x459: {  	v61 =	vld [tilespmem:s10+$0xFFFFFFB0];
	[tilespmem:s10+$0xFFFFFFA0] =	vst v29;
	v33 =	vsub.f32 v33, v57  }
0x45a: {  	v63 =	vld [tilespmem:s11+$0x16430];
	v35 =	vadd.f32 v62, v58;
	v38 =	vmul.f32 $7.812500000e-03, v31  }
0x45b: {  	v33 =	vadd.f32 $9.999999740e-06, v33  }
0x45c: {  	v0 =	vmul.f32 $7.812500000e-03, v35;
	v6 =	vmul.f32 v38, v38  }
0x45d: {  	v35 =	vadd.f32 v59, v43;
	v31 =	vshra.s32 v33, $0x1;
	v53 =	vmul.f32 $5.000000000e-01, v33  }
0x45e: {  	v33 =	vsub.f32 v0, v6;
	v2 =	vsub.s32 $0x5F3759DF, v31  }
0x45f: {  	v45 =	vld [tilespmem:s10+$0x30];
	[tilespmem:s10+$0x20] =	vst v35;
	v31 =	vadd.f32 v63, v61;
	v7 =	vmul.f32 v2, v53  }
0x460: {  	v9 =	vld [tilespmem:s9+$0x16430];
	v33 =	vadd.f32 $9.999999740e-06, v33  }
0x461: {  	v10 =	vld [tilespmem:s10+$0xFFFFFFC0];
	[tilespmem:s10+$0xFFFFFFB0] =	vst v31;
	v8 =	vmul.f32 v2, v7  }
0x462: {  	v11 =	vld [tilespmem:s11+$0x16440];
	v57 =	vshra.s32 v33, $0x1;
	v58 =	vmul.f32 $5.000000000e-01, v33  }
0x463: {  	v57 =	vsub.s32 $0x5F3759DF, v57;
	v39 =	vsub.f32 $1.500000000e+00, v8  }
0x464: {  	v59 =	vmul.f32 v57, v58  }
0x465: {  	v36 =	vadd.f32 v9, v45;
	v39 =	vmul.f32 v2, v39  }
0x466: {  	v63 =	vmul.f32 v57, v59  }
0x467: {  	v42 =	vld [tilespmem:s10+$0x40];
	[tilespmem:s10+$0x30] =	vst v36;
	v33 =	vadd.f32 v11, v10;
	v60 =	vmul.f32 v39, v53  }
0x468: {  	v2 =	vld [tilespmem:s9+$0x16440];
	v40 =	vsub.f32 $1.500000000e+00, v63  }
0x469: {  	v6 =	vld [tilespmem:s10+$0xFFFFFFD0];
	[tilespmem:s10+$0xFFFFFFC0] =	vst v33;
	v0 =	vmul.f32 v60, v39  }
0x46a: {  	v7 =	vld [tilespmem:s11+$0x16450];
	v40 =	vmul.f32 v57, v40  }
0x46b: {  	v43 =	vsub.f32 $1.500000000e+00, v0  }
0x46c: {  	v57 =	vmul.f32 v40, v58  }
0x46d: {  	v43 =	vmul.f32 v43, v39;
	v39 =	vadd.f32 v2, v42  }
0x46e: {  	v9 =	vmul.f32 v57, v40  }
0x46f: {  	v54 =	vld [tilespmem:s10+$0x50];
	v37 =	vmul.f32 v30, v30;
	v42 =	vadd.f32 v7, v6;
	v8 =	vmul.f32 v43, v53;
	[tilespmem:s10+$0x40] =	vst v39  }
0x470: {  	v41 =	vmul.f32 v29, v29;
	v0 =	vmul.f32 v34, v34;
	v44 =	vsub.f32 $1.500000000e+00, v9;
	v11 =	vld [tilespmem:s9+$0x16450]  }
0x471: {  	v62 =	vadd.f32 $0.0e+00, v30;
	v61 =	vld [tilespmem:s10+$0xFFFFFFE0];
	v63 =	vmul.f32 v36, v36;
	[tilespmem:s10+$0xFFFFFFD0] =	vst v42;
	v10 =	vmul.f32 v8, v43  }
0x472: {  	v59 =	vadd.f32 v0, v37;
	v6 =	vmul.f32 v35, v35;
	v44 =	vmul.f32 v44, v40;
	v2 =	vld [tilespmem:s11+$0x16460]  }
0x473: {  	v9 =	vmul.f32 v27, v27;
	v0 =	vmul.f32 v39, v39;
	v57 =	vsub.f32 $1.500000000e+00, v10  }
0x474: {  	v7 =	vadd.f32 v6, v59;
	v6 =	vadd.f32 $0.0e+00, v25;
	v37 =	vmul.f32 v44, v58  }
0x475: {  	v8 =	vmul.f32 v25, v25;
	v57 =	vmul.f32 v57, v43;
	v40 =	vadd.f32 v11, v54  }
0x476: {  	v45 =	vadd.f32 v63, v7;
	v10 =	vadd.f32 v34, v62;
	v37 =	vmul.f32 v37, v44  }
0x477: {  	v50 =	vld [tilespmem:s10+$0x60];
	v54 =	vadd.f32 v9, v8;
	v43 =	vadd.f32 v2, v61;
	v53 =	vmul.f32 v57, v53;
	[tilespmem:s10+$0x50] =	vst v40  }
0x478: {  	v45 =	vadd.f32 v0, v45;
	v8 =	vmul.f32 v33, v33;
	v37 =	vsub.f32 $1.500000000e+00, v37;
	v11 =	vld [tilespmem:s9+$0x16460]  }
0x479: {  	v63 =	vld [tilespmem:s10+$0xFFFFFFF0];
	v2 =	vmul.f32 v31, v31;
	v54 =	vadd.f32 v41, v54;
	[tilespmem:s10+$0xFFFFFFE0] =	vst v43;
	v53 =	vmul.f32 v53, v57  }
0x47a: {  	v60 =	vadd.f32 v35, v10;
	v62 =	vmul.f32 v37, v44;
	v9 =	vld [tilespmem:s11+$0x16470];
	v37 =	vadd.f32 v27, v6  }
0x47b: {  	v10 =	vmul.f32 v40, v40;
	v7 =	vadd.f32 v2, v54;
	v53 =	vsub.f32 $1.500000000e+00, v53  }
0x47c: {  	v0 =	vadd.f32 v36, v60;
	v58 =	vmul.f32 v62, v58;
	v2 =	vadd.f32 v29, v37  }
0x47d: {  	v41 =	vmul.f32 v53, v57;
	v44 =	vadd.f32 v11, v50;
	v53 =	vadd.f32 v8, v7  }
0x47e: {  	v11 =	vmul.f32 v42, v42;
	v50 =	vadd.f32 v10, v45;
	v8 =	vadd.f32 v39, v0  }
0x47f: {  	v58 =	vmul.f32 v58, v62;
	v10 =	vmul.f32 v43, v43;
	v37 =	vadd.f32 v9, v63  }
0x480: {  	v9 =	vadd.f32 v31, v2;
	v45 =	vmul.f32 v41, v56;
	v46 =	vmul.f32 v41, v46  }
0x481: {  	v53 =	vadd.f32 v11, v53;
	v7 =	vmul.f32 v44, v44;
	v55 =	vmul.f32 v41, v55  }
0x482: {  	v1 =	vld [tilespmem:s10+$0x70];
	[tilespmem:s10+$0x60] =	vst v44;
	v57 =	vmul.f32 v41, v5;
	v59 =	vadd.f32 v33, v9;
	v46 =	vsub.f32 v46, v45  }
0x483: {  	v11 =	vsub.f32 $1.500000000e+00, v58;
	v56 =	vmul.f32 v41, v47;
	v54 =	vmul.f32 v41, v48;
	v6 =	vld [tilespmem:s9+$0x16470]  }
0x484: {  	v60 =	vadd.f32 v7, v50;
	v63 =	vadd.f32 v42, v59;
	v46 =	vmul.f32 v46, v4  }
0x485: {  	v61 =	vadd.f32 v10, v53;
	v58 =	vmul.f32 v11, v62;
	v62 =	vadd.f32 v40, v8  }
0x486: {  	v49 =	vmul.f32 v41, v49;
	[tilespmem:$0x1FBE0] =	vst v4;
	v59 =	vadd.f32 v43, v63;
	v46 =	vadd.f32 v46, v3  }
0x487: {  	[tilespmem:$0x1FBF0] =	vst v3;
	v53 =	vmul.f32 v41, v51;
	v51 =	vmul.f32 v41, v52;
	v47 =	vadd.f32 v44, v62  }
0x488: {  	s2 =	sshll.u32 s2, $0x7;
	s11 =	simm.s32 $0x2;
	s9 =	simm.s32 $0xE580;
	v52 =	vmul.f32 v37, v37;
	v50 =	vadd.f32 v6, v1;
	v62 =	vadd.f32 v37, v59;
	[tilespmem:s1+$0xFFFFFFF0] =	vst v46  }
.LBB2_18:
0x489: {  	v0 =	vld [tilespmem:$0x1FFC0];
	_ =	sdelay $0x1  }
0x48a: {  	s14 =	sadd.s32 s11, s3;
	v2 =	vmov v42  }
0x48b: {  	s13 =	sadd.s32 $0x100, s13;
	v1 =	vmovc v34;
	s10 =	sadd.s32 $0x100, s10;
	v46 =	vadd.f32 v52, v61;
	v59 =	vmul.f32 v58, v38;
	s16 =	sadd.s32 $0x102, s14;
	v9 =	vmul.f32 v50, v50  }
0x48c: {  	s14 =	sadd.s32 $0x103, s14;
	v8 =	vadd.f32 v50, v47;
	v61 =	vmul.f32 v58, v12;
	[tilespmem:$0x1FAE0] =	vst v1;
	v1 =	vld [tilespmem:$0x1FFD0];
	v63 =	vmul.f32 v58, v15;
	p2 =	sgt.u32 s16, $0xC7;
	s16 =	simm.s32 $0xFFFF9B80  }
0x48d: {  	v22 =	vmov v30;
	v4 =	vmul.f32 v58, v16;
	p1 =	sgt.u32 s14, $0xC7;
	s14 =	sadd.s32 s13, s12;
	s16 =	simm.s32 @!p2 $0xFFFFFF80;
	v48 =	vperm.xlane v62, v0  }
0x48e: {  	v24 =	vmovc v35;
	v35 =	vld [tilespmem:s10+$0xFFFFFF80];
	v11 =	vadd.f32 v9, v60;
	s21 =	sadd.s32 s16, s14;
	v10 =	vperm.xlane v46, v0;
	v7 =	vperm.xlane v8, v0  }
0x48f: {  	[tilespmem:$0x1FAF0] =	vst v2;
	v5 =	vmul.f32 v58, v17;
	v2 =	vmovc v25;
	v25 =	vmov v36;
	v36 =	vld [tilespmem:s21+$0x16400];
	v30 =	vadd.f32 v48, v62  }
0x490: {  	v47 =	vadd.f32 v10, v46;
	v38 =	vadd.f32 v7, v8;
	v8 =	vperm.xlane v11, v0;
	v0 =	vld [tilespmem:$0x1FFE0]  }
0x491: {  	v42 =	vmul.f32 v58, v23;
	s16 =	sadd.s32 $0xFFFF9C00, s14;
	v48 =	vperm.xlane v30, v1  }
0x492: {  	v28 =	vmovc v27;
	v27 =	vmov v40;
	v40 =	vld [tilespmem:s10+$0x0];
	v60 =	vmul.f32 v58, v14;
	s14 =	smov.u32 @p1 s16;
	v9 =	vperm.xlane v47, v1  }
0x493: {  	v52 =	vld [tilespmem:s14+$0x16400];
	v62 =	vmul.f32 v58, v13;
	v34 =	vadd.f32 v8, v11;
	v30 =	vadd.f32 v48, v30  }
0x494: {  	v41 =	vld [tilespmem:$0x1FFF0];
	v58 =	vmul.f32 v58, v32;
	v48 =	vperm.xlane v38, v1;
	v7 =	vadd.f32 v9, v47  }
0x495: {  	v10 =	vperm.xlane v34, v1;
	v47 =	vadd.f32 v36, v35;
	v6 =	vperm.xlane v30, v0  }
0x496: {  	v32 =	vmovc v50;
	v50 =	vsub.f32 v57, v45;
	v38 =	vadd.f32 v48, v38;
	v11 =	vperm.xlane v7, v0  }
0x497: {  	v57 =	vld [tilespmem:s10+$0xFFFFFF90];
	v34 =	vadd.f32 v10, v34;
	[tilespmem:s10+$0xFFFFFF80] =	vst v47;
	v6 =	vadd.f32 v6, v30  }
0x498: {  	v35 =	vld [tilespmem:s21+$0x16410];
	v48 =	vperm.xlane v38, v0;
	v30 =	vadd.f32 v52, v40;
	v7 =	vadd.f32 v11, v7  }
0x499: {  	v1 =	vperm.xlane v34, v0;
	v52 =	vperm.xlane v6, v41  }
0x49a: {  	v46 =	vmov v43;
	v43 =	vld [tilespmem:s10+$0x10];
	v38 =	vadd.f32 v48, v38;
	[tilespmem:s10+$0x0] =	vst v30;
	v10 =	vperm.xlane v7, v41  }
0x49b: {  	v34 =	vadd.f32 v1, v34;
	v12 =	vld [tilespmem:s14+$0x16410];
	v6 =	vadd.f32 v52, v6  }
0x49c: {  	v13 =	vperm.xlane v38, v41;
	v3 =	vadd.f32 v10, v7;
	v7 =	vsub.f32 v54, v45  }
0x49d: {  	v54 =	vsub.f32 v49, v45;
	v49 =	vadd.f32 v35, v57;
	v52 =	vmul.f32 $7.812500000e-03, v6  }
0x49e: {  	v38 =	vadd.f32 v13, v38;
	v13 =	vperm.xlane v34, v41;
	v6 =	vmul.f32 $7.812500000e-03, v3;
	v3 =	vld [tilespmem:$0x1FB00]  }
0x49f: {  	v55 =	vsub.f32 v55, v45;
	v8 =	vld [tilespmem:s10+$0x20];
	v41 =	vmul.f32 v52, v52  }
0x4a0: {  	v0 =	vld [tilespmem:$0x1FB10];
	[tilespmem:s10+$0xFFFFFF90] =	vst v49;
	v38 =	vmul.f32 $7.812500000e-03, v38;
	v57 =	vadd.f32 v13, v34;
	v34 =	vadd.f32 v12, v43  }
0x4a1: {  	v56 =	vsub.f32 v56, v45;
	v35 =	vld [tilespmem:s21+$0x16420];
	v13 =	vsub.f32 v53, v45  }
0x4a2: {  	v53 =	vld [tilespmem:s10+$0xFFFFFFA0];
	v6 =	vsub.f32 v6, v41;
	v10 =	vmul.f32 $7.812500000e-03, v57;
	v1 =	vmul.f32 v38, v38;
	[tilespmem:s10+$0x10] =	vst v34  }
0x4a3: {  	v61 =	vsub.f32 v61, v59;
	v4 =	vsub.f32 v4, v59;
	v12 =	vmul.f32 v55, v3;
	v55 =	vld [tilespmem:s14+$0x16420]  }
0x4a4: {  	v6 =	vadd.f32 $9.999999740e-06, v6;
	v10 =	vsub.f32 v10, v1  }
0x4a5: {  	v19 =	vld [tilespmem:$0x1FB30];
	v11 =	vmul.f32 v30, v30;
	v45 =	vsub.f32 v51, v45;
	v41 =	vmul.f32 v34, v34  }
0x4a6: {  	v18 =	vld [tilespmem:$0x1FB40];
	v57 =	vmul.f32 v50, v0;
	v51 =	vshra.s32 v6, $0x1;
	v10 =	vadd.f32 $9.999999740e-06, v10  }
0x4a7: {  	v17 =	vld [tilespmem:$0x1FB50];
	v50 =	vadd.f32 v35, v53;
	v6 =	vmul.f32 $5.000000000e-01, v6;
	v51 =	vsub.s32 $0x5F3759DF, v51  }
0x4a8: {  	v36 =	vld [tilespmem:s10+$0x30];
	v14 =	vshra.s32 v10, $0x1;
	v43 =	vmul.f32 $5.000000000e-01, v10;
	v35 =	vadd.f32 v55, v8  }
0x4a9: {  	[tilespmem:s10+$0xFFFFFFA0] =	vst v50;
	v1 =	vmul.f32 v51, v6;
	v10 =	vsub.f32 v63, v59;
	v63 =	vld [tilespmem:s10+$0xFFFFFFB0];
	v14 =	vsub.s32 $0x5F3759DF, v14  }
0x4aa: {  	v5 =	vsub.f32 v5, v59;
	v11 =	vadd.f32 v41, v11;
	v53 =	vld [tilespmem:s21+$0x16430];
	v41 =	vmul.f32 v14, v43;
	[tilespmem:s10+$0x20] =	vst v35  }
0x4ab: {  	v42 =	vsub.f32 v42, v59;
	v60 =	vsub.f32 v60, v59;
	v1 =	vmul.f32 v51, v1;
	v16 =	vld [tilespmem:s14+$0x16430]  }
0x4ac: {  	v21 =	vld [tilespmem:$0x1FB70];
	v4 =	vmul.f32 v4, v18;
	v62 =	vsub.f32 v62, v59;
	v55 =	vmul.f32 v14, v41  }
0x4ad: {  	v5 =	vmul.f32 v5, v17;
	v58 =	vsub.f32 v58, v59;
	v8 =	vsub.f32 $1.500000000e+00, v1;
	v1 =	vld [tilespmem:$0x1FB20]  }
0x4ae: {  	v20 =	vld [tilespmem:$0x1FB80];
	v9 =	vadd.f32 $0.0e+00, v30;
	v54 =	vmul.f32 v54, v18;
	v55 =	vsub.f32 $1.500000000e+00, v55  }
0x4af: {  	v26 =	vmovc v39;
	v39 =	vld [tilespmem:s10+$0x40];
	v13 =	vmul.f32 v13, v17;
	v8 =	vmul.f32 v51, v8;
	v51 =	vadd.f32 v53, v63  }
0x4b0: {  	v18 =	vld [tilespmem:$0x1FBA0];
	v15 =	vmul.f32 v35, v35;
	v14 =	vmul.f32 v14, v55;
	v36 =	vadd.f32 v16, v36  }
0x4b1: {  	v17 =	vld [tilespmem:$0x1FBB0];
	v12 =	vadd.f32 v12, v21;
	v53 =	vmul.f32 v61, v3;
	v59 =	vmul.f32 v8, v6;
	[tilespmem:s10+$0xFFFFFFB0] =	vst v51  }
0x4b2: {  	v11 =	vadd.f32 v15, v11;
	v15 =	vmul.f32 v56, v1;
	v56 =	vld [tilespmem:s21+$0x16440];
	v3 =	vmul.f32 v14, v43;
	[tilespmem:s10+$0x30] =	vst v36  }
0x4b3: {  	v7 =	vmul.f32 v7, v19;
	[tilespmem:s1+$0xFFFFFF80] =	vst v12;
	v12 =	vadd.f32 v57, v20;
	v57 =	vmul.f32 v62, v0;
	v62 =	vld [tilespmem:s14+$0x16440]  }
0x4b4: {  	v16 =	vmul.f32 v59, v8;
	v59 =	vmul.f32 v3, v14;
	v3 =	vld [tilespmem:$0x1FB90]  }
0x4b5: {  	v9 =	vadd.f32 v34, v9;
	v7 =	vadd.f32 v7, v18;
	v10 =	vmul.f32 v10, v19  }
0x4b6: {  	v54 =	vadd.f32 v54, v17;
	v4 =	vadd.f32 v4, v17;
	v55 =	vld [tilespmem:s10+$0xFFFFFFC0]  }
0x4b7: {  	v9 =	vadd.f32 v35, v9;
	v10 =	vadd.f32 v10, v18;
	v63 =	vld [tilespmem:$0x1FB60]  }
0x4b8: {  	v61 =	vld [tilespmem:$0x1FBE0];
	v16 =	vsub.f32 $1.500000000e+00, v16;
	v39 =	vadd.f32 v62, v39  }
0x4b9: {  	v53 =	vadd.f32 v53, v21;
	v0 =	vld [tilespmem:$0x1FBC0];
	[tilespmem:s1+$0xFFFFFF90] =	vst v12;
	v12 =	vadd.f32 v15, v3  }
0x4ba: {  	v40 =	vld [tilespmem:s10+$0x50];
	v9 =	vadd.f32 v36, v9;
	v8 =	vmul.f32 v16, v8;
	v16 =	vsub.f32 $1.500000000e+00, v59;
	[tilespmem:s10+$0x40] =	vst v39  }
0x4bb: {  	v41 =	vmul.f32 v36, v36;
	v59 =	vadd.f32 v56, v55;
	v15 =	vmul.f32 v60, v1;
	v1 =	vld [tilespmem:$0x1FBD0];
	[tilespmem:s1+$0xFFFFFFA0] =	vst v12  }
0x4bc: {  	v57 =	vadd.f32 v57, v20;
	v14 =	vmul.f32 v16, v14;
	v12 =	vmul.f32 v8, v6;
	v60 =	vld [tilespmem:s14+$0x16450];
	[tilespmem:s1+$0x0] =	vst v53  }
0x4bd: {  	v11 =	vadd.f32 v41, v11;
	v55 =	vmul.f32 v42, v63;
	v16 =	vmul.f32 v58, v61;
	[tilespmem:s10+$0xFFFFFFC0] =	vst v59;
	v42 =	vld [tilespmem:s10+$0xFFFFFFD0]  }
0x4be: {  	v5 =	vadd.f32 v5, v0;
	v58 =	vmul.f32 v14, v43;
	[tilespmem:s1+$0x10] =	vst v57;
	v12 =	vmul.f32 v12, v8;
	v56 =	vld [tilespmem:s21+$0x16450]  }
0x4bf: {  	v45 =	vmul.f32 v45, v63;
	v62 =	vadd.f32 v15, v3;
	[tilespmem:s1+$0xFFFFFFB0] =	vst v7;
	v7 =	vadd.f32 v13, v0;
	v0 =	vld [tilespmem:$0x1FBF0]  }
0x4c0: {  	v9 =	vadd.f32 v39, v9;
	v58 =	vmul.f32 v58, v14;
	[tilespmem:s1+$0xFFFFFFC0] =	vst v54;
	v12 =	vsub.f32 $1.500000000e+00, v12  }
0x4c1: {  	v41 =	vmul.f32 v39, v39;
	v53 =	vmul.f32 v47, v47;
	[tilespmem:s1+$0x20] =	vst v62;
	v13 =	vadd.f32 v45, v1  }
0x4c2: {  	v23 =	vmovc v44;
	[tilespmem:s1+$0xFFFFFFD0] =	vst v7;
	v40 =	vadd.f32 v60, v40;
	v8 =	vmul.f32 v12, v8;
	v12 =	vsub.f32 $1.500000000e+00, v58  }
0x4c3: {  	v44 =	vld [tilespmem:s10+$0x60];
	v11 =	vadd.f32 v41, v11;
	[tilespmem:s1+$0xFFFFFFE0] =	vst v13;
	v60 =	vmul.f32 v49, v49;
	v42 =	vadd.f32 v56, v42  }
0x4c4: {  	v15 =	vadd.f32 v16, v0;
	v16 =	vadd.f32 $0.0e+00, v47;
	[tilespmem:s10+$0x50] =	vst v40;
	v12 =	vmul.f32 v12, v14;
	v14 =	vld [tilespmem:s10+$0xFFFFFFE0]  }
0x4c5: {  	v13 =	vadd.f32 v55, v1;
	v55 =	vmul.f32 v50, v50;
	v6 =	vmul.f32 v8, v6;
	v62 =	vld [tilespmem:s14+$0x16460];
	[tilespmem:s10+$0xFFFFFFD0] =	vst v42  }
0x4c6: {  	v58 =	vmul.f32 v51, v51;
	v53 =	vadd.f32 v60, v53;
	v41 =	vadd.f32 v49, v16;
	v45 =	vld [tilespmem:s21+$0x16460]  }
0x4c7: {  	v7 =	vadd.f32 v40, v9;
	v63 =	vmul.f32 v40, v40;
	[tilespmem:s1+$0x30] =	vst v10;
	v6 =	vmul.f32 v6, v8  }
0x4c8: {  	v48 =	vld [tilespmem:s10+$0x70];
	[tilespmem:s1+$0x40] =	vst v4;
	v4 =	vadd.f32 v55, v53;
	v43 =	vmul.f32 v12, v43;
	v54 =	vadd.f32 v50, v41  }
0x4c9: {  	v60 =	vmul.f32 v59, v59;
	[tilespmem:s1+$0x50] =	vst v5;
	v9 =	vadd.f32 v63, v11;
	v6 =	vsub.f32 $1.500000000e+00, v6  }
0x4ca: {  	[tilespmem:s1+$0x60] =	vst v13;
	v4 =	vadd.f32 v58, v4;
	v63 =	vmul.f32 v43, v12;
	v10 =	vadd.f32 v51, v54  }
0x4cb: {  	[tilespmem:s1+$0x70] =	vst v15;
	v44 =	vadd.f32 v62, v44;
	v6 =	vmul.f32 v6, v8;
	v43 =	vadd.f32 v45, v14  }
0x4cc: {  	v15 =	vmovc v25;
	v4 =	vadd.f32 v60, v4;
	v62 =	vmul.f32 v42, v42;
	v10 =	vadd.f32 v59, v10  }
0x4cd: {  	v13 =	vld [tilespmem:s10+$0xFFFFFFF0];
	v25 =	vmovc v47;
	v8 =	vsub.f32 $1.500000000e+00, v63;
	v45 =	vmul.f32 v6, v52;
	v57 =	vmul.f32 v6, v37;
	[tilespmem:s10+$0xFFFFFFE0] =	vst v43  }
0x4ce: {  	[tilespmem:s10+$0x60] =	vst v44;
	v47 =	vadd.f32 v44, v7;
	v1 =	vmul.f32 v44, v44;
	v63 =	vadd.f32 v42, v10;
	v14 =	vld [tilespmem:s21+$0x16470]  }
0x4cf: {  	s11 =	sadd.s32 $0x2, s11;
	v17 =	vmovc v27;
	v55 =	vmul.f32 v6, v2;
	v58 =	vmul.f32 v8, v12;
	v2 =	vld [tilespmem:s14+$0x16470];
	v5 =	vsub.f32 v57, v45  }
0x4d0: {  	p0 =	slt.u32 s11, $0x7E;
	v27 =	vmovc v49;
	v56 =	vmul.f32 v6, v29;
	v54 =	vmul.f32 v6, v31;
	v7 =	vadd.f32 v43, v63;
	v63 =	vld [tilespmem:$0x1FAF0]  }
.Ltmp13:
0x4d1: {  	v16 =	vmovc v26;
	v4 =	vadd.f32 v62, v4;
	v49 =	vmul.f32 v6, v33;
	v5 =	vmul.f32 v5, v61;
	(pc) =	sbr.rel @p0 .LBB2_18-.Ltmp13, $4  }
0x4d2: {  	v12 =	vmovc v22;
	v29 =	vmovc v50;
	v31 =	vmov v51;
	v41 =	vmul.f32 v43, v43;
	v60 =	vadd.f32 v1, v9  }
0x4d3: {  	v51 =	vmul.f32 v6, v46;
	v33 =	vmovc v59;
	v5 =	vadd.f32 v5, v0;
	v37 =	vadd.f32 v14, v13  }
0x4d4: {  	s1 =	smov.u32 s9;
	v57 =	vmul.f32 v6, v28;
	v61 =	vadd.f32 v41, v4;
	v50 =	vadd.f32 v2, v48;
	v14 =	vmovc v24  }
0x4d5: {  	s9 =	smov.u32 s10;
	v13 =	vld [tilespmem:$0x1FAE0];
	[tilespmem:s1+$0xFFFFFFF0] =	vst v5;
	v53 =	vmul.f32 v6, v63;
	v62 =	vadd.f32 v37, v7;
	v52 =	vmul.f32 v37, v37  }
0x4d6: {  	v0 =	vld [tilespmem:$0x1FFC0];
	_ =	sdelay $0x3  }
0x4d7: {  	v1 =	vld [tilespmem:$0x1FFD0]  }
0x4d8: {  	v4 =	vadd.f32 v52, v61;
	v5 =	vperm.xlane v62, v0;
	_ =	sdelay $0x1  }
0x4d9: {  	v8 =	vperm.xlane v4, v0;
	v5 =	vadd.f32 v5, v62  }
0x4da: {  	v6 =	vadd.f32 v50, v47;
	v7 =	vmul.f32 v50, v50;
	v2 =	vld [tilespmem:$0x1FFE0]  }
0x4db: {  	v4 =	vadd.f32 v8, v4;
	v10 =	vperm.xlane v5, v1  }
0x4dc: {  	v7 =	vadd.f32 v7, v60;
	v9 =	vperm.xlane v6, v0  }
0x4dd: {  	v52 =	vperm.xlane v4, v1;
	v5 =	vadd.f32 v10, v5  }
0x4de: {  	v63 =	vld [tilespmem:$0x1FFF0];
	v48 =	vperm.xlane v7, v0;
	v6 =	vadd.f32 v9, v6  }
0x4df: {  	v4 =	vadd.f32 v52, v4;
	v60 =	vperm.xlane v5, v2  }
0x4e0: {  	v7 =	vadd.f32 v48, v7;
	v59 =	vperm.xlane v6, v1  }
0x4e1: {  	v62 =	vperm.xlane v4, v2;
	v5 =	vadd.f32 v60, v5  }
0x4e2: {  	v61 =	vperm.xlane v7, v1;
	v6 =	vadd.f32 v59, v6  }
0x4e3: {  	v4 =	vadd.f32 v62, v4;
	v1 =	vperm.xlane v5, v63  }
0x4e4: {  	v7 =	vadd.f32 v61, v7;
	v10 =	vperm.xlane v6, v2  }
0x4e5: {  	v18 =	vperm.xlane v4, v63;
	v5 =	vadd.f32 v1, v5  }
0x4e6: {  	v2 =	vperm.xlane v7, v2;
	v6 =	vadd.f32 v10, v6  }
0x4e7: {  	v4 =	vadd.f32 v18, v4;
	v5 =	vmul.f32 $7.812500000e-03, v5  }
0x4e8: {  	v7 =	vadd.f32 v2, v7;
	v10 =	vperm.xlane v6, v63  }
0x4e9: {  	v4 =	vmul.f32 $7.812500000e-03, v4;
	v19 =	vmul.f32 v5, v5  }
0x4ea: {  	v8 =	vperm.xlane v7, v63;
	v6 =	vadd.f32 v10, v6  }
0x4eb: {  	v4 =	vsub.f32 v4, v19  }
0x4ec: {  	v7 =	vadd.f32 v8, v7;
	v6 =	vmul.f32 $7.812500000e-03, v6  }
0x4ed: {  	v4 =	vadd.f32 $9.999999740e-06, v4  }
0x4ee: {  	v7 =	vmul.f32 $7.812500000e-03, v7;
	v20 =	vmul.f32 v6, v6  }
0x4ef: {  	v21 =	vshra.s32 v4, $0x1;
	v4 =	vmul.f32 $5.000000000e-01, v4  }
0x4f0: {  	v7 =	vsub.f32 v7, v20;
	v8 =	vsub.s32 $0x5F3759DF, v21  }
0x4f1: {  	v22 =	vmul.f32 v8, v4  }
0x4f2: {  	v7 =	vadd.f32 $9.999999740e-06, v7  }
0x4f3: {  	v9 =	vmul.f32 v8, v22  }
0x4f4: {  	v24 =	vshra.s32 v7, $0x1;
	v7 =	vmul.f32 $5.000000000e-01, v7  }
0x4f5: {  	v10 =	vsub.s32 $0x5F3759DF, v24;
	v9 =	vsub.f32 $1.500000000e+00, v9  }
0x4f6: {  	v11 =	vmul.f32 v10, v7  }
0x4f7: {  	v8 =	vmul.f32 v8, v9  }
0x4f8: {  	v11 =	vmul.f32 v10, v11  }
0x4f9: {  	v28 =	vmul.f32 v8, v4  }
0x4fa: {  	v41 =	vmul.f32 v58, v38;
	v12 =	vmul.f32 v58, v12;
	v3 =	vld [tilespmem:$0x1FB00];
	v26 =	vsub.f32 $1.500000000e+00, v11  }
0x4fb: {  	v14 =	vmul.f32 v58, v14;
	v47 =	vld [tilespmem:$0x1FB80];
	v11 =	vmul.f32 v28, v8  }
0x4fc: {  	v15 =	vmul.f32 v58, v15;
	v54 =	vsub.f32 v54, v45;
	v0 =	vld [tilespmem:$0x1FB10];
	v9 =	vmul.f32 v10, v26  }
0x4fd: {  	v16 =	vmul.f32 v58, v16;
	v46 =	vsub.f32 v53, v45;
	v1 =	vld [tilespmem:$0x1FB20];
	v11 =	vsub.f32 $1.500000000e+00, v11  }
0x4fe: {  	v12 =	vsub.f32 v12, v41;
	v13 =	vmul.f32 v58, v13;
	v18 =	vld [tilespmem:$0x1FB40];
	v52 =	vmul.f32 v9, v7  }
0x4ff: {  	v14 =	vsub.f32 v14, v41;
	v20 =	vmul.f32 v58, v17;
	v19 =	vld [tilespmem:$0x1FB30];
	v8 =	vmul.f32 v11, v8  }
0x500: {  	v13 =	vsub.f32 v13, v41;
	v17 =	vld [tilespmem:$0x1FB50];
	v21 =	vmul.f32 v58, v23;
	v23 =	vmul.f32 v52, v9  }
0x501: {  	v16 =	vsub.f32 v16, v41;
	v12 =	vmul.f32 v12, v3;
	v28 =	vmul.f32 v8, v4  }
0x502: {  	v48 =	vmul.f32 v58, v32;
	v13 =	vmul.f32 v13, v0;
	v23 =	vsub.f32 $1.500000000e+00, v23  }
0x503: {  	v15 =	vsub.f32 v15, v41;
	v14 =	vmul.f32 v14, v1;
	v28 =	vmul.f32 v28, v8  }
0x504: {  	v13 =	vadd.f32 v13, v47;
	v16 =	vmul.f32 v16, v18;
	v9 =	vmul.f32 v23, v9  }
0x505: {  	v58 =	vmul.f32 v54, v19;
	v61 =	vmul.f32 v46, v17;
	v28 =	vsub.f32 $1.500000000e+00, v28  }
0x506: {  	v22 =	vsub.f32 v55, v45;
	v55 =	vsub.f32 v49, v45;
	v49 =	vld [tilespmem:$0x1FB70];
	v59 =	vmul.f32 v9, v7  }
0x507: {  	v20 =	vsub.f32 v20, v41;
	v15 =	vmul.f32 v15, v19;
	v8 =	vmul.f32 v28, v8  }
0x508: {  	v24 =	vsub.f32 v57, v45;
	v46 =	vld [tilespmem:$0x1FB60];
	v22 =	vmul.f32 v22, v3;
	v28 =	vmul.f32 v59, v9  }
0x509: {  	v26 =	vsub.f32 v56, v45;
	v56 =	vsub.f32 v51, v45;
	v45 =	vld [tilespmem:$0x1FB90];
	v4 =	vmul.f32 v8, v4  }
0x50a: {  	v24 =	vmul.f32 v24, v0;
	v21 =	vsub.f32 v21, v41;
	v51 =	vld [tilespmem:$0x1FBA0];
	v28 =	vsub.f32 $1.500000000e+00, v28  }
0x50b: {  	v10 =	vsub.f32 v48, v41;
	v48 =	vld [tilespmem:$0x1FBB0];
	v22 =	vadd.f32 v22, v49;
	v4 =	vmul.f32 v4, v8  }
0x50c: {  	v20 =	vmul.f32 v20, v17;
	v24 =	vadd.f32 v24, v47;
	v9 =	vmul.f32 v28, v9  }
0x50d: {  	v60 =	vmul.f32 v55, v18;
	v21 =	vmul.f32 v21, v46;
	[tilespmem:s1+$0xFFFFFF80] =	vst v22;
	v4 =	vsub.f32 $1.500000000e+00, v4  }
0x50e: {  	v12 =	vadd.f32 v12, v49;
	v57 =	vmul.f32 v26, v1;
	v32 =	vld [tilespmem:$0x1FBC0];
	v7 =	vmul.f32 v9, v7  }
0x50f: {  	v62 =	vmul.f32 v56, v46;
	v63 =	vadd.f32 v58, v51;
	v4 =	vmul.f32 v4, v8  }
0x510: {  	v2 =	vadd.f32 v60, v48;
	v53 =	vadd.f32 v14, v45;
	v7 =	vmul.f32 v7, v9  }
0x511: {  	v54 =	vadd.f32 v15, v51;
	v23 =	vadd.f32 v57, v45;
	v5 =	vmul.f32 v4, v5  }
0x512: {  	[tilespmem:s1+$0xFFFFFF90] =	vst v24;
	v41 =	vmul.f32 v4, v37;
	v7 =	vsub.f32 $1.500000000e+00, v7;
	v55 =	vmul.f32 v4, v25  }
0x513: {  	v11 =	vadd.f32 v61, v32;
	v37 =	vld [tilespmem:$0x1FBD0];
	v57 =	vmul.f32 v4, v27;
	v59 =	vmul.f32 v4, v29  }
0x514: {  	v58 =	vadd.f32 v20, v32;
	[tilespmem:s1+$0xFFFFFFA0] =	vst v23;
	v60 =	vmul.f32 v4, v31;
	v7 =	vmul.f32 v7, v9  }
0x515: {  	v28 =	vld [tilespmem:$0x1FBE0];
	[tilespmem:s1+$0xFFFFFFB0] =	vst v63;
	v63 =	vmul.f32 v4, v42;
	v22 =	vsub.f32 v41, v5;
	v15 =	vsub.f32 v55, v5  }
0x516: {  	[tilespmem:s1+$0xFFFFFFC0] =	vst v2;
	v9 =	vsub.f32 v57, v5;
	v6 =	vmul.f32 v7, v6;
	v34 =	vmul.f32 v7, v34  }
0x517: {  	[tilespmem:s1+$0xFFFFFFD0] =	vst v11;
	v20 =	vsub.f32 v59, v5;
	v35 =	vmul.f32 v7, v35;
	v38 =	vmul.f32 v7, v36  }
0x518: {  	[tilespmem:s1+$0x0] =	vst v12;
	v39 =	vmul.f32 v7, v39;
	v40 =	vmul.f32 v7, v40;
	v52 =	vadd.f32 v62, v37  }
0x519: {  	[tilespmem:s1+$0x10] =	vst v13;
	v42 =	vsub.f32 v60, v5;
	v41 =	vmul.f32 v7, v44;
	v15 =	vmul.f32 v15, v3  }
0x51a: {  	v56 =	vadd.f32 v16, v48;
	v9 =	vmul.f32 v9, v0;
	v20 =	vmul.f32 v20, v1;
	[tilespmem:s1+$0xFFFFFFE0] =	vst v52  }
0x51b: {  	v44 =	vsub.f32 v63, v5;
	v12 =	vmul.f32 v42, v19;
	v61 =	vadd.f32 v21, v37;
	v2 =	vld [tilespmem:$0x1FBF0];
	[tilespmem:s1+$0x20] =	vst v53  }
0x51c: {  	v62 =	vmul.f32 v4, v33;
	v15 =	vadd.f32 v15, v49;
	v9 =	vadd.f32 v9, v47;
	[tilespmem:s1+$0x30] =	vst v54  }
0x51d: {  	v4 =	vmul.f32 v4, v43;
	v55 =	vsub.f32 v35, v6;
	v57 =	vsub.f32 v39, v6;
	[tilespmem:s1+$0x40] =	vst v56  }
0x51e: {  	v33 =	vmul.f32 v7, v30;
	v59 =	vsub.f32 v40, v6;
	v60 =	vsub.f32 v41, v6;
	[tilespmem:s1+$0x50] =	vst v58  }
0x51f: {  	v7 =	vmul.f32 v7, v50;
	v43 =	vsub.f32 v62, v5;
	v4 =	vsub.f32 v4, v5;
	[tilespmem:s1+$0x60] =	vst v61  }
0x520: {  	v8 =	vmul.f32 v44, v17;
	v52 =	vadd.f32 v20, v45;
	v13 =	vsub.f32 v33, v6;
	[tilespmem:s9+$0xFFFFFF80] =	vst v15  }
0x521: {  	[tilespmem:s9+$0xFFFFFF90] =	vst v9;
	v53 =	vadd.f32 v12, v51;
	v54 =	vsub.f32 v34, v6;
	v61 =	vmul.f32 v59, v17  }
0x522: {  	v8 =	vadd.f32 v8, v32;
	v56 =	vsub.f32 v38, v6;
	v50 =	vmul.f32 v43, v18;
	[tilespmem:s9+$0xFFFFFFA0] =	vst v52  }
0x523: {  	v6 =	vsub.f32 v7, v6;
	v4 =	vmul.f32 v4, v46;
	[tilespmem:s9+$0xFFFFFFB0] =	vst v53;
	v7 =	vadd.f32 v61, v32  }
0x524: {  	v13 =	vmul.f32 v13, v3;
	[tilespmem:s9+$0xFFFFFFD0] =	vst v8;
	v5 =	vadd.f32 v50, v48  }
0x525: {  	v12 =	vmul.f32 v54, v0;
	v4 =	vadd.f32 v4, v37;
	[tilespmem:s9+$0x50] =	vst v7  }
0x526: {  	v9 =	vmul.f32 v56, v19;
	v58 =	vadd.f32 v13, v49;
	[tilespmem:s9+$0xFFFFFFC0] =	vst v5  }
0x527: {  	v10 =	vmul.f32 v10, v28;
	v12 =	vadd.f32 v12, v47;
	[tilespmem:s9+$0xFFFFFFE0] =	vst v4  }
0x528: {  	v22 =	vmul.f32 v22, v28;
	v62 =	vadd.f32 v9, v51;
	[tilespmem:s9+$0x0] =	vst v58  }
0x529: {  	v6 =	vmul.f32 v6, v28;
	v10 =	vadd.f32 v10, v2;
	[tilespmem:s9+$0x10] =	vst v12  }
0x52a: {  	v31 =	vadd.f32 v22, v2;
	v5 =	vmul.f32 v57, v18;
	[tilespmem:s9+$0x30] =	vst v62  }
0x52b: {  	v4 =	vmul.f32 v60, v46;
	v63 =	vadd.f32 v6, v2;
	[tilespmem:s1+$0x70] =	vst v10  }
0x52c: {  	[tilespmem:s9+$0xFFFFFFF0] =	vst v31;
	v10 =	vmul.f32 v55, v1;
	v5 =	vadd.f32 v5, v48  }
.Ltmp14:
0x52d: {  	v4 =	vadd.f32 v4, v37;
	[tilespmem:s9+$0x70] =	vst v63;
	(pc) =	sbr.rel .LBB2_20-.Ltmp14, $4  }
0x52e: {  	s24 =	sadd.s32 s8, s2;
	v10 =	vadd.f32 v10, v45;
	[tilespmem:s9+$0x40] =	vst v5  }
0x52f: {  	s1 =	sshll.u32 s24, $0x4;
	[tilespmem:s9+$0x60] =	vst v4  }
0x530: {  	s26 =	simm.s32 $0xE400;
	s1 =	sadd.s32 s5, s1;
	[tilespmem:s9+$0x20] =	vst v10  }
0x531: {  	[hbm4b:s1+s6] =	stream.linear.scatter [tilespmem:s26], [sflag:$0x7], $0x4000, $0x38;
	[tilespmem:$0x1C900] =	vst v63  }
.LBB2_22:
0x532: {  	_ =	sfence.sel $0x180000  }
0x533: {  	[bflag:$0x0] =	sbarrier.arrive $0xFFFF  }
0x534: {  	_ =	strace $0x90000047  }
0x535: {  	s0 =	stileid.u32;
	[bflag:$0x2] =	sbarrier.arrive $0xFFFF  }
0x536: {  	p0 =	sne.s32 s0, $0x0;
	s0 =	rddreg [dreg:$0x6]  }
0x537: {  	s0 =	sadd.s32 @!p0 $0x100000, s0  }
0x538: {  	[sflag:s0] =	ssyncadd.tile.s32 @!p0 $0x1;
	_ =	shalt  }
.Lfunc_end2:
_tile_overlayer_lowered:
.L_overlay_start_2:
0x539: {  	(tag) =	ssettag $0x2  }
0x53a: {  	s0 =	rddreg [dreg:$0x0];
	s2 =	stileid.u32  }
0x53b: {  	s1 =	rddreg [dreg:$0x1];
	p0 =	sne.s32 s2, $0x0  }
0x53c: {  	s3 =	rddreg [dreg:$0x2];
	[bflag:$0x3] =	sbarrier.arrive $0xFFFF;
	s2 =	simm.s32 @!p0 $0x1C09  }
0x53d: {  	[timem:s3], [sflag:s2] =	dma.local @!p0 [hbm:s0], s1  }
0x53e: {  	s0 =	simm.s32 @!p0 $0x9  }
0x53f: {  	_ =	swait.ge @!p0 [sflag:s0], s1  }
0x540: {  	s1 =	ssub.s32 @!p0 $0x0, s1;
	[sflag:s0] =	ssyncset.done @!p0 $0x0  }
0x541: {  	[sflag:s0] =	ssyncadd.s32 @!p0 s1  }
0x542: {  	[bflag:$0x3] =	sbarrier.arrive $0xFFFF  }
0x543: {  	_ =	shalt  }

</sc_bundles>
